<compile_context>
chip_gen: v7x
topology: tpu7x:2x2x1
jax: 0.10.2.dev20260603
libtpu: 0.0.44.dev20260713+nightly
codegen_flags: <defaults>
</compile_context>

<pallas_src>
import functools

import jax
import jax.numpy as jnp
from jax import lax
from jax.experimental import pallas as pl
from jax.experimental.pallas import tpu as pltpu
from jax.experimental.pallas import tpu_sc as plsc

N = 10000
D = 128
H = 8
C = 128
FFD = 512
XW = H * C
CW = 64
XH = H * CW

NC = 2
NS = 16
NW = NC * NS

NR = 10240
RPT = NR // NS
NPAD = N

ET = 160000 + N
EPT = 5376
EPAD = EPT * NW
K1 = 128
N1 = EPT // K1
K2 = 32
N2 = EPT // K2

BR = 640
BN = 1000

_sc_params = functools.partial(pltpu.CompilerParams, use_tc_tiling_on_sc=False)


def _mesh():
    return plsc.VectorSubcoreMesh(core_axis_name="c", subcore_axis_name="s",
                                  num_cores=NC, num_subcores=NS)


def _gather16(vec, idx):
    dn = lax.GatherDimensionNumbers(offset_dims=(), collapsed_slice_dims=(0,),
                                    start_index_map=(0,))
    return lax.gather(vec, idx[:, None], dn, (1,),
                      mode=lax.GatherScatterMode.PROMISE_IN_BOUNDS)


def _splat(vec, h):
    return _gather16(vec, jnp.full((16,), h, jnp.int32))


def _tc1_body(h_ref, wa_ref, wb_ref, s_ref, d_ref, gs_ref, gd_ref,
              xa_ref, xb_ref, t_ref):
    xa = jnp.dot(h_ref[...], wa_ref[...], preferred_element_type=jnp.float32)
    xb = jnp.dot(h_ref[...], wb_ref[...], preferred_element_type=jnp.float32)
    xa_ref[...] = xa
    xb_ref[...] = xb
    x = jnp.concatenate([xa, xb], axis=1)
    t_ref[...] = jnp.dot(x * s_ref[...], gs_ref[...],
                         preferred_element_type=jnp.float32) \
        + jnp.dot(x * d_ref[...], gd_ref[...],
                  preferred_element_type=jnp.float32)


def _tc1(hpad, Wa, Wb, sflat, dflat, gs, gd):
    return pl.pallas_call(
        _tc1_body,
        grid=(NR // BR,),
        in_specs=[
            pl.BlockSpec((BR, D), lambda i: (i, 0)),
            pl.BlockSpec((D, XH), lambda i: (0, 0)),
            pl.BlockSpec((D, XH), lambda i: (0, 0)),
            pl.BlockSpec((1, XW), lambda i: (0, 0)),
            pl.BlockSpec((1, XW), lambda i: (0, 0)),
            pl.BlockSpec((XW, 128), lambda i: (0, 0)),
            pl.BlockSpec((XW, 128), lambda i: (0, 0)),
        ],
        out_specs=[
            pl.BlockSpec((BR, XH), lambda i: (i, 0)),
            pl.BlockSpec((BR, XH), lambda i: (i, 0)),
            pl.BlockSpec((BR, 128), lambda i: (i, 0)),
        ],
        out_shape=[
            jax.ShapeDtypeStruct((NR, XH), jnp.float32),
            jax.ShapeDtypeStruct((NR, XH), jnp.float32),
            jax.ShapeDtypeStruct((NR, 128), jnp.float32),
        ],
    )(hpad, Wa, Wb, sflat, dflat, gs, gd)


def _sc1_body(src_hbm, dsta_hbm, t_hbm,
              w_hbm, den_hbm,
              srcv, dstav, ps, pd, wv, zb, dsh,
              sA0, sA1, sB0, sB1, sw0, sw1, sc0, sc1_):
    cid = lax.axis_index("c")
    sid = lax.axis_index("s")
    wid = cid * NS + sid
    sA = (sA0, sA1)
    sB = (sB0, sB1)
    sw = (sw0, sw1)
    ssc = (sc0, sc1_)

    @pl.loop(0, RPT)
    def _(r):
        zb[r, :] = jnp.zeros((16,), jnp.float32)

    pltpu.sync_copy(zb, dsh.at[pl.ds(sid * RPT, RPT)])
    plsc.subcore_barrier()

    ebase = wid * EPT
    pltpu.sync_copy(src_hbm.at[pl.ds(ebase, EPT)], srcv)
    pltpu.sync_copy(dsta_hbm.at[wid], dstav)

    def start_gather(i, b):
        pltpu.async_copy(t_hbm.at[srcv.at[pl.ds(i * K1, K1)]],
                         ps.at[b], sA[b])
        pltpu.async_copy(t_hbm.at[dstav.at[i]], pd.at[b], sB[b])

    start_gather(0, 0)

    @pl.loop(0, N1, step=2)
    def _(i0):
        for b in range(2):
            i = i0 + b

            @pl.when(i + 1 < N1)
            def _():
                start_gather(i + 1, 1 - b)

            pltpu.make_async_copy(t_hbm.at[srcv.at[pl.ds(0, K1)]],
                                  ps.at[b], sA[b]).wait()
            pltpu.make_async_copy(t_hbm.at[dstav.at[0]],
                                  pd.at[b], sB[b]).wait()

            @pl.when(i >= 2)
            def _():
                pltpu.make_async_copy(wv.at[b], w_hbm.at[0], sw[b]).wait()
                pltpu.make_async_copy(wv.at[b], dsh.at[dstav.at[0]],
                                      ssc[b]).wait()

            sh8 = (lax.broadcasted_iota(jnp.int32, (16,), 0) & 7) + 8

            @pl.loop(0, K1)
            def _(j):
                pdr = _gather16(pd[b, j, pl.ds(0, 16)], sh8)
                a = ps[b, j, pl.ds(0, 16)] + pdr
                a = jnp.where(a >= 0.0, a, a * jnp.float32(0.2))
                wv[b, j, :] = jnp.exp(a)

            pltpu.async_copy(wv.at[b], w_hbm.at[wid * N1 + i], sw[b])
            pltpu.async_copy(wv.at[b], dsh.at[dstav.at[i]], ssc[b],
                             add=True)

    for b in range(2):
        pltpu.make_async_copy(wv.at[b], w_hbm.at[0], sw[b]).wait()
        pltpu.make_async_copy(wv.at[b], dsh.at[dstav.at[0]], ssc[b]).wait()

    plsc.subcore_barrier()
    pltpu.sync_copy(dsh.at[pl.ds(sid * RPT, RPT)],
                    den_hbm.at[cid, pl.ds(sid * RPT, RPT)])


def _sc1(src_flat, dst_a, t_tab):
    f = pl.kernel(
        _sc1_body,
        out_type=[
            jax.ShapeDtypeStruct((EPAD // K1, K1, 16), jnp.float32),
            jax.ShapeDtypeStruct((NC, NR, 16), jnp.float32),
        ],
        mesh=_mesh(),
        compiler_params=_sc_params(),
        scratch_types=[
            pltpu.VMEM((EPT,), jnp.int32),
            pltpu.VMEM((N1, K1), jnp.int32),
            pltpu.VMEM((2, K1, 128), jnp.float32),
            pltpu.VMEM((2, K1, 128), jnp.float32),
            pltpu.VMEM((2, K1, 16), jnp.float32),
            pltpu.VMEM((RPT, 16), jnp.float32),
            pltpu.VMEM_SHARED((NR, 16), jnp.float32),
            pltpu.SemaphoreType.DMA,
            pltpu.SemaphoreType.DMA,
            pltpu.SemaphoreType.DMA,
            pltpu.SemaphoreType.DMA,
            pltpu.SemaphoreType.DMA,
            pltpu.SemaphoreType.DMA,
            pltpu.SemaphoreType.DMA,
            pltpu.SemaphoreType.DMA,
        ],
    )
    return f(src_flat, dst_a, t_tab)


def _tc2_body(den_ref, invd_ref):
    d = den_ref[0] + den_ref[1]
    v = 1.0 / ((d + jnp.float32(1e-16)) * jnp.float32(H))
    invd_ref[...] = jnp.concatenate(
        [v, jnp.zeros((NR, 112), jnp.float32)], axis=1)


def _tc2(den_p):
    return pl.pallas_call(
        _tc2_body,
        out_shape=jax.ShapeDtypeStruct((NR, 128), jnp.float32),
    )(den_p)


def _sc15_body(dsta_hbm, w_hbm, invd_hbm,
               co_hbm,
               dstav, ib, wv, cv,
               si0, si1, sw0, sw1, so0, so1):
    cid = lax.axis_index("c")
    sid = lax.axis_index("s")
    wid = cid * NS + sid
    si = (si0, si1)
    sw = (sw0, sw1)
    so = (so0, so1)

    pltpu.sync_copy(dsta_hbm.at[wid], dstav)

    def start_loads(i, b):
        pltpu.async_copy(invd_hbm.at[dstav.at[i]], ib.at[b], si[b])
        pltpu.async_copy(w_hbm.at[wid * N1 + i], wv.at[b], sw[b])

    start_loads(0, 0)

    @pl.loop(0, N1, step=2)
    def _(i0):
        for b in range(2):
            i = i0 + b

            @pl.when(i + 1 < N1)
            def _():
                start_loads(i + 1, 1 - b)

            pltpu.make_async_copy(invd_hbm.at[dstav.at[0]],
                                  ib.at[b], si[b]).wait()
            pltpu.make_async_copy(w_hbm.at[0], wv.at[b], sw[b]).wait()

            @pl.when(i >= 2)
            def _():
                pltpu.make_async_copy(cv.at[b], co_hbm.at[0], so[b]).wait()

            @pl.loop(0, K1)
            def _(j):
                cv[b, j, :] = wv[b, j, :] * ib[b, j, pl.ds(0, 16)]

            pltpu.async_copy(cv.at[b], co_hbm.at[wid * N1 + i], so[b])

    for b in range(2):
        pltpu.make_async_copy(cv.at[b], co_hbm.at[0], so[b]).wait()


def _sc15(dst_a, w1_, invd):
    f = pl.kernel(
        _sc15_body,
        out_type=jax.ShapeDtypeStruct((EPAD // K1, K1, 16), jnp.float32),
        mesh=_mesh(),
        compiler_params=_sc_params(),
        scratch_types=[
            pltpu.VMEM((N1, K1), jnp.int32),
            pltpu.VMEM((2, K1, 128), jnp.float32),
            pltpu.VMEM((2, K1, 16), jnp.float32),
            pltpu.VMEM((2, K1, 16), jnp.float32),
            pltpu.SemaphoreType.DMA,
            pltpu.SemaphoreType.DMA,
            pltpu.SemaphoreType.DMA,
            pltpu.SemaphoreType.DMA,
            pltpu.SemaphoreType.DMA,
            pltpu.SemaphoreType.DMA,
        ],
    )
    return f(dst_a, w1_, invd)


def _sc2_body(src_hbm, dstc_hbm, w_hbm, x_hbm,
              out_hbm,
              srcv, dstcv, xb, wb, ob, zb, osh,
              sx0, sx1, sw0, sw1, sc0, sc1_):
    cid = lax.axis_index("c")
    sid = lax.axis_index("s")
    wid = cid * NS + sid
    sx = (sx0, sx1)
    sw = (sw0, sw1)
    ssc = (sc0, sc1_)

    @pl.loop(0, 16)
    def _(r):
        for ci in range(CW // 16):
            zb[r, pl.ds(ci * 16, 16)] = jnp.zeros((16,), jnp.float32)

    @pl.loop(0, RPT // 16)
    def _(t):
        pltpu.sync_copy(zb, osh.at[pl.ds(sid * RPT + t * 16, 16)])

    plsc.subcore_barrier()

    ebase = wid * EPT
    pltpu.sync_copy(src_hbm.at[pl.ds(ebase, EPT)], srcv)
    pltpu.sync_copy(dstc_hbm.at[wid], dstcv)

    def start_loads(i, b):
        pltpu.async_copy(x_hbm.at[srcv.at[pl.ds(i * K2, K2)]], xb.at[b],
                         sx[b])
        pltpu.async_copy(w_hbm.at[wid * N2 + i], wb.at[b], sw[b])

    start_loads(0, 0)

    @pl.loop(0, N2, step=2)
    def _(i0):
        for b in range(2):
            i = i0 + b

            @pl.when(i + 1 < N2)
            def _():
                start_loads(i + 1, 1 - b)

            pltpu.make_async_copy(x_hbm.at[srcv.at[pl.ds(0, K2)]],
                                  xb.at[b], sx[b]).wait()
            pltpu.make_async_copy(w_hbm.at[0], wb.at[b], sw[b]).wait()

            @pl.when(i >= 2)
            def _():
                pltpu.make_async_copy(ob.at[b], osh.at[dstcv.at[0]],
                                      ssc[b]).wait()

            @pl.loop(0, K2)
            def _(j):
                crow = wb[b, j, :]
                acc = [jnp.zeros((16,), jnp.float32)
                       for _ in range(CW // 16)]
                for h in range(H):
                    s = _splat(crow, h)
                    for ci in range(CW // 16):
                        acc[ci] = acc[ci] + s * xb[b, j,
                                                   pl.ds(h * CW + ci * 16,
                                                         16)]
                for ci in range(CW // 16):
                    ob[b, j, pl.ds(ci * 16, 16)] = acc[ci]

            pltpu.async_copy(ob.at[b], osh.at[dstcv.at[i]], ssc[b],
                             add=True)

    for b in range(2):
        pltpu.make_async_copy(ob.at[b], osh.at[dstcv.at[0]], ssc[b]).wait()

    plsc.subcore_barrier()
    pltpu.sync_copy(osh.at[pl.ds(sid * RPT, RPT)],
                    out_hbm.at[cid, pl.ds(sid * RPT, RPT)])


def _sc2(src_flat, dst_c, co2, xhalf):
    f = pl.kernel(
        _sc2_body,
        out_type=jax.ShapeDtypeStruct((NC, NR, CW), jnp.float32),
        mesh=_mesh(),
        compiler_params=_sc_params(),
        scratch_types=[
            pltpu.VMEM((EPT,), jnp.int32),
            pltpu.VMEM((N2, K2), jnp.int32),
            pltpu.VMEM((2, K2, XH), jnp.float32),
            pltpu.VMEM((2, K2, 16), jnp.float32),
            pltpu.VMEM((2, K2, CW), jnp.float32),
            pltpu.VMEM((16, CW), jnp.float32),
            pltpu.VMEM_SHARED((NR, CW), jnp.float32),
            pltpu.SemaphoreType.DMA,
            pltpu.SemaphoreType.DMA,
            pltpu.SemaphoreType.DMA,
            pltpu.SemaphoreType.DMA,
            pltpu.SemaphoreType.DMA,
            pltpu.SemaphoreType.DMA,
        ],
    )
    return f(src_flat, dst_c, co2, xhalf)


def _tc3a_body(opa_ref, opb_ref, h_ref, bias_ref, h1_ref, st_ref):
    i = pl.program_id(0)
    ga = opa_ref[0] + opa_ref[1]
    gb = opb_ref[0] + opb_ref[1]
    g = jnp.concatenate([ga, gb], axis=1)
    h1 = h_ref[...] + g + bias_ref[...]
    h1_ref[...] = h1
    s = jnp.sum(h1, axis=0)[None, :]
    sq = jnp.sum(h1 * h1, axis=0)[None, :]
    st = jnp.concatenate([s, sq], axis=0)

    @pl.when(i == 0)
    def _():
        st_ref[...] = jnp.zeros_like(st_ref)

    st_ref[...] += st


def _tc3a(out_pa, out_pb, h, bias2d):
    return pl.pallas_call(
        _tc3a_body,
        grid=(N // BN,),
        in_specs=[
            pl.BlockSpec((NC, BN, CW), lambda i: (0, i, 0)),
            pl.BlockSpec((NC, BN, CW), lambda i: (0, i, 0)),
            pl.BlockSpec((BN, D), lambda i: (i, 0)),
            pl.BlockSpec((1, D), lambda i: (0, 0)),
        ],
        out_specs=[
            pl.BlockSpec((BN, D), lambda i: (i, 0)),
            pl.BlockSpec((2, D), lambda i: (0, 0)),
        ],
        out_shape=[
            jax.ShapeDtypeStruct((N, D), jnp.float32),
            jax.ShapeDtypeStruct((2, D), jnp.float32),
        ],
    )(out_pa, out_pb, h, bias2d)


def _tc3b_body(h1_ref, st_ref, g1_ref, b1_ref, w1_ref, bb1_ref, w2_ref,
               bb2_ref, h2_ref, st2_ref):
    i = pl.program_id(0)
    mu = st_ref[0, :] / jnp.float32(N)
    var = st_ref[1, :] / jnp.float32(N) - mu * mu
    rstd = lax.rsqrt(var + jnp.float32(1e-5))
    h1n = (h1_ref[...] - mu[None, :]) * (rstd * g1_ref[0, :])[None, :] \
        + b1_ref[...]
    t = jnp.dot(h1n, w1_ref[...], preferred_element_type=jnp.float32)
    t = jnp.maximum(t + bb1_ref[...], 0.0)
    ff = jnp.dot(t, w2_ref[...], preferred_element_type=jnp.float32) \
        + bb2_ref[...]
    h2 = h1n + ff
    h2_ref[...] = h2
    s = jnp.sum(h2, axis=0)[None, :]
    sq = jnp.sum(h2 * h2, axis=0)[None, :]
    st = jnp.concatenate([s, sq], axis=0)

    @pl.when(i == 0)
    def _():
        st2_ref[...] = jnp.zeros_like(st2_ref)

    st2_ref[...] += st


def _tc3b(h1, st1, g1, b1, W1, bb1, W2, bb2):
    return pl.pallas_call(
        _tc3b_body,
        grid=(N // BN,),
        in_specs=[
            pl.BlockSpec((BN, D), lambda i: (i, 0)),
            pl.BlockSpec((2, D), lambda i: (0, 0)),
            pl.BlockSpec((1, D), lambda i: (0, 0)),
            pl.BlockSpec((1, D), lambda i: (0, 0)),
            pl.BlockSpec((D, FFD), lambda i: (0, 0)),
            pl.BlockSpec((1, FFD), lambda i: (0, 0)),
            pl.BlockSpec((FFD, D), lambda i: (0, 0)),
            pl.BlockSpec((1, D), lambda i: (0, 0)),
        ],
        out_specs=[
            pl.BlockSpec((BN, D), lambda i: (i, 0)),
            pl.BlockSpec((2, D), lambda i: (0, 0)),
        ],
        out_shape=[
            jax.ShapeDtypeStruct((N, D), jnp.float32),
            jax.ShapeDtypeStruct((2, D), jnp.float32),
        ],
    )(h1, st1, g1, b1, W1, bb1, W2, bb2)


def _tc3c_body(h2_ref, st_ref, g_ref, b_ref, o_ref):
    mu = st_ref[0, :] / jnp.float32(N)
    var = st_ref[1, :] / jnp.float32(N) - mu * mu
    rstd = lax.rsqrt(var + jnp.float32(1e-5))
    o_ref[...] = (h2_ref[...] - mu[None, :]) * (rstd * g_ref[0, :])[None, :] \
        + b_ref[...]


def _tc3c(h2u, st2, g2, b2):
    return pl.pallas_call(
        _tc3c_body,
        grid=(N // BN,),
        in_specs=[
            pl.BlockSpec((BN, D), lambda i: (i, 0)),
            pl.BlockSpec((2, D), lambda i: (0, 0)),
            pl.BlockSpec((1, D), lambda i: (0, 0)),
            pl.BlockSpec((1, D), lambda i: (0, 0)),
        ],
        out_specs=pl.BlockSpec((BN, D), lambda i: (i, 0)),
        out_shape=jax.ShapeDtypeStruct((N, D), jnp.float32),
    )(h2u, st2, g2, b2)


def kernel(h, mask, W, att_src, att_dst, bias, bn1_w, bn1_b, W1, b1,
           W2, b2, bn2_w, bn2_b):
    f32 = jnp.float32
    h = h.astype(f32)

    loop = jnp.arange(N, dtype=jnp.int32)
    src = jnp.concatenate([mask[0].astype(jnp.int32), loop])
    dst = jnp.concatenate([mask[1].astype(jnp.int32), loop])
    pad = jnp.full((EPAD - ET,), NPAD, jnp.int32)
    src = jnp.concatenate([src, pad])
    dst = jnp.concatenate([dst, pad])
    dst_a = dst.reshape(NW, N1, K1)
    dst_c = dst.reshape(NW, N2, K2)

    hpad = jnp.pad(h, ((0, NR - N), (0, 0)))
    W = W.astype(f32)

    W3 = W.reshape(D, H, C)
    Wa = W3[:, :, :CW].reshape(D, XH)
    Wb = W3[:, :, CW:].reshape(D, XH)

    s3 = att_src.astype(f32)
    d3 = att_dst.astype(f32)
    sflat = jnp.concatenate([s3[:, :CW].reshape(-1), s3[:, CW:].reshape(-1)],
                            0).reshape(1, XW)
    dflat = jnp.concatenate([d3[:, :CW].reshape(-1), d3[:, CW:].reshape(-1)],
                            0).reshape(1, XW)

    gk = jnp.kron(jnp.eye(H, dtype=f32), jnp.ones((CW, 1), f32))
    gk2 = jnp.concatenate([gk, gk], axis=0)
    gs = jnp.pad(gk2, ((0, 0), (0, 128 - H)))
    gd = jnp.pad(gk2, ((0, 0), (H, 128 - 2 * H)))

    xa, xb2, t_tab = _tc1(hpad, Wa, Wb, sflat, dflat, gs, gd)

    w1_, den_p = _sc1(src, dst_a, t_tab)
    invd = _tc2(den_p)
    co1 = _sc15(dst_a, w1_, invd)
    co2 = co1.reshape(EPAD // K2, K2, 16)

    out_pa = _sc2(src, dst_c, co2, xa)
    out_pb = _sc2(src, dst_c, co2, xb2)

    h1, st1 = _tc3a(out_pa, out_pb, h, bias.astype(f32).reshape(1, D))
    h2u, st2 = _tc3b(h1, st1, bn1_w.astype(f32).reshape(1, D),
                     bn1_b.astype(f32).reshape(1, D), W1.astype(f32),
                     b1.astype(f32).reshape(1, FFD), W2.astype(f32),
                     b2.astype(f32).reshape(1, D))
    return _tc3c(h2u, st2, bn2_w.astype(f32).reshape(1, D),
                 bn2_b.astype(f32).reshape(1, D))

# --- scband reference (transcript-rebuilt; emitter-appended) ---
"""Pipeline reference for scband-multi-head-attention-layer-32856499814671 (READ-ONLY COPY).

The authoritative reference and input builder live on the scoring server;
editing this copy changes nothing except your own understanding.
"""

import jax, jax.numpy as jnp
import numpy as np

N = 10000
E = 160000
D = 128
H = 8
C = 128
FF = 512


def setup_inputs(seed: int = 0) -> dict:
    key = jax.random.key(seed)
    ks = jax.random.split(key, 10)
    h = jax.random.normal(ks[0], (N, D), dtype=jnp.float32)
    mask = jax.random.randint(ks[1], (2, E), 0, N, dtype=jnp.int32)
    W = jax.random.normal(ks[2], (D, H * C), dtype=jnp.float32) * 0.05
    att_src = jax.random.normal(ks[3], (H, C), dtype=jnp.float32) * 0.05
    att_dst = jax.random.normal(ks[4], (H, C), dtype=jnp.float32) * 0.05
    bias = jnp.zeros((C,), dtype=jnp.float32)
    bn1_w = jnp.ones((D,), dtype=jnp.float32)
    bn1_b = jnp.zeros((D,), dtype=jnp.float32)
    W1 = jax.random.normal(ks[5], (D, FF), dtype=jnp.float32) * 0.05
    b1 = jnp.zeros((FF,), dtype=jnp.float32)
    W2 = jax.random.normal(ks[6], (FF, D), dtype=jnp.float32) * 0.05
    b2 = jnp.zeros((D,), dtype=jnp.float32)
    bn2_w = jnp.ones((D,), dtype=jnp.float32)
    bn2_b = jnp.zeros((D,), dtype=jnp.float32)
    return {"h": h, "mask": mask, "W": W, "att_src": att_src, "att_dst": att_dst,
            "bias": bias, "bn1_w": bn1_w, "bn1_b": bn1_b, "W1": W1, "b1": b1,
            "W2": W2, "b2": b2, "bn2_w": bn2_w, "bn2_b": bn2_b}


def _gat(h, edge_index, W, att_src, att_dst, bias):
    n = h.shape[0]
    # PyG GATConv adds self-loops by default
    loop = jnp.arange(n, dtype=edge_index.dtype)
    src = jnp.concatenate([edge_index[0], loop])
    dst = jnp.concatenate([edge_index[1], loop])
    x = (h @ W).reshape(n, H, C)
    a_src = (x * att_src[None, :, :]).sum(-1)  # [N, H]
    a_dst = (x * att_dst[None, :, :]).sum(-1)  # [N, H]
    alpha = a_src[src] + a_dst[dst]            # [E', H]
    alpha = jax.nn.leaky_relu(alpha, negative_slope=0.2)
    amax = jax.ops.segment_max(alpha, dst, num_segments=n)
    alpha = jnp.exp(alpha - amax[dst])
    denom = jax.ops.segment_sum(alpha, dst, num_segments=n)
    alpha = alpha / (denom[dst] + 1e-16)
    # dropout(p=0.2) on attention weights is identity in eval mode
    msg = x[src] * alpha[:, :, None]           # [E', H, C]
    out = jax.ops.segment_sum(msg, dst, num_segments=n)  # [N, H, C]
    out = out.mean(axis=1) + bias              # concat=False -> mean over heads
    return out


def _batchnorm(x, w, b):
    mu = x.mean(axis=0)
    var = x.var(axis=0)  # biased, matches BatchNorm1d training stats
    return (x - mu) / jnp.sqrt(var + 1e-5) * w + b


def reference(h, mask, W, att_src, att_dst, bias, bn1_w, bn1_b, W1, b1, W2, b2, bn2_w, bn2_b):
    h1 = h + _gat(h, mask, W, att_src, att_dst, bias)
    h1 = _batchnorm(h1, bn1_w, bn1_b)
    ff = jax.nn.relu(h1 @ W1 + b1) @ W2 + b2
    h2 = h1 + ff
    h2 = _batchnorm(h2, bn2_w, bn2_b)
    return h2

if __name__ == "__main__":
    import jax
    _d = setup_inputs()
    print(jax.jit(kernel)(*tuple(_d.values())))

</pallas_src>

<mosaic_0001>
#map = affine_map<(d0, d1) -> (0)>
#map1 = affine_map<(d0, d1) -> (0, 0, 0)>
#map2 = affine_map<(d0, d1) -> (0, 0)>
module attributes {stable_mosaic.version = 14 : i64} {
  func.func @_sc1_body(%arg0: i32, %arg1: i32, %arg2: memref<172032xi32, #tpu.memory_space<hbm>>, %arg3: memref<32x42x128xi32, #tpu.memory_space<hbm>>, %arg4: memref<10240x128xf32, #tpu.memory_space<hbm>>, %arg5: memref<1344x128x16xf32, #tpu.memory_space<hbm>>, %arg6: memref<2x10240x16xf32, #tpu.memory_space<hbm>>, %arg7: memref<5376xi32, #tpu.memory_space<vmem>>, %arg8: memref<42x128xi32, #tpu.memory_space<vmem>>, %arg9: memref<2x128x128xf32, #tpu.memory_space<vmem>>, %arg10: memref<2x128x128xf32, #tpu.memory_space<vmem>>, %arg11: memref<2x128x16xf32, #tpu.memory_space<vmem>>, %arg12: memref<640x16xf32, #tpu.memory_space<vmem>>, %arg13: memref<10240x16xf32, #tpu.memory_space<vmem_shared>>, %arg14: memref<!tpu.dma_semaphore, #tpu.memory_space<semaphore_mem>>, %arg15: memref<!tpu.dma_semaphore, #tpu.memory_space<semaphore_mem>>, %arg16: memref<!tpu.dma_semaphore, #tpu.memory_space<semaphore_mem>>, %arg17: memref<!tpu.dma_semaphore, #tpu.memory_space<semaphore_mem>>, %arg18: memref<!tpu.dma_semaphore, #tpu.memory_space<semaphore_mem>>, %arg19: memref<!tpu.dma_semaphore, #tpu.memory_space<semaphore_mem>>, %arg20: memref<!tpu.dma_semaphore, #tpu.memory_space<semaphore_mem>>, %arg21: memref<!tpu.dma_semaphore, #tpu.memory_space<semaphore_mem>>) attributes {dimension_semantics = [#tpu.dimension_semantics<core_parallel>, #tpu.dimension_semantics<subcore_parallel>], iteration_bounds = array<i64: 2, 16>, scalar_prefetch = 0 : i64, scratch_operands = 15 : i64, tpu.core_type = #tpu.core_type<sc_vector_subcore>, window_params = [{transform_indices = #map}, {transform_indices = #map1}, {transform_indices = #map2}, {transform_indices = #map1}, {transform_indices = #map1}]} {
    %mul3A = arith.constant 16 : i32
    %mul3A_0 = arith.muli %arg0, %mul3A : i32
    %add3A = arith.addi %mul3A_0, %arg1 : i32
    %scan3A = arith.constant 0 : i32
    %scan3A_1 = arith.constant 640 : i32
    %scan3A_2 = arith.addi %scan3A, %scan3A_1 : i32
    %scan3A_3 = arith.constant 1 : i32
    scf.for %scan3A_99 = %scan3A to %scan3A_2 step %scan3A_3  : i32 {
      %mul3A_100 = arith.constant 1 : i32
      %mul3A_101 = arith.muli %scan3A_99, %mul3A_100 : i32
      %add3A_102 = arith.constant 0 : i32
      %add3A_103 = arith.addi %add3A_102, %mul3A_101 : i32
      %broadcast_in_dim3A = arith.constant 0.000000e+00 : f32
      %broadcast_in_dim3A_104 = vector.broadcast %broadcast_in_dim3A : f32 to vector<16xf32>
      %swap3A = arith.index_cast %add3A_103 : i32 to index
      %swap3A_105 = arith.constant 0 : index
      %swap3A_106 = tpu.vector_load %arg12[%swap3A, %swap3A_105] {strides = array<i32>} : memref<640x16xf32, #tpu.memory_space<vmem>>, vector<1x16xf32>,
      %swap3A_107 = vector.shape_cast %swap3A_106 : vector<1x16xf32> to vector<16xf32>
      %swap3A_108 = vector.shape_cast %broadcast_in_dim3A_104 : vector<16xf32> to vector<1x16xf32>
      tpu.vector_store %arg12[%swap3A, %swap3A_105], %swap3A_108 {strides = array<i32>} : memref<640x16xf32, #tpu.memory_space<vmem>>, vector<1x16xf32>,
    }
    %scan3A_4 = arith.constant 640 : i32
    %mul3A_5 = arith.constant 640 : i32
    %mul3A_6 = arith.muli %arg1, %mul3A_5 : i32
    "tpu.region"() ({
      %run_scoped3A = tpu.sem_alloc : memref<!tpu.dma_semaphore, #tpu.memory_space<semaphore_mem>>
      %dma_start3A_99 = arith.constant 0 : i32
      %dma_start3A_100 = tpu.memref_slice %arg13[%mul3A_6, %dma_start3A_99] : memref<10240x16xf32, #tpu.memory_space<vmem_shared>> -> memref<640x16xf32, #tpu.memory_space<vmem_shared>>
      %dma_start3A_101 = arith.constant 0 : i32
      %dma_start3A_102 = tpu.memref_slice %arg13[%mul3A_6, %dma_start3A_101] : memref<10240x16xf32, #tpu.memory_space<vmem_shared>> -> memref<640x16xf32, #tpu.memory_space<vmem_shared>>
      tpu.enqueue_dma source(%arg12 : memref<640x16xf32, #tpu.memory_space<vmem>>) target(%dma_start3A_102 : memref<640x16xf32, #tpu.memory_space<vmem_shared>>) target_semaphore(%run_scoped3A : memref<!tpu.dma_semaphore, #tpu.memory_space<semaphore_mem>>)
      %dma_wait3A_103 = arith.constant 0 : i32
      %dma_wait3A_104 = tpu.memref_slice %arg13[%mul3A_6, %dma_wait3A_103] : memref<10240x16xf32, #tpu.memory_space<vmem_shared>> -> memref<640x16xf32, #tpu.memory_space<vmem_shared>>
      %dma_wait3A_105 = arith.constant 0 : i32
      %dma_wait3A_106 = tpu.memref_slice %arg13[%mul3A_6, %dma_wait3A_105] : memref<10240x16xf32, #tpu.memory_space<vmem_shared>> -> memref<640x16xf32, #tpu.memory_space<vmem_shared>>
      tpu.wait_dma2 semaphore(%run_scoped3A : memref<!tpu.dma_semaphore, #tpu.memory_space<semaphore_mem>>) src(%arg12 : memref<640x16xf32, #tpu.memory_space<vmem>>) dst(%dma_wait3A_106 : memref<640x16xf32, #tpu.memory_space<vmem_shared>>)
      tpu.yield
    }) : () -> ()
    %barrier3A = arith.constant 0 : index
    tpu.barrier barrier_id(%barrier3A)
    %mul3A_7 = arith.constant 5376 : i32
    %mul3A_8 = arith.muli %add3A, %mul3A_7 : i32
    "tpu.region"() ({
      %run_scoped3A = tpu.sem_alloc : memref<!tpu.dma_semaphore, #tpu.memory_space<semaphore_mem>>
      %dma_start3A_99 = tpu.memref_slice %arg2[%mul3A_8] : memref<172032xi32, #tpu.memory_space<hbm>> -> memref<5376xi32, #tpu.memory_space<hbm>>
      %dma_start3A_100 = tpu.memref_slice %arg2[%mul3A_8] : memref<172032xi32, #tpu.memory_space<hbm>> -> memref<5376xi32, #tpu.memory_space<hbm>>
      tpu.enqueue_dma source(%dma_start3A_100 : memref<5376xi32, #tpu.memory_space<hbm>>) target(%arg7 : memref<5376xi32, #tpu.memory_space<vmem>>) target_semaphore(%run_scoped3A : memref<!tpu.dma_semaphore, #tpu.memory_space<semaphore_mem>>)
      %dma_wait3A_101 = tpu.memref_slice %arg2[%mul3A_8] : memref<172032xi32, #tpu.memory_space<hbm>> -> memref<5376xi32, #tpu.memory_space<hbm>>
      %dma_wait3A_102 = tpu.memref_slice %arg2[%mul3A_8] : memref<172032xi32, #tpu.memory_space<hbm>> -> memref<5376xi32, #tpu.memory_space<hbm>>
      tpu.wait_dma2 semaphore(%run_scoped3A : memref<!tpu.dma_semaphore, #tpu.memory_space<semaphore_mem>>) src(%dma_wait3A_102 : memref<5376xi32, #tpu.memory_space<hbm>>) dst(%arg7 : memref<5376xi32, #tpu.memory_space<vmem>>)
      tpu.yield
    }) : () -> ()
    "tpu.region"() ({
      %run_scoped3A = tpu.sem_alloc : memref<!tpu.dma_semaphore, #tpu.memory_space<semaphore_mem>>
      %dma_start3A_99 = arith.constant 0 : i32
      %dma_start3A_100 = arith.constant 0 : i32
      %dma_start3A_101 = tpu.memref_slice %arg3[%add3A, %dma_start3A_99, %dma_start3A_100] : memref<32x42x128xi32, #tpu.memory_space<hbm>> -> memref<1x42x128xi32, #tpu.memory_space<hbm>>
      %dma_start3A_102 = tpu.memref_squeeze %dma_start3A_101 : memref<1x42x128xi32, #tpu.memory_space<hbm>> -> memref<42x128xi32, #tpu.memory_space<hbm>>
      %dma_start3A_103 = arith.constant 0 : i32
      %dma_start3A_104 = arith.constant 0 : i32
      %dma_start3A_105 = tpu.memref_slice %arg3[%add3A, %dma_start3A_103, %dma_start3A_104] : memref<32x42x128xi32, #tpu.memory_space<hbm>> -> memref<1x42x128xi32, #tpu.memory_space<hbm>>
      %dma_start3A_106 = tpu.memref_squeeze %dma_start3A_105 : memref<1x42x128xi32, #tpu.memory_space<hbm>> -> memref<42x128xi32, #tpu.memory_space<hbm>>
      tpu.enqueue_dma source(%dma_start3A_106 : memref<42x128xi32, #tpu.memory_space<hbm>>) target(%arg8 : memref<42x128xi32, #tpu.memory_space<vmem>>) target_semaphore(%run_scoped3A : memref<!tpu.dma_semaphore, #tpu.memory_space<semaphore_mem>>)
      %dma_wait3A_107 = arith.constant 0 : i32
      %dma_wait3A_108 = arith.constant 0 : i32
      %dma_wait3A_109 = tpu.memref_slice %arg3[%add3A, %dma_wait3A_107, %dma_wait3A_108] : memref<32x42x128xi32, #tpu.memory_space<hbm>> -> memref<1x42x128xi32, #tpu.memory_space<hbm>>
      %dma_wait3A_110 = tpu.memref_squeeze %dma_wait3A_109 : memref<1x42x128xi32, #tpu.memory_space<hbm>> -> memref<42x128xi32, #tpu.memory_space<hbm>>
      %dma_wait3A_111 = arith.constant 0 : i32
      %dma_wait3A_112 = arith.constant 0 : i32
      %dma_wait3A_113 = tpu.memref_slice %arg3[%add3A, %dma_wait3A_111, %dma_wait3A_112] : memref<32x42x128xi32, #tpu.memory_space<hbm>> -> memref<1x42x128xi32, #tpu.memory_space<hbm>>
      %dma_wait3A_114 = tpu.memref_squeeze %dma_wait3A_113 : memref<1x42x128xi32, #tpu.memory_space<hbm>> -> memref<42x128xi32, #tpu.memory_space<hbm>>
      tpu.wait_dma2 semaphore(%run_scoped3A : memref<!tpu.dma_semaphore, #tpu.memory_space<semaphore_mem>>) src(%dma_wait3A_114 : memref<42x128xi32, #tpu.memory_space<hbm>>) dst(%arg8 : memref<42x128xi32, #tpu.memory_space<vmem>>)
      tpu.yield
    }) : () -> ()
    %dma_start3A = arith.constant 0 : i32
    %dma_start3A_9 = arith.constant 0 : i32
    %dma_start3A_10 = arith.constant 0 : i32
    %dma_start3A_11 = tpu.memref_slice %arg9[%dma_start3A, %dma_start3A_9, %dma_start3A_10] : memref<2x128x128xf32, #tpu.memory_space<vmem>> -> memref<1x128x128xf32, #tpu.memory_space<vmem>>
    %dma_start3A_12 = tpu.memref_squeeze %dma_start3A_11 : memref<1x128x128xf32, #tpu.memory_space<vmem>> -> memref<128x128xf32, #tpu.memory_space<vmem>>
    %dma_start3A_13 = arith.constant 0 : i32
    %dma_start3A_14 = tpu.memref_slice %arg7[%dma_start3A_13] : memref<5376xi32, #tpu.memory_space<vmem>> -> memref<128xi32, #tpu.memory_space<vmem>>
    %dma_start3A_15 = arith.constant 0 : i32
    %dma_start3A_16 = arith.constant 0 : i32
    %dma_start3A_17 = tpu.memref_slice %arg4[%dma_start3A_15, %dma_start3A_16] : memref<10240x128xf32, #tpu.memory_space<hbm>> -> memref<10240x128xf32, #tpu.memory_space<hbm>>
    tpu.enqueue_indirect_dma source(%dma_start3A_17 : memref<10240x128xf32, #tpu.memory_space<hbm>>) target(%dma_start3A_12 : memref<128x128xf32, #tpu.memory_space<vmem>>) offsets(%dma_start3A_14 : memref<128xi32, #tpu.memory_space<vmem>>) semaphore(%arg14 : memref<!tpu.dma_semaphore, #tpu.memory_space<semaphore_mem>>)
    %dma_start3A_18 = arith.constant 0 : i32
    %dma_start3A_19 = arith.constant 0 : i32
    %dma_start3A_20 = arith.constant 0 : i32
    %dma_start3A_21 = arith.constant 0 : i32
    %dma_start3A_22 = tpu.memref_slice %arg10[%dma_start3A_19, %dma_start3A_20, %dma_start3A_21] : memref<2x128x128xf32, #tpu.memory_space<vmem>> -> memref<1x128x128xf32, #tpu.memory_space<vmem>>
    %dma_start3A_23 = tpu.memref_squeeze %dma_start3A_22 : memref<1x128x128xf32, #tpu.memory_space<vmem>> -> memref<128x128xf32, #tpu.memory_space<vmem>>
    %dma_start3A_24 = arith.constant 0 : i32
    %dma_start3A_25 = tpu.memref_slice %arg8[%dma_start3A_18, %dma_start3A_24] : memref<42x128xi32, #tpu.memory_space<vmem>> -> memref<1x128xi32, #tpu.memory_space<vmem>>
    %dma_start3A_26 = tpu.memref_squeeze %dma_start3A_25 : memref<1x128xi32, #tpu.memory_space<vmem>> -> memref<128xi32, #tpu.memory_space<vmem>>
    %dma_start3A_27 = arith.constant 0 : i32
    %dma_start3A_28 = arith.constant 0 : i32
    %dma_start3A_29 = tpu.memref_slice %arg4[%dma_start3A_27, %dma_start3A_28] : memref<10240x128xf32, #tpu.memory_space<hbm>> -> memref<10240x128xf32, #tpu.memory_space<hbm>>
    tpu.enqueue_indirect_dma source(%dma_start3A_29 : memref<10240x128xf32, #tpu.memory_space<hbm>>) target(%dma_start3A_23 : memref<128x128xf32, #tpu.memory_space<vmem>>) offsets(%dma_start3A_26 : memref<128xi32, #tpu.memory_space<vmem>>) semaphore(%arg16 : memref<!tpu.dma_semaphore, #tpu.memory_space<semaphore_mem>>)
    %scan3A_30 = arith.constant 0 : i32
    %scan3A_31 = arith.constant 21 : i32
    %scan3A_32 = arith.addi %scan3A_30, %scan3A_31 : i32
    %scan3A_33 = arith.constant 1 : i32
    scf.for %scan3A_99 = %scan3A_30 to %scan3A_32 step %scan3A_33  : i32 {
      %mul3A_100 = arith.constant 2 : i32
      %mul3A_101 = arith.muli %scan3A_99, %mul3A_100 : i32
      %add3A_102 = arith.constant 0 : i32
      %add3A_103 = arith.addi %add3A_102, %mul3A_101 : i32
      %add3A_104 = arith.constant 0 : i32
      %add3A_105 = arith.addi %add3A_103, %add3A_104 : i32
      %add3A_106 = arith.constant 1 : i32
      %add3A_107 = arith.addi %add3A_105, %add3A_106 : i32
      %lt3A = arith.constant 42 : i32
      %lt3A_108 = arith.cmpi slt, %add3A_107, %lt3A : i32
      %convert_element_type3A = arith.extui %lt3A_108 : i1 to i32
      %cond3A = arith.constant 0 : i32
      %cond3A_109 = arith.cmpi ne, %convert_element_type3A, %cond3A : i32
      scf.if %cond3A_109 {
        %add3A_256 = arith.constant 1 : i32
        %add3A_257 = arith.addi %add3A_105, %add3A_256 : i32
        %mul3A_258 = arith.constant 128 : i32
        %mul3A_259 = arith.muli %add3A_257, %mul3A_258 : i32
        %dma_start3A_260 = arith.constant 1 : i32
        %dma_start3A_261 = arith.constant 0 : i32
        %dma_start3A_262 = arith.constant 0 : i32
        %dma_start3A_263 = tpu.memref_slice %arg9[%dma_start3A_260, %dma_start3A_261, %dma_start3A_262] : memref<2x128x128xf32, #tpu.memory_space<vmem>> -> memref<1x128x128xf32, #tpu.memory_space<vmem>>
        %dma_start3A_264 = tpu.memref_squeeze %dma_start3A_263 : memref<1x128x128xf32, #tpu.memory_space<vmem>> -> memref<128x128xf32, #tpu.memory_space<vmem>>
        %dma_start3A_265 = tpu.memref_slice %arg7[%mul3A_259] : memref<5376xi32, #tpu.memory_space<vmem>> -> memref<128xi32, #tpu.memory_space<vmem>>
        %dma_start3A_266 = arith.constant 0 : i32
        %dma_start3A_267 = arith.constant 0 : i32
        %dma_start3A_268 = tpu.memref_slice %arg4[%dma_start3A_266, %dma_start3A_267] : memref<10240x128xf32, #tpu.memory_space<hbm>> -> memref<10240x128xf32, #tpu.memory_space<hbm>>
        tpu.enqueue_indirect_dma source(%dma_start3A_268 : memref<10240x128xf32, #tpu.memory_space<hbm>>) target(%dma_start3A_264 : memref<128x128xf32, #tpu.memory_space<vmem>>) offsets(%dma_start3A_265 : memref<128xi32, #tpu.memory_space<vmem>>) semaphore(%arg15 : memref<!tpu.dma_semaphore, #tpu.memory_space<semaphore_mem>>)
        %dma_start3A_269 = arith.constant 1 : i32
        %dma_start3A_270 = arith.constant 0 : i32
        %dma_start3A_271 = arith.constant 0 : i32
        %dma_start3A_272 = tpu.memref_slice %arg10[%dma_start3A_269, %dma_start3A_270, %dma_start3A_271] : memref<2x128x128xf32, #tpu.memory_space<vmem>> -> memref<1x128x128xf32, #tpu.memory_space<vmem>>
        %dma_start3A_273 = tpu.memref_squeeze %dma_start3A_272 : memref<1x128x128xf32, #tpu.memory_space<vmem>> -> memref<128x128xf32, #tpu.memory_space<vmem>>
        %dma_start3A_274 = arith.constant 0 : i32
        %dma_start3A_275 = tpu.memref_slice %arg8[%add3A_257, %dma_start3A_274] : memref<42x128xi32, #tpu.memory_space<vmem>> -> memref<1x128xi32, #tpu.memory_space<vmem>>
        %dma_start3A_276 = tpu.memref_squeeze %dma_start3A_275 : memref<1x128xi32, #tpu.memory_space<vmem>> -> memref<128xi32, #tpu.memory_space<vmem>>
        %dma_start3A_277 = arith.constant 0 : i32
        %dma_start3A_278 = arith.constant 0 : i32
        %dma_start3A_279 = tpu.memref_slice %arg4[%dma_start3A_277, %dma_start3A_278] : memref<10240x128xf32, #tpu.memory_space<hbm>> -> memref<10240x128xf32, #tpu.memory_space<hbm>>
        tpu.enqueue_indirect_dma source(%dma_start3A_279 : memref<10240x128xf32, #tpu.memory_space<hbm>>) target(%dma_start3A_273 : memref<128x128xf32, #tpu.memory_space<vmem>>) offsets(%dma_start3A_276 : memref<128xi32, #tpu.memory_space<vmem>>) semaphore(%arg17 : memref<!tpu.dma_semaphore, #tpu.memory_space<semaphore_mem>>)
      } else {
      }
      %dma_wait3A_110 = arith.constant 0 : i32
      %dma_wait3A_111 = arith.constant 0 : i32
      %dma_wait3A_112 = arith.constant 0 : i32
      %dma_wait3A_113 = tpu.memref_slice %arg9[%dma_wait3A_110, %dma_wait3A_111, %dma_wait3A_112] : memref<2x128x128xf32, #tpu.memory_space<vmem>> -> memref<1x128x128xf32, #tpu.memory_space<vmem>>
      %dma_wait3A_114 = tpu.memref_squeeze %dma_wait3A_113 : memref<1x128x128xf32, #tpu.memory_space<vmem>> -> memref<128x128xf32, #tpu.memory_space<vmem>>
      %dma_wait3A_115 = arith.constant 0 : i32
      %dma_wait3A_116 = tpu.memref_slice %arg7[%dma_wait3A_115] : memref<5376xi32, #tpu.memory_space<vmem>> -> memref<128xi32, #tpu.memory_space<vmem>>
      %dma_wait3A_117 = arith.constant 0 : i32
      %dma_wait3A_118 = arith.constant 0 : i32
      %dma_wait3A_119 = tpu.memref_slice %arg4[%dma_wait3A_117, %dma_wait3A_118] : memref<10240x128xf32, #tpu.memory_space<hbm>> -> memref<10240x128xf32, #tpu.memory_space<hbm>>
      tpu.wait_indirect_dma semaphore(%arg14 : memref<!tpu.dma_semaphore, #tpu.memory_space<semaphore_mem>>) src(%dma_wait3A_119 : memref<10240x128xf32, #tpu.memory_space<hbm>>) dst(%dma_wait3A_114 : memref<128x128xf32, #tpu.memory_space<vmem>>)
      %dma_wait3A_120 = arith.constant 0 : i32
      %dma_wait3A_121 = arith.constant 0 : i32
      %dma_wait3A_122 = arith.constant 0 : i32
      %dma_wait3A_123 = arith.constant 0 : i32
      %dma_wait3A_124 = tpu.memref_slice %arg10[%dma_wait3A_121, %dma_wait3A_122, %dma_wait3A_123] : memref<2x128x128xf32, #tpu.memory_space<vmem>> -> memref<1x128x128xf32, #tpu.memory_space<vmem>>
      %dma_wait3A_125 = tpu.memref_squeeze %dma_wait3A_124 : memref<1x128x128xf32, #tpu.memory_space<vmem>> -> memref<128x128xf32, #tpu.memory_space<vmem>>
      %dma_wait3A_126 = arith.constant 0 : i32
      %dma_wait3A_127 = tpu.memref_slice %arg8[%dma_wait3A_120, %dma_wait3A_126] : memref<42x128xi32, #tpu.memory_space<vmem>> -> memref<1x128xi32, #tpu.memory_space<vmem>>
      %dma_wait3A_128 = tpu.memref_squeeze %dma_wait3A_127 : memref<1x128xi32, #tpu.memory_space<vmem>> -> memref<128xi32, #tpu.memory_space<vmem>>
      %dma_wait3A_129 = arith.constant 0 : i32
      %dma_wait3A_130 = arith.constant 0 : i32
      %dma_wait3A_131 = tpu.memref_slice %arg4[%dma_wait3A_129, %dma_wait3A_130] : memref<10240x128xf32, #tpu.memory_space<hbm>> -> memref<10240x128xf32, #tpu.memory_space<hbm>>
      tpu.wait_indirect_dma semaphore(%arg16 : memref<!tpu.dma_semaphore, #tpu.memory_space<semaphore_mem>>) src(%dma_wait3A_131 : memref<10240x128xf32, #tpu.memory_space<hbm>>) dst(%dma_wait3A_125 : memref<128x128xf32, #tpu.memory_space<vmem>>)
      %ge3A = arith.constant 2 : i32
      %ge3A_132 = arith.cmpi sge, %add3A_105, %ge3A : i32
      %convert_element_type3A_133 = arith.extui %ge3A_132 : i1 to i32
      %cond3A_134 = arith.constant 0 : i32
      %cond3A_135 = arith.cmpi ne, %convert_element_type3A_133, %cond3A_134 : i32
      scf.if %cond3A_135 {
        %dma_wait3A_256 = arith.constant 0 : i32
        %dma_wait3A_257 = arith.constant 0 : i32
        %dma_wait3A_258 = arith.constant 0 : i32
        %dma_wait3A_259 = arith.constant 0 : i32
        %dma_wait3A_260 = tpu.memref_slice %arg11[%dma_wait3A_256, %dma_wait3A_258, %dma_wait3A_259] : memref<2x128x16xf32, #tpu.memory_space<vmem>> -> memref<1x128x16xf32, #tpu.memory_space<vmem>>
        %dma_wait3A_261 = tpu.memref_squeeze %dma_wait3A_260 : memref<1x128x16xf32, #tpu.memory_space<vmem>> -> memref<128x16xf32, #tpu.memory_space<vmem>>
        %dma_wait3A_262 = arith.constant 0 : i32
        %dma_wait3A_263 = arith.constant 0 : i32
        %dma_wait3A_264 = tpu.memref_slice %arg5[%dma_wait3A_257, %dma_wait3A_262, %dma_wait3A_263] : memref<1344x128x16xf32, #tpu.memory_space<hbm>> -> memref<1x128x16xf32, #tpu.memory_space<hbm>>
        %dma_wait3A_265 = tpu.memref_squeeze %dma_wait3A_264 : memref<1x128x16xf32, #tpu.memory_space<hbm>> -> memref<128x16xf32, #tpu.memory_space<hbm>>
        %dma_wait3A_266 = arith.constant 0 : i32
        %dma_wait3A_267 = arith.constant 0 : i32
        %dma_wait3A_268 = tpu.memref_slice %arg5[%dma_wait3A_257, %dma_wait3A_266, %dma_wait3A_267] : memref<1344x128x16xf32, #tpu.memory_space<hbm>> -> memref<1x128x16xf32, #tpu.memory_space<hbm>>
        %dma_wait3A_269 = tpu.memref_squeeze %dma_wait3A_268 : memref<1x128x16xf32, #tpu.memory_space<hbm>> -> memref<128x16xf32, #tpu.memory_space<hbm>>
        %dma_wait3A_270 = arith.constant 0 : i32
        %dma_wait3A_271 = arith.constant 0 : i32
        %dma_wait3A_272 = tpu.memref_slice %arg11[%dma_wait3A_256, %dma_wait3A_270, %dma_wait3A_271] : memref<2x128x16xf32, #tpu.memory_space<vmem>> -> memref<1x128x16xf32, #tpu.memory_space<vmem>>
        %dma_wait3A_273 = tpu.memref_squeeze %dma_wait3A_272 : memref<1x128x16xf32, #tpu.memory_space<vmem>> -> memref<128x16xf32, #tpu.memory_space<vmem>>
        tpu.wait_dma2 semaphore(%arg18 : memref<!tpu.dma_semaphore, #tpu.memory_space<semaphore_mem>>) src(%dma_wait3A_273 : memref<128x16xf32, #tpu.memory_space<vmem>>) dst(%dma_wait3A_269 : memref<128x16xf32, #tpu.memory_space<hbm>>)
        %dma_wait3A_274 = arith.constant 0 : i32
        %dma_wait3A_275 = arith.constant 0 : i32
        %dma_wait3A_276 = arith.constant 0 : i32
        %dma_wait3A_277 = arith.constant 0 : i32
        %dma_wait3A_278 = tpu.memref_slice %arg11[%dma_wait3A_274, %dma_wait3A_276, %dma_wait3A_277] : memref<2x128x16xf32, #tpu.memory_space<vmem>> -> memref<1x128x16xf32, #tpu.memory_space<vmem>>
        %dma_wait3A_279 = tpu.memref_squeeze %dma_wait3A_278 : memref<1x128x16xf32, #tpu.memory_space<vmem>> -> memref<128x16xf32, #tpu.memory_space<vmem>>
        %dma_wait3A_280 = arith.constant 0 : i32
        %dma_wait3A_281 = tpu.memref_slice %arg8[%dma_wait3A_275, %dma_wait3A_280] : memref<42x128xi32, #tpu.memory_space<vmem>> -> memref<1x128xi32, #tpu.memory_space<vmem>>
        %dma_wait3A_282 = tpu.memref_squeeze %dma_wait3A_281 : memref<1x128xi32, #tpu.memory_space<vmem>> -> memref<128xi32, #tpu.memory_space<vmem>>
        %dma_wait3A_283 = arith.constant 0 : i32
        %dma_wait3A_284 = arith.constant 0 : i32
        %dma_wait3A_285 = tpu.memref_slice %arg13[%dma_wait3A_283, %dma_wait3A_284] : memref<10240x16xf32, #tpu.memory_space<vmem_shared>> -> memref<10240x16xf32, #tpu.memory_space<vmem_shared>>
        tpu.wait_indirect_dma semaphore(%arg20 : memref<!tpu.dma_semaphore, #tpu.memory_space<semaphore_mem>>) src(%dma_wait3A_279 : memref<128x16xf32, #tpu.memory_space<vmem>>) dst(%dma_wait3A_285 : memref<10240x16xf32, #tpu.memory_space<vmem_shared>>)
      } else {
      }
      %iota3A = tpu.iota {dimensions = array<i32: 0>} : vector<16xi32>
      %and3A = arith.constant 7 : i32
      %and3A_136 = vector.broadcast %and3A : i32 to vector<16xi32>
      %and3A_137 = arith.andi %iota3A, %and3A_136 : vector<16xi32>
      %add3A_138 = arith.constant 8 : i32
      %add3A_139 = vector.broadcast %add3A_138 : i32 to vector<16xi32>
      %add3A_140 = arith.addi %and3A_137, %add3A_139 : vector<16xi32>
      %scan3A_141 = arith.constant 0 : i32
      %scan3A_142 = arith.constant 128 : i32
      %scan3A_143 = arith.addi %scan3A_141, %scan3A_142 : i32
      %scan3A_144 = arith.constant 1 : i32
      scf.for %scan3A_256 = %scan3A_141 to %scan3A_143 step %scan3A_144  : i32 {
        %mul3A_257 = arith.constant 1 : i32
        %mul3A_258 = arith.muli %scan3A_256, %mul3A_257 : i32
        %add3A_259 = arith.constant 0 : i32
        %add3A_260 = arith.addi %add3A_259, %mul3A_258 : i32
        %get3A = arith.constant 0 : i32
        %get3A_261 = arith.index_cast %get3A : i32 to index
        %get3A_262 = arith.index_cast %add3A_260 : i32 to index
        %get3A_263 = arith.constant 0 : index
        %get3A_264 = tpu.vector_load %arg10[%get3A_261, %get3A_262, %get3A_263] {strides = array<i32>} : memref<2x128x128xf32, #tpu.memory_space<vmem>>, vector<1x1x16xf32>,
        %get3A_265 = vector.shape_cast %get3A_264 : vector<1x1x16xf32> to vector<16xf32>
        %broadcast_in_dim3A = vector.shape_cast %add3A_140 : vector<16xi32> to vector<16x1xi32>
        %gather3A = vector.shape_cast %broadcast_in_dim3A : vector<16x1xi32> to vector<16xi32>
        %gather3A_266 = tpu.dynamic_gather %get3A_265[%gather3A] in [0] : vector<16xf32>, vector<16xi32> -> vector<16xf32>
        %get3A_267 = arith.constant 0 : i32
        %get3A_268 = arith.index_cast %get3A_267 : i32 to index
        %get3A_269 = arith.index_cast %add3A_260 : i32 to index
        %get3A_270 = arith.constant 0 : index
        %get3A_271 = tpu.vector_load %arg9[%get3A_268, %get3A_269, %get3A_270] {strides = array<i32>} : memref<2x128x128xf32, #tpu.memory_space<vmem>>, vector<1x1x16xf32>,
        %get3A_272 = vector.shape_cast %get3A_271 : vector<1x1x16xf32> to vector<16xf32>
        %add3A_273 = arith.addf %get3A_272, %gather3A_266 : vector<16xf32>
        %ge3A_274 = arith.constant 0.000000e+00 : f32
        %ge3A_275 = vector.broadcast %ge3A_274 : f32 to vector<16xf32>
        %ge3A_276 = arith.cmpf oge, %add3A_273, %ge3A_275 : vector<16xf32>
        %mul3A_277 = arith.constant 2.000000e-01 : f32
        %mul3A_278 = vector.broadcast %mul3A_277 : f32 to vector<16xf32>
        %mul3A_279 = arith.mulf %add3A_273, %mul3A_278 : vector<16xf32>
        %select_n3A = arith.select %ge3A_276, %add3A_273, %mul3A_279 : vector<16xi1>, vector<16xf32>
        %exp3A = math.exp %select_n3A : vector<16xf32>
        %swap3A = arith.constant 0 : i32
        %swap3A_280 = arith.index_cast %swap3A : i32 to index
        %swap3A_281 = arith.index_cast %add3A_260 : i32 to index
        %swap3A_282 = arith.constant 0 : index
        %swap3A_283 = tpu.vector_load %arg11[%swap3A_280, %swap3A_281, %swap3A_282] {strides = array<i32>} : memref<2x128x16xf32, #tpu.memory_space<vmem>>, vector<1x1x16xf32>,
        %swap3A_284 = vector.shape_cast %swap3A_283 : vector<1x1x16xf32> to vector<16xf32>
        %swap3A_285 = vector.shape_cast %exp3A : vector<16xf32> to vector<1x1x16xf32>
        tpu.vector_store %arg11[%swap3A_280, %swap3A_281, %swap3A_282], %swap3A_285 {strides = array<i32>} : memref<2x128x16xf32, #tpu.memory_space<vmem>>, vector<1x1x16xf32>,
      }
      %scan3A_145 = arith.constant 128 : i32
      %mul3A_146 = arith.constant 42 : i32
      %mul3A_147 = arith.muli %add3A, %mul3A_146 : i32
      %add3A_148 = arith.addi %mul3A_147, %add3A_105 : i32
      %dma_start3A_149 = arith.constant 0 : i32
      %dma_start3A_150 = arith.constant 0 : i32
      %dma_start3A_151 = arith.constant 0 : i32
      %dma_start3A_152 = tpu.memref_slice %arg11[%dma_start3A_149, %dma_start3A_150, %dma_start3A_151] : memref<2x128x16xf32, #tpu.memory_space<vmem>> -> memref<1x128x16xf32, #tpu.memory_space<vmem>>
      %dma_start3A_153 = tpu.memref_squeeze %dma_start3A_152 : memref<1x128x16xf32, #tpu.memory_space<vmem>> -> memref<128x16xf32, #tpu.memory_space<vmem>>
      %dma_start3A_154 = arith.constant 0 : i32
      %dma_start3A_155 = arith.constant 0 : i32
      %dma_start3A_156 = tpu.memref_slice %arg5[%add3A_148, %dma_start3A_154, %dma_start3A_155] : memref<1344x128x16xf32, #tpu.memory_space<hbm>> -> memref<1x128x16xf32, #tpu.memory_space<hbm>>
      %dma_start3A_157 = tpu.memref_squeeze %dma_start3A_156 : memref<1x128x16xf32, #tpu.memory_space<hbm>> -> memref<128x16xf32, #tpu.memory_space<hbm>>
      %dma_start3A_158 = arith.constant 0 : i32
      %dma_start3A_159 = arith.constant 0 : i32
      %dma_start3A_160 = tpu.memref_slice %arg5[%add3A_148, %dma_start3A_158, %dma_start3A_159] : memref<1344x128x16xf32, #tpu.memory_space<hbm>> -> memref<1x128x16xf32, #tpu.memory_space<hbm>>
      %dma_start3A_161 = tpu.memref_squeeze %dma_start3A_160 : memref<1x128x16xf32, #tpu.memory_space<hbm>> -> memref<128x16xf32, #tpu.memory_space<hbm>>
      %dma_start3A_162 = arith.constant 0 : i32
      %dma_start3A_163 = arith.constant 0 : i32
      %dma_start3A_164 = tpu.memref_slice %arg11[%dma_start3A_149, %dma_start3A_162, %dma_start3A_163] : memref<2x128x16xf32, #tpu.memory_space<vmem>> -> memref<1x128x16xf32, #tpu.memory_space<vmem>>
      %dma_start3A_165 = tpu.memref_squeeze %dma_start3A_164 : memref<1x128x16xf32, #tpu.memory_space<vmem>> -> memref<128x16xf32, #tpu.memory_space<vmem>>
      tpu.enqueue_dma source(%dma_start3A_165 : memref<128x16xf32, #tpu.memory_space<vmem>>) target(%dma_start3A_161 : memref<128x16xf32, #tpu.memory_space<hbm>>) target_semaphore(%arg18 : memref<!tpu.dma_semaphore, #tpu.memory_space<semaphore_mem>>)
      %dma_start3A_166 = arith.constant 0 : i32
      %dma_start3A_167 = arith.constant 0 : i32
      %dma_start3A_168 = arith.constant 0 : i32
      %dma_start3A_169 = tpu.memref_slice %arg11[%dma_start3A_166, %dma_start3A_167, %dma_start3A_168] : memref<2x128x16xf32, #tpu.memory_space<vmem>> -> memref<1x128x16xf32, #tpu.memory_space<vmem>>
      %dma_start3A_170 = tpu.memref_squeeze %dma_start3A_169 : memref<1x128x16xf32, #tpu.memory_space<vmem>> -> memref<128x16xf32, #tpu.memory_space<vmem>>
      %dma_start3A_171 = arith.constant 0 : i32
      %dma_start3A_172 = tpu.memref_slice %arg8[%add3A_105, %dma_start3A_171] : memref<42x128xi32, #tpu.memory_space<vmem>> -> memref<1x128xi32, #tpu.memory_space<vmem>>
      %dma_start3A_173 = tpu.memref_squeeze %dma_start3A_172 : memref<1x128xi32, #tpu.memory_space<vmem>> -> memref<128xi32, #tpu.memory_space<vmem>>
      %dma_start3A_174 = arith.constant 0 : i32
      %dma_start3A_175 = arith.constant 0 : i32
      %dma_start3A_176 = tpu.memref_slice %arg13[%dma_start3A_174, %dma_start3A_175] : memref<10240x16xf32, #tpu.memory_space<vmem_shared>> -> memref<10240x16xf32, #tpu.memory_space<vmem_shared>>
      tpu.enqueue_indirect_dma source(%dma_start3A_170 : memref<128x16xf32, #tpu.memory_space<vmem>>) target(%dma_start3A_176 : memref<10240x16xf32, #tpu.memory_space<vmem_shared>>) offsets(%dma_start3A_173 : memref<128xi32, #tpu.memory_space<vmem>>) semaphore(%arg20 : memref<!tpu.dma_semaphore, #tpu.memory_space<semaphore_mem>>) {add = true}
      %add3A_177 = arith.constant 1 : i32
      %add3A_178 = arith.addi %add3A_103, %add3A_177 : i32
      %add3A_179 = arith.constant 1 : i32
      %add3A_180 = arith.addi %add3A_178, %add3A_179 : i32
      %lt3A_181 = arith.constant 42 : i32
      %lt3A_182 = arith.cmpi slt, %add3A_180, %lt3A_181 : i32
      %convert_element_type3A_183 = arith.extui %lt3A_182 : i1 to i32
      %cond3A_184 = arith.constant 0 : i32
      %cond3A_185 = arith.cmpi ne, %convert_element_type3A_183, %cond3A_184 : i32
      scf.if %cond3A_185 {
        %add3A_256 = arith.constant 1 : i32
        %add3A_257 = arith.addi %add3A_178, %add3A_256 : i32
        %mul3A_258 = arith.constant 128 : i32
        %mul3A_259 = arith.muli %add3A_257, %mul3A_258 : i32
        %dma_start3A_260 = arith.constant 0 : i32
        %dma_start3A_261 = arith.constant 0 : i32
        %dma_start3A_262 = arith.constant 0 : i32
        %dma_start3A_263 = tpu.memref_slice %arg9[%dma_start3A_260, %dma_start3A_261, %dma_start3A_262] : memref<2x128x128xf32, #tpu.memory_space<vmem>> -> memref<1x128x128xf32, #tpu.memory_space<vmem>>
        %dma_start3A_264 = tpu.memref_squeeze %dma_start3A_263 : memref<1x128x128xf32, #tpu.memory_space<vmem>> -> memref<128x128xf32, #tpu.memory_space<vmem>>
        %dma_start3A_265 = tpu.memref_slice %arg7[%mul3A_259] : memref<5376xi32, #tpu.memory_space<vmem>> -> memref<128xi32, #tpu.memory_space<vmem>>
        %dma_start3A_266 = arith.constant 0 : i32
        %dma_start3A_267 = arith.constant 0 : i32
        %dma_start3A_268 = tpu.memref_slice %arg4[%dma_start3A_266, %dma_start3A_267] : memref<10240x128xf32, #tpu.memory_space<hbm>> -> memref<10240x128xf32, #tpu.memory_space<hbm>>
        tpu.enqueue_indirect_dma source(%dma_start3A_268 : memref<10240x128xf32, #tpu.memory_space<hbm>>) target(%dma_start3A_264 : memref<128x128xf32, #tpu.memory_space<vmem>>) offsets(%dma_start3A_265 : memref<128xi32, #tpu.memory_space<vmem>>) semaphore(%arg14 : memref<!tpu.dma_semaphore, #tpu.memory_space<semaphore_mem>>)
        %dma_start3A_269 = arith.constant 0 : i32
        %dma_start3A_270 = arith.constant 0 : i32
        %dma_start3A_271 = arith.constant 0 : i32
        %dma_start3A_272 = tpu.memref_slice %arg10[%dma_start3A_269, %dma_start3A_270, %dma_start3A_271] : memref<2x128x128xf32, #tpu.memory_space<vmem>> -> memref<1x128x128xf32, #tpu.memory_space<vmem>>
        %dma_start3A_273 = tpu.memref_squeeze %dma_start3A_272 : memref<1x128x128xf32, #tpu.memory_space<vmem>> -> memref<128x128xf32, #tpu.memory_space<vmem>>
        %dma_start3A_274 = arith.constant 0 : i32
        %dma_start3A_275 = tpu.memref_slice %arg8[%add3A_257, %dma_start3A_274] : memref<42x128xi32, #tpu.memory_space<vmem>> -> memref<1x128xi32, #tpu.memory_space<vmem>>
        %dma_start3A_276 = tpu.memref_squeeze %dma_start3A_275 : memref<1x128xi32, #tpu.memory_space<vmem>> -> memref<128xi32, #tpu.memory_space<vmem>>
        %dma_start3A_277 = arith.constant 0 : i32
        %dma_start3A_278 = arith.constant 0 : i32
        %dma_start3A_279 = tpu.memref_slice %arg4[%dma_start3A_277, %dma_start3A_278] : memref<10240x128xf32, #tpu.memory_space<hbm>> -> memref<10240x128xf32, #tpu.memory_space<hbm>>
        tpu.enqueue_indirect_dma source(%dma_start3A_279 : memref<10240x128xf32, #tpu.memory_space<hbm>>) target(%dma_start3A_273 : memref<128x128xf32, #tpu.memory_space<vmem>>) offsets(%dma_start3A_276 : memref<128xi32, #tpu.memory_space<vmem>>) semaphore(%arg16 : memref<!tpu.dma_semaphore, #tpu.memory_space<semaphore_mem>>)
      } else {
      }
      %dma_wait3A_186 = arith.constant 1 : i32
      %dma_wait3A_187 = arith.constant 0 : i32
      %dma_wait3A_188 = arith.constant 0 : i32
      %dma_wait3A_189 = tpu.memref_slice %arg9[%dma_wait3A_186, %dma_wait3A_187, %dma_wait3A_188] : memref<2x128x128xf32, #tpu.memory_space<vmem>> -> memref<1x128x128xf32, #tpu.memory_space<vmem>>
      %dma_wait3A_190 = tpu.memref_squeeze %dma_wait3A_189 : memref<1x128x128xf32, #tpu.memory_space<vmem>> -> memref<128x128xf32, #tpu.memory_space<vmem>>
      %dma_wait3A_191 = arith.constant 0 : i32
      %dma_wait3A_192 = tpu.memref_slice %arg7[%dma_wait3A_191] : memref<5376xi32, #tpu.memory_space<vmem>> -> memref<128xi32, #tpu.memory_space<vmem>>
      %dma_wait3A_193 = arith.constant 0 : i32
      %dma_wait3A_194 = arith.constant 0 : i32
      %dma_wait3A_195 = tpu.memref_slice %arg4[%dma_wait3A_193, %dma_wait3A_194] : memref<10240x128xf32, #tpu.memory_space<hbm>> -> memref<10240x128xf32, #tpu.memory_space<hbm>>
      tpu.wait_indirect_dma semaphore(%arg15 : memref<!tpu.dma_semaphore, #tpu.memory_space<semaphore_mem>>) src(%dma_wait3A_195 : memref<10240x128xf32, #tpu.memory_space<hbm>>) dst(%dma_wait3A_190 : memref<128x128xf32, #tpu.memory_space<vmem>>)
      %dma_wait3A_196 = arith.constant 0 : i32
      %dma_wait3A_197 = arith.constant 1 : i32
      %dma_wait3A_198 = arith.constant 0 : i32
      %dma_wait3A_199 = arith.constant 0 : i32
      %dma_wait3A_200 = tpu.memref_slice %arg10[%dma_wait3A_197, %dma_wait3A_198, %dma_wait3A_199] : memref<2x128x128xf32, #tpu.memory_space<vmem>> -> memref<1x128x128xf32, #tpu.memory_space<vmem>>
      %dma_wait3A_201 = tpu.memref_squeeze %dma_wait3A_200 : memref<1x128x128xf32, #tpu.memory_space<vmem>> -> memref<128x128xf32, #tpu.memory_space<vmem>>
      %dma_wait3A_202 = arith.constant 0 : i32
      %dma_wait3A_203 = tpu.memref_slice %arg8[%dma_wait3A_196, %dma_wait3A_202] : memref<42x128xi32, #tpu.memory_space<vmem>> -> memref<1x128xi32, #tpu.memory_space<vmem>>
      %dma_wait3A_204 = tpu.memref_squeeze %dma_wait3A_203 : memref<1x128xi32, #tpu.memory_space<vmem>> -> memref<128xi32, #tpu.memory_space<vmem>>
      %dma_wait3A_205 = arith.constant 0 : i32
      %dma_wait3A_206 = arith.constant 0 : i32
      %dma_wait3A_207 = tpu.memref_slice %arg4[%dma_wait3A_205, %dma_wait3A_206] : memref<10240x128xf32, #tpu.memory_space<hbm>> -> memref<10240x128xf32, #tpu.memory_space<hbm>>
      tpu.wait_indirect_dma semaphore(%arg17 : memref<!tpu.dma_semaphore, #tpu.memory_space<semaphore_mem>>) src(%dma_wait3A_207 : memref<10240x128xf32, #tpu.memory_space<hbm>>) dst(%dma_wait3A_201 : memref<128x128xf32, #tpu.memory_space<vmem>>)
      %ge3A_208 = arith.constant 2 : i32
      %ge3A_209 = arith.cmpi sge, %add3A_178, %ge3A_208 : i32
      %convert_element_type3A_210 = arith.extui %ge3A_209 : i1 to i32
      %cond3A_211 = arith.constant 0 : i32
      %cond3A_212 = arith.cmpi ne, %convert_element_type3A_210, %cond3A_211 : i32
      scf.if %cond3A_212 {
        %dma_wait3A_256 = arith.constant 1 : i32
        %dma_wait3A_257 = arith.constant 0 : i32
        %dma_wait3A_258 = arith.constant 0 : i32
        %dma_wait3A_259 = arith.constant 0 : i32
        %dma_wait3A_260 = tpu.memref_slice %arg11[%dma_wait3A_256, %dma_wait3A_258, %dma_wait3A_259] : memref<2x128x16xf32, #tpu.memory_space<vmem>> -> memref<1x128x16xf32, #tpu.memory_space<vmem>>
        %dma_wait3A_261 = tpu.memref_squeeze %dma_wait3A_260 : memref<1x128x16xf32, #tpu.memory_space<vmem>> -> memref<128x16xf32, #tpu.memory_space<vmem>>
        %dma_wait3A_262 = arith.constant 0 : i32
        %dma_wait3A_263 = arith.constant 0 : i32
        %dma_wait3A_264 = tpu.memref_slice %arg5[%dma_wait3A_257, %dma_wait3A_262, %dma_wait3A_263] : memref<1344x128x16xf32, #tpu.memory_space<hbm>> -> memref<1x128x16xf32, #tpu.memory_space<hbm>>
        %dma_wait3A_265 = tpu.memref_squeeze %dma_wait3A_264 : memref<1x128x16xf32, #tpu.memory_space<hbm>> -> memref<128x16xf32, #tpu.memory_space<hbm>>
        %dma_wait3A_266 = arith.constant 0 : i32
        %dma_wait3A_267 = arith.constant 0 : i32
        %dma_wait3A_268 = tpu.memref_slice %arg5[%dma_wait3A_257, %dma_wait3A_266, %dma_wait3A_267] : memref<1344x128x16xf32, #tpu.memory_space<hbm>> -> memref<1x128x16xf32, #tpu.memory_space<hbm>>
        %dma_wait3A_269 = tpu.memref_squeeze %dma_wait3A_268 : memref<1x128x16xf32, #tpu.memory_space<hbm>> -> memref<128x16xf32, #tpu.memory_space<hbm>>
        %dma_wait3A_270 = arith.constant 0 : i32
        %dma_wait3A_271 = arith.constant 0 : i32
        %dma_wait3A_272 = tpu.memref_slice %arg11[%dma_wait3A_256, %dma_wait3A_270, %dma_wait3A_271] : memref<2x128x16xf32, #tpu.memory_space<vmem>> -> memref<1x128x16xf32, #tpu.memory_space<vmem>>
        %dma_wait3A_273 = tpu.memref_squeeze %dma_wait3A_272 : memref<1x128x16xf32, #tpu.memory_space<vmem>> -> memref<128x16xf32, #tpu.memory_space<vmem>>
        tpu.wait_dma2 semaphore(%arg19 : memref<!tpu.dma_semaphore, #tpu.memory_space<semaphore_mem>>) src(%dma_wait3A_273 : memref<128x16xf32, #tpu.memory_space<vmem>>) dst(%dma_wait3A_269 : memref<128x16xf32, #tpu.memory_space<hbm>>)
        %dma_wait3A_274 = arith.constant 1 : i32
        %dma_wait3A_275 = arith.constant 0 : i32
        %dma_wait3A_276 = arith.constant 0 : i32
        %dma_wait3A_277 = arith.constant 0 : i32
        %dma_wait3A_278 = tpu.memref_slice %arg11[%dma_wait3A_274, %dma_wait3A_276, %dma_wait3A_277] : memref<2x128x16xf32, #tpu.memory_space<vmem>> -> memref<1x128x16xf32, #tpu.memory_space<vmem>>
        %dma_wait3A_279 = tpu.memref_squeeze %dma_wait3A_278 : memref<1x128x16xf32, #tpu.memory_space<vmem>> -> memref<128x16xf32, #tpu.memory_space<vmem>>
        %dma_wait3A_280 = arith.constant 0 : i32
        %dma_wait3A_281 = tpu.memref_slice %arg8[%dma_wait3A_275, %dma_wait3A_280] : memref<42x128xi32, #tpu.memory_space<vmem>> -> memref<1x128xi32, #tpu.memory_space<vmem>>
        %dma_wait3A_282 = tpu.memref_squeeze %dma_wait3A_281 : memref<1x128xi32, #tpu.memory_space<vmem>> -> memref<128xi32, #tpu.memory_space<vmem>>
        %dma_wait3A_283 = arith.constant 0 : i32
        %dma_wait3A_284 = arith.constant 0 : i32
        %dma_wait3A_285 = tpu.memref_slice %arg13[%dma_wait3A_283, %dma_wait3A_284] : memref<10240x16xf32, #tpu.memory_space<vmem_shared>> -> memref<10240x16xf32, #tpu.memory_space<vmem_shared>>
        tpu.wait_indirect_dma semaphore(%arg21 : memref<!tpu.dma_semaphore, #tpu.memory_space<semaphore_mem>>) src(%dma_wait3A_279 : memref<128x16xf32, #tpu.memory_space<vmem>>) dst(%dma_wait3A_285 : memref<10240x16xf32, #tpu.memory_space<vmem_shared>>)
      } else {
      }
      %iota3A_213 = tpu.iota {dimensions = array<i32: 0>} : vector<16xi32>
      %and3A_214 = arith.constant 7 : i32
      %and3A_215 = vector.broadcast %and3A_214 : i32 to vector<16xi32>
      %and3A_216 = arith.andi %iota3A_213, %and3A_215 : vector<16xi32>
      %add3A_217 = arith.constant 8 : i32
      %add3A_218 = vector.broadcast %add3A_217 : i32 to vector<16xi32>
      %add3A_219 = arith.addi %and3A_216, %add3A_218 : vector<16xi32>
      %scan3A_220 = arith.constant 0 : i32
      %scan3A_221 = arith.constant 128 : i32
      %scan3A_222 = arith.addi %scan3A_220, %scan3A_221 : i32
      %scan3A_223 = arith.constant 1 : i32
      scf.for %scan3A_256 = %scan3A_220 to %scan3A_222 step %scan3A_223  : i32 {
        %mul3A_257 = arith.constant 1 : i32
        %mul3A_258 = arith.muli %scan3A_256, %mul3A_257 : i32
        %add3A_259 = arith.constant 0 : i32
        %add3A_260 = arith.addi %add3A_259, %mul3A_258 : i32
        %get3A = arith.constant 1 : i32
        %get3A_261 = arith.index_cast %get3A : i32 to index
        %get3A_262 = arith.index_cast %add3A_260 : i32 to index
        %get3A_263 = arith.constant 0 : index
        %get3A_264 = tpu.vector_load %arg10[%get3A_261, %get3A_262, %get3A_263] {strides = array<i32>} : memref<2x128x128xf32, #tpu.memory_space<vmem>>, vector<1x1x16xf32>,
        %get3A_265 = vector.shape_cast %get3A_264 : vector<1x1x16xf32> to vector<16xf32>
        %broadcast_in_dim3A = vector.shape_cast %add3A_219 : vector<16xi32> to vector<16x1xi32>
        %gather3A = vector.shape_cast %broadcast_in_dim3A : vector<16x1xi32> to vector<16xi32>
        %gather3A_266 = tpu.dynamic_gather %get3A_265[%gather3A] in [0] : vector<16xf32>, vector<16xi32> -> vector<16xf32>
        %get3A_267 = arith.constant 1 : i32
        %get3A_268 = arith.index_cast %get3A_267 : i32 to index
        %get3A_269 = arith.index_cast %add3A_260 : i32 to index
        %get3A_270 = arith.constant 0 : index
        %get3A_271 = tpu.vector_load %arg9[%get3A_268, %get3A_269, %get3A_270] {strides = array<i32>} : memref<2x128x128xf32, #tpu.memory_space<vmem>>, vector<1x1x16xf32>,
        %get3A_272 = vector.shape_cast %get3A_271 : vector<1x1x16xf32> to vector<16xf32>
        %add3A_273 = arith.addf %get3A_272, %gather3A_266 : vector<16xf32>
        %ge3A_274 = arith.constant 0.000000e+00 : f32
        %ge3A_275 = vector.broadcast %ge3A_274 : f32 to vector<16xf32>
        %ge3A_276 = arith.cmpf oge, %add3A_273, %ge3A_275 : vector<16xf32>
        %mul3A_277 = arith.constant 2.000000e-01 : f32
        %mul3A_278 = vector.broadcast %mul3A_277 : f32 to vector<16xf32>
        %mul3A_279 = arith.mulf %add3A_273, %mul3A_278 : vector<16xf32>
        %select_n3A = arith.select %ge3A_276, %add3A_273, %mul3A_279 : vector<16xi1>, vector<16xf32>
        %exp3A = math.exp %select_n3A : vector<16xf32>
        %swap3A = arith.constant 1 : i32
        %swap3A_280 = arith.index_cast %swap3A : i32 to index
        %swap3A_281 = arith.index_cast %add3A_260 : i32 to index
        %swap3A_282 = arith.constant 0 : index
        %swap3A_283 = tpu.vector_load %arg11[%swap3A_280, %swap3A_281, %swap3A_282] {strides = array<i32>} : memref<2x128x16xf32, #tpu.memory_space<vmem>>, vector<1x1x16xf32>,
        %swap3A_284 = vector.shape_cast %swap3A_283 : vector<1x1x16xf32> to vector<16xf32>
        %swap3A_285 = vector.shape_cast %exp3A : vector<16xf32> to vector<1x1x16xf32>
        tpu.vector_store %arg11[%swap3A_280, %swap3A_281, %swap3A_282], %swap3A_285 {strides = array<i32>} : memref<2x128x16xf32, #tpu.memory_space<vmem>>, vector<1x1x16xf32>,
      }
      %scan3A_224 = arith.constant 128 : i32
      %mul3A_225 = arith.constant 42 : i32
      %mul3A_226 = arith.muli %add3A, %mul3A_225 : i32
      %add3A_227 = arith.addi %mul3A_226, %add3A_178 : i32
      %dma_start3A_228 = arith.constant 1 : i32
      %dma_start3A_229 = arith.constant 0 : i32
      %dma_start3A_230 = arith.constant 0 : i32
      %dma_start3A_231 = tpu.memref_slice %arg11[%dma_start3A_228, %dma_start3A_229, %dma_start3A_230] : memref<2x128x16xf32, #tpu.memory_space<vmem>> -> memref<1x128x16xf32, #tpu.memory_space<vmem>>
      %dma_start3A_232 = tpu.memref_squeeze %dma_start3A_231 : memref<1x128x16xf32, #tpu.memory_space<vmem>> -> memref<128x16xf32, #tpu.memory_space<vmem>>
      %dma_start3A_233 = arith.constant 0 : i32
      %dma_start3A_234 = arith.constant 0 : i32
      %dma_start3A_235 = tpu.memref_slice %arg5[%add3A_227, %dma_start3A_233, %dma_start3A_234] : memref<1344x128x16xf32, #tpu.memory_space<hbm>> -> memref<1x128x16xf32, #tpu.memory_space<hbm>>
      %dma_start3A_236 = tpu.memref_squeeze %dma_start3A_235 : memref<1x128x16xf32, #tpu.memory_space<hbm>> -> memref<128x16xf32, #tpu.memory_space<hbm>>
      %dma_start3A_237 = arith.constant 0 : i32
      %dma_start3A_238 = arith.constant 0 : i32
      %dma_start3A_239 = tpu.memref_slice %arg5[%add3A_227, %dma_start3A_237, %dma_start3A_238] : memref<1344x128x16xf32, #tpu.memory_space<hbm>> -> memref<1x128x16xf32, #tpu.memory_space<hbm>>
      %dma_start3A_240 = tpu.memref_squeeze %dma_start3A_239 : memref<1x128x16xf32, #tpu.memory_space<hbm>> -> memref<128x16xf32, #tpu.memory_space<hbm>>
      %dma_start3A_241 = arith.constant 0 : i32
      %dma_start3A_242 = arith.constant 0 : i32
      %dma_start3A_243 = tpu.memref_slice %arg11[%dma_start3A_228, %dma_start3A_241, %dma_start3A_242] : memref<2x128x16xf32, #tpu.memory_space<vmem>> -> memref<1x128x16xf32, #tpu.memory_space<vmem>>
      %dma_start3A_244 = tpu.memref_squeeze %dma_start3A_243 : memref<1x128x16xf32, #tpu.memory_space<vmem>> -> memref<128x16xf32, #tpu.memory_space<vmem>>
      tpu.enqueue_dma source(%dma_start3A_244 : memref<128x16xf32, #tpu.memory_space<vmem>>) target(%dma_start3A_240 : memref<128x16xf32, #tpu.memory_space<hbm>>) target_semaphore(%arg19 : memref<!tpu.dma_semaphore, #tpu.memory_space<semaphore_mem>>)
      %dma_start3A_245 = arith.constant 1 : i32
      %dma_start3A_246 = arith.constant 0 : i32
      %dma_start3A_247 = arith.constant 0 : i32
      %dma_start3A_248 = tpu.memref_slice %arg11[%dma_start3A_245, %dma_start3A_246, %dma_start3A_247] : memref<2x128x16xf32, #tpu.memory_space<vmem>> -> memref<1x128x16xf32, #tpu.memory_space<vmem>>
      %dma_start3A_249 = tpu.memref_squeeze %dma_start3A_248 : memref<1x128x16xf32, #tpu.memory_space<vmem>> -> memref<128x16xf32, #tpu.memory_space<vmem>>
      %dma_start3A_250 = arith.constant 0 : i32
      %dma_start3A_251 = tpu.memref_slice %arg8[%add3A_178, %dma_start3A_250] : memref<42x128xi32, #tpu.memory_space<vmem>> -> memref<1x128xi32, #tpu.memory_space<vmem>>
      %dma_start3A_252 = tpu.memref_squeeze %dma_start3A_251 : memref<1x128xi32, #tpu.memory_space<vmem>> -> memref<128xi32, #tpu.memory_space<vmem>>
      %dma_start3A_253 = arith.constant 0 : i32
      %dma_start3A_254 = arith.constant 0 : i32
      %dma_start3A_255 = tpu.memref_slice %arg13[%dma_start3A_253, %dma_start3A_254] : memref<10240x16xf32, #tpu.memory_space<vmem_shared>> -> memref<10240x16xf32, #tpu.memory_space<vmem_shared>>
      tpu.enqueue_indirect_dma source(%dma_start3A_249 : memref<128x16xf32, #tpu.memory_space<vmem>>) target(%dma_start3A_255 : memref<10240x16xf32, #tpu.memory_space<vmem_shared>>) offsets(%dma_start3A_252 : memref<128xi32, #tpu.memory_space<vmem>>) semaphore(%arg21 : memref<!tpu.dma_semaphore, #tpu.memory_space<semaphore_mem>>) {add = true}
    }
    %scan3A_34 = arith.constant 21 : i32
    %dma_wait3A = arith.constant 0 : i32
    %dma_wait3A_35 = arith.constant 0 : i32
    %dma_wait3A_36 = arith.constant 0 : i32
    %dma_wait3A_37 = arith.constant 0 : i32
    %dma_wait3A_38 = tpu.memref_slice %arg11[%dma_wait3A, %dma_wait3A_36, %dma_wait3A_37] : memref<2x128x16xf32, #tpu.memory_space<vmem>> -> memref<1x128x16xf32, #tpu.memory_space<vmem>>
    %dma_wait3A_39 = tpu.memref_squeeze %dma_wait3A_38 : memref<1x128x16xf32, #tpu.memory_space<vmem>> -> memref<128x16xf32, #tpu.memory_space<vmem>>
    %dma_wait3A_40 = arith.constant 0 : i32
    %dma_wait3A_41 = arith.constant 0 : i32
    %dma_wait3A_42 = tpu.memref_slice %arg5[%dma_wait3A_35, %dma_wait3A_40, %dma_wait3A_41] : memref<1344x128x16xf32, #tpu.memory_space<hbm>> -> memref<1x128x16xf32, #tpu.memory_space<hbm>>
    %dma_wait3A_43 = tpu.memref_squeeze %dma_wait3A_42 : memref<1x128x16xf32, #tpu.memory_space<hbm>> -> memref<128x16xf32, #tpu.memory_space<hbm>>
    %dma_wait3A_44 = arith.constant 0 : i32
    %dma_wait3A_45 = arith.constant 0 : i32
    %dma_wait3A_46 = tpu.memref_slice %arg5[%dma_wait3A_35, %dma_wait3A_44, %dma_wait3A_45] : memref<1344x128x16xf32, #tpu.memory_space<hbm>> -> memref<1x128x16xf32, #tpu.memory_space<hbm>>
    %dma_wait3A_47 = tpu.memref_squeeze %dma_wait3A_46 : memref<1x128x16xf32, #tpu.memory_space<hbm>> -> memref<128x16xf32, #tpu.memory_space<hbm>>
    %dma_wait3A_48 = arith.constant 0 : i32
    %dma_wait3A_49 = arith.constant 0 : i32
    %dma_wait3A_50 = tpu.memref_slice %arg11[%dma_wait3A, %dma_wait3A_48, %dma_wait3A_49] : memref<2x128x16xf32, #tpu.memory_space<vmem>> -> memref<1x128x16xf32, #tpu.memory_space<vmem>>
    %dma_wait3A_51 = tpu.memref_squeeze %dma_wait3A_50 : memref<1x128x16xf32, #tpu.memory_space<vmem>> -> memref<128x16xf32, #tpu.memory_space<vmem>>
    tpu.wait_dma2 semaphore(%arg18 : memref<!tpu.dma_semaphore, #tpu.memory_space<semaphore_mem>>) src(%dma_wait3A_51 : memref<128x16xf32, #tpu.memory_space<vmem>>) dst(%dma_wait3A_47 : memref<128x16xf32, #tpu.memory_space<hbm>>)
    %dma_wait3A_52 = arith.constant 0 : i32
    %dma_wait3A_53 = arith.constant 0 : i32
    %dma_wait3A_54 = arith.constant 0 : i32
    %dma_wait3A_55 = arith.constant 0 : i32
    %dma_wait3A_56 = tpu.memref_slice %arg11[%dma_wait3A_52, %dma_wait3A_54, %dma_wait3A_55] : memref<2x128x16xf32, #tpu.memory_space<vmem>> -> memref<1x128x16xf32, #tpu.memory_space<vmem>>
    %dma_wait3A_57 = tpu.memref_squeeze %dma_wait3A_56 : memref<1x128x16xf32, #tpu.memory_space<vmem>> -> memref<128x16xf32, #tpu.memory_space<vmem>>
    %dma_wait3A_58 = arith.constant 0 : i32
    %dma_wait3A_59 = tpu.memref_slice %arg8[%dma_wait3A_53, %dma_wait3A_58] : memref<42x128xi32, #tpu.memory_space<vmem>> -> memref<1x128xi32, #tpu.memory_space<vmem>>
    %dma_wait3A_60 = tpu.memref_squeeze %dma_wait3A_59 : memref<1x128xi32, #tpu.memory_space<vmem>> -> memref<128xi32, #tpu.memory_space<vmem>>
    %dma_wait3A_61 = arith.constant 0 : i32
    %dma_wait3A_62 = arith.constant 0 : i32
    %dma_wait3A_63 = tpu.memref_slice %arg13[%dma_wait3A_61, %dma_wait3A_62] : memref<10240x16xf32, #tpu.memory_space<vmem_shared>> -> memref<10240x16xf32, #tpu.memory_space<vmem_shared>>
    tpu.wait_indirect_dma semaphore(%arg20 : memref<!tpu.dma_semaphore, #tpu.memory_space<semaphore_mem>>) src(%dma_wait3A_57 : memref<128x16xf32, #tpu.memory_space<vmem>>) dst(%dma_wait3A_63 : memref<10240x16xf32, #tpu.memory_space<vmem_shared>>)
    %dma_wait3A_64 = arith.constant 1 : i32
    %dma_wait3A_65 = arith.constant 0 : i32
    %dma_wait3A_66 = arith.constant 0 : i32
    %dma_wait3A_67 = arith.constant 0 : i32
    %dma_wait3A_68 = tpu.memref_slice %arg11[%dma_wait3A_64, %dma_wait3A_66, %dma_wait3A_67] : memref<2x128x16xf32, #tpu.memory_space<vmem>> -> memref<1x128x16xf32, #tpu.memory_space<vmem>>
    %dma_wait3A_69 = tpu.memref_squeeze %dma_wait3A_68 : memref<1x128x16xf32, #tpu.memory_space<vmem>> -> memref<128x16xf32, #tpu.memory_space<vmem>>
    %dma_wait3A_70 = arith.constant 0 : i32
    %dma_wait3A_71 = arith.constant 0 : i32
    %dma_wait3A_72 = tpu.memref_slice %arg5[%dma_wait3A_65, %dma_wait3A_70, %dma_wait3A_71] : memref<1344x128x16xf32, #tpu.memory_space<hbm>> -> memref<1x128x16xf32, #tpu.memory_space<hbm>>
    %dma_wait3A_73 = tpu.memref_squeeze %dma_wait3A_72 : memref<1x128x16xf32, #tpu.memory_space<hbm>> -> memref<128x16xf32, #tpu.memory_space<hbm>>
    %dma_wait3A_74 = arith.constant 0 : i32
    %dma_wait3A_75 = arith.constant 0 : i32
    %dma_wait3A_76 = tpu.memref_slice %arg5[%dma_wait3A_65, %dma_wait3A_74, %dma_wait3A_75] : memref<1344x128x16xf32, #tpu.memory_space<hbm>> -> memref<1x128x16xf32, #tpu.memory_space<hbm>>
    %dma_wait3A_77 = tpu.memref_squeeze %dma_wait3A_76 : memref<1x128x16xf32, #tpu.memory_space<hbm>> -> memref<128x16xf32, #tpu.memory_space<hbm>>
    %dma_wait3A_78 = arith.constant 0 : i32
    %dma_wait3A_79 = arith.constant 0 : i32
    %dma_wait3A_80 = tpu.memref_slice %arg11[%dma_wait3A_64, %dma_wait3A_78, %dma_wait3A_79] : memref<2x128x16xf32, #tpu.memory_space<vmem>> -> memref<1x128x16xf32, #tpu.memory_space<vmem>>
    %dma_wait3A_81 = tpu.memref_squeeze %dma_wait3A_80 : memref<1x128x16xf32, #tpu.memory_space<vmem>> -> memref<128x16xf32, #tpu.memory_space<vmem>>
    tpu.wait_dma2 semaphore(%arg19 : memref<!tpu.dma_semaphore, #tpu.memory_space<semaphore_mem>>) src(%dma_wait3A_81 : memref<128x16xf32, #tpu.memory_space<vmem>>) dst(%dma_wait3A_77 : memref<128x16xf32, #tpu.memory_space<hbm>>)
    %dma_wait3A_82 = arith.constant 1 : i32
    %dma_wait3A_83 = arith.constant 0 : i32
    %dma_wait3A_84 = arith.constant 0 : i32
    %dma_wait3A_85 = arith.constant 0 : i32
    %dma_wait3A_86 = tpu.memref_slice %arg11[%dma_wait3A_82, %dma_wait3A_84, %dma_wait3A_85] : memref<2x128x16xf32, #tpu.memory_space<vmem>> -> memref<1x128x16xf32, #tpu.memory_space<vmem>>
    %dma_wait3A_87 = tpu.memref_squeeze %dma_wait3A_86 : memref<1x128x16xf32, #tpu.memory_space<vmem>> -> memref<128x16xf32, #tpu.memory_space<vmem>>
    %dma_wait3A_88 = arith.constant 0 : i32
    %dma_wait3A_89 = tpu.memref_slice %arg8[%dma_wait3A_83, %dma_wait3A_88] : memref<42x128xi32, #tpu.memory_space<vmem>> -> memref<1x128xi32, #tpu.memory_space<vmem>>
    %dma_wait3A_90 = tpu.memref_squeeze %dma_wait3A_89 : memref<1x128xi32, #tpu.memory_space<vmem>> -> memref<128xi32, #tpu.memory_space<vmem>>
    %dma_wait3A_91 = arith.constant 0 : i32
    %dma_wait3A_92 = arith.constant 0 : i32
    %dma_wait3A_93 = tpu.memref_slice %arg13[%dma_wait3A_91, %dma_wait3A_92] : memref<10240x16xf32, #tpu.memory_space<vmem_shared>> -> memref<10240x16xf32, #tpu.memory_space<vmem_shared>>
    tpu.wait_indirect_dma semaphore(%arg21 : memref<!tpu.dma_semaphore, #tpu.memory_space<semaphore_mem>>) src(%dma_wait3A_87 : memref<128x16xf32, #tpu.memory_space<vmem>>) dst(%dma_wait3A_93 : memref<10240x16xf32, #tpu.memory_space<vmem_shared>>)
    %barrier3A_94 = arith.constant 0 : index
    tpu.barrier barrier_id(%barrier3A_94)
    %mul3A_95 = arith.constant 640 : i32
    %mul3A_96 = arith.muli %arg1, %mul3A_95 : i32
    %mul3A_97 = arith.constant 640 : i32
    %mul3A_98 = arith.muli %arg1, %mul3A_97 : i32
    "tpu.region"() ({
      %run_scoped3A = tpu.sem_alloc : memref<!tpu.dma_semaphore, #tpu.memory_space<semaphore_mem>>
      %dma_start3A_99 = arith.constant 0 : i32
      %dma_start3A_100 = tpu.memref_slice %arg6[%arg0, %mul3A_98, %dma_start3A_99] : memref<2x10240x16xf32, #tpu.memory_space<hbm>> -> memref<1x640x16xf32, #tpu.memory_space<hbm>>
      %dma_start3A_101 = tpu.memref_squeeze %dma_start3A_100 : memref<1x640x16xf32, #tpu.memory_space<hbm>> -> memref<640x16xf32, #tpu.memory_space<hbm>>
      %dma_start3A_102 = arith.constant 0 : i32
      %dma_start3A_103 = tpu.memref_slice %arg13[%mul3A_96, %dma_start3A_102] : memref<10240x16xf32, #tpu.memory_space<vmem_shared>> -> memref<640x16xf32, #tpu.memory_space<vmem_shared>>
      tpu.enqueue_dma source(%dma_start3A_103 : memref<640x16xf32, #tpu.memory_space<vmem_shared>>) target(%dma_start3A_101 : memref<640x16xf32, #tpu.memory_space<hbm>>) target_semaphore(%run_scoped3A : memref<!tpu.dma_semaphore, #tpu.memory_space<semaphore_mem>>)
      %dma_wait3A_104 = arith.constant 0 : i32
      %dma_wait3A_105 = tpu.memref_slice %arg6[%arg0, %mul3A_98, %dma_wait3A_104] : memref<2x10240x16xf32, #tpu.memory_space<hbm>> -> memref<1x640x16xf32, #tpu.memory_space<hbm>>
      %dma_wait3A_106 = tpu.memref_squeeze %dma_wait3A_105 : memref<1x640x16xf32, #tpu.memory_space<hbm>> -> memref<640x16xf32, #tpu.memory_space<hbm>>
      %dma_wait3A_107 = arith.constant 0 : i32
      %dma_wait3A_108 = tpu.memref_slice %arg13[%mul3A_96, %dma_wait3A_107] : memref<10240x16xf32, #tpu.memory_space<vmem_shared>> -> memref<640x16xf32, #tpu.memory_space<vmem_shared>>
      tpu.wait_dma2 semaphore(%run_scoped3A : memref<!tpu.dma_semaphore, #tpu.memory_space<semaphore_mem>>) src(%dma_wait3A_108 : memref<640x16xf32, #tpu.memory_space<vmem_shared>>) dst(%dma_wait3A_106 : memref<640x16xf32, #tpu.memory_space<hbm>>)
      tpu.yield
    }) : () -> ()
    return
  }
}

#map = affine_map<(d0, d1) -> (0)>
#map1 = affine_map<(d0, d1) -> (0, 0, 0)>
#map2 = affine_map<(d0, d1) -> (0, 0)>
module attributes {stable_mosaic.version = 14 : i64} {
  func.func @_sc2_body(%arg0: i32, %arg1: i32, %arg2: memref<172032xi32, #tpu.memory_space<hbm>>, %arg3: memref<32x168x32xi32, #tpu.memory_space<hbm>>, %arg4: memref<5376x32x16xf32, #tpu.memory_space<hbm>>, %arg5: memref<10240x512xf32, #tpu.memory_space<hbm>>, %arg6: memref<2x10240x64xf32, #tpu.memory_space<hbm>>, %arg7: memref<5376xi32, #tpu.memory_space<vmem>>, %arg8: memref<168x32xi32, #tpu.memory_space<vmem>>, %arg9: memref<2x32x512xf32, #tpu.memory_space<vmem>>, %arg10: memref<2x32x16xf32, #tpu.memory_space<vmem>>, %arg11: memref<2x32x64xf32, #tpu.memory_space<vmem>>, %arg12: memref<16x64xf32, #tpu.memory_space<vmem>>, %arg13: memref<10240x64xf32, #tpu.memory_space<vmem_shared>>, %arg14: memref<!tpu.dma_semaphore, #tpu.memory_space<semaphore_mem>>, %arg15: memref<!tpu.dma_semaphore, #tpu.memory_space<semaphore_mem>>, %arg16: memref<!tpu.dma_semaphore, #tpu.memory_space<semaphore_mem>>, %arg17: memref<!tpu.dma_semaphore, #tpu.memory_space<semaphore_mem>>, %arg18: memref<!tpu.dma_semaphore, #tpu.memory_space<semaphore_mem>>, %arg19: memref<!tpu.dma_semaphore, #tpu.memory_space<semaphore_mem>>) attributes {dimension_semantics = [#tpu.dimension_semantics<core_parallel>, #tpu.dimension_semantics<subcore_parallel>], iteration_bounds = array<i64: 2, 16>, scalar_prefetch = 0 : i64, scratch_operands = 13 : i64, tpu.core_type = #tpu.core_type<sc_vector_subcore>, window_params = [{transform_indices = #map}, {transform_indices = #map1}, {transform_indices = #map1}, {transform_indices = #map2}, {transform_indices = #map1}]} {
    %mul3A = arith.constant 16 : i32
    %mul3A_0 = arith.muli %arg0, %mul3A : i32
    %add3A = arith.addi %mul3A_0, %arg1 : i32
    %scan3A = arith.constant 0 : i32
    %scan3A_1 = arith.constant 16 : i32
    %scan3A_2 = arith.addi %scan3A, %scan3A_1 : i32
    %scan3A_3 = arith.constant 1 : i32
    scf.for %scan3A_75 = %scan3A to %scan3A_2 step %scan3A_3  : i32 {
      %mul3A_76 = arith.constant 1 : i32
      %mul3A_77 = arith.muli %scan3A_75, %mul3A_76 : i32
      %add3A_78 = arith.constant 0 : i32
      %add3A_79 = arith.addi %add3A_78, %mul3A_77 : i32
      %broadcast_in_dim3A = arith.constant 0.000000e+00 : f32
      %broadcast_in_dim3A_80 = vector.broadcast %broadcast_in_dim3A : f32 to vector<16xf32>
      %swap3A = arith.index_cast %add3A_79 : i32 to index
      %swap3A_81 = arith.constant 0 : index
      %swap3A_82 = tpu.vector_load %arg12[%swap3A, %swap3A_81] {strides = array<i32>} : memref<16x64xf32, #tpu.memory_space<vmem>>, vector<1x16xf32>,
      %swap3A_83 = vector.shape_cast %swap3A_82 : vector<1x16xf32> to vector<16xf32>
      %swap3A_84 = vector.shape_cast %broadcast_in_dim3A_80 : vector<16xf32> to vector<1x16xf32>
      tpu.vector_store %arg12[%swap3A, %swap3A_81], %swap3A_84 {strides = array<i32>} : memref<16x64xf32, #tpu.memory_space<vmem>>, vector<1x16xf32>,
      %broadcast_in_dim3A_85 = arith.constant 0.000000e+00 : f32
      %broadcast_in_dim3A_86 = vector.broadcast %broadcast_in_dim3A_85 : f32 to vector<16xf32>
      %swap3A_87 = arith.index_cast %add3A_79 : i32 to index
      %swap3A_88 = arith.constant 16 : index
      %swap3A_89 = tpu.vector_load %arg12[%swap3A_87, %swap3A_88] {strides = array<i32>} : memref<16x64xf32, #tpu.memory_space<vmem>>, vector<1x16xf32>,
      %swap3A_90 = vector.shape_cast %swap3A_89 : vector<1x16xf32> to vector<16xf32>
      %swap3A_91 = vector.shape_cast %broadcast_in_dim3A_86 : vector<16xf32> to vector<1x16xf32>
      tpu.vector_store %arg12[%swap3A_87, %swap3A_88], %swap3A_91 {strides = array<i32>} : memref<16x64xf32, #tpu.memory_space<vmem>>, vector<1x16xf32>,
      %broadcast_in_dim3A_92 = arith.constant 0.000000e+00 : f32
      %broadcast_in_dim3A_93 = vector.broadcast %broadcast_in_dim3A_92 : f32 to vector<16xf32>
      %swap3A_94 = arith.index_cast %add3A_79 : i32 to index
      %swap3A_95 = arith.constant 32 : index
      %swap3A_96 = tpu.vector_load %arg12[%swap3A_94, %swap3A_95] {strides = array<i32>} : memref<16x64xf32, #tpu.memory_space<vmem>>, vector<1x16xf32>,
      %swap3A_97 = vector.shape_cast %swap3A_96 : vector<1x16xf32> to vector<16xf32>
      %swap3A_98 = vector.shape_cast %broadcast_in_dim3A_93 : vector<16xf32> to vector<1x16xf32>
      tpu.vector_store %arg12[%swap3A_94, %swap3A_95], %swap3A_98 {strides = array<i32>} : memref<16x64xf32, #tpu.memory_space<vmem>>, vector<1x16xf32>,
      %broadcast_in_dim3A_99 = arith.constant 0.000000e+00 : f32
      %broadcast_in_dim3A_100 = vector.broadcast %broadcast_in_dim3A_99 : f32 to vector<16xf32>
      %swap3A_101 = arith.index_cast %add3A_79 : i32 to index
      %swap3A_102 = arith.constant 48 : index
      %swap3A_103 = tpu.vector_load %arg12[%swap3A_101, %swap3A_102] {strides = array<i32>} : memref<16x64xf32, #tpu.memory_space<vmem>>, vector<1x16xf32>,
      %swap3A_104 = vector.shape_cast %swap3A_103 : vector<1x16xf32> to vector<16xf32>
      %swap3A_105 = vector.shape_cast %broadcast_in_dim3A_100 : vector<16xf32> to vector<1x16xf32>
      tpu.vector_store %arg12[%swap3A_101, %swap3A_102], %swap3A_105 {strides = array<i32>} : memref<16x64xf32, #tpu.memory_space<vmem>>, vector<1x16xf32>,
    }
    %scan3A_4 = arith.constant 16 : i32
    %scan3A_5 = arith.constant 0 : i32
    %scan3A_6 = arith.constant 40 : i32
    %scan3A_7 = arith.addi %scan3A_5, %scan3A_6 : i32
    %scan3A_8 = arith.constant 1 : i32
    scf.for %scan3A_75 = %scan3A_5 to %scan3A_7 step %scan3A_8  : i32 {
      %mul3A_76 = arith.constant 1 : i32
      %mul3A_77 = arith.muli %scan3A_75, %mul3A_76 : i32
      %add3A_78 = arith.constant 0 : i32
      %add3A_79 = arith.addi %add3A_78, %mul3A_77 : i32
      %mul3A_80 = arith.constant 640 : i32
      %mul3A_81 = arith.muli %arg1, %mul3A_80 : i32
      %mul3A_82 = arith.constant 16 : i32
      %mul3A_83 = arith.muli %add3A_79, %mul3A_82 : i32
      %add3A_84 = arith.addi %mul3A_81, %mul3A_83 : i32
      "tpu.region"() ({
        %run_scoped3A = tpu.sem_alloc : memref<!tpu.dma_semaphore, #tpu.memory_space<semaphore_mem>>
        %dma_start3A_85 = arith.constant 0 : i32
        %dma_start3A_86 = tpu.memref_slice %arg13[%add3A_84, %dma_start3A_85] : memref<10240x64xf32, #tpu.memory_space<vmem_shared>> -> memref<16x64xf32, #tpu.memory_space<vmem_shared>>
        %dma_start3A_87 = arith.constant 0 : i32
        %dma_start3A_88 = tpu.memref_slice %arg13[%add3A_84, %dma_start3A_87] : memref<10240x64xf32, #tpu.memory_space<vmem_shared>> -> memref<16x64xf32, #tpu.memory_space<vmem_shared>>
        tpu.enqueue_dma source(%arg12 : memref<16x64xf32, #tpu.memory_space<vmem>>) target(%dma_start3A_88 : memref<16x64xf32, #tpu.memory_space<vmem_shared>>) target_semaphore(%run_scoped3A : memref<!tpu.dma_semaphore, #tpu.memory_space<semaphore_mem>>)
        %dma_wait3A_89 = arith.constant 0 : i32
        %dma_wait3A_90 = tpu.memref_slice %arg13[%add3A_84, %dma_wait3A_89] : memref<10240x64xf32, #tpu.memory_space<vmem_shared>> -> memref<16x64xf32, #tpu.memory_space<vmem_shared>>
        %dma_wait3A_91 = arith.constant 0 : i32
        %dma_wait3A_92 = tpu.memref_slice %arg13[%add3A_84, %dma_wait3A_91] : memref<10240x64xf32, #tpu.memory_space<vmem_shared>> -> memref<16x64xf32, #tpu.memory_space<vmem_shared>>
        tpu.wait_dma2 semaphore(%run_scoped3A : memref<!tpu.dma_semaphore, #tpu.memory_space<semaphore_mem>>) src(%arg12 : memref<16x64xf32, #tpu.memory_space<vmem>>) dst(%dma_wait3A_92 : memref<16x64xf32, #tpu.memory_space<vmem_shared>>)
        tpu.yield
      }) : () -> ()
    }
    %scan3A_9 = arith.constant 40 : i32
    %barrier3A = arith.constant 0 : index
    tpu.barrier barrier_id(%barrier3A)
    %mul3A_10 = arith.constant 5376 : i32
    %mul3A_11 = arith.muli %add3A, %mul3A_10 : i32
    "tpu.region"() ({
      %run_scoped3A = tpu.sem_alloc : memref<!tpu.dma_semaphore, #tpu.memory_space<semaphore_mem>>
      %dma_start3A_75 = tpu.memref_slice %arg2[%mul3A_11] : memref<172032xi32, #tpu.memory_space<hbm>> -> memref<5376xi32, #tpu.memory_space<hbm>>
      %dma_start3A_76 = tpu.memref_slice %arg2[%mul3A_11] : memref<172032xi32, #tpu.memory_space<hbm>> -> memref<5376xi32, #tpu.memory_space<hbm>>
      tpu.enqueue_dma source(%dma_start3A_76 : memref<5376xi32, #tpu.memory_space<hbm>>) target(%arg7 : memref<5376xi32, #tpu.memory_space<vmem>>) target_semaphore(%run_scoped3A : memref<!tpu.dma_semaphore, #tpu.memory_space<semaphore_mem>>)
      %dma_wait3A_77 = tpu.memref_slice %arg2[%mul3A_11] : memref<172032xi32, #tpu.memory_space<hbm>> -> memref<5376xi32, #tpu.memory_space<hbm>>
      %dma_wait3A_78 = tpu.memref_slice %arg2[%mul3A_11] : memref<172032xi32, #tpu.memory_space<hbm>> -> memref<5376xi32, #tpu.memory_space<hbm>>
      tpu.wait_dma2 semaphore(%run_scoped3A : memref<!tpu.dma_semaphore, #tpu.memory_space<semaphore_mem>>) src(%dma_wait3A_78 : memref<5376xi32, #tpu.memory_space<hbm>>) dst(%arg7 : memref<5376xi32, #tpu.memory_space<vmem>>)
      tpu.yield
    }) : () -> ()
    "tpu.region"() ({
      %run_scoped3A = tpu.sem_alloc : memref<!tpu.dma_semaphore, #tpu.memory_space<semaphore_mem>>
      %dma_start3A_75 = arith.constant 0 : i32
      %dma_start3A_76 = arith.constant 0 : i32
      %dma_start3A_77 = tpu.memref_slice %arg3[%add3A, %dma_start3A_75, %dma_start3A_76] : memref<32x168x32xi32, #tpu.memory_space<hbm>> -> memref<1x168x32xi32, #tpu.memory_space<hbm>>
      %dma_start3A_78 = tpu.memref_squeeze %dma_start3A_77 : memref<1x168x32xi32, #tpu.memory_space<hbm>> -> memref<168x32xi32, #tpu.memory_space<hbm>>
      %dma_start3A_79 = arith.constant 0 : i32
      %dma_start3A_80 = arith.constant 0 : i32
      %dma_start3A_81 = tpu.memref_slice %arg3[%add3A, %dma_start3A_79, %dma_start3A_80] : memref<32x168x32xi32, #tpu.memory_space<hbm>> -> memref<1x168x32xi32, #tpu.memory_space<hbm>>
      %dma_start3A_82 = tpu.memref_squeeze %dma_start3A_81 : memref<1x168x32xi32, #tpu.memory_space<hbm>> -> memref<168x32xi32, #tpu.memory_space<hbm>>
      tpu.enqueue_dma source(%dma_start3A_82 : memref<168x32xi32, #tpu.memory_space<hbm>>) target(%arg8 : memref<168x32xi32, #tpu.memory_space<vmem>>) target_semaphore(%run_scoped3A : memref<!tpu.dma_semaphore, #tpu.memory_space<semaphore_mem>>)
      %dma_wait3A_83 = arith.constant 0 : i32
      %dma_wait3A_84 = arith.constant 0 : i32
      %dma_wait3A_85 = tpu.memref_slice %arg3[%add3A, %dma_wait3A_83, %dma_wait3A_84] : memref<32x168x32xi32, #tpu.memory_space<hbm>> -> memref<1x168x32xi32, #tpu.memory_space<hbm>>
      %dma_wait3A_86 = tpu.memref_squeeze %dma_wait3A_85 : memref<1x168x32xi32, #tpu.memory_space<hbm>> -> memref<168x32xi32, #tpu.memory_space<hbm>>
      %dma_wait3A_87 = arith.constant 0 : i32
      %dma_wait3A_88 = arith.constant 0 : i32
      %dma_wait3A_89 = tpu.memref_slice %arg3[%add3A, %dma_wait3A_87, %dma_wait3A_88] : memref<32x168x32xi32, #tpu.memory_space<hbm>> -> memref<1x168x32xi32, #tpu.memory_space<hbm>>
      %dma_wait3A_90 = tpu.memref_squeeze %dma_wait3A_89 : memref<1x168x32xi32, #tpu.memory_space<hbm>> -> memref<168x32xi32, #tpu.memory_space<hbm>>
      tpu.wait_dma2 semaphore(%run_scoped3A : memref<!tpu.dma_semaphore, #tpu.memory_space<semaphore_mem>>) src(%dma_wait3A_90 : memref<168x32xi32, #tpu.memory_space<hbm>>) dst(%arg8 : memref<168x32xi32, #tpu.memory_space<vmem>>)
      tpu.yield
    }) : () -> ()
    %dma_start3A = arith.constant 0 : i32
    %dma_start3A_12 = arith.constant 0 : i32
    %dma_start3A_13 = arith.constant 0 : i32
    %dma_start3A_14 = tpu.memref_slice %arg9[%dma_start3A, %dma_start3A_12, %dma_start3A_13] : memref<2x32x512xf32, #tpu.memory_space<vmem>> -> memref<1x32x512xf32, #tpu.memory_space<vmem>>
    %dma_start3A_15 = tpu.memref_squeeze %dma_start3A_14 : memref<1x32x512xf32, #tpu.memory_space<vmem>> -> memref<32x512xf32, #tpu.memory_space<vmem>>
    %dma_start3A_16 = arith.constant 0 : i32
    %dma_start3A_17 = tpu.memref_slice %arg7[%dma_start3A_16] : memref<5376xi32, #tpu.memory_space<vmem>> -> memref<32xi32, #tpu.memory_space<vmem>>
    %dma_start3A_18 = arith.constant 0 : i32
    %dma_start3A_19 = arith.constant 0 : i32
    %dma_start3A_20 = tpu.memref_slice %arg5[%dma_start3A_18, %dma_start3A_19] : memref<10240x512xf32, #tpu.memory_space<hbm>> -> memref<10240x512xf32, #tpu.memory_space<hbm>>
    tpu.enqueue_indirect_dma source(%dma_start3A_20 : memref<10240x512xf32, #tpu.memory_space<hbm>>) target(%dma_start3A_15 : memref<32x512xf32, #tpu.memory_space<vmem>>) offsets(%dma_start3A_17 : memref<32xi32, #tpu.memory_space<vmem>>) semaphore(%arg14 : memref<!tpu.dma_semaphore, #tpu.memory_space<semaphore_mem>>)
    %mul3A_21 = arith.constant 168 : i32
    %mul3A_22 = arith.muli %add3A, %mul3A_21 : i32
    %add3A_23 = arith.constant 0 : i32
    %add3A_24 = arith.addi %mul3A_22, %add3A_23 : i32
    %dma_start3A_25 = arith.constant 0 : i32
    %dma_start3A_26 = arith.constant 0 : i32
    %dma_start3A_27 = arith.constant 0 : i32
    %dma_start3A_28 = tpu.memref_slice %arg10[%dma_start3A_25, %dma_start3A_26, %dma_start3A_27] : memref<2x32x16xf32, #tpu.memory_space<vmem>> -> memref<1x32x16xf32, #tpu.memory_space<vmem>>
    %dma_start3A_29 = tpu.memref_squeeze %dma_start3A_28 : memref<1x32x16xf32, #tpu.memory_space<vmem>> -> memref<32x16xf32, #tpu.memory_space<vmem>>
    %dma_start3A_30 = arith.constant 0 : i32
    %dma_start3A_31 = arith.constant 0 : i32
    %dma_start3A_32 = tpu.memref_slice %arg4[%add3A_24, %dma_start3A_30, %dma_start3A_31] : memref<5376x32x16xf32, #tpu.memory_space<hbm>> -> memref<1x32x16xf32, #tpu.memory_space<hbm>>
    %dma_start3A_33 = tpu.memref_squeeze %dma_start3A_32 : memref<1x32x16xf32, #tpu.memory_space<hbm>> -> memref<32x16xf32, #tpu.memory_space<hbm>>
    %dma_start3A_34 = arith.constant 0 : i32
    %dma_start3A_35 = arith.constant 0 : i32
    %dma_start3A_36 = tpu.memref_slice %arg10[%dma_start3A_25, %dma_start3A_34, %dma_start3A_35] : memref<2x32x16xf32, #tpu.memory_space<vmem>> -> memref<1x32x16xf32, #tpu.memory_space<vmem>>
    %dma_start3A_37 = tpu.memref_squeeze %dma_start3A_36 : memref<1x32x16xf32, #tpu.memory_space<vmem>> -> memref<32x16xf32, #tpu.memory_space<vmem>>
    %dma_start3A_38 = arith.constant 0 : i32
    %dma_start3A_39 = arith.constant 0 : i32
    %dma_start3A_40 = tpu.memref_slice %arg4[%add3A_24, %dma_start3A_38, %dma_start3A_39] : memref<5376x32x16xf32, #tpu.memory_space<hbm>> -> memref<1x32x16xf32, #tpu.memory_space<hbm>>
    %dma_start3A_41 = tpu.memref_squeeze %dma_start3A_40 : memref<1x32x16xf32, #tpu.memory_space<hbm>> -> memref<32x16xf32, #tpu.memory_space<hbm>>
    tpu.enqueue_dma source(%dma_start3A_41 : memref<32x16xf32, #tpu.memory_space<hbm>>) target(%dma_start3A_37 : memref<32x16xf32, #tpu.memory_space<vmem>>) target_semaphore(%arg16 : memref<!tpu.dma_semaphore, #tpu.memory_space<semaphore_mem>>)
    %scan3A_42 = arith.constant 0 : i32
    %scan3A_43 = arith.constant 84 : i32
    %scan3A_44 = arith.addi %scan3A_42, %scan3A_43 : i32
    %scan3A_45 = arith.constant 1 : i32
    scf.for %scan3A_75 = %scan3A_42 to %scan3A_44 step %scan3A_45  : i32 {
      %mul3A_76 = arith.constant 2 : i32
      %mul3A_77 = arith.muli %scan3A_75, %mul3A_76 : i32
      %add3A_78 = arith.constant 0 : i32
      %add3A_79 = arith.addi %add3A_78, %mul3A_77 : i32
      %add3A_80 = arith.constant 0 : i32
      %add3A_81 = arith.addi %add3A_79, %add3A_80 : i32
      %add3A_82 = arith.constant 1 : i32
      %add3A_83 = arith.addi %add3A_81, %add3A_82 : i32
      %lt3A = arith.constant 168 : i32
      %lt3A_84 = arith.cmpi slt, %add3A_83, %lt3A : i32
      %convert_element_type3A = arith.extui %lt3A_84 : i1 to i32
      %cond3A = arith.constant 0 : i32
      %cond3A_85 = arith.cmpi ne, %convert_element_type3A, %cond3A : i32
      scf.if %cond3A_85 {
        %add3A_192 = arith.constant 1 : i32
        %add3A_193 = arith.addi %add3A_81, %add3A_192 : i32
        %mul3A_194 = arith.constant 32 : i32
        %mul3A_195 = arith.muli %add3A_193, %mul3A_194 : i32
        %dma_start3A_196 = arith.constant 1 : i32
        %dma_start3A_197 = arith.constant 0 : i32
        %dma_start3A_198 = arith.constant 0 : i32
        %dma_start3A_199 = tpu.memref_slice %arg9[%dma_start3A_196, %dma_start3A_197, %dma_start3A_198] : memref<2x32x512xf32, #tpu.memory_space<vmem>> -> memref<1x32x512xf32, #tpu.memory_space<vmem>>
        %dma_start3A_200 = tpu.memref_squeeze %dma_start3A_199 : memref<1x32x512xf32, #tpu.memory_space<vmem>> -> memref<32x512xf32, #tpu.memory_space<vmem>>
        %dma_start3A_201 = tpu.memref_slice %arg7[%mul3A_195] : memref<5376xi32, #tpu.memory_space<vmem>> -> memref<32xi32, #tpu.memory_space<vmem>>
        %dma_start3A_202 = arith.constant 0 : i32
        %dma_start3A_203 = arith.constant 0 : i32
        %dma_start3A_204 = tpu.memref_slice %arg5[%dma_start3A_202, %dma_start3A_203] : memref<10240x512xf32, #tpu.memory_space<hbm>> -> memref<10240x512xf32, #tpu.memory_space<hbm>>
        tpu.enqueue_indirect_dma source(%dma_start3A_204 : memref<10240x512xf32, #tpu.memory_space<hbm>>) target(%dma_start3A_200 : memref<32x512xf32, #tpu.memory_space<vmem>>) offsets(%dma_start3A_201 : memref<32xi32, #tpu.memory_space<vmem>>) semaphore(%arg15 : memref<!tpu.dma_semaphore, #tpu.memory_space<semaphore_mem>>)
        %mul3A_205 = arith.constant 168 : i32
        %mul3A_206 = arith.muli %add3A, %mul3A_205 : i32
        %add3A_207 = arith.addi %mul3A_206, %add3A_193 : i32
        %dma_start3A_208 = arith.constant 1 : i32
        %dma_start3A_209 = arith.constant 0 : i32
        %dma_start3A_210 = arith.constant 0 : i32
        %dma_start3A_211 = tpu.memref_slice %arg10[%dma_start3A_208, %dma_start3A_209, %dma_start3A_210] : memref<2x32x16xf32, #tpu.memory_space<vmem>> -> memref<1x32x16xf32, #tpu.memory_space<vmem>>
        %dma_start3A_212 = tpu.memref_squeeze %dma_start3A_211 : memref<1x32x16xf32, #tpu.memory_space<vmem>> -> memref<32x16xf32, #tpu.memory_space<vmem>>
        %dma_start3A_213 = arith.constant 0 : i32
        %dma_start3A_214 = arith.constant 0 : i32
        %dma_start3A_215 = tpu.memref_slice %arg4[%add3A_207, %dma_start3A_213, %dma_start3A_214] : memref<5376x32x16xf32, #tpu.memory_space<hbm>> -> memref<1x32x16xf32, #tpu.memory_space<hbm>>
        %dma_start3A_216 = tpu.memref_squeeze %dma_start3A_215 : memref<1x32x16xf32, #tpu.memory_space<hbm>> -> memref<32x16xf32, #tpu.memory_space<hbm>>
        %dma_start3A_217 = arith.constant 0 : i32
        %dma_start3A_218 = arith.constant 0 : i32
        %dma_start3A_219 = tpu.memref_slice %arg10[%dma_start3A_208, %dma_start3A_217, %dma_start3A_218] : memref<2x32x16xf32, #tpu.memory_space<vmem>> -> memref<1x32x16xf32, #tpu.memory_space<vmem>>
        %dma_start3A_220 = tpu.memref_squeeze %dma_start3A_219 : memref<1x32x16xf32, #tpu.memory_space<vmem>> -> memref<32x16xf32, #tpu.memory_space<vmem>>
        %dma_start3A_221 = arith.constant 0 : i32
        %dma_start3A_222 = arith.constant 0 : i32
        %dma_start3A_223 = tpu.memref_slice %arg4[%add3A_207, %dma_start3A_221, %dma_start3A_222] : memref<5376x32x16xf32, #tpu.memory_space<hbm>> -> memref<1x32x16xf32, #tpu.memory_space<hbm>>
        %dma_start3A_224 = tpu.memref_squeeze %dma_start3A_223 : memref<1x32x16xf32, #tpu.memory_space<hbm>> -> memref<32x16xf32, #tpu.memory_space<hbm>>
        tpu.enqueue_dma source(%dma_start3A_224 : memref<32x16xf32, #tpu.memory_space<hbm>>) target(%dma_start3A_220 : memref<32x16xf32, #tpu.memory_space<vmem>>) target_semaphore(%arg17 : memref<!tpu.dma_semaphore, #tpu.memory_space<semaphore_mem>>)
      } else {
      }
      %dma_wait3A_86 = arith.constant 0 : i32
      %dma_wait3A_87 = arith.constant 0 : i32
      %dma_wait3A_88 = arith.constant 0 : i32
      %dma_wait3A_89 = tpu.memref_slice %arg9[%dma_wait3A_86, %dma_wait3A_87, %dma_wait3A_88] : memref<2x32x512xf32, #tpu.memory_space<vmem>> -> memref<1x32x512xf32, #tpu.memory_space<vmem>>
      %dma_wait3A_90 = tpu.memref_squeeze %dma_wait3A_89 : memref<1x32x512xf32, #tpu.memory_space<vmem>> -> memref<32x512xf32, #tpu.memory_space<vmem>>
      %dma_wait3A_91 = arith.constant 0 : i32
      %dma_wait3A_92 = tpu.memref_slice %arg7[%dma_wait3A_91] : memref<5376xi32, #tpu.memory_space<vmem>> -> memref<32xi32, #tpu.memory_space<vmem>>
      %dma_wait3A_93 = arith.constant 0 : i32
      %dma_wait3A_94 = arith.constant 0 : i32
      %dma_wait3A_95 = tpu.memref_slice %arg5[%dma_wait3A_93, %dma_wait3A_94] : memref<10240x512xf32, #tpu.memory_space<hbm>> -> memref<10240x512xf32, #tpu.memory_space<hbm>>
      tpu.wait_indirect_dma semaphore(%arg14 : memref<!tpu.dma_semaphore, #tpu.memory_space<semaphore_mem>>) src(%dma_wait3A_95 : memref<10240x512xf32, #tpu.memory_space<hbm>>) dst(%dma_wait3A_90 : memref<32x512xf32, #tpu.memory_space<vmem>>)
      %dma_wait3A_96 = arith.constant 0 : i32
      %dma_wait3A_97 = arith.constant 0 : i32
      %dma_wait3A_98 = arith.constant 0 : i32
      %dma_wait3A_99 = arith.constant 0 : i32
      %dma_wait3A_100 = tpu.memref_slice %arg10[%dma_wait3A_97, %dma_wait3A_98, %dma_wait3A_99] : memref<2x32x16xf32, #tpu.memory_space<vmem>> -> memref<1x32x16xf32, #tpu.memory_space<vmem>>
      %dma_wait3A_101 = tpu.memref_squeeze %dma_wait3A_100 : memref<1x32x16xf32, #tpu.memory_space<vmem>> -> memref<32x16xf32, #tpu.memory_space<vmem>>
      %dma_wait3A_102 = arith.constant 0 : i32
      %dma_wait3A_103 = arith.constant 0 : i32
      %dma_wait3A_104 = tpu.memref_slice %arg4[%dma_wait3A_96, %dma_wait3A_102, %dma_wait3A_103] : memref<5376x32x16xf32, #tpu.memory_space<hbm>> -> memref<1x32x16xf32, #tpu.memory_space<hbm>>
      %dma_wait3A_105 = tpu.memref_squeeze %dma_wait3A_104 : memref<1x32x16xf32, #tpu.memory_space<hbm>> -> memref<32x16xf32, #tpu.memory_space<hbm>>
      %dma_wait3A_106 = arith.constant 0 : i32
      %dma_wait3A_107 = arith.constant 0 : i32
      %dma_wait3A_108 = tpu.memref_slice %arg10[%dma_wait3A_97, %dma_wait3A_106, %dma_wait3A_107] : memref<2x32x16xf32, #tpu.memory_space<vmem>> -> memref<1x32x16xf32, #tpu.memory_space<vmem>>
      %dma_wait3A_109 = tpu.memref_squeeze %dma_wait3A_108 : memref<1x32x16xf32, #tpu.memory_space<vmem>> -> memref<32x16xf32, #tpu.memory_space<vmem>>
      %dma_wait3A_110 = arith.constant 0 : i32
      %dma_wait3A_111 = arith.constant 0 : i32
      %dma_wait3A_112 = tpu.memref_slice %arg4[%dma_wait3A_96, %dma_wait3A_110, %dma_wait3A_111] : memref<5376x32x16xf32, #tpu.memory_space<hbm>> -> memref<1x32x16xf32, #tpu.memory_space<hbm>>
      %dma_wait3A_113 = tpu.memref_squeeze %dma_wait3A_112 : memref<1x32x16xf32, #tpu.memory_space<hbm>> -> memref<32x16xf32, #tpu.memory_space<hbm>>
      tpu.wait_dma2 semaphore(%arg16 : memref<!tpu.dma_semaphore, #tpu.memory_space<semaphore_mem>>) src(%dma_wait3A_113 : memref<32x16xf32, #tpu.memory_space<hbm>>) dst(%dma_wait3A_109 : memref<32x16xf32, #tpu.memory_space<vmem>>)
      %ge3A = arith.constant 2 : i32
      %ge3A_114 = arith.cmpi sge, %add3A_81, %ge3A : i32
      %convert_element_type3A_115 = arith.extui %ge3A_114 : i1 to i32
      %cond3A_116 = arith.constant 0 : i32
      %cond3A_117 = arith.cmpi ne, %convert_element_type3A_115, %cond3A_116 : i32
      scf.if %cond3A_117 {
        %dma_wait3A_192 = arith.constant 0 : i32
        %dma_wait3A_193 = arith.constant 0 : i32
        %dma_wait3A_194 = arith.constant 0 : i32
        %dma_wait3A_195 = arith.constant 0 : i32
        %dma_wait3A_196 = tpu.memref_slice %arg11[%dma_wait3A_192, %dma_wait3A_194, %dma_wait3A_195] : memref<2x32x64xf32, #tpu.memory_space<vmem>> -> memref<1x32x64xf32, #tpu.memory_space<vmem>>
        %dma_wait3A_197 = tpu.memref_squeeze %dma_wait3A_196 : memref<1x32x64xf32, #tpu.memory_space<vmem>> -> memref<32x64xf32, #tpu.memory_space<vmem>>
        %dma_wait3A_198 = arith.constant 0 : i32
        %dma_wait3A_199 = tpu.memref_slice %arg8[%dma_wait3A_193, %dma_wait3A_198] : memref<168x32xi32, #tpu.memory_space<vmem>> -> memref<1x32xi32, #tpu.memory_space<vmem>>
        %dma_wait3A_200 = tpu.memref_squeeze %dma_wait3A_199 : memref<1x32xi32, #tpu.memory_space<vmem>> -> memref<32xi32, #tpu.memory_space<vmem>>
        %dma_wait3A_201 = arith.constant 0 : i32
        %dma_wait3A_202 = arith.constant 0 : i32
        %dma_wait3A_203 = tpu.memref_slice %arg13[%dma_wait3A_201, %dma_wait3A_202] : memref<10240x64xf32, #tpu.memory_space<vmem_shared>> -> memref<10240x64xf32, #tpu.memory_space<vmem_shared>>
        tpu.wait_indirect_dma semaphore(%arg18 : memref<!tpu.dma_semaphore, #tpu.memory_space<semaphore_mem>>) src(%dma_wait3A_197 : memref<32x64xf32, #tpu.memory_space<vmem>>) dst(%dma_wait3A_203 : memref<10240x64xf32, #tpu.memory_space<vmem_shared>>)
      } else {
      }
      %scan3A_118 = arith.constant 0 : i32
      %scan3A_119 = arith.constant 32 : i32
      %scan3A_120 = arith.addi %scan3A_118, %scan3A_119 : i32
      %scan3A_121 = arith.constant 1 : i32
      scf.for %scan3A_192 = %scan3A_118 to %scan3A_120 step %scan3A_121  : i32 {
        %mul3A_193 = arith.constant 1 : i32
        %mul3A_194 = arith.muli %scan3A_192, %mul3A_193 : i32
        %add3A_195 = arith.constant 0 : i32
        %add3A_196 = arith.addi %add3A_195, %mul3A_194 : i32
        %get3A = arith.constant 0 : i32
        %get3A_197 = arith.index_cast %get3A : i32 to index
        %get3A_198 = arith.index_cast %add3A_196 : i32 to index
        %get3A_199 = arith.constant 0 : index
        %get3A_200 = tpu.vector_load %arg10[%get3A_197, %get3A_198, %get3A_199] {strides = array<i32>} : memref<2x32x16xf32, #tpu.memory_space<vmem>>, vector<1x1x16xf32>,
        %get3A_201 = vector.shape_cast %get3A_200 : vector<1x1x16xf32> to vector<16xf32>
        %broadcast_in_dim3A = arith.constant 0.000000e+00 : f32
        %broadcast_in_dim3A_202 = vector.broadcast %broadcast_in_dim3A : f32 to vector<16xf32>
        %broadcast_in_dim3A_203 = arith.constant 0.000000e+00 : f32
        %broadcast_in_dim3A_204 = vector.broadcast %broadcast_in_dim3A_203 : f32 to vector<16xf32>
        %broadcast_in_dim3A_205 = arith.constant 0.000000e+00 : f32
        %broadcast_in_dim3A_206 = vector.broadcast %broadcast_in_dim3A_205 : f32 to vector<16xf32>
        %broadcast_in_dim3A_207 = arith.constant 0.000000e+00 : f32
        %broadcast_in_dim3A_208 = vector.broadcast %broadcast_in_dim3A_207 : f32 to vector<16xf32>
        %broadcast_in_dim3A_209 = arith.constant 0 : i32
        %broadcast_in_dim3A_210 = vector.broadcast %broadcast_in_dim3A_209 : i32 to vector<16xi32>
        %broadcast_in_dim3A_211 = vector.shape_cast %broadcast_in_dim3A_210 : vector<16xi32> to vector<16x1xi32>
        %gather3A = vector.shape_cast %broadcast_in_dim3A_211 : vector<16x1xi32> to vector<16xi32>
        %gather3A_212 = tpu.dynamic_gather %get3A_201[%gather3A] in [0] : vector<16xf32>, vector<16xi32> -> vector<16xf32>
        %get3A_213 = arith.constant 0 : i32
        %get3A_214 = arith.index_cast %get3A_213 : i32 to index
        %get3A_215 = arith.index_cast %add3A_196 : i32 to index
        %get3A_216 = arith.constant 0 : index
        %get3A_217 = tpu.vector_load %arg9[%get3A_214, %get3A_215, %get3A_216] {strides = array<i32>} : memref<2x32x512xf32, #tpu.memory_space<vmem>>, vector<1x1x16xf32>,
        %get3A_218 = vector.shape_cast %get3A_217 : vector<1x1x16xf32> to vector<16xf32>
        %mul3A_219 = arith.mulf %gather3A_212, %get3A_218 : vector<16xf32>
        %add3A_220 = arith.addf %broadcast_in_dim3A_202, %mul3A_219 : vector<16xf32>
        %get3A_221 = arith.constant 0 : i32
        %get3A_222 = arith.index_cast %get3A_221 : i32 to index
        %get3A_223 = arith.index_cast %add3A_196 : i32 to index
        %get3A_224 = arith.constant 16 : index
        %get3A_225 = tpu.vector_load %arg9[%get3A_222, %get3A_223, %get3A_224] {strides = array<i32>} : memref<2x32x512xf32, #tpu.memory_space<vmem>>, vector<1x1x16xf32>,
        %get3A_226 = vector.shape_cast %get3A_225 : vector<1x1x16xf32> to vector<16xf32>
        %mul3A_227 = arith.mulf %gather3A_212, %get3A_226 : vector<16xf32>
        %add3A_228 = arith.addf %broadcast_in_dim3A_204, %mul3A_227 : vector<16xf32>
        %get3A_229 = arith.constant 0 : i32
        %get3A_230 = arith.index_cast %get3A_229 : i32 to index
        %get3A_231 = arith.index_cast %add3A_196 : i32 to index
        %get3A_232 = arith.constant 32 : index
        %get3A_233 = tpu.vector_load %arg9[%get3A_230, %get3A_231, %get3A_232] {strides = array<i32>} : memref<2x32x512xf32, #tpu.memory_space<vmem>>, vector<1x1x16xf32>,
        %get3A_234 = vector.shape_cast %get3A_233 : vector<1x1x16xf32> to vector<16xf32>
        %mul3A_235 = arith.mulf %gather3A_212, %get3A_234 : vector<16xf32>
        %add3A_236 = arith.addf %broadcast_in_dim3A_206, %mul3A_235 : vector<16xf32>
        %get3A_237 = arith.constant 0 : i32
        %get3A_238 = arith.index_cast %get3A_237 : i32 to index
        %get3A_239 = arith.index_cast %add3A_196 : i32 to index
        %get3A_240 = arith.constant 48 : index
        %get3A_241 = tpu.vector_load %arg9[%get3A_238, %get3A_239, %get3A_240] {strides = array<i32>} : memref<2x32x512xf32, #tpu.memory_space<vmem>>, vector<1x1x16xf32>,
        %get3A_242 = vector.shape_cast %get3A_241 : vector<1x1x16xf32> to vector<16xf32>
        %mul3A_243 = arith.mulf %gather3A_212, %get3A_242 : vector<16xf32>
        %add3A_244 = arith.addf %broadcast_in_dim3A_208, %mul3A_243 : vector<16xf32>
        %broadcast_in_dim3A_245 = arith.constant 1 : i32
        %broadcast_in_dim3A_246 = vector.broadcast %broadcast_in_dim3A_245 : i32 to vector<16xi32>
        %broadcast_in_dim3A_247 = vector.shape_cast %broadcast_in_dim3A_246 : vector<16xi32> to vector<16x1xi32>
        %gather3A_248 = vector.shape_cast %broadcast_in_dim3A_247 : vector<16x1xi32> to vector<16xi32>
        %gather3A_249 = tpu.dynamic_gather %get3A_201[%gather3A_248] in [0] : vector<16xf32>, vector<16xi32> -> vector<16xf32>
        %get3A_250 = arith.constant 0 : i32
        %get3A_251 = arith.index_cast %get3A_250 : i32 to index
        %get3A_252 = arith.index_cast %add3A_196 : i32 to index
        %get3A_253 = arith.constant 64 : index
        %get3A_254 = tpu.vector_load %arg9[%get3A_251, %get3A_252, %get3A_253] {strides = array<i32>} : memref<2x32x512xf32, #tpu.memory_space<vmem>>, vector<1x1x16xf32>,
        %get3A_255 = vector.shape_cast %get3A_254 : vector<1x1x16xf32> to vector<16xf32>
        %mul3A_256 = arith.mulf %gather3A_249, %get3A_255 : vector<16xf32>
        %add3A_257 = arith.addf %add3A_220, %mul3A_256 : vector<16xf32>
        %get3A_258 = arith.constant 0 : i32
        %get3A_259 = arith.index_cast %get3A_258 : i32 to index
        %get3A_260 = arith.index_cast %add3A_196 : i32 to index
        %get3A_261 = arith.constant 80 : index
        %get3A_262 = tpu.vector_load %arg9[%get3A_259, %get3A_260, %get3A_261] {strides = array<i32>} : memref<2x32x512xf32, #tpu.memory_space<vmem>>, vector<1x1x16xf32>,
        %get3A_263 = vector.shape_cast %get3A_262 : vector<1x1x16xf32> to vector<16xf32>
        %mul3A_264 = arith.mulf %gather3A_249, %get3A_263 : vector<16xf32>
        %add3A_265 = arith.addf %add3A_228, %mul3A_264 : vector<16xf32>
        %get3A_266 = arith.constant 0 : i32
        %get3A_267 = arith.index_cast %get3A_266 : i32 to index
        %get3A_268 = arith.index_cast %add3A_196 : i32 to index
        %get3A_269 = arith.constant 96 : index
        %get3A_270 = tpu.vector_load %arg9[%get3A_267, %get3A_268, %get3A_269] {strides = array<i32>} : memref<2x32x512xf32, #tpu.memory_space<vmem>>, vector<1x1x16xf32>,
        %get3A_271 = vector.shape_cast %get3A_270 : vector<1x1x16xf32> to vector<16xf32>
        %mul3A_272 = arith.mulf %gather3A_249, %get3A_271 : vector<16xf32>
        %add3A_273 = arith.addf %add3A_236, %mul3A_272 : vector<16xf32>
        %get3A_274 = arith.constant 0 : i32
        %get3A_275 = arith.index_cast %get3A_274 : i32 to index
        %get3A_276 = arith.index_cast %add3A_196 : i32 to index
        %get3A_277 = arith.constant 112 : index
        %get3A_278 = tpu.vector_load %arg9[%get3A_275, %get3A_276, %get3A_277] {strides = array<i32>} : memref<2x32x512xf32, #tpu.memory_space<vmem>>, vector<1x1x16xf32>,
        %get3A_279 = vector.shape_cast %get3A_278 : vector<1x1x16xf32> to vector<16xf32>
        %mul3A_280 = arith.mulf %gather3A_249, %get3A_279 : vector<16xf32>
        %add3A_281 = arith.addf %add3A_244, %mul3A_280 : vector<16xf32>
        %broadcast_in_dim3A_282 = arith.constant 2 : i32
        %broadcast_in_dim3A_283 = vector.broadcast %broadcast_in_dim3A_282 : i32 to vector<16xi32>
        %broadcast_in_dim3A_284 = vector.shape_cast %broadcast_in_dim3A_283 : vector<16xi32> to vector<16x1xi32>
        %gather3A_285 = vector.shape_cast %broadcast_in_dim3A_284 : vector<16x1xi32> to vector<16xi32>
        %gather3A_286 = tpu.dynamic_gather %get3A_201[%gather3A_285] in [0] : vector<16xf32>, vector<16xi32> -> vector<16xf32>
        %get3A_287 = arith.constant 0 : i32
        %get3A_288 = arith.index_cast %get3A_287 : i32 to index
        %get3A_289 = arith.index_cast %add3A_196 : i32 to index
        %get3A_290 = arith.constant 128 : index
        %get3A_291 = tpu.vector_load %arg9[%get3A_288, %get3A_289, %get3A_290] {strides = array<i32>} : memref<2x32x512xf32, #tpu.memory_space<vmem>>, vector<1x1x16xf32>,
        %get3A_292 = vector.shape_cast %get3A_291 : vector<1x1x16xf32> to vector<16xf32>
        %mul3A_293 = arith.mulf %gather3A_286, %get3A_292 : vector<16xf32>
        %add3A_294 = arith.addf %add3A_257, %mul3A_293 : vector<16xf32>
        %get3A_295 = arith.constant 0 : i32
        %get3A_296 = arith.index_cast %get3A_295 : i32 to index
        %get3A_297 = arith.index_cast %add3A_196 : i32 to index
        %get3A_298 = arith.constant 144 : index
        %get3A_299 = tpu.vector_load %arg9[%get3A_296, %get3A_297, %get3A_298] {strides = array<i32>} : memref<2x32x512xf32, #tpu.memory_space<vmem>>, vector<1x1x16xf32>,
        %get3A_300 = vector.shape_cast %get3A_299 : vector<1x1x16xf32> to vector<16xf32>
        %mul3A_301 = arith.mulf %gather3A_286, %get3A_300 : vector<16xf32>
        %add3A_302 = arith.addf %add3A_265, %mul3A_301 : vector<16xf32>
        %get3A_303 = arith.constant 0 : i32
        %get3A_304 = arith.index_cast %get3A_303 : i32 to index
        %get3A_305 = arith.index_cast %add3A_196 : i32 to index
        %get3A_306 = arith.constant 160 : index
        %get3A_307 = tpu.vector_load %arg9[%get3A_304, %get3A_305, %get3A_306] {strides = array<i32>} : memref<2x32x512xf32, #tpu.memory_space<vmem>>, vector<1x1x16xf32>,
        %get3A_308 = vector.shape_cast %get3A_307 : vector<1x1x16xf32> to vector<16xf32>
        %mul3A_309 = arith.mulf %gather3A_286, %get3A_308 : vector<16xf32>
        %add3A_310 = arith.addf %add3A_273, %mul3A_309 : vector<16xf32>
        %get3A_311 = arith.constant 0 : i32
        %get3A_312 = arith.index_cast %get3A_311 : i32 to index
        %get3A_313 = arith.index_cast %add3A_196 : i32 to index
        %get3A_314 = arith.constant 176 : index
        %get3A_315 = tpu.vector_load %arg9[%get3A_312, %get3A_313, %get3A_314] {strides = array<i32>} : memref<2x32x512xf32, #tpu.memory_space<vmem>>, vector<1x1x16xf32>,
        %get3A_316 = vector.shape_cast %get3A_315 : vector<1x1x16xf32> to vector<16xf32>
        %mul3A_317 = arith.mulf %gather3A_286, %get3A_316 : vector<16xf32>
        %add3A_318 = arith.addf %add3A_281, %mul3A_317 : vector<16xf32>
        %broadcast_in_dim3A_319 = arith.constant 3 : i32
        %broadcast_in_dim3A_320 = vector.broadcast %broadcast_in_dim3A_319 : i32 to vector<16xi32>
        %broadcast_in_dim3A_321 = vector.shape_cast %broadcast_in_dim3A_320 : vector<16xi32> to vector<16x1xi32>
        %gather3A_322 = vector.shape_cast %broadcast_in_dim3A_321 : vector<16x1xi32> to vector<16xi32>
        %gather3A_323 = tpu.dynamic_gather %get3A_201[%gather3A_322] in [0] : vector<16xf32>, vector<16xi32> -> vector<16xf32>
        %get3A_324 = arith.constant 0 : i32
        %get3A_325 = arith.index_cast %get3A_324 : i32 to index
        %get3A_326 = arith.index_cast %add3A_196 : i32 to index
        %get3A_327 = arith.constant 192 : index
        %get3A_328 = tpu.vector_load %arg9[%get3A_325, %get3A_326, %get3A_327] {strides = array<i32>} : memref<2x32x512xf32, #tpu.memory_space<vmem>>, vector<1x1x16xf32>,
        %get3A_329 = vector.shape_cast %get3A_328 : vector<1x1x16xf32> to vector<16xf32>
        %mul3A_330 = arith.mulf %gather3A_323, %get3A_329 : vector<16xf32>
        %add3A_331 = arith.addf %add3A_294, %mul3A_330 : vector<16xf32>
        %get3A_332 = arith.constant 0 : i32
        %get3A_333 = arith.index_cast %get3A_332 : i32 to index
        %get3A_334 = arith.index_cast %add3A_196 : i32 to index
        %get3A_335 = arith.constant 208 : index
        %get3A_336 = tpu.vector_load %arg9[%get3A_333, %get3A_334, %get3A_335] {strides = array<i32>} : memref<2x32x512xf32, #tpu.memory_space<vmem>>, vector<1x1x16xf32>,
        %get3A_337 = vector.shape_cast %get3A_336 : vector<1x1x16xf32> to vector<16xf32>
        %mul3A_338 = arith.mulf %gather3A_323, %get3A_337 : vector<16xf32>
        %add3A_339 = arith.addf %add3A_302, %mul3A_338 : vector<16xf32>
        %get3A_340 = arith.constant 0 : i32
        %get3A_341 = arith.index_cast %get3A_340 : i32 to index
        %get3A_342 = arith.index_cast %add3A_196 : i32 to index
        %get3A_343 = arith.constant 224 : index
        %get3A_344 = tpu.vector_load %arg9[%get3A_341, %get3A_342, %get3A_343] {strides = array<i32>} : memref<2x32x512xf32, #tpu.memory_space<vmem>>, vector<1x1x16xf32>,
        %get3A_345 = vector.shape_cast %get3A_344 : vector<1x1x16xf32> to vector<16xf32>
        %mul3A_346 = arith.mulf %gather3A_323, %get3A_345 : vector<16xf32>
        %add3A_347 = arith.addf %add3A_310, %mul3A_346 : vector<16xf32>
        %get3A_348 = arith.constant 0 : i32
        %get3A_349 = arith.index_cast %get3A_348 : i32 to index
        %get3A_350 = arith.index_cast %add3A_196 : i32 to index
        %get3A_351 = arith.constant 240 : index
        %get3A_352 = tpu.vector_load %arg9[%get3A_349, %get3A_350, %get3A_351] {strides = array<i32>} : memref<2x32x512xf32, #tpu.memory_space<vmem>>, vector<1x1x16xf32>,
        %get3A_353 = vector.shape_cast %get3A_352 : vector<1x1x16xf32> to vector<16xf32>
        %mul3A_354 = arith.mulf %gather3A_323, %get3A_353 : vector<16xf32>
        %add3A_355 = arith.addf %add3A_318, %mul3A_354 : vector<16xf32>
        %broadcast_in_dim3A_356 = arith.constant 4 : i32
        %broadcast_in_dim3A_357 = vector.broadcast %broadcast_in_dim3A_356 : i32 to vector<16xi32>
        %broadcast_in_dim3A_358 = vector.shape_cast %broadcast_in_dim3A_357 : vector<16xi32> to vector<16x1xi32>
        %gather3A_359 = vector.shape_cast %broadcast_in_dim3A_358 : vector<16x1xi32> to vector<16xi32>
        %gather3A_360 = tpu.dynamic_gather %get3A_201[%gather3A_359] in [0] : vector<16xf32>, vector<16xi32> -> vector<16xf32>
        %get3A_361 = arith.constant 0 : i32
        %get3A_362 = arith.index_cast %get3A_361 : i32 to index
        %get3A_363 = arith.index_cast %add3A_196 : i32 to index
        %get3A_364 = arith.constant 256 : index
        %get3A_365 = tpu.vector_load %arg9[%get3A_362, %get3A_363, %get3A_364] {strides = array<i32>} : memref<2x32x512xf32, #tpu.memory_space<vmem>>, vector<1x1x16xf32>,
        %get3A_366 = vector.shape_cast %get3A_365 : vector<1x1x16xf32> to vector<16xf32>
        %mul3A_367 = arith.mulf %gather3A_360, %get3A_366 : vector<16xf32>
        %add3A_368 = arith.addf %add3A_331, %mul3A_367 : vector<16xf32>
        %get3A_369 = arith.constant 0 : i32
        %get3A_370 = arith.index_cast %get3A_369 : i32 to index
        %get3A_371 = arith.index_cast %add3A_196 : i32 to index
        %get3A_372 = arith.constant 272 : index
        %get3A_373 = tpu.vector_load %arg9[%get3A_370, %get3A_371, %get3A_372] {strides = array<i32>} : memref<2x32x512xf32, #tpu.memory_space<vmem>>, vector<1x1x16xf32>,
        %get3A_374 = vector.shape_cast %get3A_373 : vector<1x1x16xf32> to vector<16xf32>
        %mul3A_375 = arith.mulf %gather3A_360, %get3A_374 : vector<16xf32>
        %add3A_376 = arith.addf %add3A_339, %mul3A_375 : vector<16xf32>
        %get3A_377 = arith.constant 0 : i32
        %get3A_378 = arith.index_cast %get3A_377 : i32 to index
        %get3A_379 = arith.index_cast %add3A_196 : i32 to index
        %get3A_380 = arith.constant 288 : index
        %get3A_381 = tpu.vector_load %arg9[%get3A_378, %get3A_379, %get3A_380] {strides = array<i32>} : memref<2x32x512xf32, #tpu.memory_space<vmem>>, vector<1x1x16xf32>,
        %get3A_382 = vector.shape_cast %get3A_381 : vector<1x1x16xf32> to vector<16xf32>
        %mul3A_383 = arith.mulf %gather3A_360, %get3A_382 : vector<16xf32>
        %add3A_384 = arith.addf %add3A_347, %mul3A_383 : vector<16xf32>
        %get3A_385 = arith.constant 0 : i32
        %get3A_386 = arith.index_cast %get3A_385 : i32 to index
        %get3A_387 = arith.index_cast %add3A_196 : i32 to index
        %get3A_388 = arith.constant 304 : index
        %get3A_389 = tpu.vector_load %arg9[%get3A_386, %get3A_387, %get3A_388] {strides = array<i32>} : memref<2x32x512xf32, #tpu.memory_space<vmem>>, vector<1x1x16xf32>,
        %get3A_390 = vector.shape_cast %get3A_389 : vector<1x1x16xf32> to vector<16xf32>
        %mul3A_391 = arith.mulf %gather3A_360, %get3A_390 : vector<16xf32>
        %add3A_392 = arith.addf %add3A_355, %mul3A_391 : vector<16xf32>
        %broadcast_in_dim3A_393 = arith.constant 5 : i32
        %broadcast_in_dim3A_394 = vector.broadcast %broadcast_in_dim3A_393 : i32 to vector<16xi32>
        %broadcast_in_dim3A_395 = vector.shape_cast %broadcast_in_dim3A_394 : vector<16xi32> to vector<16x1xi32>
        %gather3A_396 = vector.shape_cast %broadcast_in_dim3A_395 : vector<16x1xi32> to vector<16xi32>
        %gather3A_397 = tpu.dynamic_gather %get3A_201[%gather3A_396] in [0] : vector<16xf32>, vector<16xi32> -> vector<16xf32>
        %get3A_398 = arith.constant 0 : i32
        %get3A_399 = arith.index_cast %get3A_398 : i32 to index
        %get3A_400 = arith.index_cast %add3A_196 : i32 to index
        %get3A_401 = arith.constant 320 : index
        %get3A_402 = tpu.vector_load %arg9[%get3A_399, %get3A_400, %get3A_401] {strides = array<i32>} : memref<2x32x512xf32, #tpu.memory_space<vmem>>, vector<1x1x16xf32>,
        %get3A_403 = vector.shape_cast %get3A_402 : vector<1x1x16xf32> to vector<16xf32>
        %mul3A_404 = arith.mulf %gather3A_397, %get3A_403 : vector<16xf32>
        %add3A_405 = arith.addf %add3A_368, %mul3A_404 : vector<16xf32>
        %get3A_406 = arith.constant 0 : i32
        %get3A_407 = arith.index_cast %get3A_406 : i32 to index
        %get3A_408 = arith.index_cast %add3A_196 : i32 to index
        %get3A_409 = arith.constant 336 : index
        %get3A_410 = tpu.vector_load %arg9[%get3A_407, %get3A_408, %get3A_409] {strides = array<i32>} : memref<2x32x512xf32, #tpu.memory_space<vmem>>, vector<1x1x16xf32>,
        %get3A_411 = vector.shape_cast %get3A_410 : vector<1x1x16xf32> to vector<16xf32>
        %mul3A_412 = arith.mulf %gather3A_397, %get3A_411 : vector<16xf32>
        %add3A_413 = arith.addf %add3A_376, %mul3A_412 : vector<16xf32>
        %get3A_414 = arith.constant 0 : i32
        %get3A_415 = arith.index_cast %get3A_414 : i32 to index
        %get3A_416 = arith.index_cast %add3A_196 : i32 to index
        %get3A_417 = arith.constant 352 : index
        %get3A_418 = tpu.vector_load %arg9[%get3A_415, %get3A_416, %get3A_417] {strides = array<i32>} : memref<2x32x512xf32, #tpu.memory_space<vmem>>, vector<1x1x16xf32>,
        %get3A_419 = vector.shape_cast %get3A_418 : vector<1x1x16xf32> to vector<16xf32>
        %mul3A_420 = arith.mulf %gather3A_397, %get3A_419 : vector<16xf32>
        %add3A_421 = arith.addf %add3A_384, %mul3A_420 : vector<16xf32>
        %get3A_422 = arith.constant 0 : i32
        %get3A_423 = arith.index_cast %get3A_422 : i32 to index
        %get3A_424 = arith.index_cast %add3A_196 : i32 to index
        %get3A_425 = arith.constant 368 : index
        %get3A_426 = tpu.vector_load %arg9[%get3A_423, %get3A_424, %get3A_425] {strides = array<i32>} : memref<2x32x512xf32, #tpu.memory_space<vmem>>, vector<1x1x16xf32>,
        %get3A_427 = vector.shape_cast %get3A_426 : vector<1x1x16xf32> to vector<16xf32>
        %mul3A_428 = arith.mulf %gather3A_397, %get3A_427 : vector<16xf32>
        %add3A_429 = arith.addf %add3A_392, %mul3A_428 : vector<16xf32>
        %broadcast_in_dim3A_430 = arith.constant 6 : i32
        %broadcast_in_dim3A_431 = vector.broadcast %broadcast_in_dim3A_430 : i32 to vector<16xi32>
        %broadcast_in_dim3A_432 = vector.shape_cast %broadcast_in_dim3A_431 : vector<16xi32> to vector<16x1xi32>
        %gather3A_433 = vector.shape_cast %broadcast_in_dim3A_432 : vector<16x1xi32> to vector<16xi32>
        %gather3A_434 = tpu.dynamic_gather %get3A_201[%gather3A_433] in [0] : vector<16xf32>, vector<16xi32> -> vector<16xf32>
        %get3A_435 = arith.constant 0 : i32
        %get3A_436 = arith.index_cast %get3A_435 : i32 to index
        %get3A_437 = arith.index_cast %add3A_196 : i32 to index
        %get3A_438 = arith.constant 384 : index
        %get3A_439 = tpu.vector_load %arg9[%get3A_436, %get3A_437, %get3A_438] {strides = array<i32>} : memref<2x32x512xf32, #tpu.memory_space<vmem>>, vector<1x1x16xf32>,
        %get3A_440 = vector.shape_cast %get3A_439 : vector<1x1x16xf32> to vector<16xf32>
        %mul3A_441 = arith.mulf %gather3A_434, %get3A_440 : vector<16xf32>
        %add3A_442 = arith.addf %add3A_405, %mul3A_441 : vector<16xf32>
        %get3A_443 = arith.constant 0 : i32
        %get3A_444 = arith.index_cast %get3A_443 : i32 to index
        %get3A_445 = arith.index_cast %add3A_196 : i32 to index
        %get3A_446 = arith.constant 400 : index
        %get3A_447 = tpu.vector_load %arg9[%get3A_444, %get3A_445, %get3A_446] {strides = array<i32>} : memref<2x32x512xf32, #tpu.memory_space<vmem>>, vector<1x1x16xf32>,
        %get3A_448 = vector.shape_cast %get3A_447 : vector<1x1x16xf32> to vector<16xf32>
        %mul3A_449 = arith.mulf %gather3A_434, %get3A_448 : vector<16xf32>
        %add3A_450 = arith.addf %add3A_413, %mul3A_449 : vector<16xf32>
        %get3A_451 = arith.constant 0 : i32
        %get3A_452 = arith.index_cast %get3A_451 : i32 to index
        %get3A_453 = arith.index_cast %add3A_196 : i32 to index
        %get3A_454 = arith.constant 416 : index
        %get3A_455 = tpu.vector_load %arg9[%get3A_452, %get3A_453, %get3A_454] {strides = array<i32>} : memref<2x32x512xf32, #tpu.memory_space<vmem>>, vector<1x1x16xf32>,
        %get3A_456 = vector.shape_cast %get3A_455 : vector<1x1x16xf32> to vector<16xf32>
        %mul3A_457 = arith.mulf %gather3A_434, %get3A_456 : vector<16xf32>
        %add3A_458 = arith.addf %add3A_421, %mul3A_457 : vector<16xf32>
        %get3A_459 = arith.constant 0 : i32
        %get3A_460 = arith.index_cast %get3A_459 : i32 to index
        %get3A_461 = arith.index_cast %add3A_196 : i32 to index
        %get3A_462 = arith.constant 432 : index
        %get3A_463 = tpu.vector_load %arg9[%get3A_460, %get3A_461, %get3A_462] {strides = array<i32>} : memref<2x32x512xf32, #tpu.memory_space<vmem>>, vector<1x1x16xf32>,
        %get3A_464 = vector.shape_cast %get3A_463 : vector<1x1x16xf32> to vector<16xf32>
        %mul3A_465 = arith.mulf %gather3A_434, %get3A_464 : vector<16xf32>
        %add3A_466 = arith.addf %add3A_429, %mul3A_465 : vector<16xf32>
        %broadcast_in_dim3A_467 = arith.constant 7 : i32
        %broadcast_in_dim3A_468 = vector.broadcast %broadcast_in_dim3A_467 : i32 to vector<16xi32>
        %broadcast_in_dim3A_469 = vector.shape_cast %broadcast_in_dim3A_468 : vector<16xi32> to vector<16x1xi32>
        %gather3A_470 = vector.shape_cast %broadcast_in_dim3A_469 : vector<16x1xi32> to vector<16xi32>
        %gather3A_471 = tpu.dynamic_gather %get3A_201[%gather3A_470] in [0] : vector<16xf32>, vector<16xi32> -> vector<16xf32>
        %get3A_472 = arith.constant 0 : i32
        %get3A_473 = arith.index_cast %get3A_472 : i32 to index
        %get3A_474 = arith.index_cast %add3A_196 : i32 to index
        %get3A_475 = arith.constant 448 : index
        %get3A_476 = tpu.vector_load %arg9[%get3A_473, %get3A_474, %get3A_475] {strides = array<i32>} : memref<2x32x512xf32, #tpu.memory_space<vmem>>, vector<1x1x16xf32>,
        %get3A_477 = vector.shape_cast %get3A_476 : vector<1x1x16xf32> to vector<16xf32>
        %mul3A_478 = arith.mulf %gather3A_471, %get3A_477 : vector<16xf32>
        %add3A_479 = arith.addf %add3A_442, %mul3A_478 : vector<16xf32>
        %get3A_480 = arith.constant 0 : i32
        %get3A_481 = arith.index_cast %get3A_480 : i32 to index
        %get3A_482 = arith.index_cast %add3A_196 : i32 to index
        %get3A_483 = arith.constant 464 : index
        %get3A_484 = tpu.vector_load %arg9[%get3A_481, %get3A_482, %get3A_483] {strides = array<i32>} : memref<2x32x512xf32, #tpu.memory_space<vmem>>, vector<1x1x16xf32>,
        %get3A_485 = vector.shape_cast %get3A_484 : vector<1x1x16xf32> to vector<16xf32>
        %mul3A_486 = arith.mulf %gather3A_471, %get3A_485 : vector<16xf32>
        %add3A_487 = arith.addf %add3A_450, %mul3A_486 : vector<16xf32>
        %get3A_488 = arith.constant 0 : i32
        %get3A_489 = arith.index_cast %get3A_488 : i32 to index
        %get3A_490 = arith.index_cast %add3A_196 : i32 to index
        %get3A_491 = arith.constant 480 : index
        %get3A_492 = tpu.vector_load %arg9[%get3A_489, %get3A_490, %get3A_491] {strides = array<i32>} : memref<2x32x512xf32, #tpu.memory_space<vmem>>, vector<1x1x16xf32>,
        %get3A_493 = vector.shape_cast %get3A_492 : vector<1x1x16xf32> to vector<16xf32>
        %mul3A_494 = arith.mulf %gather3A_471, %get3A_493 : vector<16xf32>
        %add3A_495 = arith.addf %add3A_458, %mul3A_494 : vector<16xf32>
        %get3A_496 = arith.constant 0 : i32
        %get3A_497 = arith.index_cast %get3A_496 : i32 to index
        %get3A_498 = arith.index_cast %add3A_196 : i32 to index
        %get3A_499 = arith.constant 496 : index
        %get3A_500 = tpu.vector_load %arg9[%get3A_497, %get3A_498, %get3A_499] {strides = array<i32>} : memref<2x32x512xf32, #tpu.memory_space<vmem>>, vector<1x1x16xf32>,
        %get3A_501 = vector.shape_cast %get3A_500 : vector<1x1x16xf32> to vector<16xf32>
        %mul3A_502 = arith.mulf %gather3A_471, %get3A_501 : vector<16xf32>
        %add3A_503 = arith.addf %add3A_466, %mul3A_502 : vector<16xf32>
        %swap3A = arith.constant 0 : i32
        %swap3A_504 = arith.index_cast %swap3A : i32 to index
        %swap3A_505 = arith.index_cast %add3A_196 : i32 to index
        %swap3A_506 = arith.constant 0 : index
        %swap3A_507 = tpu.vector_load %arg11[%swap3A_504, %swap3A_505, %swap3A_506] {strides = array<i32>} : memref<2x32x64xf32, #tpu.memory_space<vmem>>, vector<1x1x16xf32>,
        %swap3A_508 = vector.shape_cast %swap3A_507 : vector<1x1x16xf32> to vector<16xf32>
        %swap3A_509 = vector.shape_cast %add3A_479 : vector<16xf32> to vector<1x1x16xf32>
        tpu.vector_store %arg11[%swap3A_504, %swap3A_505, %swap3A_506], %swap3A_509 {strides = array<i32>} : memref<2x32x64xf32, #tpu.memory_space<vmem>>, vector<1x1x16xf32>,
        %swap3A_510 = arith.constant 0 : i32
        %swap3A_511 = arith.index_cast %swap3A_510 : i32 to index
        %swap3A_512 = arith.index_cast %add3A_196 : i32 to index
        %swap3A_513 = arith.constant 16 : index
        %swap3A_514 = tpu.vector_load %arg11[%swap3A_511, %swap3A_512, %swap3A_513] {strides = array<i32>} : memref<2x32x64xf32, #tpu.memory_space<vmem>>, vector<1x1x16xf32>,
        %swap3A_515 = vector.shape_cast %swap3A_514 : vector<1x1x16xf32> to vector<16xf32>
        %swap3A_516 = vector.shape_cast %add3A_487 : vector<16xf32> to vector<1x1x16xf32>
        tpu.vector_store %arg11[%swap3A_511, %swap3A_512, %swap3A_513], %swap3A_516 {strides = array<i32>} : memref<2x32x64xf32, #tpu.memory_space<vmem>>, vector<1x1x16xf32>,
        %swap3A_517 = arith.constant 0 : i32
        %swap3A_518 = arith.index_cast %swap3A_517 : i32 to index
        %swap3A_519 = arith.index_cast %add3A_196 : i32 to index
        %swap3A_520 = arith.constant 32 : index
        %swap3A_521 = tpu.vector_load %arg11[%swap3A_518, %swap3A_519, %swap3A_520] {strides = array<i32>} : memref<2x32x64xf32, #tpu.memory_space<vmem>>, vector<1x1x16xf32>,
        %swap3A_522 = vector.shape_cast %swap3A_521 : vector<1x1x16xf32> to vector<16xf32>
        %swap3A_523 = vector.shape_cast %add3A_495 : vector<16xf32> to vector<1x1x16xf32>
        tpu.vector_store %arg11[%swap3A_518, %swap3A_519, %swap3A_520], %swap3A_523 {strides = array<i32>} : memref<2x32x64xf32, #tpu.memory_space<vmem>>, vector<1x1x16xf32>,
        %swap3A_524 = arith.constant 0 : i32
        %swap3A_525 = arith.index_cast %swap3A_524 : i32 to index
        %swap3A_526 = arith.index_cast %add3A_196 : i32 to index
        %swap3A_527 = arith.constant 48 : index
        %swap3A_528 = tpu.vector_load %arg11[%swap3A_525, %swap3A_526, %swap3A_527] {strides = array<i32>} : memref<2x32x64xf32, #tpu.memory_space<vmem>>, vector<1x1x16xf32>,
        %swap3A_529 = vector.shape_cast %swap3A_528 : vector<1x1x16xf32> to vector<16xf32>
        %swap3A_530 = vector.shape_cast %add3A_503 : vector<16xf32> to vector<1x1x16xf32>
        tpu.vector_store %arg11[%swap3A_525, %swap3A_526, %swap3A_527], %swap3A_530 {strides = array<i32>} : memref<2x32x64xf32, #tpu.memory_space<vmem>>, vector<1x1x16xf32>,
      }
      %scan3A_122 = arith.constant 32 : i32
      %dma_start3A_123 = arith.constant 0 : i32
      %dma_start3A_124 = arith.constant 0 : i32
      %dma_start3A_125 = arith.constant 0 : i32
      %dma_start3A_126 = tpu.memref_slice %arg11[%dma_start3A_123, %dma_start3A_124, %dma_start3A_125] : memref<2x32x64xf32, #tpu.memory_space<vmem>> -> memref<1x32x64xf32, #tpu.memory_space<vmem>>
      %dma_start3A_127 = tpu.memref_squeeze %dma_start3A_126 : memref<1x32x64xf32, #tpu.memory_space<vmem>> -> memref<32x64xf32, #tpu.memory_space<vmem>>
      %dma_start3A_128 = arith.constant 0 : i32
      %dma_start3A_129 = tpu.memref_slice %arg8[%add3A_81, %dma_start3A_128] : memref<168x32xi32, #tpu.memory_space<vmem>> -> memref<1x32xi32, #tpu.memory_space<vmem>>
      %dma_start3A_130 = tpu.memref_squeeze %dma_start3A_129 : memref<1x32xi32, #tpu.memory_space<vmem>> -> memref<32xi32, #tpu.memory_space<vmem>>
      %dma_start3A_131 = arith.constant 0 : i32
      %dma_start3A_132 = arith.constant 0 : i32
      %dma_start3A_133 = tpu.memref_slice %arg13[%dma_start3A_131, %dma_start3A_132] : memref<10240x64xf32, #tpu.memory_space<vmem_shared>> -> memref<10240x64xf32, #tpu.memory_space<vmem_shared>>
      tpu.enqueue_indirect_dma source(%dma_start3A_127 : memref<32x64xf32, #tpu.memory_space<vmem>>) target(%dma_start3A_133 : memref<10240x64xf32, #tpu.memory_space<vmem_shared>>) offsets(%dma_start3A_130 : memref<32xi32, #tpu.memory_space<vmem>>) semaphore(%arg18 : memref<!tpu.dma_semaphore, #tpu.memory_space<semaphore_mem>>) {add = true}
      %add3A_134 = arith.constant 1 : i32
      %add3A_135 = arith.addi %add3A_79, %add3A_134 : i32
      %add3A_136 = arith.constant 1 : i32
      %add3A_137 = arith.addi %add3A_135, %add3A_136 : i32
      %lt3A_138 = arith.constant 168 : i32
      %lt3A_139 = arith.cmpi slt, %add3A_137, %lt3A_138 : i32
      %convert_element_type3A_140 = arith.extui %lt3A_139 : i1 to i32
      %cond3A_141 = arith.constant 0 : i32
      %cond3A_142 = arith.cmpi ne, %convert_element_type3A_140, %cond3A_141 : i32
      scf.if %cond3A_142 {
        %add3A_192 = arith.constant 1 : i32
        %add3A_193 = arith.addi %add3A_135, %add3A_192 : i32
        %mul3A_194 = arith.constant 32 : i32
        %mul3A_195 = arith.muli %add3A_193, %mul3A_194 : i32
        %dma_start3A_196 = arith.constant 0 : i32
        %dma_start3A_197 = arith.constant 0 : i32
        %dma_start3A_198 = arith.constant 0 : i32
        %dma_start3A_199 = tpu.memref_slice %arg9[%dma_start3A_196, %dma_start3A_197, %dma_start3A_198] : memref<2x32x512xf32, #tpu.memory_space<vmem>> -> memref<1x32x512xf32, #tpu.memory_space<vmem>>
        %dma_start3A_200 = tpu.memref_squeeze %dma_start3A_199 : memref<1x32x512xf32, #tpu.memory_space<vmem>> -> memref<32x512xf32, #tpu.memory_space<vmem>>
        %dma_start3A_201 = tpu.memref_slice %arg7[%mul3A_195] : memref<5376xi32, #tpu.memory_space<vmem>> -> memref<32xi32, #tpu.memory_space<vmem>>
        %dma_start3A_202 = arith.constant 0 : i32
        %dma_start3A_203 = arith.constant 0 : i32
        %dma_start3A_204 = tpu.memref_slice %arg5[%dma_start3A_202, %dma_start3A_203] : memref<10240x512xf32, #tpu.memory_space<hbm>> -> memref<10240x512xf32, #tpu.memory_space<hbm>>
        tpu.enqueue_indirect_dma source(%dma_start3A_204 : memref<10240x512xf32, #tpu.memory_space<hbm>>) target(%dma_start3A_200 : memref<32x512xf32, #tpu.memory_space<vmem>>) offsets(%dma_start3A_201 : memref<32xi32, #tpu.memory_space<vmem>>) semaphore(%arg14 : memref<!tpu.dma_semaphore, #tpu.memory_space<semaphore_mem>>)
        %mul3A_205 = arith.constant 168 : i32
        %mul3A_206 = arith.muli %add3A, %mul3A_205 : i32
        %add3A_207 = arith.addi %mul3A_206, %add3A_193 : i32
        %dma_start3A_208 = arith.constant 0 : i32
        %dma_start3A_209 = arith.constant 0 : i32
        %dma_start3A_210 = arith.constant 0 : i32
        %dma_start3A_211 = tpu.memref_slice %arg10[%dma_start3A_208, %dma_start3A_209, %dma_start3A_210] : memref<2x32x16xf32, #tpu.memory_space<vmem>> -> memref<1x32x16xf32, #tpu.memory_space<vmem>>
        %dma_start3A_212 = tpu.memref_squeeze %dma_start3A_211 : memref<1x32x16xf32, #tpu.memory_space<vmem>> -> memref<32x16xf32, #tpu.memory_space<vmem>>
        %dma_start3A_213 = arith.constant 0 : i32
        %dma_start3A_214 = arith.constant 0 : i32
        %dma_start3A_215 = tpu.memref_slice %arg4[%add3A_207, %dma_start3A_213, %dma_start3A_214] : memref<5376x32x16xf32, #tpu.memory_space<hbm>> -> memref<1x32x16xf32, #tpu.memory_space<hbm>>
        %dma_start3A_216 = tpu.memref_squeeze %dma_start3A_215 : memref<1x32x16xf32, #tpu.memory_space<hbm>> -> memref<32x16xf32, #tpu.memory_space<hbm>>
        %dma_start3A_217 = arith.constant 0 : i32
        %dma_start3A_218 = arith.constant 0 : i32
        %dma_start3A_219 = tpu.memref_slice %arg10[%dma_start3A_208, %dma_start3A_217, %dma_start3A_218] : memref<2x32x16xf32, #tpu.memory_space<vmem>> -> memref<1x32x16xf32, #tpu.memory_space<vmem>>
        %dma_start3A_220 = tpu.memref_squeeze %dma_start3A_219 : memref<1x32x16xf32, #tpu.memory_space<vmem>> -> memref<32x16xf32, #tpu.memory_space<vmem>>
        %dma_start3A_221 = arith.constant 0 : i32
        %dma_start3A_222 = arith.constant 0 : i32
        %dma_start3A_223 = tpu.memref_slice %arg4[%add3A_207, %dma_start3A_221, %dma_start3A_222] : memref<5376x32x16xf32, #tpu.memory_space<hbm>> -> memref<1x32x16xf32, #tpu.memory_space<hbm>>
        %dma_start3A_224 = tpu.memref_squeeze %dma_start3A_223 : memref<1x32x16xf32, #tpu.memory_space<hbm>> -> memref<32x16xf32, #tpu.memory_space<hbm>>
        tpu.enqueue_dma source(%dma_start3A_224 : memref<32x16xf32, #tpu.memory_space<hbm>>) target(%dma_start3A_220 : memref<32x16xf32, #tpu.memory_space<vmem>>) target_semaphore(%arg16 : memref<!tpu.dma_semaphore, #tpu.memory_space<semaphore_mem>>)
      } else {
      }
      %dma_wait3A_143 = arith.constant 1 : i32
      %dma_wait3A_144 = arith.constant 0 : i32
      %dma_wait3A_145 = arith.constant 0 : i32
      %dma_wait3A_146 = tpu.memref_slice %arg9[%dma_wait3A_143, %dma_wait3A_144, %dma_wait3A_145] : memref<2x32x512xf32, #tpu.memory_space<vmem>> -> memref<1x32x512xf32, #tpu.memory_space<vmem>>
      %dma_wait3A_147 = tpu.memref_squeeze %dma_wait3A_146 : memref<1x32x512xf32, #tpu.memory_space<vmem>> -> memref<32x512xf32, #tpu.memory_space<vmem>>
      %dma_wait3A_148 = arith.constant 0 : i32
      %dma_wait3A_149 = tpu.memref_slice %arg7[%dma_wait3A_148] : memref<5376xi32, #tpu.memory_space<vmem>> -> memref<32xi32, #tpu.memory_space<vmem>>
      %dma_wait3A_150 = arith.constant 0 : i32
      %dma_wait3A_151 = arith.constant 0 : i32
      %dma_wait3A_152 = tpu.memref_slice %arg5[%dma_wait3A_150, %dma_wait3A_151] : memref<10240x512xf32, #tpu.memory_space<hbm>> -> memref<10240x512xf32, #tpu.memory_space<hbm>>
      tpu.wait_indirect_dma semaphore(%arg15 : memref<!tpu.dma_semaphore, #tpu.memory_space<semaphore_mem>>) src(%dma_wait3A_152 : memref<10240x512xf32, #tpu.memory_space<hbm>>) dst(%dma_wait3A_147 : memref<32x512xf32, #tpu.memory_space<vmem>>)
      %dma_wait3A_153 = arith.constant 0 : i32
      %dma_wait3A_154 = arith.constant 1 : i32
      %dma_wait3A_155 = arith.constant 0 : i32
      %dma_wait3A_156 = arith.constant 0 : i32
      %dma_wait3A_157 = tpu.memref_slice %arg10[%dma_wait3A_154, %dma_wait3A_155, %dma_wait3A_156] : memref<2x32x16xf32, #tpu.memory_space<vmem>> -> memref<1x32x16xf32, #tpu.memory_space<vmem>>
      %dma_wait3A_158 = tpu.memref_squeeze %dma_wait3A_157 : memref<1x32x16xf32, #tpu.memory_space<vmem>> -> memref<32x16xf32, #tpu.memory_space<vmem>>
      %dma_wait3A_159 = arith.constant 0 : i32
      %dma_wait3A_160 = arith.constant 0 : i32
      %dma_wait3A_161 = tpu.memref_slice %arg4[%dma_wait3A_153, %dma_wait3A_159, %dma_wait3A_160] : memref<5376x32x16xf32, #tpu.memory_space<hbm>> -> memref<1x32x16xf32, #tpu.memory_space<hbm>>
      %dma_wait3A_162 = tpu.memref_squeeze %dma_wait3A_161 : memref<1x32x16xf32, #tpu.memory_space<hbm>> -> memref<32x16xf32, #tpu.memory_space<hbm>>
      %dma_wait3A_163 = arith.constant 0 : i32
      %dma_wait3A_164 = arith.constant 0 : i32
      %dma_wait3A_165 = tpu.memref_slice %arg10[%dma_wait3A_154, %dma_wait3A_163, %dma_wait3A_164] : memref<2x32x16xf32, #tpu.memory_space<vmem>> -> memref<1x32x16xf32, #tpu.memory_space<vmem>>
      %dma_wait3A_166 = tpu.memref_squeeze %dma_wait3A_165 : memref<1x32x16xf32, #tpu.memory_space<vmem>> -> memref<32x16xf32, #tpu.memory_space<vmem>>
      %dma_wait3A_167 = arith.constant 0 : i32
      %dma_wait3A_168 = arith.constant 0 : i32
      %dma_wait3A_169 = tpu.memref_slice %arg4[%dma_wait3A_153, %dma_wait3A_167, %dma_wait3A_168] : memref<5376x32x16xf32, #tpu.memory_space<hbm>> -> memref<1x32x16xf32, #tpu.memory_space<hbm>>
      %dma_wait3A_170 = tpu.memref_squeeze %dma_wait3A_169 : memref<1x32x16xf32, #tpu.memory_space<hbm>> -> memref<32x16xf32, #tpu.memory_space<hbm>>
      tpu.wait_dma2 semaphore(%arg17 : memref<!tpu.dma_semaphore, #tpu.memory_space<semaphore_mem>>) src(%dma_wait3A_170 : memref<32x16xf32, #tpu.memory_space<hbm>>) dst(%dma_wait3A_166 : memref<32x16xf32, #tpu.memory_space<vmem>>)
      %ge3A_171 = arith.constant 2 : i32
      %ge3A_172 = arith.cmpi sge, %add3A_135, %ge3A_171 : i32
      %convert_element_type3A_173 = arith.extui %ge3A_172 : i1 to i32
      %cond3A_174 = arith.constant 0 : i32
      %cond3A_175 = arith.cmpi ne, %convert_element_type3A_173, %cond3A_174 : i32
      scf.if %cond3A_175 {
        %dma_wait3A_192 = arith.constant 1 : i32
        %dma_wait3A_193 = arith.constant 0 : i32
        %dma_wait3A_194 = arith.constant 0 : i32
        %dma_wait3A_195 = arith.constant 0 : i32
        %dma_wait3A_196 = tpu.memref_slice %arg11[%dma_wait3A_192, %dma_wait3A_194, %dma_wait3A_195] : memref<2x32x64xf32, #tpu.memory_space<vmem>> -> memref<1x32x64xf32, #tpu.memory_space<vmem>>
        %dma_wait3A_197 = tpu.memref_squeeze %dma_wait3A_196 : memref<1x32x64xf32, #tpu.memory_space<vmem>> -> memref<32x64xf32, #tpu.memory_space<vmem>>
        %dma_wait3A_198 = arith.constant 0 : i32
        %dma_wait3A_199 = tpu.memref_slice %arg8[%dma_wait3A_193, %dma_wait3A_198] : memref<168x32xi32, #tpu.memory_space<vmem>> -> memref<1x32xi32, #tpu.memory_space<vmem>>
        %dma_wait3A_200 = tpu.memref_squeeze %dma_wait3A_199 : memref<1x32xi32, #tpu.memory_space<vmem>> -> memref<32xi32, #tpu.memory_space<vmem>>
        %dma_wait3A_201 = arith.constant 0 : i32
        %dma_wait3A_202 = arith.constant 0 : i32
        %dma_wait3A_203 = tpu.memref_slice %arg13[%dma_wait3A_201, %dma_wait3A_202] : memref<10240x64xf32, #tpu.memory_space<vmem_shared>> -> memref<10240x64xf32, #tpu.memory_space<vmem_shared>>
        tpu.wait_indirect_dma semaphore(%arg19 : memref<!tpu.dma_semaphore, #tpu.memory_space<semaphore_mem>>) src(%dma_wait3A_197 : memref<32x64xf32, #tpu.memory_space<vmem>>) dst(%dma_wait3A_203 : memref<10240x64xf32, #tpu.memory_space<vmem_shared>>)
      } else {
      }
      %scan3A_176 = arith.constant 0 : i32
      %scan3A_177 = arith.constant 32 : i32
      %scan3A_178 = arith.addi %scan3A_176, %scan3A_177 : i32
      %scan3A_179 = arith.constant 1 : i32
      scf.for %scan3A_192 = %scan3A_176 to %scan3A_178 step %scan3A_179  : i32 {
        %mul3A_193 = arith.constant 1 : i32
        %mul3A_194 = arith.muli %scan3A_192, %mul3A_193 : i32
        %add3A_195 = arith.constant 0 : i32
        %add3A_196 = arith.addi %add3A_195, %mul3A_194 : i32
        %get3A = arith.constant 1 : i32
        %get3A_197 = arith.index_cast %get3A : i32 to index
        %get3A_198 = arith.index_cast %add3A_196 : i32 to index
        %get3A_199 = arith.constant 0 : index
        %get3A_200 = tpu.vector_load %arg10[%get3A_197, %get3A_198, %get3A_199] {strides = array<i32>} : memref<2x32x16xf32, #tpu.memory_space<vmem>>, vector<1x1x16xf32>,
        %get3A_201 = vector.shape_cast %get3A_200 : vector<1x1x16xf32> to vector<16xf32>
        %broadcast_in_dim3A = arith.constant 0.000000e+00 : f32
        %broadcast_in_dim3A_202 = vector.broadcast %broadcast_in_dim3A : f32 to vector<16xf32>
        %broadcast_in_dim3A_203 = arith.constant 0.000000e+00 : f32
        %broadcast_in_dim3A_204 = vector.broadcast %broadcast_in_dim3A_203 : f32 to vector<16xf32>
        %broadcast_in_dim3A_205 = arith.constant 0.000000e+00 : f32
        %broadcast_in_dim3A_206 = vector.broadcast %broadcast_in_dim3A_205 : f32 to vector<16xf32>
        %broadcast_in_dim3A_207 = arith.constant 0.000000e+00 : f32
        %broadcast_in_dim3A_208 = vector.broadcast %broadcast_in_dim3A_207 : f32 to vector<16xf32>
        %broadcast_in_dim3A_209 = arith.constant 0 : i32
        %broadcast_in_dim3A_210 = vector.broadcast %broadcast_in_dim3A_209 : i32 to vector<16xi32>
        %broadcast_in_dim3A_211 = vector.shape_cast %broadcast_in_dim3A_210 : vector<16xi32> to vector<16x1xi32>
        %gather3A = vector.shape_cast %broadcast_in_dim3A_211 : vector<16x1xi32> to vector<16xi32>
        %gather3A_212 = tpu.dynamic_gather %get3A_201[%gather3A] in [0] : vector<16xf32>, vector<16xi32> -> vector<16xf32>
        %get3A_213 = arith.constant 1 : i32
        %get3A_214 = arith.index_cast %get3A_213 : i32 to index
        %get3A_215 = arith.index_cast %add3A_196 : i32 to index
        %get3A_216 = arith.constant 0 : index
        %get3A_217 = tpu.vector_load %arg9[%get3A_214, %get3A_215, %get3A_216] {strides = array<i32>} : memref<2x32x512xf32, #tpu.memory_space<vmem>>, vector<1x1x16xf32>,
        %get3A_218 = vector.shape_cast %get3A_217 : vector<1x1x16xf32> to vector<16xf32>
        %mul3A_219 = arith.mulf %gather3A_212, %get3A_218 : vector<16xf32>
        %add3A_220 = arith.addf %broadcast_in_dim3A_202, %mul3A_219 : vector<16xf32>
        %get3A_221 = arith.constant 1 : i32
        %get3A_222 = arith.index_cast %get3A_221 : i32 to index
        %get3A_223 = arith.index_cast %add3A_196 : i32 to index
        %get3A_224 = arith.constant 16 : index
        %get3A_225 = tpu.vector_load %arg9[%get3A_222, %get3A_223, %get3A_224] {strides = array<i32>} : memref<2x32x512xf32, #tpu.memory_space<vmem>>, vector<1x1x16xf32>,
        %get3A_226 = vector.shape_cast %get3A_225 : vector<1x1x16xf32> to vector<16xf32>
        %mul3A_227 = arith.mulf %gather3A_212, %get3A_226 : vector<16xf32>
        %add3A_228 = arith.addf %broadcast_in_dim3A_204, %mul3A_227 : vector<16xf32>
        %get3A_229 = arith.constant 1 : i32
        %get3A_230 = arith.index_cast %get3A_229 : i32 to index
        %get3A_231 = arith.index_cast %add3A_196 : i32 to index
        %get3A_232 = arith.constant 32 : index
        %get3A_233 = tpu.vector_load %arg9[%get3A_230, %get3A_231, %get3A_232] {strides = array<i32>} : memref<2x32x512xf32, #tpu.memory_space<vmem>>, vector<1x1x16xf32>,
        %get3A_234 = vector.shape_cast %get3A_233 : vector<1x1x16xf32> to vector<16xf32>
        %mul3A_235 = arith.mulf %gather3A_212, %get3A_234 : vector<16xf32>
        %add3A_236 = arith.addf %broadcast_in_dim3A_206, %mul3A_235 : vector<16xf32>
        %get3A_237 = arith.constant 1 : i32
        %get3A_238 = arith.index_cast %get3A_237 : i32 to index
        %get3A_239 = arith.index_cast %add3A_196 : i32 to index
        %get3A_240 = arith.constant 48 : index
        %get3A_241 = tpu.vector_load %arg9[%get3A_238, %get3A_239, %get3A_240] {strides = array<i32>} : memref<2x32x512xf32, #tpu.memory_space<vmem>>, vector<1x1x16xf32>,
        %get3A_242 = vector.shape_cast %get3A_241 : vector<1x1x16xf32> to vector<16xf32>
        %mul3A_243 = arith.mulf %gather3A_212, %get3A_242 : vector<16xf32>
        %add3A_244 = arith.addf %broadcast_in_dim3A_208, %mul3A_243 : vector<16xf32>
        %broadcast_in_dim3A_245 = arith.constant 1 : i32
        %broadcast_in_dim3A_246 = vector.broadcast %broadcast_in_dim3A_245 : i32 to vector<16xi32>
        %broadcast_in_dim3A_247 = vector.shape_cast %broadcast_in_dim3A_246 : vector<16xi32> to vector<16x1xi32>
        %gather3A_248 = vector.shape_cast %broadcast_in_dim3A_247 : vector<16x1xi32> to vector<16xi32>
        %gather3A_249 = tpu.dynamic_gather %get3A_201[%gather3A_248] in [0] : vector<16xf32>, vector<16xi32> -> vector<16xf32>
        %get3A_250 = arith.constant 1 : i32
        %get3A_251 = arith.index_cast %get3A_250 : i32 to index
        %get3A_252 = arith.index_cast %add3A_196 : i32 to index
        %get3A_253 = arith.constant 64 : index
        %get3A_254 = tpu.vector_load %arg9[%get3A_251, %get3A_252, %get3A_253] {strides = array<i32>} : memref<2x32x512xf32, #tpu.memory_space<vmem>>, vector<1x1x16xf32>,
        %get3A_255 = vector.shape_cast %get3A_254 : vector<1x1x16xf32> to vector<16xf32>
        %mul3A_256 = arith.mulf %gather3A_249, %get3A_255 : vector<16xf32>
        %add3A_257 = arith.addf %add3A_220, %mul3A_256 : vector<16xf32>
        %get3A_258 = arith.constant 1 : i32
        %get3A_259 = arith.index_cast %get3A_258 : i32 to index
        %get3A_260 = arith.index_cast %add3A_196 : i32 to index
        %get3A_261 = arith.constant 80 : index
        %get3A_262 = tpu.vector_load %arg9[%get3A_259, %get3A_260, %get3A_261] {strides = array<i32>} : memref<2x32x512xf32, #tpu.memory_space<vmem>>, vector<1x1x16xf32>,
        %get3A_263 = vector.shape_cast %get3A_262 : vector<1x1x16xf32> to vector<16xf32>
        %mul3A_264 = arith.mulf %gather3A_249, %get3A_263 : vector<16xf32>
        %add3A_265 = arith.addf %add3A_228, %mul3A_264 : vector<16xf32>
        %get3A_266 = arith.constant 1 : i32
        %get3A_267 = arith.index_cast %get3A_266 : i32 to index
        %get3A_268 = arith.index_cast %add3A_196 : i32 to index
        %get3A_269 = arith.constant 96 : index
        %get3A_270 = tpu.vector_load %arg9[%get3A_267, %get3A_268, %get3A_269] {strides = array<i32>} : memref<2x32x512xf32, #tpu.memory_space<vmem>>, vector<1x1x16xf32>,
        %get3A_271 = vector.shape_cast %get3A_270 : vector<1x1x16xf32> to vector<16xf32>
        %mul3A_272 = arith.mulf %gather3A_249, %get3A_271 : vector<16xf32>
        %add3A_273 = arith.addf %add3A_236, %mul3A_272 : vector<16xf32>
        %get3A_274 = arith.constant 1 : i32
        %get3A_275 = arith.index_cast %get3A_274 : i32 to index
        %get3A_276 = arith.index_cast %add3A_196 : i32 to index
        %get3A_277 = arith.constant 112 : index
        %get3A_278 = tpu.vector_load %arg9[%get3A_275, %get3A_276, %get3A_277] {strides = array<i32>} : memref<2x32x512xf32, #tpu.memory_space<vmem>>, vector<1x1x16xf32>,
        %get3A_279 = vector.shape_cast %get3A_278 : vector<1x1x16xf32> to vector<16xf32>
        %mul3A_280 = arith.mulf %gather3A_249, %get3A_279 : vector<16xf32>
        %add3A_281 = arith.addf %add3A_244, %mul3A_280 : vector<16xf32>
        %broadcast_in_dim3A_282 = arith.constant 2 : i32
        %broadcast_in_dim3A_283 = vector.broadcast %broadcast_in_dim3A_282 : i32 to vector<16xi32>
        %broadcast_in_dim3A_284 = vector.shape_cast %broadcast_in_dim3A_283 : vector<16xi32> to vector<16x1xi32>
        %gather3A_285 = vector.shape_cast %broadcast_in_dim3A_284 : vector<16x1xi32> to vector<16xi32>
        %gather3A_286 = tpu.dynamic_gather %get3A_201[%gather3A_285] in [0] : vector<16xf32>, vector<16xi32> -> vector<16xf32>
        %get3A_287 = arith.constant 1 : i32
        %get3A_288 = arith.index_cast %get3A_287 : i32 to index
        %get3A_289 = arith.index_cast %add3A_196 : i32 to index
        %get3A_290 = arith.constant 128 : index
        %get3A_291 = tpu.vector_load %arg9[%get3A_288, %get3A_289, %get3A_290] {strides = array<i32>} : memref<2x32x512xf32, #tpu.memory_space<vmem>>, vector<1x1x16xf32>,
        %get3A_292 = vector.shape_cast %get3A_291 : vector<1x1x16xf32> to vector<16xf32>
        %mul3A_293 = arith.mulf %gather3A_286, %get3A_292 : vector<16xf32>
        %add3A_294 = arith.addf %add3A_257, %mul3A_293 : vector<16xf32>
        %get3A_295 = arith.constant 1 : i32
        %get3A_296 = arith.index_cast %get3A_295 : i32 to index
        %get3A_297 = arith.index_cast %add3A_196 : i32 to index
        %get3A_298 = arith.constant 144 : index
        %get3A_299 = tpu.vector_load %arg9[%get3A_296, %get3A_297, %get3A_298] {strides = array<i32>} : memref<2x32x512xf32, #tpu.memory_space<vmem>>, vector<1x1x16xf32>,
        %get3A_300 = vector.shape_cast %get3A_299 : vector<1x1x16xf32> to vector<16xf32>
        %mul3A_301 = arith.mulf %gather3A_286, %get3A_300 : vector<16xf32>
        %add3A_302 = arith.addf %add3A_265, %mul3A_301 : vector<16xf32>
        %get3A_303 = arith.constant 1 : i32
        %get3A_304 = arith.index_cast %get3A_303 : i32 to index
        %get3A_305 = arith.index_cast %add3A_196 : i32 to index
        %get3A_306 = arith.constant 160 : index
        %get3A_307 = tpu.vector_load %arg9[%get3A_304, %get3A_305, %get3A_306] {strides = array<i32>} : memref<2x32x512xf32, #tpu.memory_space<vmem>>, vector<1x1x16xf32>,
        %get3A_308 = vector.shape_cast %get3A_307 : vector<1x1x16xf32> to vector<16xf32>
        %mul3A_309 = arith.mulf %gather3A_286, %get3A_308 : vector<16xf32>
        %add3A_310 = arith.addf %add3A_273, %mul3A_309 : vector<16xf32>
        %get3A_311 = arith.constant 1 : i32
        %get3A_312 = arith.index_cast %get3A_311 : i32 to index
        %get3A_313 = arith.index_cast %add3A_196 : i32 to index
        %get3A_314 = arith.constant 176 : index
        %get3A_315 = tpu.vector_load %arg9[%get3A_312, %get3A_313, %get3A_314] {strides = array<i32>} : memref<2x32x512xf32, #tpu.memory_space<vmem>>, vector<1x1x16xf32>,
        %get3A_316 = vector.shape_cast %get3A_315 : vector<1x1x16xf32> to vector<16xf32>
        %mul3A_317 = arith.mulf %gather3A_286, %get3A_316 : vector<16xf32>
        %add3A_318 = arith.addf %add3A_281, %mul3A_317 : vector<16xf32>
        %broadcast_in_dim3A_319 = arith.constant 3 : i32
        %broadcast_in_dim3A_320 = vector.broadcast %broadcast_in_dim3A_319 : i32 to vector<16xi32>
        %broadcast_in_dim3A_321 = vector.shape_cast %broadcast_in_dim3A_320 : vector<16xi32> to vector<16x1xi32>
        %gather3A_322 = vector.shape_cast %broadcast_in_dim3A_321 : vector<16x1xi32> to vector<16xi32>
        %gather3A_323 = tpu.dynamic_gather %get3A_201[%gather3A_322] in [0] : vector<16xf32>, vector<16xi32> -> vector<16xf32>
        %get3A_324 = arith.constant 1 : i32
        %get3A_325 = arith.index_cast %get3A_324 : i32 to index
        %get3A_326 = arith.index_cast %add3A_196 : i32 to index
        %get3A_327 = arith.constant 192 : index
        %get3A_328 = tpu.vector_load %arg9[%get3A_325, %get3A_326, %get3A_327] {strides = array<i32>} : memref<2x32x512xf32, #tpu.memory_space<vmem>>, vector<1x1x16xf32>,
        %get3A_329 = vector.shape_cast %get3A_328 : vector<1x1x16xf32> to vector<16xf32>
        %mul3A_330 = arith.mulf %gather3A_323, %get3A_329 : vector<16xf32>
        %add3A_331 = arith.addf %add3A_294, %mul3A_330 : vector<16xf32>
        %get3A_332 = arith.constant 1 : i32
        %get3A_333 = arith.index_cast %get3A_332 : i32 to index
        %get3A_334 = arith.index_cast %add3A_196 : i32 to index
        %get3A_335 = arith.constant 208 : index
        %get3A_336 = tpu.vector_load %arg9[%get3A_333, %get3A_334, %get3A_335] {strides = array<i32>} : memref<2x32x512xf32, #tpu.memory_space<vmem>>, vector<1x1x16xf32>,
        %get3A_337 = vector.shape_cast %get3A_336 : vector<1x1x16xf32> to vector<16xf32>
        %mul3A_338 = arith.mulf %gather3A_323, %get3A_337 : vector<16xf32>
        %add3A_339 = arith.addf %add3A_302, %mul3A_338 : vector<16xf32>
        %get3A_340 = arith.constant 1 : i32
        %get3A_341 = arith.index_cast %get3A_340 : i32 to index
        %get3A_342 = arith.index_cast %add3A_196 : i32 to index
        %get3A_343 = arith.constant 224 : index
        %get3A_344 = tpu.vector_load %arg9[%get3A_341, %get3A_342, %get3A_343] {strides = array<i32>} : memref<2x32x512xf32, #tpu.memory_space<vmem>>, vector<1x1x16xf32>,
        %get3A_345 = vector.shape_cast %get3A_344 : vector<1x1x16xf32> to vector<16xf32>
        %mul3A_346 = arith.mulf %gather3A_323, %get3A_345 : vector<16xf32>
        %add3A_347 = arith.addf %add3A_310, %mul3A_346 : vector<16xf32>
        %get3A_348 = arith.constant 1 : i32
        %get3A_349 = arith.index_cast %get3A_348 : i32 to index
        %get3A_350 = arith.index_cast %add3A_196 : i32 to index
        %get3A_351 = arith.constant 240 : index
        %get3A_352 = tpu.vector_load %arg9[%get3A_349, %get3A_350, %get3A_351] {strides = array<i32>} : memref<2x32x512xf32, #tpu.memory_space<vmem>>, vector<1x1x16xf32>,
        %get3A_353 = vector.shape_cast %get3A_352 : vector<1x1x16xf32> to vector<16xf32>
        %mul3A_354 = arith.mulf %gather3A_323, %get3A_353 : vector<16xf32>
        %add3A_355 = arith.addf %add3A_318, %mul3A_354 : vector<16xf32>
        %broadcast_in_dim3A_356 = arith.constant 4 : i32
        %broadcast_in_dim3A_357 = vector.broadcast %broadcast_in_dim3A_356 : i32 to vector<16xi32>
        %broadcast_in_dim3A_358 = vector.shape_cast %broadcast_in_dim3A_357 : vector<16xi32> to vector<16x1xi32>
        %gather3A_359 = vector.shape_cast %broadcast_in_dim3A_358 : vector<16x1xi32> to vector<16xi32>
        %gather3A_360 = tpu.dynamic_gather %get3A_201[%gather3A_359] in [0] : vector<16xf32>, vector<16xi32> -> vector<16xf32>
        %get3A_361 = arith.constant 1 : i32
        %get3A_362 = arith.index_cast %get3A_361 : i32 to index
        %get3A_363 = arith.index_cast %add3A_196 : i32 to index
        %get3A_364 = arith.constant 256 : index
        %get3A_365 = tpu.vector_load %arg9[%get3A_362, %get3A_363, %get3A_364] {strides = array<i32>} : memref<2x32x512xf32, #tpu.memory_space<vmem>>, vector<1x1x16xf32>,
        %get3A_366 = vector.shape_cast %get3A_365 : vector<1x1x16xf32> to vector<16xf32>
        %mul3A_367 = arith.mulf %gather3A_360, %get3A_366 : vector<16xf32>
        %add3A_368 = arith.addf %add3A_331, %mul3A_367 : vector<16xf32>
        %get3A_369 = arith.constant 1 : i32
        %get3A_370 = arith.index_cast %get3A_369 : i32 to index
        %get3A_371 = arith.index_cast %add3A_196 : i32 to index
        %get3A_372 = arith.constant 272 : index
        %get3A_373 = tpu.vector_load %arg9[%get3A_370, %get3A_371, %get3A_372] {strides = array<i32>} : memref<2x32x512xf32, #tpu.memory_space<vmem>>, vector<1x1x16xf32>,
        %get3A_374 = vector.shape_cast %get3A_373 : vector<1x1x16xf32> to vector<16xf32>
        %mul3A_375 = arith.mulf %gather3A_360, %get3A_374 : vector<16xf32>
        %add3A_376 = arith.addf %add3A_339, %mul3A_375 : vector<16xf32>
        %get3A_377 = arith.constant 1 : i32
        %get3A_378 = arith.index_cast %get3A_377 : i32 to index
        %get3A_379 = arith.index_cast %add3A_196 : i32 to index
        %get3A_380 = arith.constant 288 : index
        %get3A_381 = tpu.vector_load %arg9[%get3A_378, %get3A_379, %get3A_380] {strides = array<i32>} : memref<2x32x512xf32, #tpu.memory_space<vmem>>, vector<1x1x16xf32>,
        %get3A_382 = vector.shape_cast %get3A_381 : vector<1x1x16xf32> to vector<16xf32>
        %mul3A_383 = arith.mulf %gather3A_360, %get3A_382 : vector<16xf32>
        %add3A_384 = arith.addf %add3A_347, %mul3A_383 : vector<16xf32>
        %get3A_385 = arith.constant 1 : i32
        %get3A_386 = arith.index_cast %get3A_385 : i32 to index
        %get3A_387 = arith.index_cast %add3A_196 : i32 to index
        %get3A_388 = arith.constant 304 : index
        %get3A_389 = tpu.vector_load %arg9[%get3A_386, %get3A_387, %get3A_388] {strides = array<i32>} : memref<2x32x512xf32, #tpu.memory_space<vmem>>, vector<1x1x16xf32>,
        %get3A_390 = vector.shape_cast %get3A_389 : vector<1x1x16xf32> to vector<16xf32>
        %mul3A_391 = arith.mulf %gather3A_360, %get3A_390 : vector<16xf32>
        %add3A_392 = arith.addf %add3A_355, %mul3A_391 : vector<16xf32>
        %broadcast_in_dim3A_393 = arith.constant 5 : i32
        %broadcast_in_dim3A_394 = vector.broadcast %broadcast_in_dim3A_393 : i32 to vector<16xi32>
        %broadcast_in_dim3A_395 = vector.shape_cast %broadcast_in_dim3A_394 : vector<16xi32> to vector<16x1xi32>
        %gather3A_396 = vector.shape_cast %broadcast_in_dim3A_395 : vector<16x1xi32> to vector<16xi32>
        %gather3A_397 = tpu.dynamic_gather %get3A_201[%gather3A_396] in [0] : vector<16xf32>, vector<16xi32> -> vector<16xf32>
        %get3A_398 = arith.constant 1 : i32
        %get3A_399 = arith.index_cast %get3A_398 : i32 to index
        %get3A_400 = arith.index_cast %add3A_196 : i32 to index
        %get3A_401 = arith.constant 320 : index
        %get3A_402 = tpu.vector_load %arg9[%get3A_399, %get3A_400, %get3A_401] {strides = array<i32>} : memref<2x32x512xf32, #tpu.memory_space<vmem>>, vector<1x1x16xf32>,
        %get3A_403 = vector.shape_cast %get3A_402 : vector<1x1x16xf32> to vector<16xf32>
        %mul3A_404 = arith.mulf %gather3A_397, %get3A_403 : vector<16xf32>
        %add3A_405 = arith.addf %add3A_368, %mul3A_404 : vector<16xf32>
        %get3A_406 = arith.constant 1 : i32
        %get3A_407 = arith.index_cast %get3A_406 : i32 to index
        %get3A_408 = arith.index_cast %add3A_196 : i32 to index
        %get3A_409 = arith.constant 336 : index
        %get3A_410 = tpu.vector_load %arg9[%get3A_407, %get3A_408, %get3A_409] {strides = array<i32>} : memref<2x32x512xf32, #tpu.memory_space<vmem>>, vector<1x1x16xf32>,
        %get3A_411 = vector.shape_cast %get3A_410 : vector<1x1x16xf32> to vector<16xf32>
        %mul3A_412 = arith.mulf %gather3A_397, %get3A_411 : vector<16xf32>
        %add3A_413 = arith.addf %add3A_376, %mul3A_412 : vector<16xf32>
        %get3A_414 = arith.constant 1 : i32
        %get3A_415 = arith.index_cast %get3A_414 : i32 to index
        %get3A_416 = arith.index_cast %add3A_196 : i32 to index
        %get3A_417 = arith.constant 352 : index
        %get3A_418 = tpu.vector_load %arg9[%get3A_415, %get3A_416, %get3A_417] {strides = array<i32>} : memref<2x32x512xf32, #tpu.memory_space<vmem>>, vector<1x1x16xf32>,
        %get3A_419 = vector.shape_cast %get3A_418 : vector<1x1x16xf32> to vector<16xf32>
        %mul3A_420 = arith.mulf %gather3A_397, %get3A_419 : vector<16xf32>
        %add3A_421 = arith.addf %add3A_384, %mul3A_420 : vector<16xf32>
        %get3A_422 = arith.constant 1 : i32
        %get3A_423 = arith.index_cast %get3A_422 : i32 to index
        %get3A_424 = arith.index_cast %add3A_196 : i32 to index
        %get3A_425 = arith.constant 368 : index
        %get3A_426 = tpu.vector_load %arg9[%get3A_423, %get3A_424, %get3A_425] {strides = array<i32>} : memref<2x32x512xf32, #tpu.memory_space<vmem>>, vector<1x1x16xf32>,
        %get3A_427 = vector.shape_cast %get3A_426 : vector<1x1x16xf32> to vector<16xf32>
        %mul3A_428 = arith.mulf %gather3A_397, %get3A_427 : vector<16xf32>
        %add3A_429 = arith.addf %add3A_392, %mul3A_428 : vector<16xf32>
        %broadcast_in_dim3A_430 = arith.constant 6 : i32
        %broadcast_in_dim3A_431 = vector.broadcast %broadcast_in_dim3A_430 : i32 to vector<16xi32>
        %broadcast_in_dim3A_432 = vector.shape_cast %broadcast_in_dim3A_431 : vector<16xi32> to vector<16x1xi32>
        %gather3A_433 = vector.shape_cast %broadcast_in_dim3A_432 : vector<16x1xi32> to vector<16xi32>
        %gather3A_434 = tpu.dynamic_gather %get3A_201[%gather3A_433] in [0] : vector<16xf32>, vector<16xi32> -> vector<16xf32>
        %get3A_435 = arith.constant 1 : i32
        %get3A_436 = arith.index_cast %get3A_435 : i32 to index
        %get3A_437 = arith.index_cast %add3A_196 : i32 to index
        %get3A_438 = arith.constant 384 : index
        %get3A_439 = tpu.vector_load %arg9[%get3A_436, %get3A_437, %get3A_438] {strides = array<i32>} : memref<2x32x512xf32, #tpu.memory_space<vmem>>, vector<1x1x16xf32>,
        %get3A_440 = vector.shape_cast %get3A_439 : vector<1x1x16xf32> to vector<16xf32>
        %mul3A_441 = arith.mulf %gather3A_434, %get3A_440 : vector<16xf32>
        %add3A_442 = arith.addf %add3A_405, %mul3A_441 : vector<16xf32>
        %get3A_443 = arith.constant 1 : i32
        %get3A_444 = arith.index_cast %get3A_443 : i32 to index
        %get3A_445 = arith.index_cast %add3A_196 : i32 to index
        %get3A_446 = arith.constant 400 : index
        %get3A_447 = tpu.vector_load %arg9[%get3A_444, %get3A_445, %get3A_446] {strides = array<i32>} : memref<2x32x512xf32, #tpu.memory_space<vmem>>, vector<1x1x16xf32>,
        %get3A_448 = vector.shape_cast %get3A_447 : vector<1x1x16xf32> to vector<16xf32>
        %mul3A_449 = arith.mulf %gather3A_434, %get3A_448 : vector<16xf32>
        %add3A_450 = arith.addf %add3A_413, %mul3A_449 : vector<16xf32>
        %get3A_451 = arith.constant 1 : i32
        %get3A_452 = arith.index_cast %get3A_451 : i32 to index
        %get3A_453 = arith.index_cast %add3A_196 : i32 to index
        %get3A_454 = arith.constant 416 : index
        %get3A_455 = tpu.vector_load %arg9[%get3A_452, %get3A_453, %get3A_454] {strides = array<i32>} : memref<2x32x512xf32, #tpu.memory_space<vmem>>, vector<1x1x16xf32>,
        %get3A_456 = vector.shape_cast %get3A_455 : vector<1x1x16xf32> to vector<16xf32>
        %mul3A_457 = arith.mulf %gather3A_434, %get3A_456 : vector<16xf32>
        %add3A_458 = arith.addf %add3A_421, %mul3A_457 : vector<16xf32>
        %get3A_459 = arith.constant 1 : i32
        %get3A_460 = arith.index_cast %get3A_459 : i32 to index
        %get3A_461 = arith.index_cast %add3A_196 : i32 to index
        %get3A_462 = arith.constant 432 : index
        %get3A_463 = tpu.vector_load %arg9[%get3A_460, %get3A_461, %get3A_462] {strides = array<i32>} : memref<2x32x512xf32, #tpu.memory_space<vmem>>, vector<1x1x16xf32>,
        %get3A_464 = vector.shape_cast %get3A_463 : vector<1x1x16xf32> to vector<16xf32>
        %mul3A_465 = arith.mulf %gather3A_434, %get3A_464 : vector<16xf32>
        %add3A_466 = arith.addf %add3A_429, %mul3A_465 : vector<16xf32>
        %broadcast_in_dim3A_467 = arith.constant 7 : i32
        %broadcast_in_dim3A_468 = vector.broadcast %broadcast_in_dim3A_467 : i32 to vector<16xi32>
        %broadcast_in_dim3A_469 = vector.shape_cast %broadcast_in_dim3A_468 : vector<16xi32> to vector<16x1xi32>
        %gather3A_470 = vector.shape_cast %broadcast_in_dim3A_469 : vector<16x1xi32> to vector<16xi32>
        %gather3A_471 = tpu.dynamic_gather %get3A_201[%gather3A_470] in [0] : vector<16xf32>, vector<16xi32> -> vector<16xf32>
        %get3A_472 = arith.constant 1 : i32
        %get3A_473 = arith.index_cast %get3A_472 : i32 to index
        %get3A_474 = arith.index_cast %add3A_196 : i32 to index
        %get3A_475 = arith.constant 448 : index
        %get3A_476 = tpu.vector_load %arg9[%get3A_473, %get3A_474, %get3A_475] {strides = array<i32>} : memref<2x32x512xf32, #tpu.memory_space<vmem>>, vector<1x1x16xf32>,
        %get3A_477 = vector.shape_cast %get3A_476 : vector<1x1x16xf32> to vector<16xf32>
        %mul3A_478 = arith.mulf %gather3A_471, %get3A_477 : vector<16xf32>
        %add3A_479 = arith.addf %add3A_442, %mul3A_478 : vector<16xf32>
        %get3A_480 = arith.constant 1 : i32
        %get3A_481 = arith.index_cast %get3A_480 : i32 to index
        %get3A_482 = arith.index_cast %add3A_196 : i32 to index
        %get3A_483 = arith.constant 464 : index
        %get3A_484 = tpu.vector_load %arg9[%get3A_481, %get3A_482, %get3A_483] {strides = array<i32>} : memref<2x32x512xf32, #tpu.memory_space<vmem>>, vector<1x1x16xf32>,
        %get3A_485 = vector.shape_cast %get3A_484 : vector<1x1x16xf32> to vector<16xf32>
        %mul3A_486 = arith.mulf %gather3A_471, %get3A_485 : vector<16xf32>
        %add3A_487 = arith.addf %add3A_450, %mul3A_486 : vector<16xf32>
        %get3A_488 = arith.constant 1 : i32
        %get3A_489 = arith.index_cast %get3A_488 : i32 to index
        %get3A_490 = arith.index_cast %add3A_196 : i32 to index
        %get3A_491 = arith.constant 480 : index
        %get3A_492 = tpu.vector_load %arg9[%get3A_489, %get3A_490, %get3A_491] {strides = array<i32>} : memref<2x32x512xf32, #tpu.memory_space<vmem>>, vector<1x1x16xf32>,
        %get3A_493 = vector.shape_cast %get3A_492 : vector<1x1x16xf32> to vector<16xf32>
        %mul3A_494 = arith.mulf %gather3A_471, %get3A_493 : vector<16xf32>
        %add3A_495 = arith.addf %add3A_458, %mul3A_494 : vector<16xf32>
        %get3A_496 = arith.constant 1 : i32
        %get3A_497 = arith.index_cast %get3A_496 : i32 to index
        %get3A_498 = arith.index_cast %add3A_196 : i32 to index
        %get3A_499 = arith.constant 496 : index
        %get3A_500 = tpu.vector_load %arg9[%get3A_497, %get3A_498, %get3A_499] {strides = array<i32>} : memref<2x32x512xf32, #tpu.memory_space<vmem>>, vector<1x1x16xf32>,
        %get3A_501 = vector.shape_cast %get3A_500 : vector<1x1x16xf32> to vector<16xf32>
        %mul3A_502 = arith.mulf %gather3A_471, %get3A_501 : vector<16xf32>
        %add3A_503 = arith.addf %add3A_466, %mul3A_502 : vector<16xf32>
        %swap3A = arith.constant 1 : i32
        %swap3A_504 = arith.index_cast %swap3A : i32 to index
        %swap3A_505 = arith.index_cast %add3A_196 : i32 to index
        %swap3A_506 = arith.constant 0 : index
        %swap3A_507 = tpu.vector_load %arg11[%swap3A_504, %swap3A_505, %swap3A_506] {strides = array<i32>} : memref<2x32x64xf32, #tpu.memory_space<vmem>>, vector<1x1x16xf32>,
        %swap3A_508 = vector.shape_cast %swap3A_507 : vector<1x1x16xf32> to vector<16xf32>
        %swap3A_509 = vector.shape_cast %add3A_479 : vector<16xf32> to vector<1x1x16xf32>
        tpu.vector_store %arg11[%swap3A_504, %swap3A_505, %swap3A_506], %swap3A_509 {strides = array<i32>} : memref<2x32x64xf32, #tpu.memory_space<vmem>>, vector<1x1x16xf32>,
        %swap3A_510 = arith.constant 1 : i32
        %swap3A_511 = arith.index_cast %swap3A_510 : i32 to index
        %swap3A_512 = arith.index_cast %add3A_196 : i32 to index
        %swap3A_513 = arith.constant 16 : index
        %swap3A_514 = tpu.vector_load %arg11[%swap3A_511, %swap3A_512, %swap3A_513] {strides = array<i32>} : memref<2x32x64xf32, #tpu.memory_space<vmem>>, vector<1x1x16xf32>,
        %swap3A_515 = vector.shape_cast %swap3A_514 : vector<1x1x16xf32> to vector<16xf32>
        %swap3A_516 = vector.shape_cast %add3A_487 : vector<16xf32> to vector<1x1x16xf32>
        tpu.vector_store %arg11[%swap3A_511, %swap3A_512, %swap3A_513], %swap3A_516 {strides = array<i32>} : memref<2x32x64xf32, #tpu.memory_space<vmem>>, vector<1x1x16xf32>,
        %swap3A_517 = arith.constant 1 : i32
        %swap3A_518 = arith.index_cast %swap3A_517 : i32 to index
        %swap3A_519 = arith.index_cast %add3A_196 : i32 to index
        %swap3A_520 = arith.constant 32 : index
        %swap3A_521 = tpu.vector_load %arg11[%swap3A_518, %swap3A_519, %swap3A_520] {strides = array<i32>} : memref<2x32x64xf32, #tpu.memory_space<vmem>>, vector<1x1x16xf32>,
        %swap3A_522 = vector.shape_cast %swap3A_521 : vector<1x1x16xf32> to vector<16xf32>
        %swap3A_523 = vector.shape_cast %add3A_495 : vector<16xf32> to vector<1x1x16xf32>
        tpu.vector_store %arg11[%swap3A_518, %swap3A_519, %swap3A_520], %swap3A_523 {strides = array<i32>} : memref<2x32x64xf32, #tpu.memory_space<vmem>>, vector<1x1x16xf32>,
        %swap3A_524 = arith.constant 1 : i32
        %swap3A_525 = arith.index_cast %swap3A_524 : i32 to index
        %swap3A_526 = arith.index_cast %add3A_196 : i32 to index
        %swap3A_527 = arith.constant 48 : index
        %swap3A_528 = tpu.vector_load %arg11[%swap3A_525, %swap3A_526, %swap3A_527] {strides = array<i32>} : memref<2x32x64xf32, #tpu.memory_space<vmem>>, vector<1x1x16xf32>,
        %swap3A_529 = vector.shape_cast %swap3A_528 : vector<1x1x16xf32> to vector<16xf32>
        %swap3A_530 = vector.shape_cast %add3A_503 : vector<16xf32> to vector<1x1x16xf32>
        tpu.vector_store %arg11[%swap3A_525, %swap3A_526, %swap3A_527], %swap3A_530 {strides = array<i32>} : memref<2x32x64xf32, #tpu.memory_space<vmem>>, vector<1x1x16xf32>,
      }
      %scan3A_180 = arith.constant 32 : i32
      %dma_start3A_181 = arith.constant 1 : i32
      %dma_start3A_182 = arith.constant 0 : i32
      %dma_start3A_183 = arith.constant 0 : i32
      %dma_start3A_184 = tpu.memref_slice %arg11[%dma_start3A_181, %dma_start3A_182, %dma_start3A_183] : memref<2x32x64xf32, #tpu.memory_space<vmem>> -> memref<1x32x64xf32, #tpu.memory_space<vmem>>
      %dma_start3A_185 = tpu.memref_squeeze %dma_start3A_184 : memref<1x32x64xf32, #tpu.memory_space<vmem>> -> memref<32x64xf32, #tpu.memory_space<vmem>>
      %dma_start3A_186 = arith.constant 0 : i32
      %dma_start3A_187 = tpu.memref_slice %arg8[%add3A_135, %dma_start3A_186] : memref<168x32xi32, #tpu.memory_space<vmem>> -> memref<1x32xi32, #tpu.memory_space<vmem>>
      %dma_start3A_188 = tpu.memref_squeeze %dma_start3A_187 : memref<1x32xi32, #tpu.memory_space<vmem>> -> memref<32xi32, #tpu.memory_space<vmem>>
      %dma_start3A_189 = arith.constant 0 : i32
      %dma_start3A_190 = arith.constant 0 : i32
      %dma_start3A_191 = tpu.memref_slice %arg13[%dma_start3A_189, %dma_start3A_190] : memref<10240x64xf32, #tpu.memory_space<vmem_shared>> -> memref<10240x64xf32, #tpu.memory_space<vmem_shared>>
      tpu.enqueue_indirect_dma source(%dma_start3A_185 : memref<32x64xf32, #tpu.memory_space<vmem>>) target(%dma_start3A_191 : memref<10240x64xf32, #tpu.memory_space<vmem_shared>>) offsets(%dma_start3A_188 : memref<32xi32, #tpu.memory_space<vmem>>) semaphore(%arg19 : memref<!tpu.dma_semaphore, #tpu.memory_space<semaphore_mem>>) {add = true}
    }
    %scan3A_46 = arith.constant 84 : i32
    %dma_wait3A = arith.constant 0 : i32
    %dma_wait3A_47 = arith.constant 0 : i32
    %dma_wait3A_48 = arith.constant 0 : i32
    %dma_wait3A_49 = arith.constant 0 : i32
    %dma_wait3A_50 = tpu.memref_slice %arg11[%dma_wait3A, %dma_wait3A_48, %dma_wait3A_49] : memref<2x32x64xf32, #tpu.memory_space<vmem>> -> memref<1x32x64xf32, #tpu.memory_space<vmem>>
    %dma_wait3A_51 = tpu.memref_squeeze %dma_wait3A_50 : memref<1x32x64xf32, #tpu.memory_space<vmem>> -> memref<32x64xf32, #tpu.memory_space<vmem>>
    %dma_wait3A_52 = arith.constant 0 : i32
    %dma_wait3A_53 = tpu.memref_slice %arg8[%dma_wait3A_47, %dma_wait3A_52] : memref<168x32xi32, #tpu.memory_space<vmem>> -> memref<1x32xi32, #tpu.memory_space<vmem>>
    %dma_wait3A_54 = tpu.memref_squeeze %dma_wait3A_53 : memref<1x32xi32, #tpu.memory_space<vmem>> -> memref<32xi32, #tpu.memory_space<vmem>>
    %dma_wait3A_55 = arith.constant 0 : i32
    %dma_wait3A_56 = arith.constant 0 : i32
    %dma_wait3A_57 = tpu.memref_slice %arg13[%dma_wait3A_55, %dma_wait3A_56] : memref<10240x64xf32, #tpu.memory_space<vmem_shared>> -> memref<10240x64xf32, #tpu.memory_space<vmem_shared>>
    tpu.wait_indirect_dma semaphore(%arg18 : memref<!tpu.dma_semaphore, #tpu.memory_space<semaphore_mem>>) src(%dma_wait3A_51 : memref<32x64xf32, #tpu.memory_space<vmem>>) dst(%dma_wait3A_57 : memref<10240x64xf32, #tpu.memory_space<vmem_shared>>)
    %dma_wait3A_58 = arith.constant 1 : i32
    %dma_wait3A_59 = arith.constant 0 : i32
    %dma_wait3A_60 = arith.constant 0 : i32
    %dma_wait3A_61 = arith.constant 0 : i32
    %dma_wait3A_62 = tpu.memref_slice %arg11[%dma_wait3A_58, %dma_wait3A_60, %dma_wait3A_61] : memref<2x32x64xf32, #tpu.memory_space<vmem>> -> memref<1x32x64xf32, #tpu.memory_space<vmem>>
    %dma_wait3A_63 = tpu.memref_squeeze %dma_wait3A_62 : memref<1x32x64xf32, #tpu.memory_space<vmem>> -> memref<32x64xf32, #tpu.memory_space<vmem>>
    %dma_wait3A_64 = arith.constant 0 : i32
    %dma_wait3A_65 = tpu.memref_slice %arg8[%dma_wait3A_59, %dma_wait3A_64] : memref<168x32xi32, #tpu.memory_space<vmem>> -> memref<1x32xi32, #tpu.memory_space<vmem>>
    %dma_wait3A_66 = tpu.memref_squeeze %dma_wait3A_65 : memref<1x32xi32, #tpu.memory_space<vmem>> -> memref<32xi32, #tpu.memory_space<vmem>>
    %dma_wait3A_67 = arith.constant 0 : i32
    %dma_wait3A_68 = arith.constant 0 : i32
    %dma_wait3A_69 = tpu.memref_slice %arg13[%dma_wait3A_67, %dma_wait3A_68] : memref<10240x64xf32, #tpu.memory_space<vmem_shared>> -> memref<10240x64xf32, #tpu.memory_space<vmem_shared>>
    tpu.wait_indirect_dma semaphore(%arg19 : memref<!tpu.dma_semaphore, #tpu.memory_space<semaphore_mem>>) src(%dma_wait3A_63 : memref<32x64xf32, #tpu.memory_space<vmem>>) dst(%dma_wait3A_69 : memref<10240x64xf32, #tpu.memory_space<vmem_shared>>)
    %barrier3A_70 = arith.constant 0 : index
    tpu.barrier barrier_id(%barrier3A_70)
    %mul3A_71 = arith.constant 640 : i32
    %mul3A_72 = arith.muli %arg1, %mul3A_71 : i32
    %mul3A_73 = arith.constant 640 : i32
    %mul3A_74 = arith.muli %arg1, %mul3A_73 : i32
    "tpu.region"() ({
      %run_scoped3A = tpu.sem_alloc : memref<!tpu.dma_semaphore, #tpu.memory_space<semaphore_mem>>
      %dma_start3A_75 = arith.constant 0 : i32
      %dma_start3A_76 = tpu.memref_slice %arg6[%arg0, %mul3A_74, %dma_start3A_75] : memref<2x10240x64xf32, #tpu.memory_space<hbm>> -> memref<1x640x64xf32, #tpu.memory_space<hbm>>
      %dma_start3A_77 = tpu.memref_squeeze %dma_start3A_76 : memref<1x640x64xf32, #tpu.memory_space<hbm>> -> memref<640x64xf32, #tpu.memory_space<hbm>>
      %dma_start3A_78 = arith.constant 0 : i32
      %dma_start3A_79 = tpu.memref_slice %arg13[%mul3A_72, %dma_start3A_78] : memref<10240x64xf32, #tpu.memory_space<vmem_shared>> -> memref<640x64xf32, #tpu.memory_space<vmem_shared>>
      tpu.enqueue_dma source(%dma_start3A_79 : memref<640x64xf32, #tpu.memory_space<vmem_shared>>) target(%dma_start3A_77 : memref<640x64xf32, #tpu.memory_space<hbm>>) target_semaphore(%run_scoped3A : memref<!tpu.dma_semaphore, #tpu.memory_space<semaphore_mem>>)
      %dma_wait3A_80 = arith.constant 0 : i32
      %dma_wait3A_81 = tpu.memref_slice %arg6[%arg0, %mul3A_74, %dma_wait3A_80] : memref<2x10240x64xf32, #tpu.memory_space<hbm>> -> memref<1x640x64xf32, #tpu.memory_space<hbm>>
      %dma_wait3A_82 = tpu.memref_squeeze %dma_wait3A_81 : memref<1x640x64xf32, #tpu.memory_space<hbm>> -> memref<640x64xf32, #tpu.memory_space<hbm>>
      %dma_wait3A_83 = arith.constant 0 : i32
      %dma_wait3A_84 = tpu.memref_slice %arg13[%mul3A_72, %dma_wait3A_83] : memref<10240x64xf32, #tpu.memory_space<vmem_shared>> -> memref<640x64xf32, #tpu.memory_space<vmem_shared>>
      tpu.wait_dma2 semaphore(%run_scoped3A : memref<!tpu.dma_semaphore, #tpu.memory_space<semaphore_mem>>) src(%dma_wait3A_84 : memref<640x64xf32, #tpu.memory_space<vmem_shared>>) dst(%dma_wait3A_82 : memref<640x64xf32, #tpu.memory_space<hbm>>)
      tpu.yield
    }) : () -> ()
    return
  }
}

#map = affine_map<(d0, d1) -> (0, 0, 0)>
#map1 = affine_map<(d0, d1) -> (0, 0)>
module attributes {stable_mosaic.version = 14 : i64} {
  func.func @_sc15_body(%arg0: i32, %arg1: i32, %arg2: memref<32x42x128xi32, #tpu.memory_space<hbm>>, %arg3: memref<1344x128x16xf32, #tpu.memory_space<hbm>>, %arg4: memref<10240x128xf32, #tpu.memory_space<hbm>>, %arg5: memref<1344x128x16xf32, #tpu.memory_space<hbm>>, %arg6: memref<42x128xi32, #tpu.memory_space<vmem>>, %arg7: memref<2x128x128xf32, #tpu.memory_space<vmem>>, %arg8: memref<2x128x16xf32, #tpu.memory_space<vmem>>, %arg9: memref<2x128x16xf32, #tpu.memory_space<vmem>>, %arg10: memref<!tpu.dma_semaphore, #tpu.memory_space<semaphore_mem>>, %arg11: memref<!tpu.dma_semaphore, #tpu.memory_space<semaphore_mem>>, %arg12: memref<!tpu.dma_semaphore, #tpu.memory_space<semaphore_mem>>, %arg13: memref<!tpu.dma_semaphore, #tpu.memory_space<semaphore_mem>>, %arg14: memref<!tpu.dma_semaphore, #tpu.memory_space<semaphore_mem>>, %arg15: memref<!tpu.dma_semaphore, #tpu.memory_space<semaphore_mem>>) attributes {dimension_semantics = [#tpu.dimension_semantics<core_parallel>, #tpu.dimension_semantics<subcore_parallel>], iteration_bounds = array<i64: 2, 16>, scalar_prefetch = 0 : i64, scratch_operands = 10 : i64, tpu.core_type = #tpu.core_type<sc_vector_subcore>, window_params = [{transform_indices = #map}, {transform_indices = #map}, {transform_indices = #map1}, {transform_indices = #map}]} {
    %mul3A = arith.constant 16 : i32
    %mul3A_0 = arith.muli %arg0, %mul3A : i32
    %add3A = arith.addi %mul3A_0, %arg1 : i32
    "tpu.region"() ({
      %run_scoped3A = tpu.sem_alloc : memref<!tpu.dma_semaphore, #tpu.memory_space<semaphore_mem>>
      %dma_start3A_72 = arith.constant 0 : i32
      %dma_start3A_73 = arith.constant 0 : i32
      %dma_start3A_74 = tpu.memref_slice %arg2[%add3A, %dma_start3A_72, %dma_start3A_73] : memref<32x42x128xi32, #tpu.memory_space<hbm>> -> memref<1x42x128xi32, #tpu.memory_space<hbm>>
      %dma_start3A_75 = tpu.memref_squeeze %dma_start3A_74 : memref<1x42x128xi32, #tpu.memory_space<hbm>> -> memref<42x128xi32, #tpu.memory_space<hbm>>
      %dma_start3A_76 = arith.constant 0 : i32
      %dma_start3A_77 = arith.constant 0 : i32
      %dma_start3A_78 = tpu.memref_slice %arg2[%add3A, %dma_start3A_76, %dma_start3A_77] : memref<32x42x128xi32, #tpu.memory_space<hbm>> -> memref<1x42x128xi32, #tpu.memory_space<hbm>>
      %dma_start3A_79 = tpu.memref_squeeze %dma_start3A_78 : memref<1x42x128xi32, #tpu.memory_space<hbm>> -> memref<42x128xi32, #tpu.memory_space<hbm>>
      tpu.enqueue_dma source(%dma_start3A_79 : memref<42x128xi32, #tpu.memory_space<hbm>>) target(%arg6 : memref<42x128xi32, #tpu.memory_space<vmem>>) target_semaphore(%run_scoped3A : memref<!tpu.dma_semaphore, #tpu.memory_space<semaphore_mem>>)
      %dma_wait3A_80 = arith.constant 0 : i32
      %dma_wait3A_81 = arith.constant 0 : i32
      %dma_wait3A_82 = tpu.memref_slice %arg2[%add3A, %dma_wait3A_80, %dma_wait3A_81] : memref<32x42x128xi32, #tpu.memory_space<hbm>> -> memref<1x42x128xi32, #tpu.memory_space<hbm>>
      %dma_wait3A_83 = tpu.memref_squeeze %dma_wait3A_82 : memref<1x42x128xi32, #tpu.memory_space<hbm>> -> memref<42x128xi32, #tpu.memory_space<hbm>>
      %dma_wait3A_84 = arith.constant 0 : i32
      %dma_wait3A_85 = arith.constant 0 : i32
      %dma_wait3A_86 = tpu.memref_slice %arg2[%add3A, %dma_wait3A_84, %dma_wait3A_85] : memref<32x42x128xi32, #tpu.memory_space<hbm>> -> memref<1x42x128xi32, #tpu.memory_space<hbm>>
      %dma_wait3A_87 = tpu.memref_squeeze %dma_wait3A_86 : memref<1x42x128xi32, #tpu.memory_space<hbm>> -> memref<42x128xi32, #tpu.memory_space<hbm>>
      tpu.wait_dma2 semaphore(%run_scoped3A : memref<!tpu.dma_semaphore, #tpu.memory_space<semaphore_mem>>) src(%dma_wait3A_87 : memref<42x128xi32, #tpu.memory_space<hbm>>) dst(%arg6 : memref<42x128xi32, #tpu.memory_space<vmem>>)
      tpu.yield
    }) : () -> ()
    %dma_start3A = arith.constant 0 : i32
    %dma_start3A_1 = arith.constant 0 : i32
    %dma_start3A_2 = arith.constant 0 : i32
    %dma_start3A_3 = arith.constant 0 : i32
    %dma_start3A_4 = tpu.memref_slice %arg7[%dma_start3A_1, %dma_start3A_2, %dma_start3A_3] : memref<2x128x128xf32, #tpu.memory_space<vmem>> -> memref<1x128x128xf32, #tpu.memory_space<vmem>>
    %dma_start3A_5 = tpu.memref_squeeze %dma_start3A_4 : memref<1x128x128xf32, #tpu.memory_space<vmem>> -> memref<128x128xf32, #tpu.memory_space<vmem>>
    %dma_start3A_6 = arith.constant 0 : i32
    %dma_start3A_7 = tpu.memref_slice %arg6[%dma_start3A, %dma_start3A_6] : memref<42x128xi32, #tpu.memory_space<vmem>> -> memref<1x128xi32, #tpu.memory_space<vmem>>
    %dma_start3A_8 = tpu.memref_squeeze %dma_start3A_7 : memref<1x128xi32, #tpu.memory_space<vmem>> -> memref<128xi32, #tpu.memory_space<vmem>>
    %dma_start3A_9 = arith.constant 0 : i32
    %dma_start3A_10 = arith.constant 0 : i32
    %dma_start3A_11 = tpu.memref_slice %arg4[%dma_start3A_9, %dma_start3A_10] : memref<10240x128xf32, #tpu.memory_space<hbm>> -> memref<10240x128xf32, #tpu.memory_space<hbm>>
    tpu.enqueue_indirect_dma source(%dma_start3A_11 : memref<10240x128xf32, #tpu.memory_space<hbm>>) target(%dma_start3A_5 : memref<128x128xf32, #tpu.memory_space<vmem>>) offsets(%dma_start3A_8 : memref<128xi32, #tpu.memory_space<vmem>>) semaphore(%arg10 : memref<!tpu.dma_semaphore, #tpu.memory_space<semaphore_mem>>)
    %mul3A_12 = arith.constant 42 : i32
    %mul3A_13 = arith.muli %add3A, %mul3A_12 : i32
    %add3A_14 = arith.constant 0 : i32
    %add3A_15 = arith.addi %mul3A_13, %add3A_14 : i32
    %dma_start3A_16 = arith.constant 0 : i32
    %dma_start3A_17 = arith.constant 0 : i32
    %dma_start3A_18 = arith.constant 0 : i32
    %dma_start3A_19 = tpu.memref_slice %arg8[%dma_start3A_16, %dma_start3A_17, %dma_start3A_18] : memref<2x128x16xf32, #tpu.memory_space<vmem>> -> memref<1x128x16xf32, #tpu.memory_space<vmem>>
    %dma_start3A_20 = tpu.memref_squeeze %dma_start3A_19 : memref<1x128x16xf32, #tpu.memory_space<vmem>> -> memref<128x16xf32, #tpu.memory_space<vmem>>
    %dma_start3A_21 = arith.constant 0 : i32
    %dma_start3A_22 = arith.constant 0 : i32
    %dma_start3A_23 = tpu.memref_slice %arg3[%add3A_15, %dma_start3A_21, %dma_start3A_22] : memref<1344x128x16xf32, #tpu.memory_space<hbm>> -> memref<1x128x16xf32, #tpu.memory_space<hbm>>
    %dma_start3A_24 = tpu.memref_squeeze %dma_start3A_23 : memref<1x128x16xf32, #tpu.memory_space<hbm>> -> memref<128x16xf32, #tpu.memory_space<hbm>>
    %dma_start3A_25 = arith.constant 0 : i32
    %dma_start3A_26 = arith.constant 0 : i32
    %dma_start3A_27 = tpu.memref_slice %arg8[%dma_start3A_16, %dma_start3A_25, %dma_start3A_26] : memref<2x128x16xf32, #tpu.memory_space<vmem>> -> memref<1x128x16xf32, #tpu.memory_space<vmem>>
    %dma_start3A_28 = tpu.memref_squeeze %dma_start3A_27 : memref<1x128x16xf32, #tpu.memory_space<vmem>> -> memref<128x16xf32, #tpu.memory_space<vmem>>
    %dma_start3A_29 = arith.constant 0 : i32
    %dma_start3A_30 = arith.constant 0 : i32
    %dma_start3A_31 = tpu.memref_slice %arg3[%add3A_15, %dma_start3A_29, %dma_start3A_30] : memref<1344x128x16xf32, #tpu.memory_space<hbm>> -> memref<1x128x16xf32, #tpu.memory_space<hbm>>
    %dma_start3A_32 = tpu.memref_squeeze %dma_start3A_31 : memref<1x128x16xf32, #tpu.memory_space<hbm>> -> memref<128x16xf32, #tpu.memory_space<hbm>>
    tpu.enqueue_dma source(%dma_start3A_32 : memref<128x16xf32, #tpu.memory_space<hbm>>) target(%dma_start3A_28 : memref<128x16xf32, #tpu.memory_space<vmem>>) target_semaphore(%arg12 : memref<!tpu.dma_semaphore, #tpu.memory_space<semaphore_mem>>)
    %scan3A = arith.constant 0 : i32
    %scan3A_33 = arith.constant 21 : i32
    %scan3A_34 = arith.addi %scan3A, %scan3A_33 : i32
    %scan3A_35 = arith.constant 1 : i32
    scf.for %scan3A_72 = %scan3A to %scan3A_34 step %scan3A_35  : i32 {
      %mul3A_73 = arith.constant 2 : i32
      %mul3A_74 = arith.muli %scan3A_72, %mul3A_73 : i32
      %add3A_75 = arith.constant 0 : i32
      %add3A_76 = arith.addi %add3A_75, %mul3A_74 : i32
      %add3A_77 = arith.constant 0 : i32
      %add3A_78 = arith.addi %add3A_76, %add3A_77 : i32
      %add3A_79 = arith.constant 1 : i32
      %add3A_80 = arith.addi %add3A_78, %add3A_79 : i32
      %lt3A = arith.constant 42 : i32
      %lt3A_81 = arith.cmpi slt, %add3A_80, %lt3A : i32
      %convert_element_type3A = arith.extui %lt3A_81 : i1 to i32
      %cond3A = arith.constant 0 : i32
      %cond3A_82 = arith.cmpi ne, %convert_element_type3A, %cond3A : i32
      scf.if %cond3A_82 {
        %add3A_211 = arith.constant 1 : i32
        %add3A_212 = arith.addi %add3A_78, %add3A_211 : i32
        %dma_start3A_213 = arith.constant 1 : i32
        %dma_start3A_214 = arith.constant 0 : i32
        %dma_start3A_215 = arith.constant 0 : i32
        %dma_start3A_216 = tpu.memref_slice %arg7[%dma_start3A_213, %dma_start3A_214, %dma_start3A_215] : memref<2x128x128xf32, #tpu.memory_space<vmem>> -> memref<1x128x128xf32, #tpu.memory_space<vmem>>
        %dma_start3A_217 = tpu.memref_squeeze %dma_start3A_216 : memref<1x128x128xf32, #tpu.memory_space<vmem>> -> memref<128x128xf32, #tpu.memory_space<vmem>>
        %dma_start3A_218 = arith.constant 0 : i32
        %dma_start3A_219 = tpu.memref_slice %arg6[%add3A_212, %dma_start3A_218] : memref<42x128xi32, #tpu.memory_space<vmem>> -> memref<1x128xi32, #tpu.memory_space<vmem>>
        %dma_start3A_220 = tpu.memref_squeeze %dma_start3A_219 : memref<1x128xi32, #tpu.memory_space<vmem>> -> memref<128xi32, #tpu.memory_space<vmem>>
        %dma_start3A_221 = arith.constant 0 : i32
        %dma_start3A_222 = arith.constant 0 : i32
        %dma_start3A_223 = tpu.memref_slice %arg4[%dma_start3A_221, %dma_start3A_222] : memref<10240x128xf32, #tpu.memory_space<hbm>> -> memref<10240x128xf32, #tpu.memory_space<hbm>>
        tpu.enqueue_indirect_dma source(%dma_start3A_223 : memref<10240x128xf32, #tpu.memory_space<hbm>>) target(%dma_start3A_217 : memref<128x128xf32, #tpu.memory_space<vmem>>) offsets(%dma_start3A_220 : memref<128xi32, #tpu.memory_space<vmem>>) semaphore(%arg11 : memref<!tpu.dma_semaphore, #tpu.memory_space<semaphore_mem>>)
        %mul3A_224 = arith.constant 42 : i32
        %mul3A_225 = arith.muli %add3A, %mul3A_224 : i32
        %add3A_226 = arith.addi %mul3A_225, %add3A_212 : i32
        %dma_start3A_227 = arith.constant 1 : i32
        %dma_start3A_228 = arith.constant 0 : i32
        %dma_start3A_229 = arith.constant 0 : i32
        %dma_start3A_230 = tpu.memref_slice %arg8[%dma_start3A_227, %dma_start3A_228, %dma_start3A_229] : memref<2x128x16xf32, #tpu.memory_space<vmem>> -> memref<1x128x16xf32, #tpu.memory_space<vmem>>
        %dma_start3A_231 = tpu.memref_squeeze %dma_start3A_230 : memref<1x128x16xf32, #tpu.memory_space<vmem>> -> memref<128x16xf32, #tpu.memory_space<vmem>>
        %dma_start3A_232 = arith.constant 0 : i32
        %dma_start3A_233 = arith.constant 0 : i32
        %dma_start3A_234 = tpu.memref_slice %arg3[%add3A_226, %dma_start3A_232, %dma_start3A_233] : memref<1344x128x16xf32, #tpu.memory_space<hbm>> -> memref<1x128x16xf32, #tpu.memory_space<hbm>>
        %dma_start3A_235 = tpu.memref_squeeze %dma_start3A_234 : memref<1x128x16xf32, #tpu.memory_space<hbm>> -> memref<128x16xf32, #tpu.memory_space<hbm>>
        %dma_start3A_236 = arith.constant 0 : i32
        %dma_start3A_237 = arith.constant 0 : i32
        %dma_start3A_238 = tpu.memref_slice %arg8[%dma_start3A_227, %dma_start3A_236, %dma_start3A_237] : memref<2x128x16xf32, #tpu.memory_space<vmem>> -> memref<1x128x16xf32, #tpu.memory_space<vmem>>
        %dma_start3A_239 = tpu.memref_squeeze %dma_start3A_238 : memref<1x128x16xf32, #tpu.memory_space<vmem>> -> memref<128x16xf32, #tpu.memory_space<vmem>>
        %dma_start3A_240 = arith.constant 0 : i32
        %dma_start3A_241 = arith.constant 0 : i32
        %dma_start3A_242 = tpu.memref_slice %arg3[%add3A_226, %dma_start3A_240, %dma_start3A_241] : memref<1344x128x16xf32, #tpu.memory_space<hbm>> -> memref<1x128x16xf32, #tpu.memory_space<hbm>>
        %dma_start3A_243 = tpu.memref_squeeze %dma_start3A_242 : memref<1x128x16xf32, #tpu.memory_space<hbm>> -> memref<128x16xf32, #tpu.memory_space<hbm>>
        tpu.enqueue_dma source(%dma_start3A_243 : memref<128x16xf32, #tpu.memory_space<hbm>>) target(%dma_start3A_239 : memref<128x16xf32, #tpu.memory_space<vmem>>) target_semaphore(%arg13 : memref<!tpu.dma_semaphore, #tpu.memory_space<semaphore_mem>>)
      } else {
      }
      %dma_wait3A_83 = arith.constant 0 : i32
      %dma_wait3A_84 = arith.constant 0 : i32
      %dma_wait3A_85 = arith.constant 0 : i32
      %dma_wait3A_86 = arith.constant 0 : i32
      %dma_wait3A_87 = tpu.memref_slice %arg7[%dma_wait3A_84, %dma_wait3A_85, %dma_wait3A_86] : memref<2x128x128xf32, #tpu.memory_space<vmem>> -> memref<1x128x128xf32, #tpu.memory_space<vmem>>
      %dma_wait3A_88 = tpu.memref_squeeze %dma_wait3A_87 : memref<1x128x128xf32, #tpu.memory_space<vmem>> -> memref<128x128xf32, #tpu.memory_space<vmem>>
      %dma_wait3A_89 = arith.constant 0 : i32
      %dma_wait3A_90 = tpu.memref_slice %arg6[%dma_wait3A_83, %dma_wait3A_89] : memref<42x128xi32, #tpu.memory_space<vmem>> -> memref<1x128xi32, #tpu.memory_space<vmem>>
      %dma_wait3A_91 = tpu.memref_squeeze %dma_wait3A_90 : memref<1x128xi32, #tpu.memory_space<vmem>> -> memref<128xi32, #tpu.memory_space<vmem>>
      %dma_wait3A_92 = arith.constant 0 : i32
      %dma_wait3A_93 = arith.constant 0 : i32
      %dma_wait3A_94 = tpu.memref_slice %arg4[%dma_wait3A_92, %dma_wait3A_93] : memref<10240x128xf32, #tpu.memory_space<hbm>> -> memref<10240x128xf32, #tpu.memory_space<hbm>>
      tpu.wait_indirect_dma semaphore(%arg10 : memref<!tpu.dma_semaphore, #tpu.memory_space<semaphore_mem>>) src(%dma_wait3A_94 : memref<10240x128xf32, #tpu.memory_space<hbm>>) dst(%dma_wait3A_88 : memref<128x128xf32, #tpu.memory_space<vmem>>)
      %dma_wait3A_95 = arith.constant 0 : i32
      %dma_wait3A_96 = arith.constant 0 : i32
      %dma_wait3A_97 = arith.constant 0 : i32
      %dma_wait3A_98 = arith.constant 0 : i32
      %dma_wait3A_99 = tpu.memref_slice %arg8[%dma_wait3A_96, %dma_wait3A_97, %dma_wait3A_98] : memref<2x128x16xf32, #tpu.memory_space<vmem>> -> memref<1x128x16xf32, #tpu.memory_space<vmem>>
      %dma_wait3A_100 = tpu.memref_squeeze %dma_wait3A_99 : memref<1x128x16xf32, #tpu.memory_space<vmem>> -> memref<128x16xf32, #tpu.memory_space<vmem>>
      %dma_wait3A_101 = arith.constant 0 : i32
      %dma_wait3A_102 = arith.constant 0 : i32
      %dma_wait3A_103 = tpu.memref_slice %arg3[%dma_wait3A_95, %dma_wait3A_101, %dma_wait3A_102] : memref<1344x128x16xf32, #tpu.memory_space<hbm>> -> memref<1x128x16xf32, #tpu.memory_space<hbm>>
      %dma_wait3A_104 = tpu.memref_squeeze %dma_wait3A_103 : memref<1x128x16xf32, #tpu.memory_space<hbm>> -> memref<128x16xf32, #tpu.memory_space<hbm>>
      %dma_wait3A_105 = arith.constant 0 : i32
      %dma_wait3A_106 = arith.constant 0 : i32
      %dma_wait3A_107 = tpu.memref_slice %arg8[%dma_wait3A_96, %dma_wait3A_105, %dma_wait3A_106] : memref<2x128x16xf32, #tpu.memory_space<vmem>> -> memref<1x128x16xf32, #tpu.memory_space<vmem>>
      %dma_wait3A_108 = tpu.memref_squeeze %dma_wait3A_107 : memref<1x128x16xf32, #tpu.memory_space<vmem>> -> memref<128x16xf32, #tpu.memory_space<vmem>>
      %dma_wait3A_109 = arith.constant 0 : i32
      %dma_wait3A_110 = arith.constant 0 : i32
      %dma_wait3A_111 = tpu.memref_slice %arg3[%dma_wait3A_95, %dma_wait3A_109, %dma_wait3A_110] : memref<1344x128x16xf32, #tpu.memory_space<hbm>> -> memref<1x128x16xf32, #tpu.memory_space<hbm>>
      %dma_wait3A_112 = tpu.memref_squeeze %dma_wait3A_111 : memref<1x128x16xf32, #tpu.memory_space<hbm>> -> memref<128x16xf32, #tpu.memory_space<hbm>>
      tpu.wait_dma2 semaphore(%arg12 : memref<!tpu.dma_semaphore, #tpu.memory_space<semaphore_mem>>) src(%dma_wait3A_112 : memref<128x16xf32, #tpu.memory_space<hbm>>) dst(%dma_wait3A_108 : memref<128x16xf32, #tpu.memory_space<vmem>>)
      %ge3A = arith.constant 2 : i32
      %ge3A_113 = arith.cmpi sge, %add3A_78, %ge3A : i32
      %convert_element_type3A_114 = arith.extui %ge3A_113 : i1 to i32
      %cond3A_115 = arith.constant 0 : i32
      %cond3A_116 = arith.cmpi ne, %convert_element_type3A_114, %cond3A_115 : i32
      scf.if %cond3A_116 {
        %dma_wait3A_211 = arith.constant 0 : i32
        %dma_wait3A_212 = arith.constant 0 : i32
        %dma_wait3A_213 = arith.constant 0 : i32
        %dma_wait3A_214 = arith.constant 0 : i32
        %dma_wait3A_215 = tpu.memref_slice %arg9[%dma_wait3A_211, %dma_wait3A_213, %dma_wait3A_214] : memref<2x128x16xf32, #tpu.memory_space<vmem>> -> memref<1x128x16xf32, #tpu.memory_space<vmem>>
        %dma_wait3A_216 = tpu.memref_squeeze %dma_wait3A_215 : memref<1x128x16xf32, #tpu.memory_space<vmem>> -> memref<128x16xf32, #tpu.memory_space<vmem>>
        %dma_wait3A_217 = arith.constant 0 : i32
        %dma_wait3A_218 = arith.constant 0 : i32
        %dma_wait3A_219 = tpu.memref_slice %arg5[%dma_wait3A_212, %dma_wait3A_217, %dma_wait3A_218] : memref<1344x128x16xf32, #tpu.memory_space<hbm>> -> memref<1x128x16xf32, #tpu.memory_space<hbm>>
        %dma_wait3A_220 = tpu.memref_squeeze %dma_wait3A_219 : memref<1x128x16xf32, #tpu.memory_space<hbm>> -> memref<128x16xf32, #tpu.memory_space<hbm>>
        %dma_wait3A_221 = arith.constant 0 : i32
        %dma_wait3A_222 = arith.constant 0 : i32
        %dma_wait3A_223 = tpu.memref_slice %arg5[%dma_wait3A_212, %dma_wait3A_221, %dma_wait3A_222] : memref<1344x128x16xf32, #tpu.memory_space<hbm>> -> memref<1x128x16xf32, #tpu.memory_space<hbm>>
        %dma_wait3A_224 = tpu.memref_squeeze %dma_wait3A_223 : memref<1x128x16xf32, #tpu.memory_space<hbm>> -> memref<128x16xf32, #tpu.memory_space<hbm>>
        %dma_wait3A_225 = arith.constant 0 : i32
        %dma_wait3A_226 = arith.constant 0 : i32
        %dma_wait3A_227 = tpu.memref_slice %arg9[%dma_wait3A_211, %dma_wait3A_225, %dma_wait3A_226] : memref<2x128x16xf32, #tpu.memory_space<vmem>> -> memref<1x128x16xf32, #tpu.memory_space<vmem>>
        %dma_wait3A_228 = tpu.memref_squeeze %dma_wait3A_227 : memref<1x128x16xf32, #tpu.memory_space<vmem>> -> memref<128x16xf32, #tpu.memory_space<vmem>>
        tpu.wait_dma2 semaphore(%arg14 : memref<!tpu.dma_semaphore, #tpu.memory_space<semaphore_mem>>) src(%dma_wait3A_228 : memref<128x16xf32, #tpu.memory_space<vmem>>) dst(%dma_wait3A_224 : memref<128x16xf32, #tpu.memory_space<hbm>>)
      } else {
      }
      %scan3A_117 = arith.constant 0 : i32
      %scan3A_118 = arith.constant 128 : i32
      %scan3A_119 = arith.addi %scan3A_117, %scan3A_118 : i32
      %scan3A_120 = arith.constant 1 : i32
      scf.for %scan3A_211 = %scan3A_117 to %scan3A_119 step %scan3A_120  : i32 {
        %mul3A_212 = arith.constant 1 : i32
        %mul3A_213 = arith.muli %scan3A_211, %mul3A_212 : i32
        %add3A_214 = arith.constant 0 : i32
        %add3A_215 = arith.addi %add3A_214, %mul3A_213 : i32
        %get3A = arith.constant 0 : i32
        %get3A_216 = arith.index_cast %get3A : i32 to index
        %get3A_217 = arith.index_cast %add3A_215 : i32 to index
        %get3A_218 = arith.constant 0 : index
        %get3A_219 = tpu.vector_load %arg8[%get3A_216, %get3A_217, %get3A_218] {strides = array<i32>} : memref<2x128x16xf32, #tpu.memory_space<vmem>>, vector<1x1x16xf32>,
        %get3A_220 = vector.shape_cast %get3A_219 : vector<1x1x16xf32> to vector<16xf32>
        %get3A_221 = arith.constant 0 : i32
        %get3A_222 = arith.index_cast %get3A_221 : i32 to index
        %get3A_223 = arith.index_cast %add3A_215 : i32 to index
        %get3A_224 = arith.constant 0 : index
        %get3A_225 = tpu.vector_load %arg7[%get3A_222, %get3A_223, %get3A_224] {strides = array<i32>} : memref<2x128x128xf32, #tpu.memory_space<vmem>>, vector<1x1x16xf32>,
        %get3A_226 = vector.shape_cast %get3A_225 : vector<1x1x16xf32> to vector<16xf32>
        %mul3A_227 = arith.mulf %get3A_220, %get3A_226 : vector<16xf32>
        %swap3A = arith.constant 0 : i32
        %swap3A_228 = arith.index_cast %swap3A : i32 to index
        %swap3A_229 = arith.index_cast %add3A_215 : i32 to index
        %swap3A_230 = arith.constant 0 : index
        %swap3A_231 = tpu.vector_load %arg9[%swap3A_228, %swap3A_229, %swap3A_230] {strides = array<i32>} : memref<2x128x16xf32, #tpu.memory_space<vmem>>, vector<1x1x16xf32>,
        %swap3A_232 = vector.shape_cast %swap3A_231 : vector<1x1x16xf32> to vector<16xf32>
        %swap3A_233 = vector.shape_cast %mul3A_227 : vector<16xf32> to vector<1x1x16xf32>
        tpu.vector_store %arg9[%swap3A_228, %swap3A_229, %swap3A_230], %swap3A_233 {strides = array<i32>} : memref<2x128x16xf32, #tpu.memory_space<vmem>>, vector<1x1x16xf32>,
      }
      %scan3A_121 = arith.constant 128 : i32
      %mul3A_122 = arith.constant 42 : i32
      %mul3A_123 = arith.muli %add3A, %mul3A_122 : i32
      %add3A_124 = arith.addi %mul3A_123, %add3A_78 : i32
      %dma_start3A_125 = arith.constant 0 : i32
      %dma_start3A_126 = arith.constant 0 : i32
      %dma_start3A_127 = arith.constant 0 : i32
      %dma_start3A_128 = tpu.memref_slice %arg9[%dma_start3A_125, %dma_start3A_126, %dma_start3A_127] : memref<2x128x16xf32, #tpu.memory_space<vmem>> -> memref<1x128x16xf32, #tpu.memory_space<vmem>>
      %dma_start3A_129 = tpu.memref_squeeze %dma_start3A_128 : memref<1x128x16xf32, #tpu.memory_space<vmem>> -> memref<128x16xf32, #tpu.memory_space<vmem>>
      %dma_start3A_130 = arith.constant 0 : i32
      %dma_start3A_131 = arith.constant 0 : i32
      %dma_start3A_132 = tpu.memref_slice %arg5[%add3A_124, %dma_start3A_130, %dma_start3A_131] : memref<1344x128x16xf32, #tpu.memory_space<hbm>> -> memref<1x128x16xf32, #tpu.memory_space<hbm>>
      %dma_start3A_133 = tpu.memref_squeeze %dma_start3A_132 : memref<1x128x16xf32, #tpu.memory_space<hbm>> -> memref<128x16xf32, #tpu.memory_space<hbm>>
      %dma_start3A_134 = arith.constant 0 : i32
      %dma_start3A_135 = arith.constant 0 : i32
      %dma_start3A_136 = tpu.memref_slice %arg5[%add3A_124, %dma_start3A_134, %dma_start3A_135] : memref<1344x128x16xf32, #tpu.memory_space<hbm>> -> memref<1x128x16xf32, #tpu.memory_space<hbm>>
      %dma_start3A_137 = tpu.memref_squeeze %dma_start3A_136 : memref<1x128x16xf32, #tpu.memory_space<hbm>> -> memref<128x16xf32, #tpu.memory_space<hbm>>
      %dma_start3A_138 = arith.constant 0 : i32
      %dma_start3A_139 = arith.constant 0 : i32
      %dma_start3A_140 = tpu.memref_slice %arg9[%dma_start3A_125, %dma_start3A_138, %dma_start3A_139] : memref<2x128x16xf32, #tpu.memory_space<vmem>> -> memref<1x128x16xf32, #tpu.memory_space<vmem>>
      %dma_start3A_141 = tpu.memref_squeeze %dma_start3A_140 : memref<1x128x16xf32, #tpu.memory_space<vmem>> -> memref<128x16xf32, #tpu.memory_space<vmem>>
      tpu.enqueue_dma source(%dma_start3A_141 : memref<128x16xf32, #tpu.memory_space<vmem>>) target(%dma_start3A_137 : memref<128x16xf32, #tpu.memory_space<hbm>>) target_semaphore(%arg14 : memref<!tpu.dma_semaphore, #tpu.memory_space<semaphore_mem>>)
      %add3A_142 = arith.constant 1 : i32
      %add3A_143 = arith.addi %add3A_76, %add3A_142 : i32
      %add3A_144 = arith.constant 1 : i32
      %add3A_145 = arith.addi %add3A_143, %add3A_144 : i32
      %lt3A_146 = arith.constant 42 : i32
      %lt3A_147 = arith.cmpi slt, %add3A_145, %lt3A_146 : i32
      %convert_element_type3A_148 = arith.extui %lt3A_147 : i1 to i32
      %cond3A_149 = arith.constant 0 : i32
      %cond3A_150 = arith.cmpi ne, %convert_element_type3A_148, %cond3A_149 : i32
      scf.if %cond3A_150 {
        %add3A_211 = arith.constant 1 : i32
        %add3A_212 = arith.addi %add3A_143, %add3A_211 : i32
        %dma_start3A_213 = arith.constant 0 : i32
        %dma_start3A_214 = arith.constant 0 : i32
        %dma_start3A_215 = arith.constant 0 : i32
        %dma_start3A_216 = tpu.memref_slice %arg7[%dma_start3A_213, %dma_start3A_214, %dma_start3A_215] : memref<2x128x128xf32, #tpu.memory_space<vmem>> -> memref<1x128x128xf32, #tpu.memory_space<vmem>>
        %dma_start3A_217 = tpu.memref_squeeze %dma_start3A_216 : memref<1x128x128xf32, #tpu.memory_space<vmem>> -> memref<128x128xf32, #tpu.memory_space<vmem>>
        %dma_start3A_218 = arith.constant 0 : i32
        %dma_start3A_219 = tpu.memref_slice %arg6[%add3A_212, %dma_start3A_218] : memref<42x128xi32, #tpu.memory_space<vmem>> -> memref<1x128xi32, #tpu.memory_space<vmem>>
        %dma_start3A_220 = tpu.memref_squeeze %dma_start3A_219 : memref<1x128xi32, #tpu.memory_space<vmem>> -> memref<128xi32, #tpu.memory_space<vmem>>
        %dma_start3A_221 = arith.constant 0 : i32
        %dma_start3A_222 = arith.constant 0 : i32
        %dma_start3A_223 = tpu.memref_slice %arg4[%dma_start3A_221, %dma_start3A_222] : memref<10240x128xf32, #tpu.memory_space<hbm>> -> memref<10240x128xf32, #tpu.memory_space<hbm>>
        tpu.enqueue_indirect_dma source(%dma_start3A_223 : memref<10240x128xf32, #tpu.memory_space<hbm>>) target(%dma_start3A_217 : memref<128x128xf32, #tpu.memory_space<vmem>>) offsets(%dma_start3A_220 : memref<128xi32, #tpu.memory_space<vmem>>) semaphore(%arg10 : memref<!tpu.dma_semaphore, #tpu.memory_space<semaphore_mem>>)
        %mul3A_224 = arith.constant 42 : i32
        %mul3A_225 = arith.muli %add3A, %mul3A_224 : i32
        %add3A_226 = arith.addi %mul3A_225, %add3A_212 : i32
        %dma_start3A_227 = arith.constant 0 : i32
        %dma_start3A_228 = arith.constant 0 : i32
        %dma_start3A_229 = arith.constant 0 : i32
        %dma_start3A_230 = tpu.memref_slice %arg8[%dma_start3A_227, %dma_start3A_228, %dma_start3A_229] : memref<2x128x16xf32, #tpu.memory_space<vmem>> -> memref<1x128x16xf32, #tpu.memory_space<vmem>>
        %dma_start3A_231 = tpu.memref_squeeze %dma_start3A_230 : memref<1x128x16xf32, #tpu.memory_space<vmem>> -> memref<128x16xf32, #tpu.memory_space<vmem>>
        %dma_start3A_232 = arith.constant 0 : i32
        %dma_start3A_233 = arith.constant 0 : i32
        %dma_start3A_234 = tpu.memref_slice %arg3[%add3A_226, %dma_start3A_232, %dma_start3A_233] : memref<1344x128x16xf32, #tpu.memory_space<hbm>> -> memref<1x128x16xf32, #tpu.memory_space<hbm>>
        %dma_start3A_235 = tpu.memref_squeeze %dma_start3A_234 : memref<1x128x16xf32, #tpu.memory_space<hbm>> -> memref<128x16xf32, #tpu.memory_space<hbm>>
        %dma_start3A_236 = arith.constant 0 : i32
        %dma_start3A_237 = arith.constant 0 : i32
        %dma_start3A_238 = tpu.memref_slice %arg8[%dma_start3A_227, %dma_start3A_236, %dma_start3A_237] : memref<2x128x16xf32, #tpu.memory_space<vmem>> -> memref<1x128x16xf32, #tpu.memory_space<vmem>>
        %dma_start3A_239 = tpu.memref_squeeze %dma_start3A_238 : memref<1x128x16xf32, #tpu.memory_space<vmem>> -> memref<128x16xf32, #tpu.memory_space<vmem>>
        %dma_start3A_240 = arith.constant 0 : i32
        %dma_start3A_241 = arith.constant 0 : i32
        %dma_start3A_242 = tpu.memref_slice %arg3[%add3A_226, %dma_start3A_240, %dma_start3A_241] : memref<1344x128x16xf32, #tpu.memory_space<hbm>> -> memref<1x128x16xf32, #tpu.memory_space<hbm>>
        %dma_start3A_243 = tpu.memref_squeeze %dma_start3A_242 : memref<1x128x16xf32, #tpu.memory_space<hbm>> -> memref<128x16xf32, #tpu.memory_space<hbm>>
        tpu.enqueue_dma source(%dma_start3A_243 : memref<128x16xf32, #tpu.memory_space<hbm>>) target(%dma_start3A_239 : memref<128x16xf32, #tpu.memory_space<vmem>>) target_semaphore(%arg12 : memref<!tpu.dma_semaphore, #tpu.memory_space<semaphore_mem>>)
      } else {
      }
      %dma_wait3A_151 = arith.constant 0 : i32
      %dma_wait3A_152 = arith.constant 1 : i32
      %dma_wait3A_153 = arith.constant 0 : i32
      %dma_wait3A_154 = arith.constant 0 : i32
      %dma_wait3A_155 = tpu.memref_slice %arg7[%dma_wait3A_152, %dma_wait3A_153, %dma_wait3A_154] : memref<2x128x128xf32, #tpu.memory_space<vmem>> -> memref<1x128x128xf32, #tpu.memory_space<vmem>>
      %dma_wait3A_156 = tpu.memref_squeeze %dma_wait3A_155 : memref<1x128x128xf32, #tpu.memory_space<vmem>> -> memref<128x128xf32, #tpu.memory_space<vmem>>
      %dma_wait3A_157 = arith.constant 0 : i32
      %dma_wait3A_158 = tpu.memref_slice %arg6[%dma_wait3A_151, %dma_wait3A_157] : memref<42x128xi32, #tpu.memory_space<vmem>> -> memref<1x128xi32, #tpu.memory_space<vmem>>
      %dma_wait3A_159 = tpu.memref_squeeze %dma_wait3A_158 : memref<1x128xi32, #tpu.memory_space<vmem>> -> memref<128xi32, #tpu.memory_space<vmem>>
      %dma_wait3A_160 = arith.constant 0 : i32
      %dma_wait3A_161 = arith.constant 0 : i32
      %dma_wait3A_162 = tpu.memref_slice %arg4[%dma_wait3A_160, %dma_wait3A_161] : memref<10240x128xf32, #tpu.memory_space<hbm>> -> memref<10240x128xf32, #tpu.memory_space<hbm>>
      tpu.wait_indirect_dma semaphore(%arg11 : memref<!tpu.dma_semaphore, #tpu.memory_space<semaphore_mem>>) src(%dma_wait3A_162 : memref<10240x128xf32, #tpu.memory_space<hbm>>) dst(%dma_wait3A_156 : memref<128x128xf32, #tpu.memory_space<vmem>>)
      %dma_wait3A_163 = arith.constant 0 : i32
      %dma_wait3A_164 = arith.constant 1 : i32
      %dma_wait3A_165 = arith.constant 0 : i32
      %dma_wait3A_166 = arith.constant 0 : i32
      %dma_wait3A_167 = tpu.memref_slice %arg8[%dma_wait3A_164, %dma_wait3A_165, %dma_wait3A_166] : memref<2x128x16xf32, #tpu.memory_space<vmem>> -> memref<1x128x16xf32, #tpu.memory_space<vmem>>
      %dma_wait3A_168 = tpu.memref_squeeze %dma_wait3A_167 : memref<1x128x16xf32, #tpu.memory_space<vmem>> -> memref<128x16xf32, #tpu.memory_space<vmem>>
      %dma_wait3A_169 = arith.constant 0 : i32
      %dma_wait3A_170 = arith.constant 0 : i32
      %dma_wait3A_171 = tpu.memref_slice %arg3[%dma_wait3A_163, %dma_wait3A_169, %dma_wait3A_170] : memref<1344x128x16xf32, #tpu.memory_space<hbm>> -> memref<1x128x16xf32, #tpu.memory_space<hbm>>
      %dma_wait3A_172 = tpu.memref_squeeze %dma_wait3A_171 : memref<1x128x16xf32, #tpu.memory_space<hbm>> -> memref<128x16xf32, #tpu.memory_space<hbm>>
      %dma_wait3A_173 = arith.constant 0 : i32
      %dma_wait3A_174 = arith.constant 0 : i32
      %dma_wait3A_175 = tpu.memref_slice %arg8[%dma_wait3A_164, %dma_wait3A_173, %dma_wait3A_174] : memref<2x128x16xf32, #tpu.memory_space<vmem>> -> memref<1x128x16xf32, #tpu.memory_space<vmem>>
      %dma_wait3A_176 = tpu.memref_squeeze %dma_wait3A_175 : memref<1x128x16xf32, #tpu.memory_space<vmem>> -> memref<128x16xf32, #tpu.memory_space<vmem>>
      %dma_wait3A_177 = arith.constant 0 : i32
      %dma_wait3A_178 = arith.constant 0 : i32
      %dma_wait3A_179 = tpu.memref_slice %arg3[%dma_wait3A_163, %dma_wait3A_177, %dma_wait3A_178] : memref<1344x128x16xf32, #tpu.memory_space<hbm>> -> memref<1x128x16xf32, #tpu.memory_space<hbm>>
      %dma_wait3A_180 = tpu.memref_squeeze %dma_wait3A_179 : memref<1x128x16xf32, #tpu.memory_space<hbm>> -> memref<128x16xf32, #tpu.memory_space<hbm>>
      tpu.wait_dma2 semaphore(%arg13 : memref<!tpu.dma_semaphore, #tpu.memory_space<semaphore_mem>>) src(%dma_wait3A_180 : memref<128x16xf32, #tpu.memory_space<hbm>>) dst(%dma_wait3A_176 : memref<128x16xf32, #tpu.memory_space<vmem>>)
      %ge3A_181 = arith.constant 2 : i32
      %ge3A_182 = arith.cmpi sge, %add3A_143, %ge3A_181 : i32
      %convert_element_type3A_183 = arith.extui %ge3A_182 : i1 to i32
      %cond3A_184 = arith.constant 0 : i32
      %cond3A_185 = arith.cmpi ne, %convert_element_type3A_183, %cond3A_184 : i32
      scf.if %cond3A_185 {
        %dma_wait3A_211 = arith.constant 1 : i32
        %dma_wait3A_212 = arith.constant 0 : i32
        %dma_wait3A_213 = arith.constant 0 : i32
        %dma_wait3A_214 = arith.constant 0 : i32
        %dma_wait3A_215 = tpu.memref_slice %arg9[%dma_wait3A_211, %dma_wait3A_213, %dma_wait3A_214] : memref<2x128x16xf32, #tpu.memory_space<vmem>> -> memref<1x128x16xf32, #tpu.memory_space<vmem>>
        %dma_wait3A_216 = tpu.memref_squeeze %dma_wait3A_215 : memref<1x128x16xf32, #tpu.memory_space<vmem>> -> memref<128x16xf32, #tpu.memory_space<vmem>>
        %dma_wait3A_217 = arith.constant 0 : i32
        %dma_wait3A_218 = arith.constant 0 : i32
        %dma_wait3A_219 = tpu.memref_slice %arg5[%dma_wait3A_212, %dma_wait3A_217, %dma_wait3A_218] : memref<1344x128x16xf32, #tpu.memory_space<hbm>> -> memref<1x128x16xf32, #tpu.memory_space<hbm>>
        %dma_wait3A_220 = tpu.memref_squeeze %dma_wait3A_219 : memref<1x128x16xf32, #tpu.memory_space<hbm>> -> memref<128x16xf32, #tpu.memory_space<hbm>>
        %dma_wait3A_221 = arith.constant 0 : i32
        %dma_wait3A_222 = arith.constant 0 : i32
        %dma_wait3A_223 = tpu.memref_slice %arg5[%dma_wait3A_212, %dma_wait3A_221, %dma_wait3A_222] : memref<1344x128x16xf32, #tpu.memory_space<hbm>> -> memref<1x128x16xf32, #tpu.memory_space<hbm>>
        %dma_wait3A_224 = tpu.memref_squeeze %dma_wait3A_223 : memref<1x128x16xf32, #tpu.memory_space<hbm>> -> memref<128x16xf32, #tpu.memory_space<hbm>>
        %dma_wait3A_225 = arith.constant 0 : i32
        %dma_wait3A_226 = arith.constant 0 : i32
        %dma_wait3A_227 = tpu.memref_slice %arg9[%dma_wait3A_211, %dma_wait3A_225, %dma_wait3A_226] : memref<2x128x16xf32, #tpu.memory_space<vmem>> -> memref<1x128x16xf32, #tpu.memory_space<vmem>>
        %dma_wait3A_228 = tpu.memref_squeeze %dma_wait3A_227 : memref<1x128x16xf32, #tpu.memory_space<vmem>> -> memref<128x16xf32, #tpu.memory_space<vmem>>
        tpu.wait_dma2 semaphore(%arg15 : memref<!tpu.dma_semaphore, #tpu.memory_space<semaphore_mem>>) src(%dma_wait3A_228 : memref<128x16xf32, #tpu.memory_space<vmem>>) dst(%dma_wait3A_224 : memref<128x16xf32, #tpu.memory_space<hbm>>)
      } else {
      }
      %scan3A_186 = arith.constant 0 : i32
      %scan3A_187 = arith.constant 128 : i32
      %scan3A_188 = arith.addi %scan3A_186, %scan3A_187 : i32
      %scan3A_189 = arith.constant 1 : i32
      scf.for %scan3A_211 = %scan3A_186 to %scan3A_188 step %scan3A_189  : i32 {
        %mul3A_212 = arith.constant 1 : i32
        %mul3A_213 = arith.muli %scan3A_211, %mul3A_212 : i32
        %add3A_214 = arith.constant 0 : i32
        %add3A_215 = arith.addi %add3A_214, %mul3A_213 : i32
        %get3A = arith.constant 1 : i32
        %get3A_216 = arith.index_cast %get3A : i32 to index
        %get3A_217 = arith.index_cast %add3A_215 : i32 to index
        %get3A_218 = arith.constant 0 : index
        %get3A_219 = tpu.vector_load %arg8[%get3A_216, %get3A_217, %get3A_218] {strides = array<i32>} : memref<2x128x16xf32, #tpu.memory_space<vmem>>, vector<1x1x16xf32>,
        %get3A_220 = vector.shape_cast %get3A_219 : vector<1x1x16xf32> to vector<16xf32>
        %get3A_221 = arith.constant 1 : i32
        %get3A_222 = arith.index_cast %get3A_221 : i32 to index
        %get3A_223 = arith.index_cast %add3A_215 : i32 to index
        %get3A_224 = arith.constant 0 : index
        %get3A_225 = tpu.vector_load %arg7[%get3A_222, %get3A_223, %get3A_224] {strides = array<i32>} : memref<2x128x128xf32, #tpu.memory_space<vmem>>, vector<1x1x16xf32>,
        %get3A_226 = vector.shape_cast %get3A_225 : vector<1x1x16xf32> to vector<16xf32>
        %mul3A_227 = arith.mulf %get3A_220, %get3A_226 : vector<16xf32>
        %swap3A = arith.constant 1 : i32
        %swap3A_228 = arith.index_cast %swap3A : i32 to index
        %swap3A_229 = arith.index_cast %add3A_215 : i32 to index
        %swap3A_230 = arith.constant 0 : index
        %swap3A_231 = tpu.vector_load %arg9[%swap3A_228, %swap3A_229, %swap3A_230] {strides = array<i32>} : memref<2x128x16xf32, #tpu.memory_space<vmem>>, vector<1x1x16xf32>,
        %swap3A_232 = vector.shape_cast %swap3A_231 : vector<1x1x16xf32> to vector<16xf32>
        %swap3A_233 = vector.shape_cast %mul3A_227 : vector<16xf32> to vector<1x1x16xf32>
        tpu.vector_store %arg9[%swap3A_228, %swap3A_229, %swap3A_230], %swap3A_233 {strides = array<i32>} : memref<2x128x16xf32, #tpu.memory_space<vmem>>, vector<1x1x16xf32>,
      }
      %scan3A_190 = arith.constant 128 : i32
      %mul3A_191 = arith.constant 42 : i32
      %mul3A_192 = arith.muli %add3A, %mul3A_191 : i32
      %add3A_193 = arith.addi %mul3A_192, %add3A_143 : i32
      %dma_start3A_194 = arith.constant 1 : i32
      %dma_start3A_195 = arith.constant 0 : i32
      %dma_start3A_196 = arith.constant 0 : i32
      %dma_start3A_197 = tpu.memref_slice %arg9[%dma_start3A_194, %dma_start3A_195, %dma_start3A_196] : memref<2x128x16xf32, #tpu.memory_space<vmem>> -> memref<1x128x16xf32, #tpu.memory_space<vmem>>
      %dma_start3A_198 = tpu.memref_squeeze %dma_start3A_197 : memref<1x128x16xf32, #tpu.memory_space<vmem>> -> memref<128x16xf32, #tpu.memory_space<vmem>>
      %dma_start3A_199 = arith.constant 0 : i32
      %dma_start3A_200 = arith.constant 0 : i32
      %dma_start3A_201 = tpu.memref_slice %arg5[%add3A_193, %dma_start3A_199, %dma_start3A_200] : memref<1344x128x16xf32, #tpu.memory_space<hbm>> -> memref<1x128x16xf32, #tpu.memory_space<hbm>>
      %dma_start3A_202 = tpu.memref_squeeze %dma_start3A_201 : memref<1x128x16xf32, #tpu.memory_space<hbm>> -> memref<128x16xf32, #tpu.memory_space<hbm>>
      %dma_start3A_203 = arith.constant 0 : i32
      %dma_start3A_204 = arith.constant 0 : i32
      %dma_start3A_205 = tpu.memref_slice %arg5[%add3A_193, %dma_start3A_203, %dma_start3A_204] : memref<1344x128x16xf32, #tpu.memory_space<hbm>> -> memref<1x128x16xf32, #tpu.memory_space<hbm>>
      %dma_start3A_206 = tpu.memref_squeeze %dma_start3A_205 : memref<1x128x16xf32, #tpu.memory_space<hbm>> -> memref<128x16xf32, #tpu.memory_space<hbm>>
      %dma_start3A_207 = arith.constant 0 : i32
      %dma_start3A_208 = arith.constant 0 : i32
      %dma_start3A_209 = tpu.memref_slice %arg9[%dma_start3A_194, %dma_start3A_207, %dma_start3A_208] : memref<2x128x16xf32, #tpu.memory_space<vmem>> -> memref<1x128x16xf32, #tpu.memory_space<vmem>>
      %dma_start3A_210 = tpu.memref_squeeze %dma_start3A_209 : memref<1x128x16xf32, #tpu.memory_space<vmem>> -> memref<128x16xf32, #tpu.memory_space<vmem>>
      tpu.enqueue_dma source(%dma_start3A_210 : memref<128x16xf32, #tpu.memory_space<vmem>>) target(%dma_start3A_206 : memref<128x16xf32, #tpu.memory_space<hbm>>) target_semaphore(%arg15 : memref<!tpu.dma_semaphore, #tpu.memory_space<semaphore_mem>>)
    }
    %scan3A_36 = arith.constant 21 : i32
    %dma_wait3A = arith.constant 0 : i32
    %dma_wait3A_37 = arith.constant 0 : i32
    %dma_wait3A_38 = arith.constant 0 : i32
    %dma_wait3A_39 = arith.constant 0 : i32
    %dma_wait3A_40 = tpu.memref_slice %arg9[%dma_wait3A, %dma_wait3A_38, %dma_wait3A_39] : memref<2x128x16xf32, #tpu.memory_space<vmem>> -> memref<1x128x16xf32, #tpu.memory_space<vmem>>
    %dma_wait3A_41 = tpu.memref_squeeze %dma_wait3A_40 : memref<1x128x16xf32, #tpu.memory_space<vmem>> -> memref<128x16xf32, #tpu.memory_space<vmem>>
    %dma_wait3A_42 = arith.constant 0 : i32
    %dma_wait3A_43 = arith.constant 0 : i32
    %dma_wait3A_44 = tpu.memref_slice %arg5[%dma_wait3A_37, %dma_wait3A_42, %dma_wait3A_43] : memref<1344x128x16xf32, #tpu.memory_space<hbm>> -> memref<1x128x16xf32, #tpu.memory_space<hbm>>
    %dma_wait3A_45 = tpu.memref_squeeze %dma_wait3A_44 : memref<1x128x16xf32, #tpu.memory_space<hbm>> -> memref<128x16xf32, #tpu.memory_space<hbm>>
    %dma_wait3A_46 = arith.constant 0 : i32
    %dma_wait3A_47 = arith.constant 0 : i32
    %dma_wait3A_48 = tpu.memref_slice %arg5[%dma_wait3A_37, %dma_wait3A_46, %dma_wait3A_47] : memref<1344x128x16xf32, #tpu.memory_space<hbm>> -> memref<1x128x16xf32, #tpu.memory_space<hbm>>
    %dma_wait3A_49 = tpu.memref_squeeze %dma_wait3A_48 : memref<1x128x16xf32, #tpu.memory_space<hbm>> -> memref<128x16xf32, #tpu.memory_space<hbm>>
    %dma_wait3A_50 = arith.constant 0 : i32
    %dma_wait3A_51 = arith.constant 0 : i32
    %dma_wait3A_52 = tpu.memref_slice %arg9[%dma_wait3A, %dma_wait3A_50, %dma_wait3A_51] : memref<2x128x16xf32, #tpu.memory_space<vmem>> -> memref<1x128x16xf32, #tpu.memory_space<vmem>>
    %dma_wait3A_53 = tpu.memref_squeeze %dma_wait3A_52 : memref<1x128x16xf32, #tpu.memory_space<vmem>> -> memref<128x16xf32, #tpu.memory_space<vmem>>
    tpu.wait_dma2 semaphore(%arg14 : memref<!tpu.dma_semaphore, #tpu.memory_space<semaphore_mem>>) src(%dma_wait3A_53 : memref<128x16xf32, #tpu.memory_space<vmem>>) dst(%dma_wait3A_49 : memref<128x16xf32, #tpu.memory_space<hbm>>)
    %dma_wait3A_54 = arith.constant 1 : i32
    %dma_wait3A_55 = arith.constant 0 : i32
    %dma_wait3A_56 = arith.constant 0 : i32
    %dma_wait3A_57 = arith.constant 0 : i32
    %dma_wait3A_58 = tpu.memref_slice %arg9[%dma_wait3A_54, %dma_wait3A_56, %dma_wait3A_57] : memref<2x128x16xf32, #tpu.memory_space<vmem>> -> memref<1x128x16xf32, #tpu.memory_space<vmem>>
    %dma_wait3A_59 = tpu.memref_squeeze %dma_wait3A_58 : memref<1x128x16xf32, #tpu.memory_space<vmem>> -> memref<128x16xf32, #tpu.memory_space<vmem>>
    %dma_wait3A_60 = arith.constant 0 : i32
    %dma_wait3A_61 = arith.constant 0 : i32
    %dma_wait3A_62 = tpu.memref_slice %arg5[%dma_wait3A_55, %dma_wait3A_60, %dma_wait3A_61] : memref<1344x128x16xf32, #tpu.memory_space<hbm>> -> memref<1x128x16xf32, #tpu.memory_space<hbm>>
    %dma_wait3A_63 = tpu.memref_squeeze %dma_wait3A_62 : memref<1x128x16xf32, #tpu.memory_space<hbm>> -> memref<128x16xf32, #tpu.memory_space<hbm>>
    %dma_wait3A_64 = arith.constant 0 : i32
    %dma_wait3A_65 = arith.constant 0 : i32
    %dma_wait3A_66 = tpu.memref_slice %arg5[%dma_wait3A_55, %dma_wait3A_64, %dma_wait3A_65] : memref<1344x128x16xf32, #tpu.memory_space<hbm>> -> memref<1x128x16xf32, #tpu.memory_space<hbm>>
    %dma_wait3A_67 = tpu.memref_squeeze %dma_wait3A_66 : memref<1x128x16xf32, #tpu.memory_space<hbm>> -> memref<128x16xf32, #tpu.memory_space<hbm>>
    %dma_wait3A_68 = arith.constant 0 : i32
    %dma_wait3A_69 = arith.constant 0 : i32
    %dma_wait3A_70 = tpu.memref_slice %arg9[%dma_wait3A_54, %dma_wait3A_68, %dma_wait3A_69] : memref<2x128x16xf32, #tpu.memory_space<vmem>> -> memref<1x128x16xf32, #tpu.memory_space<vmem>>
    %dma_wait3A_71 = tpu.memref_squeeze %dma_wait3A_70 : memref<1x128x16xf32, #tpu.memory_space<vmem>> -> memref<128x16xf32, #tpu.memory_space<vmem>>
    tpu.wait_dma2 semaphore(%arg15 : memref<!tpu.dma_semaphore, #tpu.memory_space<semaphore_mem>>) src(%dma_wait3A_71 : memref<128x16xf32, #tpu.memory_space<vmem>>) dst(%dma_wait3A_67 : memref<128x16xf32, #tpu.memory_space<hbm>>)
    return
  }
}

#map = affine_map<(d0, d1) -> (0)>
#map1 = affine_map<(d0, d1) -> (0, 0, 0)>
#map2 = affine_map<(d0, d1) -> (0, 0)>
module attributes {stable_mosaic.version = 14 : i64} {
  func.func @_sc2_body(%arg0: i32, %arg1: i32, %arg2: memref<172032xi32, #tpu.memory_space<hbm>>, %arg3: memref<32x168x32xi32, #tpu.memory_space<hbm>>, %arg4: memref<5376x32x16xf32, #tpu.memory_space<hbm>>, %arg5: memref<10240x512xf32, #tpu.memory_space<hbm>>, %arg6: memref<2x10240x64xf32, #tpu.memory_space<hbm>>, %arg7: memref<5376xi32, #tpu.memory_space<vmem>>, %arg8: memref<168x32xi32, #tpu.memory_space<vmem>>, %arg9: memref<2x32x512xf32, #tpu.memory_space<vmem>>, %arg10: memref<2x32x16xf32, #tpu.memory_space<vmem>>, %arg11: memref<2x32x64xf32, #tpu.memory_space<vmem>>, %arg12: memref<16x64xf32, #tpu.memory_space<vmem>>, %arg13: memref<10240x64xf32, #tpu.memory_space<vmem_shared>>, %arg14: memref<!tpu.dma_semaphore, #tpu.memory_space<semaphore_mem>>, %arg15: memref<!tpu.dma_semaphore, #tpu.memory_space<semaphore_mem>>, %arg16: memref<!tpu.dma_semaphore, #tpu.memory_space<semaphore_mem>>, %arg17: memref<!tpu.dma_semaphore, #tpu.memory_space<semaphore_mem>>, %arg18: memref<!tpu.dma_semaphore, #tpu.memory_space<semaphore_mem>>, %arg19: memref<!tpu.dma_semaphore, #tpu.memory_space<semaphore_mem>>) attributes {dimension_semantics = [#tpu.dimension_semantics<core_parallel>, #tpu.dimension_semantics<subcore_parallel>], iteration_bounds = array<i64: 2, 16>, scalar_prefetch = 0 : i64, scratch_operands = 13 : i64, tpu.core_type = #tpu.core_type<sc_vector_subcore>, window_params = [{transform_indices = #map}, {transform_indices = #map1}, {transform_indices = #map1}, {transform_indices = #map2}, {transform_indices = #map1}]} {
    %mul3A = arith.constant 16 : i32
    %mul3A_0 = arith.muli %arg0, %mul3A : i32
    %add3A = arith.addi %mul3A_0, %arg1 : i32
    %scan3A = arith.constant 0 : i32
    %scan3A_1 = arith.constant 16 : i32
    %scan3A_2 = arith.addi %scan3A, %scan3A_1 : i32
    %scan3A_3 = arith.constant 1 : i32
    scf.for %scan3A_75 = %scan3A to %scan3A_2 step %scan3A_3  : i32 {
      %mul3A_76 = arith.constant 1 : i32
      %mul3A_77 = arith.muli %scan3A_75, %mul3A_76 : i32
      %add3A_78 = arith.constant 0 : i32
      %add3A_79 = arith.addi %add3A_78, %mul3A_77 : i32
      %broadcast_in_dim3A = arith.constant 0.000000e+00 : f32
      %broadcast_in_dim3A_80 = vector.broadcast %broadcast_in_dim3A : f32 to vector<16xf32>
      %swap3A = arith.index_cast %add3A_79 : i32 to index
      %swap3A_81 = arith.constant 0 : index
      %swap3A_82 = tpu.vector_load %arg12[%swap3A, %swap3A_81] {strides = array<i32>} : memref<16x64xf32, #tpu.memory_space<vmem>>, vector<1x16xf32>,
      %swap3A_83 = vector.shape_cast %swap3A_82 : vector<1x16xf32> to vector<16xf32>
      %swap3A_84 = vector.shape_cast %broadcast_in_dim3A_80 : vector<16xf32> to vector<1x16xf32>
      tpu.vector_store %arg12[%swap3A, %swap3A_81], %swap3A_84 {strides = array<i32>} : memref<16x64xf32, #tpu.memory_space<vmem>>, vector<1x16xf32>,
      %broadcast_in_dim3A_85 = arith.constant 0.000000e+00 : f32
      %broadcast_in_dim3A_86 = vector.broadcast %broadcast_in_dim3A_85 : f32 to vector<16xf32>
      %swap3A_87 = arith.index_cast %add3A_79 : i32 to index
      %swap3A_88 = arith.constant 16 : index
      %swap3A_89 = tpu.vector_load %arg12[%swap3A_87, %swap3A_88] {strides = array<i32>} : memref<16x64xf32, #tpu.memory_space<vmem>>, vector<1x16xf32>,
      %swap3A_90 = vector.shape_cast %swap3A_89 : vector<1x16xf32> to vector<16xf32>
      %swap3A_91 = vector.shape_cast %broadcast_in_dim3A_86 : vector<16xf32> to vector<1x16xf32>
      tpu.vector_store %arg12[%swap3A_87, %swap3A_88], %swap3A_91 {strides = array<i32>} : memref<16x64xf32, #tpu.memory_space<vmem>>, vector<1x16xf32>,
      %broadcast_in_dim3A_92 = arith.constant 0.000000e+00 : f32
      %broadcast_in_dim3A_93 = vector.broadcast %broadcast_in_dim3A_92 : f32 to vector<16xf32>
      %swap3A_94 = arith.index_cast %add3A_79 : i32 to index
      %swap3A_95 = arith.constant 32 : index
      %swap3A_96 = tpu.vector_load %arg12[%swap3A_94, %swap3A_95] {strides = array<i32>} : memref<16x64xf32, #tpu.memory_space<vmem>>, vector<1x16xf32>,
      %swap3A_97 = vector.shape_cast %swap3A_96 : vector<1x16xf32> to vector<16xf32>
      %swap3A_98 = vector.shape_cast %broadcast_in_dim3A_93 : vector<16xf32> to vector<1x16xf32>
      tpu.vector_store %arg12[%swap3A_94, %swap3A_95], %swap3A_98 {strides = array<i32>} : memref<16x64xf32, #tpu.memory_space<vmem>>, vector<1x16xf32>,
      %broadcast_in_dim3A_99 = arith.constant 0.000000e+00 : f32
      %broadcast_in_dim3A_100 = vector.broadcast %broadcast_in_dim3A_99 : f32 to vector<16xf32>
      %swap3A_101 = arith.index_cast %add3A_79 : i32 to index
      %swap3A_102 = arith.constant 48 : index
      %swap3A_103 = tpu.vector_load %arg12[%swap3A_101, %swap3A_102] {strides = array<i32>} : memref<16x64xf32, #tpu.memory_space<vmem>>, vector<1x16xf32>,
      %swap3A_104 = vector.shape_cast %swap3A_103 : vector<1x16xf32> to vector<16xf32>
      %swap3A_105 = vector.shape_cast %broadcast_in_dim3A_100 : vector<16xf32> to vector<1x16xf32>
      tpu.vector_store %arg12[%swap3A_101, %swap3A_102], %swap3A_105 {strides = array<i32>} : memref<16x64xf32, #tpu.memory_space<vmem>>, vector<1x16xf32>,
    }
    %scan3A_4 = arith.constant 16 : i32
    %scan3A_5 = arith.constant 0 : i32
    %scan3A_6 = arith.constant 40 : i32
    %scan3A_7 = arith.addi %scan3A_5, %scan3A_6 : i32
    %scan3A_8 = arith.constant 1 : i32
    scf.for %scan3A_75 = %scan3A_5 to %scan3A_7 step %scan3A_8  : i32 {
      %mul3A_76 = arith.constant 1 : i32
      %mul3A_77 = arith.muli %scan3A_75, %mul3A_76 : i32
      %add3A_78 = arith.constant 0 : i32
      %add3A_79 = arith.addi %add3A_78, %mul3A_77 : i32
      %mul3A_80 = arith.constant 640 : i32
      %mul3A_81 = arith.muli %arg1, %mul3A_80 : i32
      %mul3A_82 = arith.constant 16 : i32
      %mul3A_83 = arith.muli %add3A_79, %mul3A_82 : i32
      %add3A_84 = arith.addi %mul3A_81, %mul3A_83 : i32
      "tpu.region"() ({
        %run_scoped3A = tpu.sem_alloc : memref<!tpu.dma_semaphore, #tpu.memory_space<semaphore_mem>>
        %dma_start3A_85 = arith.constant 0 : i32
        %dma_start3A_86 = tpu.memref_slice %arg13[%add3A_84, %dma_start3A_85] : memref<10240x64xf32, #tpu.memory_space<vmem_shared>> -> memref<16x64xf32, #tpu.memory_space<vmem_shared>>
        %dma_start3A_87 = arith.constant 0 : i32
        %dma_start3A_88 = tpu.memref_slice %arg13[%add3A_84, %dma_start3A_87] : memref<10240x64xf32, #tpu.memory_space<vmem_shared>> -> memref<16x64xf32, #tpu.memory_space<vmem_shared>>
        tpu.enqueue_dma source(%arg12 : memref<16x64xf32, #tpu.memory_space<vmem>>) target(%dma_start3A_88 : memref<16x64xf32, #tpu.memory_space<vmem_shared>>) target_semaphore(%run_scoped3A : memref<!tpu.dma_semaphore, #tpu.memory_space<semaphore_mem>>)
        %dma_wait3A_89 = arith.constant 0 : i32
        %dma_wait3A_90 = tpu.memref_slice %arg13[%add3A_84, %dma_wait3A_89] : memref<10240x64xf32, #tpu.memory_space<vmem_shared>> -> memref<16x64xf32, #tpu.memory_space<vmem_shared>>
        %dma_wait3A_91 = arith.constant 0 : i32
        %dma_wait3A_92 = tpu.memref_slice %arg13[%add3A_84, %dma_wait3A_91] : memref<10240x64xf32, #tpu.memory_space<vmem_shared>> -> memref<16x64xf32, #tpu.memory_space<vmem_shared>>
        tpu.wait_dma2 semaphore(%run_scoped3A : memref<!tpu.dma_semaphore, #tpu.memory_space<semaphore_mem>>) src(%arg12 : memref<16x64xf32, #tpu.memory_space<vmem>>) dst(%dma_wait3A_92 : memref<16x64xf32, #tpu.memory_space<vmem_shared>>)
        tpu.yield
      }) : () -> ()
    }
    %scan3A_9 = arith.constant 40 : i32
    %barrier3A = arith.constant 0 : index
    tpu.barrier barrier_id(%barrier3A)
    %mul3A_10 = arith.constant 5376 : i32
    %mul3A_11 = arith.muli %add3A, %mul3A_10 : i32
    "tpu.region"() ({
      %run_scoped3A = tpu.sem_alloc : memref<!tpu.dma_semaphore, #tpu.memory_space<semaphore_mem>>
      %dma_start3A_75 = tpu.memref_slice %arg2[%mul3A_11] : memref<172032xi32, #tpu.memory_space<hbm>> -> memref<5376xi32, #tpu.memory_space<hbm>>
      %dma_start3A_76 = tpu.memref_slice %arg2[%mul3A_11] : memref<172032xi32, #tpu.memory_space<hbm>> -> memref<5376xi32, #tpu.memory_space<hbm>>
      tpu.enqueue_dma source(%dma_start3A_76 : memref<5376xi32, #tpu.memory_space<hbm>>) target(%arg7 : memref<5376xi32, #tpu.memory_space<vmem>>) target_semaphore(%run_scoped3A : memref<!tpu.dma_semaphore, #tpu.memory_space<semaphore_mem>>)
      %dma_wait3A_77 = tpu.memref_slice %arg2[%mul3A_11] : memref<172032xi32, #tpu.memory_space<hbm>> -> memref<5376xi32, #tpu.memory_space<hbm>>
      %dma_wait3A_78 = tpu.memref_slice %arg2[%mul3A_11] : memref<172032xi32, #tpu.memory_space<hbm>> -> memref<5376xi32, #tpu.memory_space<hbm>>
      tpu.wait_dma2 semaphore(%run_scoped3A : memref<!tpu.dma_semaphore, #tpu.memory_space<semaphore_mem>>) src(%dma_wait3A_78 : memref<5376xi32, #tpu.memory_space<hbm>>) dst(%arg7 : memref<5376xi32, #tpu.memory_space<vmem>>)
      tpu.yield
    }) : () -> ()
    "tpu.region"() ({
      %run_scoped3A = tpu.sem_alloc : memref<!tpu.dma_semaphore, #tpu.memory_space<semaphore_mem>>
      %dma_start3A_75 = arith.constant 0 : i32
      %dma_start3A_76 = arith.constant 0 : i32
      %dma_start3A_77 = tpu.memref_slice %arg3[%add3A, %dma_start3A_75, %dma_start3A_76] : memref<32x168x32xi32, #tpu.memory_space<hbm>> -> memref<1x168x32xi32, #tpu.memory_space<hbm>>
      %dma_start3A_78 = tpu.memref_squeeze %dma_start3A_77 : memref<1x168x32xi32, #tpu.memory_space<hbm>> -> memref<168x32xi32, #tpu.memory_space<hbm>>
      %dma_start3A_79 = arith.constant 0 : i32
      %dma_start3A_80 = arith.constant 0 : i32
      %dma_start3A_81 = tpu.memref_slice %arg3[%add3A, %dma_start3A_79, %dma_start3A_80] : memref<32x168x32xi32, #tpu.memory_space<hbm>> -> memref<1x168x32xi32, #tpu.memory_space<hbm>>
      %dma_start3A_82 = tpu.memref_squeeze %dma_start3A_81 : memref<1x168x32xi32, #tpu.memory_space<hbm>> -> memref<168x32xi32, #tpu.memory_space<hbm>>
      tpu.enqueue_dma source(%dma_start3A_82 : memref<168x32xi32, #tpu.memory_space<hbm>>) target(%arg8 : memref<168x32xi32, #tpu.memory_space<vmem>>) target_semaphore(%run_scoped3A : memref<!tpu.dma_semaphore, #tpu.memory_space<semaphore_mem>>)
      %dma_wait3A_83 = arith.constant 0 : i32
      %dma_wait3A_84 = arith.constant 0 : i32
      %dma_wait3A_85 = tpu.memref_slice %arg3[%add3A, %dma_wait3A_83, %dma_wait3A_84] : memref<32x168x32xi32, #tpu.memory_space<hbm>> -> memref<1x168x32xi32, #tpu.memory_space<hbm>>
      %dma_wait3A_86 = tpu.memref_squeeze %dma_wait3A_85 : memref<1x168x32xi32, #tpu.memory_space<hbm>> -> memref<168x32xi32, #tpu.memory_space<hbm>>
      %dma_wait3A_87 = arith.constant 0 : i32
      %dma_wait3A_88 = arith.constant 0 : i32
      %dma_wait3A_89 = tpu.memref_slice %arg3[%add3A, %dma_wait3A_87, %dma_wait3A_88] : memref<32x168x32xi32, #tpu.memory_space<hbm>> -> memref<1x168x32xi32, #tpu.memory_space<hbm>>
      %dma_wait3A_90 = tpu.memref_squeeze %dma_wait3A_89 : memref<1x168x32xi32, #tpu.memory_space<hbm>> -> memref<168x32xi32, #tpu.memory_space<hbm>>
      tpu.wait_dma2 semaphore(%run_scoped3A : memref<!tpu.dma_semaphore, #tpu.memory_space<semaphore_mem>>) src(%dma_wait3A_90 : memref<168x32xi32, #tpu.memory_space<hbm>>) dst(%arg8 : memref<168x32xi32, #tpu.memory_space<vmem>>)
      tpu.yield
    }) : () -> ()
    %dma_start3A = arith.constant 0 : i32
    %dma_start3A_12 = arith.constant 0 : i32
    %dma_start3A_13 = arith.constant 0 : i32
    %dma_start3A_14 = tpu.memref_slice %arg9[%dma_start3A, %dma_start3A_12, %dma_start3A_13] : memref<2x32x512xf32, #tpu.memory_space<vmem>> -> memref<1x32x512xf32, #tpu.memory_space<vmem>>
    %dma_start3A_15 = tpu.memref_squeeze %dma_start3A_14 : memref<1x32x512xf32, #tpu.memory_space<vmem>> -> memref<32x512xf32, #tpu.memory_space<vmem>>
    %dma_start3A_16 = arith.constant 0 : i32
    %dma_start3A_17 = tpu.memref_slice %arg7[%dma_start3A_16] : memref<5376xi32, #tpu.memory_space<vmem>> -> memref<32xi32, #tpu.memory_space<vmem>>
    %dma_start3A_18 = arith.constant 0 : i32
    %dma_start3A_19 = arith.constant 0 : i32
    %dma_start3A_20 = tpu.memref_slice %arg5[%dma_start3A_18, %dma_start3A_19] : memref<10240x512xf32, #tpu.memory_space<hbm>> -> memref<10240x512xf32, #tpu.memory_space<hbm>>
    tpu.enqueue_indirect_dma source(%dma_start3A_20 : memref<10240x512xf32, #tpu.memory_space<hbm>>) target(%dma_start3A_15 : memref<32x512xf32, #tpu.memory_space<vmem>>) offsets(%dma_start3A_17 : memref<32xi32, #tpu.memory_space<vmem>>) semaphore(%arg14 : memref<!tpu.dma_semaphore, #tpu.memory_space<semaphore_mem>>)
    %mul3A_21 = arith.constant 168 : i32
    %mul3A_22 = arith.muli %add3A, %mul3A_21 : i32
    %add3A_23 = arith.constant 0 : i32
    %add3A_24 = arith.addi %mul3A_22, %add3A_23 : i32
    %dma_start3A_25 = arith.constant 0 : i32
    %dma_start3A_26 = arith.constant 0 : i32
    %dma_start3A_27 = arith.constant 0 : i32
    %dma_start3A_28 = tpu.memref_slice %arg10[%dma_start3A_25, %dma_start3A_26, %dma_start3A_27] : memref<2x32x16xf32, #tpu.memory_space<vmem>> -> memref<1x32x16xf32, #tpu.memory_space<vmem>>
    %dma_start3A_29 = tpu.memref_squeeze %dma_start3A_28 : memref<1x32x16xf32, #tpu.memory_space<vmem>> -> memref<32x16xf32, #tpu.memory_space<vmem>>
    %dma_start3A_30 = arith.constant 0 : i32
    %dma_start3A_31 = arith.constant 0 : i32
    %dma_start3A_32 = tpu.memref_slice %arg4[%add3A_24, %dma_start3A_30, %dma_start3A_31] : memref<5376x32x16xf32, #tpu.memory_space<hbm>> -> memref<1x32x16xf32, #tpu.memory_space<hbm>>
    %dma_start3A_33 = tpu.memref_squeeze %dma_start3A_32 : memref<1x32x16xf32, #tpu.memory_space<hbm>> -> memref<32x16xf32, #tpu.memory_space<hbm>>
    %dma_start3A_34 = arith.constant 0 : i32
    %dma_start3A_35 = arith.constant 0 : i32
    %dma_start3A_36 = tpu.memref_slice %arg10[%dma_start3A_25, %dma_start3A_34, %dma_start3A_35] : memref<2x32x16xf32, #tpu.memory_space<vmem>> -> memref<1x32x16xf32, #tpu.memory_space<vmem>>
    %dma_start3A_37 = tpu.memref_squeeze %dma_start3A_36 : memref<1x32x16xf32, #tpu.memory_space<vmem>> -> memref<32x16xf32, #tpu.memory_space<vmem>>
    %dma_start3A_38 = arith.constant 0 : i32
    %dma_start3A_39 = arith.constant 0 : i32
    %dma_start3A_40 = tpu.memref_slice %arg4[%add3A_24, %dma_start3A_38, %dma_start3A_39] : memref<5376x32x16xf32, #tpu.memory_space<hbm>> -> memref<1x32x16xf32, #tpu.memory_space<hbm>>
    %dma_start3A_41 = tpu.memref_squeeze %dma_start3A_40 : memref<1x32x16xf32, #tpu.memory_space<hbm>> -> memref<32x16xf32, #tpu.memory_space<hbm>>
    tpu.enqueue_dma source(%dma_start3A_41 : memref<32x16xf32, #tpu.memory_space<hbm>>) target(%dma_start3A_37 : memref<32x16xf32, #tpu.memory_space<vmem>>) target_semaphore(%arg16 : memref<!tpu.dma_semaphore, #tpu.memory_space<semaphore_mem>>)
    %scan3A_42 = arith.constant 0 : i32
    %scan3A_43 = arith.constant 84 : i32
    %scan3A_44 = arith.addi %scan3A_42, %scan3A_43 : i32
    %scan3A_45 = arith.constant 1 : i32
    scf.for %scan3A_75 = %scan3A_42 to %scan3A_44 step %scan3A_45  : i32 {
      %mul3A_76 = arith.constant 2 : i32
      %mul3A_77 = arith.muli %scan3A_75, %mul3A_76 : i32
      %add3A_78 = arith.constant 0 : i32
      %add3A_79 = arith.addi %add3A_78, %mul3A_77 : i32
      %add3A_80 = arith.constant 0 : i32
      %add3A_81 = arith.addi %add3A_79, %add3A_80 : i32
      %add3A_82 = arith.constant 1 : i32
      %add3A_83 = arith.addi %add3A_81, %add3A_82 : i32
      %lt3A = arith.constant 168 : i32
      %lt3A_84 = arith.cmpi slt, %add3A_83, %lt3A : i32
      %convert_element_type3A = arith.extui %lt3A_84 : i1 to i32
      %cond3A = arith.constant 0 : i32
      %cond3A_85 = arith.cmpi ne, %convert_element_type3A, %cond3A : i32
      scf.if %cond3A_85 {
        %add3A_192 = arith.constant 1 : i32
        %add3A_193 = arith.addi %add3A_81, %add3A_192 : i32
        %mul3A_194 = arith.constant 32 : i32
        %mul3A_195 = arith.muli %add3A_193, %mul3A_194 : i32
        %dma_start3A_196 = arith.constant 1 : i32
        %dma_start3A_197 = arith.constant 0 : i32
        %dma_start3A_198 = arith.constant 0 : i32
        %dma_start3A_199 = tpu.memref_slice %arg9[%dma_start3A_196, %dma_start3A_197, %dma_start3A_198] : memref<2x32x512xf32, #tpu.memory_space<vmem>> -> memref<1x32x512xf32, #tpu.memory_space<vmem>>
        %dma_start3A_200 = tpu.memref_squeeze %dma_start3A_199 : memref<1x32x512xf32, #tpu.memory_space<vmem>> -> memref<32x512xf32, #tpu.memory_space<vmem>>
        %dma_start3A_201 = tpu.memref_slice %arg7[%mul3A_195] : memref<5376xi32, #tpu.memory_space<vmem>> -> memref<32xi32, #tpu.memory_space<vmem>>
        %dma_start3A_202 = arith.constant 0 : i32
        %dma_start3A_203 = arith.constant 0 : i32
        %dma_start3A_204 = tpu.memref_slice %arg5[%dma_start3A_202, %dma_start3A_203] : memref<10240x512xf32, #tpu.memory_space<hbm>> -> memref<10240x512xf32, #tpu.memory_space<hbm>>
        tpu.enqueue_indirect_dma source(%dma_start3A_204 : memref<10240x512xf32, #tpu.memory_space<hbm>>) target(%dma_start3A_200 : memref<32x512xf32, #tpu.memory_space<vmem>>) offsets(%dma_start3A_201 : memref<32xi32, #tpu.memory_space<vmem>>) semaphore(%arg15 : memref<!tpu.dma_semaphore, #tpu.memory_space<semaphore_mem>>)
        %mul3A_205 = arith.constant 168 : i32
        %mul3A_206 = arith.muli %add3A, %mul3A_205 : i32
        %add3A_207 = arith.addi %mul3A_206, %add3A_193 : i32
        %dma_start3A_208 = arith.constant 1 : i32
        %dma_start3A_209 = arith.constant 0 : i32
        %dma_start3A_210 = arith.constant 0 : i32
        %dma_start3A_211 = tpu.memref_slice %arg10[%dma_start3A_208, %dma_start3A_209, %dma_start3A_210] : memref<2x32x16xf32, #tpu.memory_space<vmem>> -> memref<1x32x16xf32, #tpu.memory_space<vmem>>
        %dma_start3A_212 = tpu.memref_squeeze %dma_start3A_211 : memref<1x32x16xf32, #tpu.memory_space<vmem>> -> memref<32x16xf32, #tpu.memory_space<vmem>>
        %dma_start3A_213 = arith.constant 0 : i32
        %dma_start3A_214 = arith.constant 0 : i32
        %dma_start3A_215 = tpu.memref_slice %arg4[%add3A_207, %dma_start3A_213, %dma_start3A_214] : memref<5376x32x16xf32, #tpu.memory_space<hbm>> -> memref<1x32x16xf32, #tpu.memory_space<hbm>>
        %dma_start3A_216 = tpu.memref_squeeze %dma_start3A_215 : memref<1x32x16xf32, #tpu.memory_space<hbm>> -> memref<32x16xf32, #tpu.memory_space<hbm>>
        %dma_start3A_217 = arith.constant 0 : i32
        %dma_start3A_218 = arith.constant 0 : i32
        %dma_start3A_219 = tpu.memref_slice %arg10[%dma_start3A_208, %dma_start3A_217, %dma_start3A_218] : memref<2x32x16xf32, #tpu.memory_space<vmem>> -> memref<1x32x16xf32, #tpu.memory_space<vmem>>
        %dma_start3A_220 = tpu.memref_squeeze %dma_start3A_219 : memref<1x32x16xf32, #tpu.memory_space<vmem>> -> memref<32x16xf32, #tpu.memory_space<vmem>>
        %dma_start3A_221 = arith.constant 0 : i32
        %dma_start3A_222 = arith.constant 0 : i32
        %dma_start3A_223 = tpu.memref_slice %arg4[%add3A_207, %dma_start3A_221, %dma_start3A_222] : memref<5376x32x16xf32, #tpu.memory_space<hbm>> -> memref<1x32x16xf32, #tpu.memory_space<hbm>>
        %dma_start3A_224 = tpu.memref_squeeze %dma_start3A_223 : memref<1x32x16xf32, #tpu.memory_space<hbm>> -> memref<32x16xf32, #tpu.memory_space<hbm>>
        tpu.enqueue_dma source(%dma_start3A_224 : memref<32x16xf32, #tpu.memory_space<hbm>>) target(%dma_start3A_220 : memref<32x16xf32, #tpu.memory_space<vmem>>) target_semaphore(%arg17 : memref<!tpu.dma_semaphore, #tpu.memory_space<semaphore_mem>>)
      } else {
      }
      %dma_wait3A_86 = arith.constant 0 : i32
      %dma_wait3A_87 = arith.constant 0 : i32
      %dma_wait3A_88 = arith.constant 0 : i32
      %dma_wait3A_89 = tpu.memref_slice %arg9[%dma_wait3A_86, %dma_wait3A_87, %dma_wait3A_88] : memref<2x32x512xf32, #tpu.memory_space<vmem>> -> memref<1x32x512xf32, #tpu.memory_space<vmem>>
      %dma_wait3A_90 = tpu.memref_squeeze %dma_wait3A_89 : memref<1x32x512xf32, #tpu.memory_space<vmem>> -> memref<32x512xf32, #tpu.memory_space<vmem>>
      %dma_wait3A_91 = arith.constant 0 : i32
      %dma_wait3A_92 = tpu.memref_slice %arg7[%dma_wait3A_91] : memref<5376xi32, #tpu.memory_space<vmem>> -> memref<32xi32, #tpu.memory_space<vmem>>
      %dma_wait3A_93 = arith.constant 0 : i32
      %dma_wait3A_94 = arith.constant 0 : i32
      %dma_wait3A_95 = tpu.memref_slice %arg5[%dma_wait3A_93, %dma_wait3A_94] : memref<10240x512xf32, #tpu.memory_space<hbm>> -> memref<10240x512xf32, #tpu.memory_space<hbm>>
      tpu.wait_indirect_dma semaphore(%arg14 : memref<!tpu.dma_semaphore, #tpu.memory_space<semaphore_mem>>) src(%dma_wait3A_95 : memref<10240x512xf32, #tpu.memory_space<hbm>>) dst(%dma_wait3A_90 : memref<32x512xf32, #tpu.memory_space<vmem>>)
      %dma_wait3A_96 = arith.constant 0 : i32
      %dma_wait3A_97 = arith.constant 0 : i32
      %dma_wait3A_98 = arith.constant 0 : i32
      %dma_wait3A_99 = arith.constant 0 : i32
      %dma_wait3A_100 = tpu.memref_slice %arg10[%dma_wait3A_97, %dma_wait3A_98, %dma_wait3A_99] : memref<2x32x16xf32, #tpu.memory_space<vmem>> -> memref<1x32x16xf32, #tpu.memory_space<vmem>>
      %dma_wait3A_101 = tpu.memref_squeeze %dma_wait3A_100 : memref<1x32x16xf32, #tpu.memory_space<vmem>> -> memref<32x16xf32, #tpu.memory_space<vmem>>
      %dma_wait3A_102 = arith.constant 0 : i32
      %dma_wait3A_103 = arith.constant 0 : i32
      %dma_wait3A_104 = tpu.memref_slice %arg4[%dma_wait3A_96, %dma_wait3A_102, %dma_wait3A_103] : memref<5376x32x16xf32, #tpu.memory_space<hbm>> -> memref<1x32x16xf32, #tpu.memory_space<hbm>>
      %dma_wait3A_105 = tpu.memref_squeeze %dma_wait3A_104 : memref<1x32x16xf32, #tpu.memory_space<hbm>> -> memref<32x16xf32, #tpu.memory_space<hbm>>
      %dma_wait3A_106 = arith.constant 0 : i32
      %dma_wait3A_107 = arith.constant 0 : i32
      %dma_wait3A_108 = tpu.memref_slice %arg10[%dma_wait3A_97, %dma_wait3A_106, %dma_wait3A_107] : memref<2x32x16xf32, #tpu.memory_space<vmem>> -> memref<1x32x16xf32, #tpu.memory_space<vmem>>
      %dma_wait3A_109 = tpu.memref_squeeze %dma_wait3A_108 : memref<1x32x16xf32, #tpu.memory_space<vmem>> -> memref<32x16xf32, #tpu.memory_space<vmem>>
      %dma_wait3A_110 = arith.constant 0 : i32
      %dma_wait3A_111 = arith.constant 0 : i32
      %dma_wait3A_112 = tpu.memref_slice %arg4[%dma_wait3A_96, %dma_wait3A_110, %dma_wait3A_111] : memref<5376x32x16xf32, #tpu.memory_space<hbm>> -> memref<1x32x16xf32, #tpu.memory_space<hbm>>
      %dma_wait3A_113 = tpu.memref_squeeze %dma_wait3A_112 : memref<1x32x16xf32, #tpu.memory_space<hbm>> -> memref<32x16xf32, #tpu.memory_space<hbm>>
      tpu.wait_dma2 semaphore(%arg16 : memref<!tpu.dma_semaphore, #tpu.memory_space<semaphore_mem>>) src(%dma_wait3A_113 : memref<32x16xf32, #tpu.memory_space<hbm>>) dst(%dma_wait3A_109 : memref<32x16xf32, #tpu.memory_space<vmem>>)
      %ge3A = arith.constant 2 : i32
      %ge3A_114 = arith.cmpi sge, %add3A_81, %ge3A : i32
      %convert_element_type3A_115 = arith.extui %ge3A_114 : i1 to i32
      %cond3A_116 = arith.constant 0 : i32
      %cond3A_117 = arith.cmpi ne, %convert_element_type3A_115, %cond3A_116 : i32
      scf.if %cond3A_117 {
        %dma_wait3A_192 = arith.constant 0 : i32
        %dma_wait3A_193 = arith.constant 0 : i32
        %dma_wait3A_194 = arith.constant 0 : i32
        %dma_wait3A_195 = arith.constant 0 : i32
        %dma_wait3A_196 = tpu.memref_slice %arg11[%dma_wait3A_192, %dma_wait3A_194, %dma_wait3A_195] : memref<2x32x64xf32, #tpu.memory_space<vmem>> -> memref<1x32x64xf32, #tpu.memory_space<vmem>>
        %dma_wait3A_197 = tpu.memref_squeeze %dma_wait3A_196 : memref<1x32x64xf32, #tpu.memory_space<vmem>> -> memref<32x64xf32, #tpu.memory_space<vmem>>
        %dma_wait3A_198 = arith.constant 0 : i32
        %dma_wait3A_199 = tpu.memref_slice %arg8[%dma_wait3A_193, %dma_wait3A_198] : memref<168x32xi32, #tpu.memory_space<vmem>> -> memref<1x32xi32, #tpu.memory_space<vmem>>
        %dma_wait3A_200 = tpu.memref_squeeze %dma_wait3A_199 : memref<1x32xi32, #tpu.memory_space<vmem>> -> memref<32xi32, #tpu.memory_space<vmem>>
        %dma_wait3A_201 = arith.constant 0 : i32
        %dma_wait3A_202 = arith.constant 0 : i32
        %dma_wait3A_203 = tpu.memref_slice %arg13[%dma_wait3A_201, %dma_wait3A_202] : memref<10240x64xf32, #tpu.memory_space<vmem_shared>> -> memref<10240x64xf32, #tpu.memory_space<vmem_shared>>
        tpu.wait_indirect_dma semaphore(%arg18 : memref<!tpu.dma_semaphore, #tpu.memory_space<semaphore_mem>>) src(%dma_wait3A_197 : memref<32x64xf32, #tpu.memory_space<vmem>>) dst(%dma_wait3A_203 : memref<10240x64xf32, #tpu.memory_space<vmem_shared>>)
      } else {
      }
      %scan3A_118 = arith.constant 0 : i32
      %scan3A_119 = arith.constant 32 : i32
      %scan3A_120 = arith.addi %scan3A_118, %scan3A_119 : i32
      %scan3A_121 = arith.constant 1 : i32
      scf.for %scan3A_192 = %scan3A_118 to %scan3A_120 step %scan3A_121  : i32 {
        %mul3A_193 = arith.constant 1 : i32
        %mul3A_194 = arith.muli %scan3A_192, %mul3A_193 : i32
        %add3A_195 = arith.constant 0 : i32
        %add3A_196 = arith.addi %add3A_195, %mul3A_194 : i32
        %get3A = arith.constant 0 : i32
        %get3A_197 = arith.index_cast %get3A : i32 to index
        %get3A_198 = arith.index_cast %add3A_196 : i32 to index
        %get3A_199 = arith.constant 0 : index
        %get3A_200 = tpu.vector_load %arg10[%get3A_197, %get3A_198, %get3A_199] {strides = array<i32>} : memref<2x32x16xf32, #tpu.memory_space<vmem>>, vector<1x1x16xf32>,
        %get3A_201 = vector.shape_cast %get3A_200 : vector<1x1x16xf32> to vector<16xf32>
        %broadcast_in_dim3A = arith.constant 0.000000e+00 : f32
        %broadcast_in_dim3A_202 = vector.broadcast %broadcast_in_dim3A : f32 to vector<16xf32>
        %broadcast_in_dim3A_203 = arith.constant 0.000000e+00 : f32
        %broadcast_in_dim3A_204 = vector.broadcast %broadcast_in_dim3A_203 : f32 to vector<16xf32>
        %broadcast_in_dim3A_205 = arith.constant 0.000000e+00 : f32
        %broadcast_in_dim3A_206 = vector.broadcast %broadcast_in_dim3A_205 : f32 to vector<16xf32>
        %broadcast_in_dim3A_207 = arith.constant 0.000000e+00 : f32
        %broadcast_in_dim3A_208 = vector.broadcast %broadcast_in_dim3A_207 : f32 to vector<16xf32>
        %broadcast_in_dim3A_209 = arith.constant 0 : i32
        %broadcast_in_dim3A_210 = vector.broadcast %broadcast_in_dim3A_209 : i32 to vector<16xi32>
        %broadcast_in_dim3A_211 = vector.shape_cast %broadcast_in_dim3A_210 : vector<16xi32> to vector<16x1xi32>
        %gather3A = vector.shape_cast %broadcast_in_dim3A_211 : vector<16x1xi32> to vector<16xi32>
        %gather3A_212 = tpu.dynamic_gather %get3A_201[%gather3A] in [0] : vector<16xf32>, vector<16xi32> -> vector<16xf32>
        %get3A_213 = arith.constant 0 : i32
        %get3A_214 = arith.index_cast %get3A_213 : i32 to index
        %get3A_215 = arith.index_cast %add3A_196 : i32 to index
        %get3A_216 = arith.constant 0 : index
        %get3A_217 = tpu.vector_load %arg9[%get3A_214, %get3A_215, %get3A_216] {strides = array<i32>} : memref<2x32x512xf32, #tpu.memory_space<vmem>>, vector<1x1x16xf32>,
        %get3A_218 = vector.shape_cast %get3A_217 : vector<1x1x16xf32> to vector<16xf32>
        %mul3A_219 = arith.mulf %gather3A_212, %get3A_218 : vector<16xf32>
        %add3A_220 = arith.addf %broadcast_in_dim3A_202, %mul3A_219 : vector<16xf32>
        %get3A_221 = arith.constant 0 : i32
        %get3A_222 = arith.index_cast %get3A_221 : i32 to index
        %get3A_223 = arith.index_cast %add3A_196 : i32 to index
        %get3A_224 = arith.constant 16 : index
        %get3A_225 = tpu.vector_load %arg9[%get3A_222, %get3A_223, %get3A_224] {strides = array<i32>} : memref<2x32x512xf32, #tpu.memory_space<vmem>>, vector<1x1x16xf32>,
        %get3A_226 = vector.shape_cast %get3A_225 : vector<1x1x16xf32> to vector<16xf32>
        %mul3A_227 = arith.mulf %gather3A_212, %get3A_226 : vector<16xf32>
        %add3A_228 = arith.addf %broadcast_in_dim3A_204, %mul3A_227 : vector<16xf32>
        %get3A_229 = arith.constant 0 : i32
        %get3A_230 = arith.index_cast %get3A_229 : i32 to index
        %get3A_231 = arith.index_cast %add3A_196 : i32 to index
        %get3A_232 = arith.constant 32 : index
        %get3A_233 = tpu.vector_load %arg9[%get3A_230, %get3A_231, %get3A_232] {strides = array<i32>} : memref<2x32x512xf32, #tpu.memory_space<vmem>>, vector<1x1x16xf32>,
        %get3A_234 = vector.shape_cast %get3A_233 : vector<1x1x16xf32> to vector<16xf32>
        %mul3A_235 = arith.mulf %gather3A_212, %get3A_234 : vector<16xf32>
        %add3A_236 = arith.addf %broadcast_in_dim3A_206, %mul3A_235 : vector<16xf32>
        %get3A_237 = arith.constant 0 : i32
        %get3A_238 = arith.index_cast %get3A_237 : i32 to index
        %get3A_239 = arith.index_cast %add3A_196 : i32 to index
        %get3A_240 = arith.constant 48 : index
        %get3A_241 = tpu.vector_load %arg9[%get3A_238, %get3A_239, %get3A_240] {strides = array<i32>} : memref<2x32x512xf32, #tpu.memory_space<vmem>>, vector<1x1x16xf32>,
        %get3A_242 = vector.shape_cast %get3A_241 : vector<1x1x16xf32> to vector<16xf32>
        %mul3A_243 = arith.mulf %gather3A_212, %get3A_242 : vector<16xf32>
        %add3A_244 = arith.addf %broadcast_in_dim3A_208, %mul3A_243 : vector<16xf32>
        %broadcast_in_dim3A_245 = arith.constant 1 : i32
        %broadcast_in_dim3A_246 = vector.broadcast %broadcast_in_dim3A_245 : i32 to vector<16xi32>
        %broadcast_in_dim3A_247 = vector.shape_cast %broadcast_in_dim3A_246 : vector<16xi32> to vector<16x1xi32>
        %gather3A_248 = vector.shape_cast %broadcast_in_dim3A_247 : vector<16x1xi32> to vector<16xi32>
        %gather3A_249 = tpu.dynamic_gather %get3A_201[%gather3A_248] in [0] : vector<16xf32>, vector<16xi32> -> vector<16xf32>
        %get3A_250 = arith.constant 0 : i32
        %get3A_251 = arith.index_cast %get3A_250 : i32 to index
        %get3A_252 = arith.index_cast %add3A_196 : i32 to index
        %get3A_253 = arith.constant 64 : index
        %get3A_254 = tpu.vector_load %arg9[%get3A_251, %get3A_252, %get3A_253] {strides = array<i32>} : memref<2x32x512xf32, #tpu.memory_space<vmem>>, vector<1x1x16xf32>,
        %get3A_255 = vector.shape_cast %get3A_254 : vector<1x1x16xf32> to vector<16xf32>
        %mul3A_256 = arith.mulf %gather3A_249, %get3A_255 : vector<16xf32>
        %add3A_257 = arith.addf %add3A_220, %mul3A_256 : vector<16xf32>
        %get3A_258 = arith.constant 0 : i32
        %get3A_259 = arith.index_cast %get3A_258 : i32 to index
        %get3A_260 = arith.index_cast %add3A_196 : i32 to index
        %get3A_261 = arith.constant 80 : index
        %get3A_262 = tpu.vector_load %arg9[%get3A_259, %get3A_260, %get3A_261] {strides = array<i32>} : memref<2x32x512xf32, #tpu.memory_space<vmem>>, vector<1x1x16xf32>,
        %get3A_263 = vector.shape_cast %get3A_262 : vector<1x1x16xf32> to vector<16xf32>
        %mul3A_264 = arith.mulf %gather3A_249, %get3A_263 : vector<16xf32>
        %add3A_265 = arith.addf %add3A_228, %mul3A_264 : vector<16xf32>
        %get3A_266 = arith.constant 0 : i32
        %get3A_267 = arith.index_cast %get3A_266 : i32 to index
        %get3A_268 = arith.index_cast %add3A_196 : i32 to index
        %get3A_269 = arith.constant 96 : index
        %get3A_270 = tpu.vector_load %arg9[%get3A_267, %get3A_268, %get3A_269] {strides = array<i32>} : memref<2x32x512xf32, #tpu.memory_space<vmem>>, vector<1x1x16xf32>,
        %get3A_271 = vector.shape_cast %get3A_270 : vector<1x1x16xf32> to vector<16xf32>
        %mul3A_272 = arith.mulf %gather3A_249, %get3A_271 : vector<16xf32>
        %add3A_273 = arith.addf %add3A_236, %mul3A_272 : vector<16xf32>
        %get3A_274 = arith.constant 0 : i32
        %get3A_275 = arith.index_cast %get3A_274 : i32 to index
        %get3A_276 = arith.index_cast %add3A_196 : i32 to index
        %get3A_277 = arith.constant 112 : index
        %get3A_278 = tpu.vector_load %arg9[%get3A_275, %get3A_276, %get3A_277] {strides = array<i32>} : memref<2x32x512xf32, #tpu.memory_space<vmem>>, vector<1x1x16xf32>,
        %get3A_279 = vector.shape_cast %get3A_278 : vector<1x1x16xf32> to vector<16xf32>
        %mul3A_280 = arith.mulf %gather3A_249, %get3A_279 : vector<16xf32>
        %add3A_281 = arith.addf %add3A_244, %mul3A_280 : vector<16xf32>
        %broadcast_in_dim3A_282 = arith.constant 2 : i32
        %broadcast_in_dim3A_283 = vector.broadcast %broadcast_in_dim3A_282 : i32 to vector<16xi32>
        %broadcast_in_dim3A_284 = vector.shape_cast %broadcast_in_dim3A_283 : vector<16xi32> to vector<16x1xi32>
        %gather3A_285 = vector.shape_cast %broadcast_in_dim3A_284 : vector<16x1xi32> to vector<16xi32>
        %gather3A_286 = tpu.dynamic_gather %get3A_201[%gather3A_285] in [0] : vector<16xf32>, vector<16xi32> -> vector<16xf32>
        %get3A_287 = arith.constant 0 : i32
        %get3A_288 = arith.index_cast %get3A_287 : i32 to index
        %get3A_289 = arith.index_cast %add3A_196 : i32 to index
        %get3A_290 = arith.constant 128 : index
        %get3A_291 = tpu.vector_load %arg9[%get3A_288, %get3A_289, %get3A_290] {strides = array<i32>} : memref<2x32x512xf32, #tpu.memory_space<vmem>>, vector<1x1x16xf32>,
        %get3A_292 = vector.shape_cast %get3A_291 : vector<1x1x16xf32> to vector<16xf32>
        %mul3A_293 = arith.mulf %gather3A_286, %get3A_292 : vector<16xf32>
        %add3A_294 = arith.addf %add3A_257, %mul3A_293 : vector<16xf32>
        %get3A_295 = arith.constant 0 : i32
        %get3A_296 = arith.index_cast %get3A_295 : i32 to index
        %get3A_297 = arith.index_cast %add3A_196 : i32 to index
        %get3A_298 = arith.constant 144 : index
        %get3A_299 = tpu.vector_load %arg9[%get3A_296, %get3A_297, %get3A_298] {strides = array<i32>} : memref<2x32x512xf32, #tpu.memory_space<vmem>>, vector<1x1x16xf32>,
        %get3A_300 = vector.shape_cast %get3A_299 : vector<1x1x16xf32> to vector<16xf32>
        %mul3A_301 = arith.mulf %gather3A_286, %get3A_300 : vector<16xf32>
        %add3A_302 = arith.addf %add3A_265, %mul3A_301 : vector<16xf32>
        %get3A_303 = arith.constant 0 : i32
        %get3A_304 = arith.index_cast %get3A_303 : i32 to index
        %get3A_305 = arith.index_cast %add3A_196 : i32 to index
        %get3A_306 = arith.constant 160 : index
        %get3A_307 = tpu.vector_load %arg9[%get3A_304, %get3A_305, %get3A_306] {strides = array<i32>} : memref<2x32x512xf32, #tpu.memory_space<vmem>>, vector<1x1x16xf32>,
        %get3A_308 = vector.shape_cast %get3A_307 : vector<1x1x16xf32> to vector<16xf32>
        %mul3A_309 = arith.mulf %gather3A_286, %get3A_308 : vector<16xf32>
        %add3A_310 = arith.addf %add3A_273, %mul3A_309 : vector<16xf32>
        %get3A_311 = arith.constant 0 : i32
        %get3A_312 = arith.index_cast %get3A_311 : i32 to index
        %get3A_313 = arith.index_cast %add3A_196 : i32 to index
        %get3A_314 = arith.constant 176 : index
        %get3A_315 = tpu.vector_load %arg9[%get3A_312, %get3A_313, %get3A_314] {strides = array<i32>} : memref<2x32x512xf32, #tpu.memory_space<vmem>>, vector<1x1x16xf32>,
        %get3A_316 = vector.shape_cast %get3A_315 : vector<1x1x16xf32> to vector<16xf32>
        %mul3A_317 = arith.mulf %gather3A_286, %get3A_316 : vector<16xf32>
        %add3A_318 = arith.addf %add3A_281, %mul3A_317 : vector<16xf32>
        %broadcast_in_dim3A_319 = arith.constant 3 : i32
        %broadcast_in_dim3A_320 = vector.broadcast %broadcast_in_dim3A_319 : i32 to vector<16xi32>
        %broadcast_in_dim3A_321 = vector.shape_cast %broadcast_in_dim3A_320 : vector<16xi32> to vector<16x1xi32>
        %gather3A_322 = vector.shape_cast %broadcast_in_dim3A_321 : vector<16x1xi32> to vector<16xi32>
        %gather3A_323 = tpu.dynamic_gather %get3A_201[%gather3A_322] in [0] : vector<16xf32>, vector<16xi32> -> vector<16xf32>
        %get3A_324 = arith.constant 0 : i32
        %get3A_325 = arith.index_cast %get3A_324 : i32 to index
        %get3A_326 = arith.index_cast %add3A_196 : i32 to index
        %get3A_327 = arith.constant 192 : index
        %get3A_328 = tpu.vector_load %arg9[%get3A_325, %get3A_326, %get3A_327] {strides = array<i32>} : memref<2x32x512xf32, #tpu.memory_space<vmem>>, vector<1x1x16xf32>,
        %get3A_329 = vector.shape_cast %get3A_328 : vector<1x1x16xf32> to vector<16xf32>
        %mul3A_330 = arith.mulf %gather3A_323, %get3A_329 : vector<16xf32>
        %add3A_331 = arith.addf %add3A_294, %mul3A_330 : vector<16xf32>
        %get3A_332 = arith.constant 0 : i32
        %get3A_333 = arith.index_cast %get3A_332 : i32 to index
        %get3A_334 = arith.index_cast %add3A_196 : i32 to index
        %get3A_335 = arith.constant 208 : index
        %get3A_336 = tpu.vector_load %arg9[%get3A_333, %get3A_334, %get3A_335] {strides = array<i32>} : memref<2x32x512xf32, #tpu.memory_space<vmem>>, vector<1x1x16xf32>,
        %get3A_337 = vector.shape_cast %get3A_336 : vector<1x1x16xf32> to vector<16xf32>
        %mul3A_338 = arith.mulf %gather3A_323, %get3A_337 : vector<16xf32>
        %add3A_339 = arith.addf %add3A_302, %mul3A_338 : vector<16xf32>
        %get3A_340 = arith.constant 0 : i32
        %get3A_341 = arith.index_cast %get3A_340 : i32 to index
        %get3A_342 = arith.index_cast %add3A_196 : i32 to index
        %get3A_343 = arith.constant 224 : index
        %get3A_344 = tpu.vector_load %arg9[%get3A_341, %get3A_342, %get3A_343] {strides = array<i32>} : memref<2x32x512xf32, #tpu.memory_space<vmem>>, vector<1x1x16xf32>,
        %get3A_345 = vector.shape_cast %get3A_344 : vector<1x1x16xf32> to vector<16xf32>
        %mul3A_346 = arith.mulf %gather3A_323, %get3A_345 : vector<16xf32>
        %add3A_347 = arith.addf %add3A_310, %mul3A_346 : vector<16xf32>
        %get3A_348 = arith.constant 0 : i32
        %get3A_349 = arith.index_cast %get3A_348 : i32 to index
        %get3A_350 = arith.index_cast %add3A_196 : i32 to index
        %get3A_351 = arith.constant 240 : index
        %get3A_352 = tpu.vector_load %arg9[%get3A_349, %get3A_350, %get3A_351] {strides = array<i32>} : memref<2x32x512xf32, #tpu.memory_space<vmem>>, vector<1x1x16xf32>,
        %get3A_353 = vector.shape_cast %get3A_352 : vector<1x1x16xf32> to vector<16xf32>
        %mul3A_354 = arith.mulf %gather3A_323, %get3A_353 : vector<16xf32>
        %add3A_355 = arith.addf %add3A_318, %mul3A_354 : vector<16xf32>
        %broadcast_in_dim3A_356 = arith.constant 4 : i32
        %broadcast_in_dim3A_357 = vector.broadcast %broadcast_in_dim3A_356 : i32 to vector<16xi32>
        %broadcast_in_dim3A_358 = vector.shape_cast %broadcast_in_dim3A_357 : vector<16xi32> to vector<16x1xi32>
        %gather3A_359 = vector.shape_cast %broadcast_in_dim3A_358 : vector<16x1xi32> to vector<16xi32>
        %gather3A_360 = tpu.dynamic_gather %get3A_201[%gather3A_359] in [0] : vector<16xf32>, vector<16xi32> -> vector<16xf32>
        %get3A_361 = arith.constant 0 : i32
        %get3A_362 = arith.index_cast %get3A_361 : i32 to index
        %get3A_363 = arith.index_cast %add3A_196 : i32 to index
        %get3A_364 = arith.constant 256 : index
        %get3A_365 = tpu.vector_load %arg9[%get3A_362, %get3A_363, %get3A_364] {strides = array<i32>} : memref<2x32x512xf32, #tpu.memory_space<vmem>>, vector<1x1x16xf32>,
        %get3A_366 = vector.shape_cast %get3A_365 : vector<1x1x16xf32> to vector<16xf32>
        %mul3A_367 = arith.mulf %gather3A_360, %get3A_366 : vector<16xf32>
        %add3A_368 = arith.addf %add3A_331, %mul3A_367 : vector<16xf32>
        %get3A_369 = arith.constant 0 : i32
        %get3A_370 = arith.index_cast %get3A_369 : i32 to index
        %get3A_371 = arith.index_cast %add3A_196 : i32 to index
        %get3A_372 = arith.constant 272 : index
        %get3A_373 = tpu.vector_load %arg9[%get3A_370, %get3A_371, %get3A_372] {strides = array<i32>} : memref<2x32x512xf32, #tpu.memory_space<vmem>>, vector<1x1x16xf32>,
        %get3A_374 = vector.shape_cast %get3A_373 : vector<1x1x16xf32> to vector<16xf32>
        %mul3A_375 = arith.mulf %gather3A_360, %get3A_374 : vector<16xf32>
        %add3A_376 = arith.addf %add3A_339, %mul3A_375 : vector<16xf32>
        %get3A_377 = arith.constant 0 : i32
        %get3A_378 = arith.index_cast %get3A_377 : i32 to index
        %get3A_379 = arith.index_cast %add3A_196 : i32 to index
        %get3A_380 = arith.constant 288 : index
        %get3A_381 = tpu.vector_load %arg9[%get3A_378, %get3A_379, %get3A_380] {strides = array<i32>} : memref<2x32x512xf32, #tpu.memory_space<vmem>>, vector<1x1x16xf32>,
        %get3A_382 = vector.shape_cast %get3A_381 : vector<1x1x16xf32> to vector<16xf32>
        %mul3A_383 = arith.mulf %gather3A_360, %get3A_382 : vector<16xf32>
        %add3A_384 = arith.addf %add3A_347, %mul3A_383 : vector<16xf32>
        %get3A_385 = arith.constant 0 : i32
        %get3A_386 = arith.index_cast %get3A_385 : i32 to index
        %get3A_387 = arith.index_cast %add3A_196 : i32 to index
        %get3A_388 = arith.constant 304 : index
        %get3A_389 = tpu.vector_load %arg9[%get3A_386, %get3A_387, %get3A_388] {strides = array<i32>} : memref<2x32x512xf32, #tpu.memory_space<vmem>>, vector<1x1x16xf32>,
        %get3A_390 = vector.shape_cast %get3A_389 : vector<1x1x16xf32> to vector<16xf32>
        %mul3A_391 = arith.mulf %gather3A_360, %get3A_390 : vector<16xf32>
        %add3A_392 = arith.addf %add3A_355, %mul3A_391 : vector<16xf32>
        %broadcast_in_dim3A_393 = arith.constant 5 : i32
        %broadcast_in_dim3A_394 = vector.broadcast %broadcast_in_dim3A_393 : i32 to vector<16xi32>
        %broadcast_in_dim3A_395 = vector.shape_cast %broadcast_in_dim3A_394 : vector<16xi32> to vector<16x1xi32>
        %gather3A_396 = vector.shape_cast %broadcast_in_dim3A_395 : vector<16x1xi32> to vector<16xi32>
        %gather3A_397 = tpu.dynamic_gather %get3A_201[%gather3A_396] in [0] : vector<16xf32>, vector<16xi32> -> vector<16xf32>
        %get3A_398 = arith.constant 0 : i32
        %get3A_399 = arith.index_cast %get3A_398 : i32 to index
        %get3A_400 = arith.index_cast %add3A_196 : i32 to index
        %get3A_401 = arith.constant 320 : index
        %get3A_402 = tpu.vector_load %arg9[%get3A_399, %get3A_400, %get3A_401] {strides = array<i32>} : memref<2x32x512xf32, #tpu.memory_space<vmem>>, vector<1x1x16xf32>,
        %get3A_403 = vector.shape_cast %get3A_402 : vector<1x1x16xf32> to vector<16xf32>
        %mul3A_404 = arith.mulf %gather3A_397, %get3A_403 : vector<16xf32>
        %add3A_405 = arith.addf %add3A_368, %mul3A_404 : vector<16xf32>
        %get3A_406 = arith.constant 0 : i32
        %get3A_407 = arith.index_cast %get3A_406 : i32 to index
        %get3A_408 = arith.index_cast %add3A_196 : i32 to index
        %get3A_409 = arith.constant 336 : index
        %get3A_410 = tpu.vector_load %arg9[%get3A_407, %get3A_408, %get3A_409] {strides = array<i32>} : memref<2x32x512xf32, #tpu.memory_space<vmem>>, vector<1x1x16xf32>,
        %get3A_411 = vector.shape_cast %get3A_410 : vector<1x1x16xf32> to vector<16xf32>
        %mul3A_412 = arith.mulf %gather3A_397, %get3A_411 : vector<16xf32>
        %add3A_413 = arith.addf %add3A_376, %mul3A_412 : vector<16xf32>
        %get3A_414 = arith.constant 0 : i32
        %get3A_415 = arith.index_cast %get3A_414 : i32 to index
        %get3A_416 = arith.index_cast %add3A_196 : i32 to index
        %get3A_417 = arith.constant 352 : index
        %get3A_418 = tpu.vector_load %arg9[%get3A_415, %get3A_416, %get3A_417] {strides = array<i32>} : memref<2x32x512xf32, #tpu.memory_space<vmem>>, vector<1x1x16xf32>,
        %get3A_419 = vector.shape_cast %get3A_418 : vector<1x1x16xf32> to vector<16xf32>
        %mul3A_420 = arith.mulf %gather3A_397, %get3A_419 : vector<16xf32>
        %add3A_421 = arith.addf %add3A_384, %mul3A_420 : vector<16xf32>
        %get3A_422 = arith.constant 0 : i32
        %get3A_423 = arith.index_cast %get3A_422 : i32 to index
        %get3A_424 = arith.index_cast %add3A_196 : i32 to index
        %get3A_425 = arith.constant 368 : index
        %get3A_426 = tpu.vector_load %arg9[%get3A_423, %get3A_424, %get3A_425] {strides = array<i32>} : memref<2x32x512xf32, #tpu.memory_space<vmem>>, vector<1x1x16xf32>,
        %get3A_427 = vector.shape_cast %get3A_426 : vector<1x1x16xf32> to vector<16xf32>
        %mul3A_428 = arith.mulf %gather3A_397, %get3A_427 : vector<16xf32>
        %add3A_429 = arith.addf %add3A_392, %mul3A_428 : vector<16xf32>
        %broadcast_in_dim3A_430 = arith.constant 6 : i32
        %broadcast_in_dim3A_431 = vector.broadcast %broadcast_in_dim3A_430 : i32 to vector<16xi32>
        %broadcast_in_dim3A_432 = vector.shape_cast %broadcast_in_dim3A_431 : vector<16xi32> to vector<16x1xi32>
        %gather3A_433 = vector.shape_cast %broadcast_in_dim3A_432 : vector<16x1xi32> to vector<16xi32>
        %gather3A_434 = tpu.dynamic_gather %get3A_201[%gather3A_433] in [0] : vector<16xf32>, vector<16xi32> -> vector<16xf32>
        %get3A_435 = arith.constant 0 : i32
        %get3A_436 = arith.index_cast %get3A_435 : i32 to index
        %get3A_437 = arith.index_cast %add3A_196 : i32 to index
        %get3A_438 = arith.constant 384 : index
        %get3A_439 = tpu.vector_load %arg9[%get3A_436, %get3A_437, %get3A_438] {strides = array<i32>} : memref<2x32x512xf32, #tpu.memory_space<vmem>>, vector<1x1x16xf32>,
        %get3A_440 = vector.shape_cast %get3A_439 : vector<1x1x16xf32> to vector<16xf32>
        %mul3A_441 = arith.mulf %gather3A_434, %get3A_440 : vector<16xf32>
        %add3A_442 = arith.addf %add3A_405, %mul3A_441 : vector<16xf32>
        %get3A_443 = arith.constant 0 : i32
        %get3A_444 = arith.index_cast %get3A_443 : i32 to index
        %get3A_445 = arith.index_cast %add3A_196 : i32 to index
        %get3A_446 = arith.constant 400 : index
        %get3A_447 = tpu.vector_load %arg9[%get3A_444, %get3A_445, %get3A_446] {strides = array<i32>} : memref<2x32x512xf32, #tpu.memory_space<vmem>>, vector<1x1x16xf32>,
        %get3A_448 = vector.shape_cast %get3A_447 : vector<1x1x16xf32> to vector<16xf32>
        %mul3A_449 = arith.mulf %gather3A_434, %get3A_448 : vector<16xf32>
        %add3A_450 = arith.addf %add3A_413, %mul3A_449 : vector<16xf32>
        %get3A_451 = arith.constant 0 : i32
        %get3A_452 = arith.index_cast %get3A_451 : i32 to index
        %get3A_453 = arith.index_cast %add3A_196 : i32 to index
        %get3A_454 = arith.constant 416 : index
        %get3A_455 = tpu.vector_load %arg9[%get3A_452, %get3A_453, %get3A_454] {strides = array<i32>} : memref<2x32x512xf32, #tpu.memory_space<vmem>>, vector<1x1x16xf32>,
        %get3A_456 = vector.shape_cast %get3A_455 : vector<1x1x16xf32> to vector<16xf32>
        %mul3A_457 = arith.mulf %gather3A_434, %get3A_456 : vector<16xf32>
        %add3A_458 = arith.addf %add3A_421, %mul3A_457 : vector<16xf32>
        %get3A_459 = arith.constant 0 : i32
        %get3A_460 = arith.index_cast %get3A_459 : i32 to index
        %get3A_461 = arith.index_cast %add3A_196 : i32 to index
        %get3A_462 = arith.constant 432 : index
        %get3A_463 = tpu.vector_load %arg9[%get3A_460, %get3A_461, %get3A_462] {strides = array<i32>} : memref<2x32x512xf32, #tpu.memory_space<vmem>>, vector<1x1x16xf32>,
        %get3A_464 = vector.shape_cast %get3A_463 : vector<1x1x16xf32> to vector<16xf32>
        %mul3A_465 = arith.mulf %gather3A_434, %get3A_464 : vector<16xf32>
        %add3A_466 = arith.addf %add3A_429, %mul3A_465 : vector<16xf32>
        %broadcast_in_dim3A_467 = arith.constant 7 : i32
        %broadcast_in_dim3A_468 = vector.broadcast %broadcast_in_dim3A_467 : i32 to vector<16xi32>
        %broadcast_in_dim3A_469 = vector.shape_cast %broadcast_in_dim3A_468 : vector<16xi32> to vector<16x1xi32>
        %gather3A_470 = vector.shape_cast %broadcast_in_dim3A_469 : vector<16x1xi32> to vector<16xi32>
        %gather3A_471 = tpu.dynamic_gather %get3A_201[%gather3A_470] in [0] : vector<16xf32>, vector<16xi32> -> vector<16xf32>
        %get3A_472 = arith.constant 0 : i32
        %get3A_473 = arith.index_cast %get3A_472 : i32 to index
        %get3A_474 = arith.index_cast %add3A_196 : i32 to index
        %get3A_475 = arith.constant 448 : index
        %get3A_476 = tpu.vector_load %arg9[%get3A_473, %get3A_474, %get3A_475] {strides = array<i32>} : memref<2x32x512xf32, #tpu.memory_space<vmem>>, vector<1x1x16xf32>,
        %get3A_477 = vector.shape_cast %get3A_476 : vector<1x1x16xf32> to vector<16xf32>
        %mul3A_478 = arith.mulf %gather3A_471, %get3A_477 : vector<16xf32>
        %add3A_479 = arith.addf %add3A_442, %mul3A_478 : vector<16xf32>
        %get3A_480 = arith.constant 0 : i32
        %get3A_481 = arith.index_cast %get3A_480 : i32 to index
        %get3A_482 = arith.index_cast %add3A_196 : i32 to index
        %get3A_483 = arith.constant 464 : index
        %get3A_484 = tpu.vector_load %arg9[%get3A_481, %get3A_482, %get3A_483] {strides = array<i32>} : memref<2x32x512xf32, #tpu.memory_space<vmem>>, vector<1x1x16xf32>,
        %get3A_485 = vector.shape_cast %get3A_484 : vector<1x1x16xf32> to vector<16xf32>
        %mul3A_486 = arith.mulf %gather3A_471, %get3A_485 : vector<16xf32>
        %add3A_487 = arith.addf %add3A_450, %mul3A_486 : vector<16xf32>
        %get3A_488 = arith.constant 0 : i32
        %get3A_489 = arith.index_cast %get3A_488 : i32 to index
        %get3A_490 = arith.index_cast %add3A_196 : i32 to index
        %get3A_491 = arith.constant 480 : index
        %get3A_492 = tpu.vector_load %arg9[%get3A_489, %get3A_490, %get3A_491] {strides = array<i32>} : memref<2x32x512xf32, #tpu.memory_space<vmem>>, vector<1x1x16xf32>,
        %get3A_493 = vector.shape_cast %get3A_492 : vector<1x1x16xf32> to vector<16xf32>
        %mul3A_494 = arith.mulf %gather3A_471, %get3A_493 : vector<16xf32>
        %add3A_495 = arith.addf %add3A_458, %mul3A_494 : vector<16xf32>
        %get3A_496 = arith.constant 0 : i32
        %get3A_497 = arith.index_cast %get3A_496 : i32 to index
        %get3A_498 = arith.index_cast %add3A_196 : i32 to index
        %get3A_499 = arith.constant 496 : index
        %get3A_500 = tpu.vector_load %arg9[%get3A_497, %get3A_498, %get3A_499] {strides = array<i32>} : memref<2x32x512xf32, #tpu.memory_space<vmem>>, vector<1x1x16xf32>,
        %get3A_501 = vector.shape_cast %get3A_500 : vector<1x1x16xf32> to vector<16xf32>
        %mul3A_502 = arith.mulf %gather3A_471, %get3A_501 : vector<16xf32>
        %add3A_503 = arith.addf %add3A_466, %mul3A_502 : vector<16xf32>
        %swap3A = arith.constant 0 : i32
        %swap3A_504 = arith.index_cast %swap3A : i32 to index
        %swap3A_505 = arith.index_cast %add3A_196 : i32 to index
        %swap3A_506 = arith.constant 0 : index
        %swap3A_507 = tpu.vector_load %arg11[%swap3A_504, %swap3A_505, %swap3A_506] {strides = array<i32>} : memref<2x32x64xf32, #tpu.memory_space<vmem>>, vector<1x1x16xf32>,
        %swap3A_508 = vector.shape_cast %swap3A_507 : vector<1x1x16xf32> to vector<16xf32>
        %swap3A_509 = vector.shape_cast %add3A_479 : vector<16xf32> to vector<1x1x16xf32>
        tpu.vector_store %arg11[%swap3A_504, %swap3A_505, %swap3A_506], %swap3A_509 {strides = array<i32>} : memref<2x32x64xf32, #tpu.memory_space<vmem>>, vector<1x1x16xf32>,
        %swap3A_510 = arith.constant 0 : i32
        %swap3A_511 = arith.index_cast %swap3A_510 : i32 to index
        %swap3A_512 = arith.index_cast %add3A_196 : i32 to index
        %swap3A_513 = arith.constant 16 : index
        %swap3A_514 = tpu.vector_load %arg11[%swap3A_511, %swap3A_512, %swap3A_513] {strides = array<i32>} : memref<2x32x64xf32, #tpu.memory_space<vmem>>, vector<1x1x16xf32>,
        %swap3A_515 = vector.shape_cast %swap3A_514 : vector<1x1x16xf32> to vector<16xf32>
        %swap3A_516 = vector.shape_cast %add3A_487 : vector<16xf32> to vector<1x1x16xf32>
        tpu.vector_store %arg11[%swap3A_511, %swap3A_512, %swap3A_513], %swap3A_516 {strides = array<i32>} : memref<2x32x64xf32, #tpu.memory_space<vmem>>, vector<1x1x16xf32>,
        %swap3A_517 = arith.constant 0 : i32
        %swap3A_518 = arith.index_cast %swap3A_517 : i32 to index
        %swap3A_519 = arith.index_cast %add3A_196 : i32 to index
        %swap3A_520 = arith.constant 32 : index
        %swap3A_521 = tpu.vector_load %arg11[%swap3A_518, %swap3A_519, %swap3A_520] {strides = array<i32>} : memref<2x32x64xf32, #tpu.memory_space<vmem>>, vector<1x1x16xf32>,
        %swap3A_522 = vector.shape_cast %swap3A_521 : vector<1x1x16xf32> to vector<16xf32>
        %swap3A_523 = vector.shape_cast %add3A_495 : vector<16xf32> to vector<1x1x16xf32>
        tpu.vector_store %arg11[%swap3A_518, %swap3A_519, %swap3A_520], %swap3A_523 {strides = array<i32>} : memref<2x32x64xf32, #tpu.memory_space<vmem>>, vector<1x1x16xf32>,
        %swap3A_524 = arith.constant 0 : i32
        %swap3A_525 = arith.index_cast %swap3A_524 : i32 to index
        %swap3A_526 = arith.index_cast %add3A_196 : i32 to index
        %swap3A_527 = arith.constant 48 : index
        %swap3A_528 = tpu.vector_load %arg11[%swap3A_525, %swap3A_526, %swap3A_527] {strides = array<i32>} : memref<2x32x64xf32, #tpu.memory_space<vmem>>, vector<1x1x16xf32>,
        %swap3A_529 = vector.shape_cast %swap3A_528 : vector<1x1x16xf32> to vector<16xf32>
        %swap3A_530 = vector.shape_cast %add3A_503 : vector<16xf32> to vector<1x1x16xf32>
        tpu.vector_store %arg11[%swap3A_525, %swap3A_526, %swap3A_527], %swap3A_530 {strides = array<i32>} : memref<2x32x64xf32, #tpu.memory_space<vmem>>, vector<1x1x16xf32>,
      }
      %scan3A_122 = arith.constant 32 : i32
      %dma_start3A_123 = arith.constant 0 : i32
      %dma_start3A_124 = arith.constant 0 : i32
      %dma_start3A_125 = arith.constant 0 : i32
      %dma_start3A_126 = tpu.memref_slice %arg11[%dma_start3A_123, %dma_start3A_124, %dma_start3A_125] : memref<2x32x64xf32, #tpu.memory_space<vmem>> -> memref<1x32x64xf32, #tpu.memory_space<vmem>>
      %dma_start3A_127 = tpu.memref_squeeze %dma_start3A_126 : memref<1x32x64xf32, #tpu.memory_space<vmem>> -> memref<32x64xf32, #tpu.memory_space<vmem>>
      %dma_start3A_128 = arith.constant 0 : i32
      %dma_start3A_129 = tpu.memref_slice %arg8[%add3A_81, %dma_start3A_128] : memref<168x32xi32, #tpu.memory_space<vmem>> -> memref<1x32xi32, #tpu.memory_space<vmem>>
      %dma_start3A_130 = tpu.memref_squeeze %dma_start3A_129 : memref<1x32xi32, #tpu.memory_space<vmem>> -> memref<32xi32, #tpu.memory_space<vmem>>
      %dma_start3A_131 = arith.constant 0 : i32
      %dma_start3A_132 = arith.constant 0 : i32
      %dma_start3A_133 = tpu.memref_slice %arg13[%dma_start3A_131, %dma_start3A_132] : memref<10240x64xf32, #tpu.memory_space<vmem_shared>> -> memref<10240x64xf32, #tpu.memory_space<vmem_shared>>
      tpu.enqueue_indirect_dma source(%dma_start3A_127 : memref<32x64xf32, #tpu.memory_space<vmem>>) target(%dma_start3A_133 : memref<10240x64xf32, #tpu.memory_space<vmem_shared>>) offsets(%dma_start3A_130 : memref<32xi32, #tpu.memory_space<vmem>>) semaphore(%arg18 : memref<!tpu.dma_semaphore, #tpu.memory_space<semaphore_mem>>) {add = true}
      %add3A_134 = arith.constant 1 : i32
      %add3A_135 = arith.addi %add3A_79, %add3A_134 : i32
      %add3A_136 = arith.constant 1 : i32
      %add3A_137 = arith.addi %add3A_135, %add3A_136 : i32
      %lt3A_138 = arith.constant 168 : i32
      %lt3A_139 = arith.cmpi slt, %add3A_137, %lt3A_138 : i32
      %convert_element_type3A_140 = arith.extui %lt3A_139 : i1 to i32
      %cond3A_141 = arith.constant 0 : i32
      %cond3A_142 = arith.cmpi ne, %convert_element_type3A_140, %cond3A_141 : i32
      scf.if %cond3A_142 {
        %add3A_192 = arith.constant 1 : i32
        %add3A_193 = arith.addi %add3A_135, %add3A_192 : i32
        %mul3A_194 = arith.constant 32 : i32
        %mul3A_195 = arith.muli %add3A_193, %mul3A_194 : i32
        %dma_start3A_196 = arith.constant 0 : i32
        %dma_start3A_197 = arith.constant 0 : i32
        %dma_start3A_198 = arith.constant 0 : i32
        %dma_start3A_199 = tpu.memref_slice %arg9[%dma_start3A_196, %dma_start3A_197, %dma_start3A_198] : memref<2x32x512xf32, #tpu.memory_space<vmem>> -> memref<1x32x512xf32, #tpu.memory_space<vmem>>
        %dma_start3A_200 = tpu.memref_squeeze %dma_start3A_199 : memref<1x32x512xf32, #tpu.memory_space<vmem>> -> memref<32x512xf32, #tpu.memory_space<vmem>>
        %dma_start3A_201 = tpu.memref_slice %arg7[%mul3A_195] : memref<5376xi32, #tpu.memory_space<vmem>> -> memref<32xi32, #tpu.memory_space<vmem>>
        %dma_start3A_202 = arith.constant 0 : i32
        %dma_start3A_203 = arith.constant 0 : i32
        %dma_start3A_204 = tpu.memref_slice %arg5[%dma_start3A_202, %dma_start3A_203] : memref<10240x512xf32, #tpu.memory_space<hbm>> -> memref<10240x512xf32, #tpu.memory_space<hbm>>
        tpu.enqueue_indirect_dma source(%dma_start3A_204 : memref<10240x512xf32, #tpu.memory_space<hbm>>) target(%dma_start3A_200 : memref<32x512xf32, #tpu.memory_space<vmem>>) offsets(%dma_start3A_201 : memref<32xi32, #tpu.memory_space<vmem>>) semaphore(%arg14 : memref<!tpu.dma_semaphore, #tpu.memory_space<semaphore_mem>>)
        %mul3A_205 = arith.constant 168 : i32
        %mul3A_206 = arith.muli %add3A, %mul3A_205 : i32
        %add3A_207 = arith.addi %mul3A_206, %add3A_193 : i32
        %dma_start3A_208 = arith.constant 0 : i32
        %dma_start3A_209 = arith.constant 0 : i32
        %dma_start3A_210 = arith.constant 0 : i32
        %dma_start3A_211 = tpu.memref_slice %arg10[%dma_start3A_208, %dma_start3A_209, %dma_start3A_210] : memref<2x32x16xf32, #tpu.memory_space<vmem>> -> memref<1x32x16xf32, #tpu.memory_space<vmem>>
        %dma_start3A_212 = tpu.memref_squeeze %dma_start3A_211 : memref<1x32x16xf32, #tpu.memory_space<vmem>> -> memref<32x16xf32, #tpu.memory_space<vmem>>
        %dma_start3A_213 = arith.constant 0 : i32
        %dma_start3A_214 = arith.constant 0 : i32
        %dma_start3A_215 = tpu.memref_slice %arg4[%add3A_207, %dma_start3A_213, %dma_start3A_214] : memref<5376x32x16xf32, #tpu.memory_space<hbm>> -> memref<1x32x16xf32, #tpu.memory_space<hbm>>
        %dma_start3A_216 = tpu.memref_squeeze %dma_start3A_215 : memref<1x32x16xf32, #tpu.memory_space<hbm>> -> memref<32x16xf32, #tpu.memory_space<hbm>>
        %dma_start3A_217 = arith.constant 0 : i32
        %dma_start3A_218 = arith.constant 0 : i32
        %dma_start3A_219 = tpu.memref_slice %arg10[%dma_start3A_208, %dma_start3A_217, %dma_start3A_218] : memref<2x32x16xf32, #tpu.memory_space<vmem>> -> memref<1x32x16xf32, #tpu.memory_space<vmem>>
        %dma_start3A_220 = tpu.memref_squeeze %dma_start3A_219 : memref<1x32x16xf32, #tpu.memory_space<vmem>> -> memref<32x16xf32, #tpu.memory_space<vmem>>
        %dma_start3A_221 = arith.constant 0 : i32
        %dma_start3A_222 = arith.constant 0 : i32
        %dma_start3A_223 = tpu.memref_slice %arg4[%add3A_207, %dma_start3A_221, %dma_start3A_222] : memref<5376x32x16xf32, #tpu.memory_space<hbm>> -> memref<1x32x16xf32, #tpu.memory_space<hbm>>
        %dma_start3A_224 = tpu.memref_squeeze %dma_start3A_223 : memref<1x32x16xf32, #tpu.memory_space<hbm>> -> memref<32x16xf32, #tpu.memory_space<hbm>>
        tpu.enqueue_dma source(%dma_start3A_224 : memref<32x16xf32, #tpu.memory_space<hbm>>) target(%dma_start3A_220 : memref<32x16xf32, #tpu.memory_space<vmem>>) target_semaphore(%arg16 : memref<!tpu.dma_semaphore, #tpu.memory_space<semaphore_mem>>)
      } else {
      }
      %dma_wait3A_143 = arith.constant 1 : i32
      %dma_wait3A_144 = arith.constant 0 : i32
      %dma_wait3A_145 = arith.constant 0 : i32
      %dma_wait3A_146 = tpu.memref_slice %arg9[%dma_wait3A_143, %dma_wait3A_144, %dma_wait3A_145] : memref<2x32x512xf32, #tpu.memory_space<vmem>> -> memref<1x32x512xf32, #tpu.memory_space<vmem>>
      %dma_wait3A_147 = tpu.memref_squeeze %dma_wait3A_146 : memref<1x32x512xf32, #tpu.memory_space<vmem>> -> memref<32x512xf32, #tpu.memory_space<vmem>>
      %dma_wait3A_148 = arith.constant 0 : i32
      %dma_wait3A_149 = tpu.memref_slice %arg7[%dma_wait3A_148] : memref<5376xi32, #tpu.memory_space<vmem>> -> memref<32xi32, #tpu.memory_space<vmem>>
      %dma_wait3A_150 = arith.constant 0 : i32
      %dma_wait3A_151 = arith.constant 0 : i32
      %dma_wait3A_152 = tpu.memref_slice %arg5[%dma_wait3A_150, %dma_wait3A_151] : memref<10240x512xf32, #tpu.memory_space<hbm>> -> memref<10240x512xf32, #tpu.memory_space<hbm>>
      tpu.wait_indirect_dma semaphore(%arg15 : memref<!tpu.dma_semaphore, #tpu.memory_space<semaphore_mem>>) src(%dma_wait3A_152 : memref<10240x512xf32, #tpu.memory_space<hbm>>) dst(%dma_wait3A_147 : memref<32x512xf32, #tpu.memory_space<vmem>>)
      %dma_wait3A_153 = arith.constant 0 : i32
      %dma_wait3A_154 = arith.constant 1 : i32
      %dma_wait3A_155 = arith.constant 0 : i32
      %dma_wait3A_156 = arith.constant 0 : i32
      %dma_wait3A_157 = tpu.memref_slice %arg10[%dma_wait3A_154, %dma_wait3A_155, %dma_wait3A_156] : memref<2x32x16xf32, #tpu.memory_space<vmem>> -> memref<1x32x16xf32, #tpu.memory_space<vmem>>
      %dma_wait3A_158 = tpu.memref_squeeze %dma_wait3A_157 : memref<1x32x16xf32, #tpu.memory_space<vmem>> -> memref<32x16xf32, #tpu.memory_space<vmem>>
      %dma_wait3A_159 = arith.constant 0 : i32
      %dma_wait3A_160 = arith.constant 0 : i32
      %dma_wait3A_161 = tpu.memref_slice %arg4[%dma_wait3A_153, %dma_wait3A_159, %dma_wait3A_160] : memref<5376x32x16xf32, #tpu.memory_space<hbm>> -> memref<1x32x16xf32, #tpu.memory_space<hbm>>
      %dma_wait3A_162 = tpu.memref_squeeze %dma_wait3A_161 : memref<1x32x16xf32, #tpu.memory_space<hbm>> -> memref<32x16xf32, #tpu.memory_space<hbm>>
      %dma_wait3A_163 = arith.constant 0 : i32
      %dma_wait3A_164 = arith.constant 0 : i32
      %dma_wait3A_165 = tpu.memref_slice %arg10[%dma_wait3A_154, %dma_wait3A_163, %dma_wait3A_164] : memref<2x32x16xf32, #tpu.memory_space<vmem>> -> memref<1x32x16xf32, #tpu.memory_space<vmem>>
      %dma_wait3A_166 = tpu.memref_squeeze %dma_wait3A_165 : memref<1x32x16xf32, #tpu.memory_space<vmem>> -> memref<32x16xf32, #tpu.memory_space<vmem>>
      %dma_wait3A_167 = arith.constant 0 : i32
      %dma_wait3A_168 = arith.constant 0 : i32
      %dma_wait3A_169 = tpu.memref_slice %arg4[%dma_wait3A_153, %dma_wait3A_167, %dma_wait3A_168] : memref<5376x32x16xf32, #tpu.memory_space<hbm>> -> memref<1x32x16xf32, #tpu.memory_space<hbm>>
      %dma_wait3A_170 = tpu.memref_squeeze %dma_wait3A_169 : memref<1x32x16xf32, #tpu.memory_space<hbm>> -> memref<32x16xf32, #tpu.memory_space<hbm>>
      tpu.wait_dma2 semaphore(%arg17 : memref<!tpu.dma_semaphore, #tpu.memory_space<semaphore_mem>>) src(%dma_wait3A_170 : memref<32x16xf32, #tpu.memory_space<hbm>>) dst(%dma_wait3A_166 : memref<32x16xf32, #tpu.memory_space<vmem>>)
      %ge3A_171 = arith.constant 2 : i32
      %ge3A_172 = arith.cmpi sge, %add3A_135, %ge3A_171 : i32
      %convert_element_type3A_173 = arith.extui %ge3A_172 : i1 to i32
      %cond3A_174 = arith.constant 0 : i32
      %cond3A_175 = arith.cmpi ne, %convert_element_type3A_173, %cond3A_174 : i32
      scf.if %cond3A_175 {
        %dma_wait3A_192 = arith.constant 1 : i32
        %dma_wait3A_193 = arith.constant 0 : i32
        %dma_wait3A_194 = arith.constant 0 : i32
        %dma_wait3A_195 = arith.constant 0 : i32
        %dma_wait3A_196 = tpu.memref_slice %arg11[%dma_wait3A_192, %dma_wait3A_194, %dma_wait3A_195] : memref<2x32x64xf32, #tpu.memory_space<vmem>> -> memref<1x32x64xf32, #tpu.memory_space<vmem>>
        %dma_wait3A_197 = tpu.memref_squeeze %dma_wait3A_196 : memref<1x32x64xf32, #tpu.memory_space<vmem>> -> memref<32x64xf32, #tpu.memory_space<vmem>>
        %dma_wait3A_198 = arith.constant 0 : i32
        %dma_wait3A_199 = tpu.memref_slice %arg8[%dma_wait3A_193, %dma_wait3A_198] : memref<168x32xi32, #tpu.memory_space<vmem>> -> memref<1x32xi32, #tpu.memory_space<vmem>>
        %dma_wait3A_200 = tpu.memref_squeeze %dma_wait3A_199 : memref<1x32xi32, #tpu.memory_space<vmem>> -> memref<32xi32, #tpu.memory_space<vmem>>
        %dma_wait3A_201 = arith.constant 0 : i32
        %dma_wait3A_202 = arith.constant 0 : i32
        %dma_wait3A_203 = tpu.memref_slice %arg13[%dma_wait3A_201, %dma_wait3A_202] : memref<10240x64xf32, #tpu.memory_space<vmem_shared>> -> memref<10240x64xf32, #tpu.memory_space<vmem_shared>>
        tpu.wait_indirect_dma semaphore(%arg19 : memref<!tpu.dma_semaphore, #tpu.memory_space<semaphore_mem>>) src(%dma_wait3A_197 : memref<32x64xf32, #tpu.memory_space<vmem>>) dst(%dma_wait3A_203 : memref<10240x64xf32, #tpu.memory_space<vmem_shared>>)
      } else {
      }
      %scan3A_176 = arith.constant 0 : i32
      %scan3A_177 = arith.constant 32 : i32
      %scan3A_178 = arith.addi %scan3A_176, %scan3A_177 : i32
      %scan3A_179 = arith.constant 1 : i32
      scf.for %scan3A_192 = %scan3A_176 to %scan3A_178 step %scan3A_179  : i32 {
        %mul3A_193 = arith.constant 1 : i32
        %mul3A_194 = arith.muli %scan3A_192, %mul3A_193 : i32
        %add3A_195 = arith.constant 0 : i32
        %add3A_196 = arith.addi %add3A_195, %mul3A_194 : i32
        %get3A = arith.constant 1 : i32
        %get3A_197 = arith.index_cast %get3A : i32 to index
        %get3A_198 = arith.index_cast %add3A_196 : i32 to index
        %get3A_199 = arith.constant 0 : index
        %get3A_200 = tpu.vector_load %arg10[%get3A_197, %get3A_198, %get3A_199] {strides = array<i32>} : memref<2x32x16xf32, #tpu.memory_space<vmem>>, vector<1x1x16xf32>,
        %get3A_201 = vector.shape_cast %get3A_200 : vector<1x1x16xf32> to vector<16xf32>
        %broadcast_in_dim3A = arith.constant 0.000000e+00 : f32
        %broadcast_in_dim3A_202 = vector.broadcast %broadcast_in_dim3A : f32 to vector<16xf32>
        %broadcast_in_dim3A_203 = arith.constant 0.000000e+00 : f32
        %broadcast_in_dim3A_204 = vector.broadcast %broadcast_in_dim3A_203 : f32 to vector<16xf32>
        %broadcast_in_dim3A_205 = arith.constant 0.000000e+00 : f32
        %broadcast_in_dim3A_206 = vector.broadcast %broadcast_in_dim3A_205 : f32 to vector<16xf32>
        %broadcast_in_dim3A_207 = arith.constant 0.000000e+00 : f32
        %broadcast_in_dim3A_208 = vector.broadcast %broadcast_in_dim3A_207 : f32 to vector<16xf32>
        %broadcast_in_dim3A_209 = arith.constant 0 : i32
        %broadcast_in_dim3A_210 = vector.broadcast %broadcast_in_dim3A_209 : i32 to vector<16xi32>
        %broadcast_in_dim3A_211 = vector.shape_cast %broadcast_in_dim3A_210 : vector<16xi32> to vector<16x1xi32>
        %gather3A = vector.shape_cast %broadcast_in_dim3A_211 : vector<16x1xi32> to vector<16xi32>
        %gather3A_212 = tpu.dynamic_gather %get3A_201[%gather3A] in [0] : vector<16xf32>, vector<16xi32> -> vector<16xf32>
        %get3A_213 = arith.constant 1 : i32
        %get3A_214 = arith.index_cast %get3A_213 : i32 to index
        %get3A_215 = arith.index_cast %add3A_196 : i32 to index
        %get3A_216 = arith.constant 0 : index
        %get3A_217 = tpu.vector_load %arg9[%get3A_214, %get3A_215, %get3A_216] {strides = array<i32>} : memref<2x32x512xf32, #tpu.memory_space<vmem>>, vector<1x1x16xf32>,
        %get3A_218 = vector.shape_cast %get3A_217 : vector<1x1x16xf32> to vector<16xf32>
        %mul3A_219 = arith.mulf %gather3A_212, %get3A_218 : vector<16xf32>
        %add3A_220 = arith.addf %broadcast_in_dim3A_202, %mul3A_219 : vector<16xf32>
        %get3A_221 = arith.constant 1 : i32
        %get3A_222 = arith.index_cast %get3A_221 : i32 to index
        %get3A_223 = arith.index_cast %add3A_196 : i32 to index
        %get3A_224 = arith.constant 16 : index
        %get3A_225 = tpu.vector_load %arg9[%get3A_222, %get3A_223, %get3A_224] {strides = array<i32>} : memref<2x32x512xf32, #tpu.memory_space<vmem>>, vector<1x1x16xf32>,
        %get3A_226 = vector.shape_cast %get3A_225 : vector<1x1x16xf32> to vector<16xf32>
        %mul3A_227 = arith.mulf %gather3A_212, %get3A_226 : vector<16xf32>
        %add3A_228 = arith.addf %broadcast_in_dim3A_204, %mul3A_227 : vector<16xf32>
        %get3A_229 = arith.constant 1 : i32
        %get3A_230 = arith.index_cast %get3A_229 : i32 to index
        %get3A_231 = arith.index_cast %add3A_196 : i32 to index
        %get3A_232 = arith.constant 32 : index
        %get3A_233 = tpu.vector_load %arg9[%get3A_230, %get3A_231, %get3A_232] {strides = array<i32>} : memref<2x32x512xf32, #tpu.memory_space<vmem>>, vector<1x1x16xf32>,
        %get3A_234 = vector.shape_cast %get3A_233 : vector<1x1x16xf32> to vector<16xf32>
        %mul3A_235 = arith.mulf %gather3A_212, %get3A_234 : vector<16xf32>
        %add3A_236 = arith.addf %broadcast_in_dim3A_206, %mul3A_235 : vector<16xf32>
        %get3A_237 = arith.constant 1 : i32
        %get3A_238 = arith.index_cast %get3A_237 : i32 to index
        %get3A_239 = arith.index_cast %add3A_196 : i32 to index
        %get3A_240 = arith.constant 48 : index
        %get3A_241 = tpu.vector_load %arg9[%get3A_238, %get3A_239, %get3A_240] {strides = array<i32>} : memref<2x32x512xf32, #tpu.memory_space<vmem>>, vector<1x1x16xf32>,
        %get3A_242 = vector.shape_cast %get3A_241 : vector<1x1x16xf32> to vector<16xf32>
        %mul3A_243 = arith.mulf %gather3A_212, %get3A_242 : vector<16xf32>
        %add3A_244 = arith.addf %broadcast_in_dim3A_208, %mul3A_243 : vector<16xf32>
        %broadcast_in_dim3A_245 = arith.constant 1 : i32
        %broadcast_in_dim3A_246 = vector.broadcast %broadcast_in_dim3A_245 : i32 to vector<16xi32>
        %broadcast_in_dim3A_247 = vector.shape_cast %broadcast_in_dim3A_246 : vector<16xi32> to vector<16x1xi32>
        %gather3A_248 = vector.shape_cast %broadcast_in_dim3A_247 : vector<16x1xi32> to vector<16xi32>
        %gather3A_249 = tpu.dynamic_gather %get3A_201[%gather3A_248] in [0] : vector<16xf32>, vector<16xi32> -> vector<16xf32>
        %get3A_250 = arith.constant 1 : i32
        %get3A_251 = arith.index_cast %get3A_250 : i32 to index
        %get3A_252 = arith.index_cast %add3A_196 : i32 to index
        %get3A_253 = arith.constant 64 : index
        %get3A_254 = tpu.vector_load %arg9[%get3A_251, %get3A_252, %get3A_253] {strides = array<i32>} : memref<2x32x512xf32, #tpu.memory_space<vmem>>, vector<1x1x16xf32>,
        %get3A_255 = vector.shape_cast %get3A_254 : vector<1x1x16xf32> to vector<16xf32>
        %mul3A_256 = arith.mulf %gather3A_249, %get3A_255 : vector<16xf32>
        %add3A_257 = arith.addf %add3A_220, %mul3A_256 : vector<16xf32>
        %get3A_258 = arith.constant 1 : i32
        %get3A_259 = arith.index_cast %get3A_258 : i32 to index
        %get3A_260 = arith.index_cast %add3A_196 : i32 to index
        %get3A_261 = arith.constant 80 : index
        %get3A_262 = tpu.vector_load %arg9[%get3A_259, %get3A_260, %get3A_261] {strides = array<i32>} : memref<2x32x512xf32, #tpu.memory_space<vmem>>, vector<1x1x16xf32>,
        %get3A_263 = vector.shape_cast %get3A_262 : vector<1x1x16xf32> to vector<16xf32>
        %mul3A_264 = arith.mulf %gather3A_249, %get3A_263 : vector<16xf32>
        %add3A_265 = arith.addf %add3A_228, %mul3A_264 : vector<16xf32>
        %get3A_266 = arith.constant 1 : i32
        %get3A_267 = arith.index_cast %get3A_266 : i32 to index
        %get3A_268 = arith.index_cast %add3A_196 : i32 to index
        %get3A_269 = arith.constant 96 : index
        %get3A_270 = tpu.vector_load %arg9[%get3A_267, %get3A_268, %get3A_269] {strides = array<i32>} : memref<2x32x512xf32, #tpu.memory_space<vmem>>, vector<1x1x16xf32>,
        %get3A_271 = vector.shape_cast %get3A_270 : vector<1x1x16xf32> to vector<16xf32>
        %mul3A_272 = arith.mulf %gather3A_249, %get3A_271 : vector<16xf32>
        %add3A_273 = arith.addf %add3A_236, %mul3A_272 : vector<16xf32>
        %get3A_274 = arith.constant 1 : i32
        %get3A_275 = arith.index_cast %get3A_274 : i32 to index
        %get3A_276 = arith.index_cast %add3A_196 : i32 to index
        %get3A_277 = arith.constant 112 : index
        %get3A_278 = tpu.vector_load %arg9[%get3A_275, %get3A_276, %get3A_277] {strides = array<i32>} : memref<2x32x512xf32, #tpu.memory_space<vmem>>, vector<1x1x16xf32>,
        %get3A_279 = vector.shape_cast %get3A_278 : vector<1x1x16xf32> to vector<16xf32>
        %mul3A_280 = arith.mulf %gather3A_249, %get3A_279 : vector<16xf32>
        %add3A_281 = arith.addf %add3A_244, %mul3A_280 : vector<16xf32>
        %broadcast_in_dim3A_282 = arith.constant 2 : i32
        %broadcast_in_dim3A_283 = vector.broadcast %broadcast_in_dim3A_282 : i32 to vector<16xi32>
        %broadcast_in_dim3A_284 = vector.shape_cast %broadcast_in_dim3A_283 : vector<16xi32> to vector<16x1xi32>
        %gather3A_285 = vector.shape_cast %broadcast_in_dim3A_284 : vector<16x1xi32> to vector<16xi32>
        %gather3A_286 = tpu.dynamic_gather %get3A_201[%gather3A_285] in [0] : vector<16xf32>, vector<16xi32> -> vector<16xf32>
        %get3A_287 = arith.constant 1 : i32
        %get3A_288 = arith.index_cast %get3A_287 : i32 to index
        %get3A_289 = arith.index_cast %add3A_196 : i32 to index
        %get3A_290 = arith.constant 128 : index
        %get3A_291 = tpu.vector_load %arg9[%get3A_288, %get3A_289, %get3A_290] {strides = array<i32>} : memref<2x32x512xf32, #tpu.memory_space<vmem>>, vector<1x1x16xf32>,
        %get3A_292 = vector.shape_cast %get3A_291 : vector<1x1x16xf32> to vector<16xf32>
        %mul3A_293 = arith.mulf %gather3A_286, %get3A_292 : vector<16xf32>
        %add3A_294 = arith.addf %add3A_257, %mul3A_293 : vector<16xf32>
        %get3A_295 = arith.constant 1 : i32
        %get3A_296 = arith.index_cast %get3A_295 : i32 to index
        %get3A_297 = arith.index_cast %add3A_196 : i32 to index
        %get3A_298 = arith.constant 144 : index
        %get3A_299 = tpu.vector_load %arg9[%get3A_296, %get3A_297, %get3A_298] {strides = array<i32>} : memref<2x32x512xf32, #tpu.memory_space<vmem>>, vector<1x1x16xf32>,
        %get3A_300 = vector.shape_cast %get3A_299 : vector<1x1x16xf32> to vector<16xf32>
        %mul3A_301 = arith.mulf %gather3A_286, %get3A_300 : vector<16xf32>
        %add3A_302 = arith.addf %add3A_265, %mul3A_301 : vector<16xf32>
        %get3A_303 = arith.constant 1 : i32
        %get3A_304 = arith.index_cast %get3A_303 : i32 to index
        %get3A_305 = arith.index_cast %add3A_196 : i32 to index
        %get3A_306 = arith.constant 160 : index
        %get3A_307 = tpu.vector_load %arg9[%get3A_304, %get3A_305, %get3A_306] {strides = array<i32>} : memref<2x32x512xf32, #tpu.memory_space<vmem>>, vector<1x1x16xf32>,
        %get3A_308 = vector.shape_cast %get3A_307 : vector<1x1x16xf32> to vector<16xf32>
        %mul3A_309 = arith.mulf %gather3A_286, %get3A_308 : vector<16xf32>
        %add3A_310 = arith.addf %add3A_273, %mul3A_309 : vector<16xf32>
        %get3A_311 = arith.constant 1 : i32
        %get3A_312 = arith.index_cast %get3A_311 : i32 to index
        %get3A_313 = arith.index_cast %add3A_196 : i32 to index
        %get3A_314 = arith.constant 176 : index
        %get3A_315 = tpu.vector_load %arg9[%get3A_312, %get3A_313, %get3A_314] {strides = array<i32>} : memref<2x32x512xf32, #tpu.memory_space<vmem>>, vector<1x1x16xf32>,
        %get3A_316 = vector.shape_cast %get3A_315 : vector<1x1x16xf32> to vector<16xf32>
        %mul3A_317 = arith.mulf %gather3A_286, %get3A_316 : vector<16xf32>
        %add3A_318 = arith.addf %add3A_281, %mul3A_317 : vector<16xf32>
        %broadcast_in_dim3A_319 = arith.constant 3 : i32
        %broadcast_in_dim3A_320 = vector.broadcast %broadcast_in_dim3A_319 : i32 to vector<16xi32>
        %broadcast_in_dim3A_321 = vector.shape_cast %broadcast_in_dim3A_320 : vector<16xi32> to vector<16x1xi32>
        %gather3A_322 = vector.shape_cast %broadcast_in_dim3A_321 : vector<16x1xi32> to vector<16xi32>
        %gather3A_323 = tpu.dynamic_gather %get3A_201[%gather3A_322] in [0] : vector<16xf32>, vector<16xi32> -> vector<16xf32>
        %get3A_324 = arith.constant 1 : i32
        %get3A_325 = arith.index_cast %get3A_324 : i32 to index
        %get3A_326 = arith.index_cast %add3A_196 : i32 to index
        %get3A_327 = arith.constant 192 : index
        %get3A_328 = tpu.vector_load %arg9[%get3A_325, %get3A_326, %get3A_327] {strides = array<i32>} : memref<2x32x512xf32, #tpu.memory_space<vmem>>, vector<1x1x16xf32>,
        %get3A_329 = vector.shape_cast %get3A_328 : vector<1x1x16xf32> to vector<16xf32>
        %mul3A_330 = arith.mulf %gather3A_323, %get3A_329 : vector<16xf32>
        %add3A_331 = arith.addf %add3A_294, %mul3A_330 : vector<16xf32>
        %get3A_332 = arith.constant 1 : i32
        %get3A_333 = arith.index_cast %get3A_332 : i32 to index
        %get3A_334 = arith.index_cast %add3A_196 : i32 to index
        %get3A_335 = arith.constant 208 : index
        %get3A_336 = tpu.vector_load %arg9[%get3A_333, %get3A_334, %get3A_335] {strides = array<i32>} : memref<2x32x512xf32, #tpu.memory_space<vmem>>, vector<1x1x16xf32>,
        %get3A_337 = vector.shape_cast %get3A_336 : vector<1x1x16xf32> to vector<16xf32>
        %mul3A_338 = arith.mulf %gather3A_323, %get3A_337 : vector<16xf32>
        %add3A_339 = arith.addf %add3A_302, %mul3A_338 : vector<16xf32>
        %get3A_340 = arith.constant 1 : i32
        %get3A_341 = arith.index_cast %get3A_340 : i32 to index
        %get3A_342 = arith.index_cast %add3A_196 : i32 to index
        %get3A_343 = arith.constant 224 : index
        %get3A_344 = tpu.vector_load %arg9[%get3A_341, %get3A_342, %get3A_343] {strides = array<i32>} : memref<2x32x512xf32, #tpu.memory_space<vmem>>, vector<1x1x16xf32>,
        %get3A_345 = vector.shape_cast %get3A_344 : vector<1x1x16xf32> to vector<16xf32>
        %mul3A_346 = arith.mulf %gather3A_323, %get3A_345 : vector<16xf32>
        %add3A_347 = arith.addf %add3A_310, %mul3A_346 : vector<16xf32>
        %get3A_348 = arith.constant 1 : i32
        %get3A_349 = arith.index_cast %get3A_348 : i32 to index
        %get3A_350 = arith.index_cast %add3A_196 : i32 to index
        %get3A_351 = arith.constant 240 : index
        %get3A_352 = tpu.vector_load %arg9[%get3A_349, %get3A_350, %get3A_351] {strides = array<i32>} : memref<2x32x512xf32, #tpu.memory_space<vmem>>, vector<1x1x16xf32>,
        %get3A_353 = vector.shape_cast %get3A_352 : vector<1x1x16xf32> to vector<16xf32>
        %mul3A_354 = arith.mulf %gather3A_323, %get3A_353 : vector<16xf32>
        %add3A_355 = arith.addf %add3A_318, %mul3A_354 : vector<16xf32>
        %broadcast_in_dim3A_356 = arith.constant 4 : i32
        %broadcast_in_dim3A_357 = vector.broadcast %broadcast_in_dim3A_356 : i32 to vector<16xi32>
        %broadcast_in_dim3A_358 = vector.shape_cast %broadcast_in_dim3A_357 : vector<16xi32> to vector<16x1xi32>
        %gather3A_359 = vector.shape_cast %broadcast_in_dim3A_358 : vector<16x1xi32> to vector<16xi32>
        %gather3A_360 = tpu.dynamic_gather %get3A_201[%gather3A_359] in [0] : vector<16xf32>, vector<16xi32> -> vector<16xf32>
        %get3A_361 = arith.constant 1 : i32
        %get3A_362 = arith.index_cast %get3A_361 : i32 to index
        %get3A_363 = arith.index_cast %add3A_196 : i32 to index
        %get3A_364 = arith.constant 256 : index
        %get3A_365 = tpu.vector_load %arg9[%get3A_362, %get3A_363, %get3A_364] {strides = array<i32>} : memref<2x32x512xf32, #tpu.memory_space<vmem>>, vector<1x1x16xf32>,
        %get3A_366 = vector.shape_cast %get3A_365 : vector<1x1x16xf32> to vector<16xf32>
        %mul3A_367 = arith.mulf %gather3A_360, %get3A_366 : vector<16xf32>
        %add3A_368 = arith.addf %add3A_331, %mul3A_367 : vector<16xf32>
        %get3A_369 = arith.constant 1 : i32
        %get3A_370 = arith.index_cast %get3A_369 : i32 to index
        %get3A_371 = arith.index_cast %add3A_196 : i32 to index
        %get3A_372 = arith.constant 272 : index
        %get3A_373 = tpu.vector_load %arg9[%get3A_370, %get3A_371, %get3A_372] {strides = array<i32>} : memref<2x32x512xf32, #tpu.memory_space<vmem>>, vector<1x1x16xf32>,
        %get3A_374 = vector.shape_cast %get3A_373 : vector<1x1x16xf32> to vector<16xf32>
        %mul3A_375 = arith.mulf %gather3A_360, %get3A_374 : vector<16xf32>
        %add3A_376 = arith.addf %add3A_339, %mul3A_375 : vector<16xf32>
        %get3A_377 = arith.constant 1 : i32
        %get3A_378 = arith.index_cast %get3A_377 : i32 to index
        %get3A_379 = arith.index_cast %add3A_196 : i32 to index
        %get3A_380 = arith.constant 288 : index
        %get3A_381 = tpu.vector_load %arg9[%get3A_378, %get3A_379, %get3A_380] {strides = array<i32>} : memref<2x32x512xf32, #tpu.memory_space<vmem>>, vector<1x1x16xf32>,
        %get3A_382 = vector.shape_cast %get3A_381 : vector<1x1x16xf32> to vector<16xf32>
        %mul3A_383 = arith.mulf %gather3A_360, %get3A_382 : vector<16xf32>
        %add3A_384 = arith.addf %add3A_347, %mul3A_383 : vector<16xf32>
        %get3A_385 = arith.constant 1 : i32
        %get3A_386 = arith.index_cast %get3A_385 : i32 to index
        %get3A_387 = arith.index_cast %add3A_196 : i32 to index
        %get3A_388 = arith.constant 304 : index
        %get3A_389 = tpu.vector_load %arg9[%get3A_386, %get3A_387, %get3A_388] {strides = array<i32>} : memref<2x32x512xf32, #tpu.memory_space<vmem>>, vector<1x1x16xf32>,
        %get3A_390 = vector.shape_cast %get3A_389 : vector<1x1x16xf32> to vector<16xf32>
        %mul3A_391 = arith.mulf %gather3A_360, %get3A_390 : vector<16xf32>
        %add3A_392 = arith.addf %add3A_355, %mul3A_391 : vector<16xf32>
        %broadcast_in_dim3A_393 = arith.constant 5 : i32
        %broadcast_in_dim3A_394 = vector.broadcast %broadcast_in_dim3A_393 : i32 to vector<16xi32>
        %broadcast_in_dim3A_395 = vector.shape_cast %broadcast_in_dim3A_394 : vector<16xi32> to vector<16x1xi32>
        %gather3A_396 = vector.shape_cast %broadcast_in_dim3A_395 : vector<16x1xi32> to vector<16xi32>
        %gather3A_397 = tpu.dynamic_gather %get3A_201[%gather3A_396] in [0] : vector<16xf32>, vector<16xi32> -> vector<16xf32>
        %get3A_398 = arith.constant 1 : i32
        %get3A_399 = arith.index_cast %get3A_398 : i32 to index
        %get3A_400 = arith.index_cast %add3A_196 : i32 to index
        %get3A_401 = arith.constant 320 : index
        %get3A_402 = tpu.vector_load %arg9[%get3A_399, %get3A_400, %get3A_401] {strides = array<i32>} : memref<2x32x512xf32, #tpu.memory_space<vmem>>, vector<1x1x16xf32>,
        %get3A_403 = vector.shape_cast %get3A_402 : vector<1x1x16xf32> to vector<16xf32>
        %mul3A_404 = arith.mulf %gather3A_397, %get3A_403 : vector<16xf32>
        %add3A_405 = arith.addf %add3A_368, %mul3A_404 : vector<16xf32>
        %get3A_406 = arith.constant 1 : i32
        %get3A_407 = arith.index_cast %get3A_406 : i32 to index
        %get3A_408 = arith.index_cast %add3A_196 : i32 to index
        %get3A_409 = arith.constant 336 : index
        %get3A_410 = tpu.vector_load %arg9[%get3A_407, %get3A_408, %get3A_409] {strides = array<i32>} : memref<2x32x512xf32, #tpu.memory_space<vmem>>, vector<1x1x16xf32>,
        %get3A_411 = vector.shape_cast %get3A_410 : vector<1x1x16xf32> to vector<16xf32>
        %mul3A_412 = arith.mulf %gather3A_397, %get3A_411 : vector<16xf32>
        %add3A_413 = arith.addf %add3A_376, %mul3A_412 : vector<16xf32>
        %get3A_414 = arith.constant 1 : i32
        %get3A_415 = arith.index_cast %get3A_414 : i32 to index
        %get3A_416 = arith.index_cast %add3A_196 : i32 to index
        %get3A_417 = arith.constant 352 : index
        %get3A_418 = tpu.vector_load %arg9[%get3A_415, %get3A_416, %get3A_417] {strides = array<i32>} : memref<2x32x512xf32, #tpu.memory_space<vmem>>, vector<1x1x16xf32>,
        %get3A_419 = vector.shape_cast %get3A_418 : vector<1x1x16xf32> to vector<16xf32>
        %mul3A_420 = arith.mulf %gather3A_397, %get3A_419 : vector<16xf32>
        %add3A_421 = arith.addf %add3A_384, %mul3A_420 : vector<16xf32>
        %get3A_422 = arith.constant 1 : i32
        %get3A_423 = arith.index_cast %get3A_422 : i32 to index
        %get3A_424 = arith.index_cast %add3A_196 : i32 to index
        %get3A_425 = arith.constant 368 : index
        %get3A_426 = tpu.vector_load %arg9[%get3A_423, %get3A_424, %get3A_425] {strides = array<i32>} : memref<2x32x512xf32, #tpu.memory_space<vmem>>, vector<1x1x16xf32>,
        %get3A_427 = vector.shape_cast %get3A_426 : vector<1x1x16xf32> to vector<16xf32>
        %mul3A_428 = arith.mulf %gather3A_397, %get3A_427 : vector<16xf32>
        %add3A_429 = arith.addf %add3A_392, %mul3A_428 : vector<16xf32>
        %broadcast_in_dim3A_430 = arith.constant 6 : i32
        %broadcast_in_dim3A_431 = vector.broadcast %broadcast_in_dim3A_430 : i32 to vector<16xi32>
        %broadcast_in_dim3A_432 = vector.shape_cast %broadcast_in_dim3A_431 : vector<16xi32> to vector<16x1xi32>
        %gather3A_433 = vector.shape_cast %broadcast_in_dim3A_432 : vector<16x1xi32> to vector<16xi32>
        %gather3A_434 = tpu.dynamic_gather %get3A_201[%gather3A_433] in [0] : vector<16xf32>, vector<16xi32> -> vector<16xf32>
        %get3A_435 = arith.constant 1 : i32
        %get3A_436 = arith.index_cast %get3A_435 : i32 to index
        %get3A_437 = arith.index_cast %add3A_196 : i32 to index
        %get3A_438 = arith.constant 384 : index
        %get3A_439 = tpu.vector_load %arg9[%get3A_436, %get3A_437, %get3A_438] {strides = array<i32>} : memref<2x32x512xf32, #tpu.memory_space<vmem>>, vector<1x1x16xf32>,
        %get3A_440 = vector.shape_cast %get3A_439 : vector<1x1x16xf32> to vector<16xf32>
        %mul3A_441 = arith.mulf %gather3A_434, %get3A_440 : vector<16xf32>
        %add3A_442 = arith.addf %add3A_405, %mul3A_441 : vector<16xf32>
        %get3A_443 = arith.constant 1 : i32
        %get3A_444 = arith.index_cast %get3A_443 : i32 to index
        %get3A_445 = arith.index_cast %add3A_196 : i32 to index
        %get3A_446 = arith.constant 400 : index
        %get3A_447 = tpu.vector_load %arg9[%get3A_444, %get3A_445, %get3A_446] {strides = array<i32>} : memref<2x32x512xf32, #tpu.memory_space<vmem>>, vector<1x1x16xf32>,
        %get3A_448 = vector.shape_cast %get3A_447 : vector<1x1x16xf32> to vector<16xf32>
        %mul3A_449 = arith.mulf %gather3A_434, %get3A_448 : vector<16xf32>
        %add3A_450 = arith.addf %add3A_413, %mul3A_449 : vector<16xf32>
        %get3A_451 = arith.constant 1 : i32
        %get3A_452 = arith.index_cast %get3A_451 : i32 to index
        %get3A_453 = arith.index_cast %add3A_196 : i32 to index
        %get3A_454 = arith.constant 416 : index
        %get3A_455 = tpu.vector_load %arg9[%get3A_452, %get3A_453, %get3A_454] {strides = array<i32>} : memref<2x32x512xf32, #tpu.memory_space<vmem>>, vector<1x1x16xf32>,
        %get3A_456 = vector.shape_cast %get3A_455 : vector<1x1x16xf32> to vector<16xf32>
        %mul3A_457 = arith.mulf %gather3A_434, %get3A_456 : vector<16xf32>
        %add3A_458 = arith.addf %add3A_421, %mul3A_457 : vector<16xf32>
        %get3A_459 = arith.constant 1 : i32
        %get3A_460 = arith.index_cast %get3A_459 : i32 to index
        %get3A_461 = arith.index_cast %add3A_196 : i32 to index
        %get3A_462 = arith.constant 432 : index
        %get3A_463 = tpu.vector_load %arg9[%get3A_460, %get3A_461, %get3A_462] {strides = array<i32>} : memref<2x32x512xf32, #tpu.memory_space<vmem>>, vector<1x1x16xf32>,
        %get3A_464 = vector.shape_cast %get3A_463 : vector<1x1x16xf32> to vector<16xf32>
        %mul3A_465 = arith.mulf %gather3A_434, %get3A_464 : vector<16xf32>
        %add3A_466 = arith.addf %add3A_429, %mul3A_465 : vector<16xf32>
        %broadcast_in_dim3A_467 = arith.constant 7 : i32
        %broadcast_in_dim3A_468 = vector.broadcast %broadcast_in_dim3A_467 : i32 to vector<16xi32>
        %broadcast_in_dim3A_469 = vector.shape_cast %broadcast_in_dim3A_468 : vector<16xi32> to vector<16x1xi32>
        %gather3A_470 = vector.shape_cast %broadcast_in_dim3A_469 : vector<16x1xi32> to vector<16xi32>
        %gather3A_471 = tpu.dynamic_gather %get3A_201[%gather3A_470] in [0] : vector<16xf32>, vector<16xi32> -> vector<16xf32>
        %get3A_472 = arith.constant 1 : i32
        %get3A_473 = arith.index_cast %get3A_472 : i32 to index
        %get3A_474 = arith.index_cast %add3A_196 : i32 to index
        %get3A_475 = arith.constant 448 : index
        %get3A_476 = tpu.vector_load %arg9[%get3A_473, %get3A_474, %get3A_475] {strides = array<i32>} : memref<2x32x512xf32, #tpu.memory_space<vmem>>, vector<1x1x16xf32>,
        %get3A_477 = vector.shape_cast %get3A_476 : vector<1x1x16xf32> to vector<16xf32>
        %mul3A_478 = arith.mulf %gather3A_471, %get3A_477 : vector<16xf32>
        %add3A_479 = arith.addf %add3A_442, %mul3A_478 : vector<16xf32>
        %get3A_480 = arith.constant 1 : i32
        %get3A_481 = arith.index_cast %get3A_480 : i32 to index
        %get3A_482 = arith.index_cast %add3A_196 : i32 to index
        %get3A_483 = arith.constant 464 : index
        %get3A_484 = tpu.vector_load %arg9[%get3A_481, %get3A_482, %get3A_483] {strides = array<i32>} : memref<2x32x512xf32, #tpu.memory_space<vmem>>, vector<1x1x16xf32>,
        %get3A_485 = vector.shape_cast %get3A_484 : vector<1x1x16xf32> to vector<16xf32>
        %mul3A_486 = arith.mulf %gather3A_471, %get3A_485 : vector<16xf32>
        %add3A_487 = arith.addf %add3A_450, %mul3A_486 : vector<16xf32>
        %get3A_488 = arith.constant 1 : i32
        %get3A_489 = arith.index_cast %get3A_488 : i32 to index
        %get3A_490 = arith.index_cast %add3A_196 : i32 to index
        %get3A_491 = arith.constant 480 : index
        %get3A_492 = tpu.vector_load %arg9[%get3A_489, %get3A_490, %get3A_491] {strides = array<i32>} : memref<2x32x512xf32, #tpu.memory_space<vmem>>, vector<1x1x16xf32>,
        %get3A_493 = vector.shape_cast %get3A_492 : vector<1x1x16xf32> to vector<16xf32>
        %mul3A_494 = arith.mulf %gather3A_471, %get3A_493 : vector<16xf32>
        %add3A_495 = arith.addf %add3A_458, %mul3A_494 : vector<16xf32>
        %get3A_496 = arith.constant 1 : i32
        %get3A_497 = arith.index_cast %get3A_496 : i32 to index
        %get3A_498 = arith.index_cast %add3A_196 : i32 to index
        %get3A_499 = arith.constant 496 : index
        %get3A_500 = tpu.vector_load %arg9[%get3A_497, %get3A_498, %get3A_499] {strides = array<i32>} : memref<2x32x512xf32, #tpu.memory_space<vmem>>, vector<1x1x16xf32>,
        %get3A_501 = vector.shape_cast %get3A_500 : vector<1x1x16xf32> to vector<16xf32>
        %mul3A_502 = arith.mulf %gather3A_471, %get3A_501 : vector<16xf32>
        %add3A_503 = arith.addf %add3A_466, %mul3A_502 : vector<16xf32>
        %swap3A = arith.constant 1 : i32
        %swap3A_504 = arith.index_cast %swap3A : i32 to index
        %swap3A_505 = arith.index_cast %add3A_196 : i32 to index
        %swap3A_506 = arith.constant 0 : index
        %swap3A_507 = tpu.vector_load %arg11[%swap3A_504, %swap3A_505, %swap3A_506] {strides = array<i32>} : memref<2x32x64xf32, #tpu.memory_space<vmem>>, vector<1x1x16xf32>,
        %swap3A_508 = vector.shape_cast %swap3A_507 : vector<1x1x16xf32> to vector<16xf32>
        %swap3A_509 = vector.shape_cast %add3A_479 : vector<16xf32> to vector<1x1x16xf32>
        tpu.vector_store %arg11[%swap3A_504, %swap3A_505, %swap3A_506], %swap3A_509 {strides = array<i32>} : memref<2x32x64xf32, #tpu.memory_space<vmem>>, vector<1x1x16xf32>,
        %swap3A_510 = arith.constant 1 : i32
        %swap3A_511 = arith.index_cast %swap3A_510 : i32 to index
        %swap3A_512 = arith.index_cast %add3A_196 : i32 to index
        %swap3A_513 = arith.constant 16 : index
        %swap3A_514 = tpu.vector_load %arg11[%swap3A_511, %swap3A_512, %swap3A_513] {strides = array<i32>} : memref<2x32x64xf32, #tpu.memory_space<vmem>>, vector<1x1x16xf32>,
        %swap3A_515 = vector.shape_cast %swap3A_514 : vector<1x1x16xf32> to vector<16xf32>
        %swap3A_516 = vector.shape_cast %add3A_487 : vector<16xf32> to vector<1x1x16xf32>
        tpu.vector_store %arg11[%swap3A_511, %swap3A_512, %swap3A_513], %swap3A_516 {strides = array<i32>} : memref<2x32x64xf32, #tpu.memory_space<vmem>>, vector<1x1x16xf32>,
        %swap3A_517 = arith.constant 1 : i32
        %swap3A_518 = arith.index_cast %swap3A_517 : i32 to index
        %swap3A_519 = arith.index_cast %add3A_196 : i32 to index
        %swap3A_520 = arith.constant 32 : index
        %swap3A_521 = tpu.vector_load %arg11[%swap3A_518, %swap3A_519, %swap3A_520] {strides = array<i32>} : memref<2x32x64xf32, #tpu.memory_space<vmem>>, vector<1x1x16xf32>,
        %swap3A_522 = vector.shape_cast %swap3A_521 : vector<1x1x16xf32> to vector<16xf32>
        %swap3A_523 = vector.shape_cast %add3A_495 : vector<16xf32> to vector<1x1x16xf32>
        tpu.vector_store %arg11[%swap3A_518, %swap3A_519, %swap3A_520], %swap3A_523 {strides = array<i32>} : memref<2x32x64xf32, #tpu.memory_space<vmem>>, vector<1x1x16xf32>,
        %swap3A_524 = arith.constant 1 : i32
        %swap3A_525 = arith.index_cast %swap3A_524 : i32 to index
        %swap3A_526 = arith.index_cast %add3A_196 : i32 to index
        %swap3A_527 = arith.constant 48 : index
        %swap3A_528 = tpu.vector_load %arg11[%swap3A_525, %swap3A_526, %swap3A_527] {strides = array<i32>} : memref<2x32x64xf32, #tpu.memory_space<vmem>>, vector<1x1x16xf32>,
        %swap3A_529 = vector.shape_cast %swap3A_528 : vector<1x1x16xf32> to vector<16xf32>
        %swap3A_530 = vector.shape_cast %add3A_503 : vector<16xf32> to vector<1x1x16xf32>
        tpu.vector_store %arg11[%swap3A_525, %swap3A_526, %swap3A_527], %swap3A_530 {strides = array<i32>} : memref<2x32x64xf32, #tpu.memory_space<vmem>>, vector<1x1x16xf32>,
      }
      %scan3A_180 = arith.constant 32 : i32
      %dma_start3A_181 = arith.constant 1 : i32
      %dma_start3A_182 = arith.constant 0 : i32
      %dma_start3A_183 = arith.constant 0 : i32
      %dma_start3A_184 = tpu.memref_slice %arg11[%dma_start3A_181, %dma_start3A_182, %dma_start3A_183] : memref<2x32x64xf32, #tpu.memory_space<vmem>> -> memref<1x32x64xf32, #tpu.memory_space<vmem>>
      %dma_start3A_185 = tpu.memref_squeeze %dma_start3A_184 : memref<1x32x64xf32, #tpu.memory_space<vmem>> -> memref<32x64xf32, #tpu.memory_space<vmem>>
      %dma_start3A_186 = arith.constant 0 : i32
      %dma_start3A_187 = tpu.memref_slice %arg8[%add3A_135, %dma_start3A_186] : memref<168x32xi32, #tpu.memory_space<vmem>> -> memref<1x32xi32, #tpu.memory_space<vmem>>
      %dma_start3A_188 = tpu.memref_squeeze %dma_start3A_187 : memref<1x32xi32, #tpu.memory_space<vmem>> -> memref<32xi32, #tpu.memory_space<vmem>>
      %dma_start3A_189 = arith.constant 0 : i32
      %dma_start3A_190 = arith.constant 0 : i32
      %dma_start3A_191 = tpu.memref_slice %arg13[%dma_start3A_189, %dma_start3A_190] : memref<10240x64xf32, #tpu.memory_space<vmem_shared>> -> memref<10240x64xf32, #tpu.memory_space<vmem_shared>>
      tpu.enqueue_indirect_dma source(%dma_start3A_185 : memref<32x64xf32, #tpu.memory_space<vmem>>) target(%dma_start3A_191 : memref<10240x64xf32, #tpu.memory_space<vmem_shared>>) offsets(%dma_start3A_188 : memref<32xi32, #tpu.memory_space<vmem>>) semaphore(%arg19 : memref<!tpu.dma_semaphore, #tpu.memory_space<semaphore_mem>>) {add = true}
    }
    %scan3A_46 = arith.constant 84 : i32
    %dma_wait3A = arith.constant 0 : i32
    %dma_wait3A_47 = arith.constant 0 : i32
    %dma_wait3A_48 = arith.constant 0 : i32
    %dma_wait3A_49 = arith.constant 0 : i32
    %dma_wait3A_50 = tpu.memref_slice %arg11[%dma_wait3A, %dma_wait3A_48, %dma_wait3A_49] : memref<2x32x64xf32, #tpu.memory_space<vmem>> -> memref<1x32x64xf32, #tpu.memory_space<vmem>>
    %dma_wait3A_51 = tpu.memref_squeeze %dma_wait3A_50 : memref<1x32x64xf32, #tpu.memory_space<vmem>> -> memref<32x64xf32, #tpu.memory_space<vmem>>
    %dma_wait3A_52 = arith.constant 0 : i32
    %dma_wait3A_53 = tpu.memref_slice %arg8[%dma_wait3A_47, %dma_wait3A_52] : memref<168x32xi32, #tpu.memory_space<vmem>> -> memref<1x32xi32, #tpu.memory_space<vmem>>
    %dma_wait3A_54 = tpu.memref_squeeze %dma_wait3A_53 : memref<1x32xi32, #tpu.memory_space<vmem>> -> memref<32xi32, #tpu.memory_space<vmem>>
    %dma_wait3A_55 = arith.constant 0 : i32
    %dma_wait3A_56 = arith.constant 0 : i32
    %dma_wait3A_57 = tpu.memref_slice %arg13[%dma_wait3A_55, %dma_wait3A_56] : memref<10240x64xf32, #tpu.memory_space<vmem_shared>> -> memref<10240x64xf32, #tpu.memory_space<vmem_shared>>
    tpu.wait_indirect_dma semaphore(%arg18 : memref<!tpu.dma_semaphore, #tpu.memory_space<semaphore_mem>>) src(%dma_wait3A_51 : memref<32x64xf32, #tpu.memory_space<vmem>>) dst(%dma_wait3A_57 : memref<10240x64xf32, #tpu.memory_space<vmem_shared>>)
    %dma_wait3A_58 = arith.constant 1 : i32
    %dma_wait3A_59 = arith.constant 0 : i32
    %dma_wait3A_60 = arith.constant 0 : i32
    %dma_wait3A_61 = arith.constant 0 : i32
    %dma_wait3A_62 = tpu.memref_slice %arg11[%dma_wait3A_58, %dma_wait3A_60, %dma_wait3A_61] : memref<2x32x64xf32, #tpu.memory_space<vmem>> -> memref<1x32x64xf32, #tpu.memory_space<vmem>>
    %dma_wait3A_63 = tpu.memref_squeeze %dma_wait3A_62 : memref<1x32x64xf32, #tpu.memory_space<vmem>> -> memref<32x64xf32, #tpu.memory_space<vmem>>
    %dma_wait3A_64 = arith.constant 0 : i32
    %dma_wait3A_65 = tpu.memref_slice %arg8[%dma_wait3A_59, %dma_wait3A_64] : memref<168x32xi32, #tpu.memory_space<vmem>> -> memref<1x32xi32, #tpu.memory_space<vmem>>
    %dma_wait3A_66 = tpu.memref_squeeze %dma_wait3A_65 : memref<1x32xi32, #tpu.memory_space<vmem>> -> memref<32xi32, #tpu.memory_space<vmem>>
    %dma_wait3A_67 = arith.constant 0 : i32
    %dma_wait3A_68 = arith.constant 0 : i32
    %dma_wait3A_69 = tpu.memref_slice %arg13[%dma_wait3A_67, %dma_wait3A_68] : memref<10240x64xf32, #tpu.memory_space<vmem_shared>> -> memref<10240x64xf32, #tpu.memory_space<vmem_shared>>
    tpu.wait_indirect_dma semaphore(%arg19 : memref<!tpu.dma_semaphore, #tpu.memory_space<semaphore_mem>>) src(%dma_wait3A_63 : memref<32x64xf32, #tpu.memory_space<vmem>>) dst(%dma_wait3A_69 : memref<10240x64xf32, #tpu.memory_space<vmem_shared>>)
    %barrier3A_70 = arith.constant 0 : index
    tpu.barrier barrier_id(%barrier3A_70)
    %mul3A_71 = arith.constant 640 : i32
    %mul3A_72 = arith.muli %arg1, %mul3A_71 : i32
    %mul3A_73 = arith.constant 640 : i32
    %mul3A_74 = arith.muli %arg1, %mul3A_73 : i32
    "tpu.region"() ({
      %run_scoped3A = tpu.sem_alloc : memref<!tpu.dma_semaphore, #tpu.memory_space<semaphore_mem>>
      %dma_start3A_75 = arith.constant 0 : i32
      %dma_start3A_76 = tpu.memref_slice %arg6[%arg0, %mul3A_74, %dma_start3A_75] : memref<2x10240x64xf32, #tpu.memory_space<hbm>> -> memref<1x640x64xf32, #tpu.memory_space<hbm>>
      %dma_start3A_77 = tpu.memref_squeeze %dma_start3A_76 : memref<1x640x64xf32, #tpu.memory_space<hbm>> -> memref<640x64xf32, #tpu.memory_space<hbm>>
      %dma_start3A_78 = arith.constant 0 : i32
      %dma_start3A_79 = tpu.memref_slice %arg13[%mul3A_72, %dma_start3A_78] : memref<10240x64xf32, #tpu.memory_space<vmem_shared>> -> memref<640x64xf32, #tpu.memory_space<vmem_shared>>
      tpu.enqueue_dma source(%dma_start3A_79 : memref<640x64xf32, #tpu.memory_space<vmem_shared>>) target(%dma_start3A_77 : memref<640x64xf32, #tpu.memory_space<hbm>>) target_semaphore(%run_scoped3A : memref<!tpu.dma_semaphore, #tpu.memory_space<semaphore_mem>>)
      %dma_wait3A_80 = arith.constant 0 : i32
      %dma_wait3A_81 = tpu.memref_slice %arg6[%arg0, %mul3A_74, %dma_wait3A_80] : memref<2x10240x64xf32, #tpu.memory_space<hbm>> -> memref<1x640x64xf32, #tpu.memory_space<hbm>>
      %dma_wait3A_82 = tpu.memref_squeeze %dma_wait3A_81 : memref<1x640x64xf32, #tpu.memory_space<hbm>> -> memref<640x64xf32, #tpu.memory_space<hbm>>
      %dma_wait3A_83 = arith.constant 0 : i32
      %dma_wait3A_84 = tpu.memref_slice %arg13[%mul3A_72, %dma_wait3A_83] : memref<10240x64xf32, #tpu.memory_space<vmem_shared>> -> memref<640x64xf32, #tpu.memory_space<vmem_shared>>
      tpu.wait_dma2 semaphore(%run_scoped3A : memref<!tpu.dma_semaphore, #tpu.memory_space<semaphore_mem>>) src(%dma_wait3A_84 : memref<640x64xf32, #tpu.memory_space<vmem_shared>>) dst(%dma_wait3A_82 : memref<640x64xf32, #tpu.memory_space<hbm>>)
      tpu.yield
    }) : () -> ()
    return
  }
}

module attributes {stable_mosaic.version = 14 : i64} {
  func.func @_tc1_body(%arg0: i32, %arg1: memref<640x128xf32, #tpu.memory_space<vmem>>, %arg2: memref<128x512xf32, #tpu.memory_space<vmem>>, %arg3: memref<128x512xf32, #tpu.memory_space<vmem>>, %arg4: memref<1x1024xf32, #tpu.memory_space<vmem>>, %arg5: memref<1x1024xf32, #tpu.memory_space<vmem>>, %arg6: memref<1024x128xf32, #tpu.memory_space<vmem>>, %arg7: memref<1024x128xf32, #tpu.memory_space<vmem>>, %arg8: memref<640x512xf32, #tpu.memory_space<vmem>>, %arg9: memref<640x512xf32, #tpu.memory_space<vmem>>, %arg10: memref<640x128xf32, #tpu.memory_space<vmem>>) attributes {dimension_semantics = [#tpu.dimension_semantics<arbitrary>], iteration_bounds = array<i64: 16>, scalar_prefetch = 0 : i64, scratch_operands = 0 : i64, tpu.core_type = #tpu.core_type<tc>, window_params = [{transform_indices = @transform_0, window_bounds = array<i64: 640, 128>}, {pipeline_mode = #tpu.pipeline_mode<synchronous>, transform_indices = @transform_1, window_bounds = array<i64: 128, 512>}, {pipeline_mode = #tpu.pipeline_mode<synchronous>, transform_indices = @transform_2, window_bounds = array<i64: 128, 512>}, {pipeline_mode = #tpu.pipeline_mode<synchronous>, transform_indices = @transform_3, window_bounds = array<i64: 1, 1024>}, {pipeline_mode = #tpu.pipeline_mode<synchronous>, transform_indices = @transform_4, window_bounds = array<i64: 1, 1024>}, {pipeline_mode = #tpu.pipeline_mode<synchronous>, transform_indices = @transform_5, window_bounds = array<i64: 1024, 128>}, {pipeline_mode = #tpu.pipeline_mode<synchronous>, transform_indices = @transform_6, window_bounds = array<i64: 1024, 128>}, {transform_indices = @transform_7, window_bounds = array<i64: 640, 512>}, {transform_indices = @transform_8, window_bounds = array<i64: 640, 512>}, {transform_indices = @transform_9, window_bounds = array<i64: 640, 128>}]} {
    %get3A = arith.constant 0 : index
    %get3A_0 = arith.constant 0 : index
    %get3A_1 = vector.load %arg1[%get3A, %get3A_0] : memref<640x128xf32, #tpu.memory_space<vmem>>, vector<640x128xf32>
    %get3A_2 = arith.constant 0 : index
    %get3A_3 = arith.constant 0 : index
    %get3A_4 = vector.load %arg2[%get3A_2, %get3A_3] : memref<128x512xf32, #tpu.memory_space<vmem>>, vector<128x512xf32>
    %dot_general3A = arith.constant dense<0.000000e+00> : vector<640x512xf32>
    %dot_general3A_5 = tpu.matmul %get3A_1, %get3A_4, %dot_general3A {dimension_numbers = #tpu.dot_dimension_numbers<[1], [0], [0], [1], [0, 0, 1, 1], [], []>, transpose_lhs_hint = false} : vector<640x128xf32>, vector<128x512xf32>, vector<640x512xf32> -> vector<640x512xf32>
    %get3A_6 = arith.constant 0 : index
    %get3A_7 = arith.constant 0 : index
    %get3A_8 = vector.load %arg1[%get3A_6, %get3A_7] : memref<640x128xf32, #tpu.memory_space<vmem>>, vector<640x128xf32>
    %get3A_9 = arith.constant 0 : index
    %get3A_10 = arith.constant 0 : index
    %get3A_11 = vector.load %arg3[%get3A_9, %get3A_10] : memref<128x512xf32, #tpu.memory_space<vmem>>, vector<128x512xf32>
    %dot_general3A_12 = arith.constant dense<0.000000e+00> : vector<640x512xf32>
    %dot_general3A_13 = tpu.matmul %get3A_8, %get3A_11, %dot_general3A_12 {dimension_numbers = #tpu.dot_dimension_numbers<[1], [0], [0], [1], [0, 0, 1, 1], [], []>, transpose_lhs_hint = false} : vector<640x128xf32>, vector<128x512xf32>, vector<640x512xf32> -> vector<640x512xf32>
    %swap3A = arith.constant 0 : index
    %swap3A_14 = arith.constant 0 : index
    %swap3A_15 = vector.load %arg8[%swap3A, %swap3A_14] : memref<640x512xf32, #tpu.memory_space<vmem>>, vector<640x512xf32>
    tpu.vector_store %arg8[%swap3A, %swap3A_14], %dot_general3A_5 {strides = array<i32>} : memref<640x512xf32, #tpu.memory_space<vmem>>, vector<640x512xf32>,
    %swap3A_16 = arith.constant 0 : index
    %swap3A_17 = arith.constant 0 : index
    %swap3A_18 = vector.load %arg9[%swap3A_16, %swap3A_17] : memref<640x512xf32, #tpu.memory_space<vmem>>, vector<640x512xf32>
    tpu.vector_store %arg9[%swap3A_16, %swap3A_17], %dot_general3A_13 {strides = array<i32>} : memref<640x512xf32, #tpu.memory_space<vmem>>, vector<640x512xf32>,
    %concatenate3A = tpu.concatenate %dot_general3A_5, %dot_general3A_13 in 1 : vector<640x512xf32>, vector<640x512xf32> -> vector<640x1024xf32>
    %get3A_19 = arith.constant 0 : index
    %get3A_20 = arith.constant 0 : index
    %get3A_21 = vector.load %arg4[%get3A_19, %get3A_20] : memref<1x1024xf32, #tpu.memory_space<vmem>>, vector<1x1024xf32>
    %mul3A = vector.broadcast %get3A_21 : vector<1x1024xf32> to vector<640x1024xf32>
    %mul3A_22 = arith.mulf %concatenate3A, %mul3A : vector<640x1024xf32>
    %get3A_23 = arith.constant 0 : index
    %get3A_24 = arith.constant 0 : index
    %get3A_25 = vector.load %arg6[%get3A_23, %get3A_24] : memref<1024x128xf32, #tpu.memory_space<vmem>>, vector<1024x128xf32>
    %dot_general3A_26 = arith.constant dense<0.000000e+00> : vector<640x128xf32>
    %dot_general3A_27 = tpu.matmul %mul3A_22, %get3A_25, %dot_general3A_26 {dimension_numbers = #tpu.dot_dimension_numbers<[1], [0], [0], [1], [0, 0, 1, 1], [], []>, transpose_lhs_hint = false} : vector<640x1024xf32>, vector<1024x128xf32>, vector<640x128xf32> -> vector<640x128xf32>
    %get3A_28 = arith.constant 0 : index
    %get3A_29 = arith.constant 0 : index
    %get3A_30 = vector.load %arg5[%get3A_28, %get3A_29] : memref<1x1024xf32, #tpu.memory_space<vmem>>, vector<1x1024xf32>
    %mul3A_31 = vector.broadcast %get3A_30 : vector<1x1024xf32> to vector<640x1024xf32>
    %mul3A_32 = arith.mulf %concatenate3A, %mul3A_31 : vector<640x1024xf32>
    %get3A_33 = arith.constant 0 : index
    %get3A_34 = arith.constant 0 : index
    %get3A_35 = vector.load %arg7[%get3A_33, %get3A_34] : memref<1024x128xf32, #tpu.memory_space<vmem>>, vector<1024x128xf32>
    %dot_general3A_36 = arith.constant dense<0.000000e+00> : vector<640x128xf32>
    %dot_general3A_37 = tpu.matmul %mul3A_32, %get3A_35, %dot_general3A_36 {dimension_numbers = #tpu.dot_dimension_numbers<[1], [0], [0], [1], [0, 0, 1, 1], [], []>, transpose_lhs_hint = false} : vector<640x1024xf32>, vector<1024x128xf32>, vector<640x128xf32> -> vector<640x128xf32>
    %add3A = arith.addf %dot_general3A_27, %dot_general3A_37 : vector<640x128xf32>
    %swap3A_38 = arith.constant 0 : index
    %swap3A_39 = arith.constant 0 : index
    %swap3A_40 = vector.load %arg10[%swap3A_38, %swap3A_39] : memref<640x128xf32, #tpu.memory_space<vmem>>, vector<640x128xf32>
    tpu.vector_store %arg10[%swap3A_38, %swap3A_39], %add3A {strides = array<i32>} : memref<640x128xf32, #tpu.memory_space<vmem>>, vector<640x128xf32>,
    return
  }
  func.func @transform_0(%arg0: i32) -> (i32, i32) {
    %c0_i32 = arith.constant 0 : i32
    %c0_i32_0 = arith.constant 0 : i32
    return %arg0, %c0_i32 : i32, i32
  }
  func.func @transform_1(%arg0: i32) -> (i32, i32) {
    %c0_i32 = arith.constant 0 : i32
    %c0_i32_0 = arith.constant 0 : i32
    %c0_i32_1 = arith.constant 0 : i32
    return %c0_i32, %c0_i32_0 : i32, i32
  }
  func.func @transform_2(%arg0: i32) -> (i32, i32) {
    %c0_i32 = arith.constant 0 : i32
    %c0_i32_0 = arith.constant 0 : i32
    %c0_i32_1 = arith.constant 0 : i32
    return %c0_i32, %c0_i32_0 : i32, i32
  }
  func.func @transform_3(%arg0: i32) -> (i32, i32) {
    %c0_i32 = arith.constant 0 : i32
    %c0_i32_0 = arith.constant 0 : i32
    %c0_i32_1 = arith.constant 0 : i32
    return %c0_i32, %c0_i32_0 : i32, i32
  }
  func.func @transform_4(%arg0: i32) -> (i32, i32) {
    %c0_i32 = arith.constant 0 : i32
    %c0_i32_0 = arith.constant 0 : i32
    %c0_i32_1 = arith.constant 0 : i32
    return %c0_i32, %c0_i32_0 : i32, i32
  }
  func.func @transform_5(%arg0: i32) -> (i32, i32) {
    %c0_i32 = arith.constant 0 : i32
    %c0_i32_0 = arith.constant 0 : i32
    %c0_i32_1 = arith.constant 0 : i32
    return %c0_i32, %c0_i32_0 : i32, i32
  }
  func.func @transform_6(%arg0: i32) -> (i32, i32) {
    %c0_i32 = arith.constant 0 : i32
    %c0_i32_0 = arith.constant 0 : i32
    %c0_i32_1 = arith.constant 0 : i32
    return %c0_i32, %c0_i32_0 : i32, i32
  }
  func.func @transform_7(%arg0: i32) -> (i32, i32) {
    %c0_i32 = arith.constant 0 : i32
    %c0_i32_0 = arith.constant 0 : i32
    return %arg0, %c0_i32 : i32, i32
  }
  func.func @transform_8(%arg0: i32) -> (i32, i32) {
    %c0_i32 = arith.constant 0 : i32
    %c0_i32_0 = arith.constant 0 : i32
    return %arg0, %c0_i32 : i32, i32
  }
  func.func @transform_9(%arg0: i32) -> (i32, i32) {
    %c0_i32 = arith.constant 0 : i32
    %c0_i32_0 = arith.constant 0 : i32
    return %arg0, %c0_i32 : i32, i32
  }
}

module attributes {stable_mosaic.version = 14 : i64} {
  func.func @_tc2_body(%arg0: memref<2x10240x16xf32, #tpu.memory_space<vmem>>, %arg1: memref<10240x128xf32, #tpu.memory_space<vmem>>) attributes {dimension_semantics = [], scalar_prefetch = 0 : i64, scratch_operands = 0 : i64, tpu.core_type = #tpu.core_type<tc>} {
    %get3A = arith.constant 0 : index
    %get3A_0 = arith.constant 0 : index
    %get3A_1 = arith.constant 0 : index
    %get3A_2 = vector.load %arg0[%get3A, %get3A_0, %get3A_1] : memref<2x10240x16xf32, #tpu.memory_space<vmem>>, vector<1x10240x16xf32>
    %get3A_3 = vector.shape_cast %get3A_2 : vector<1x10240x16xf32> to vector<10240x16xf32>
    %get3A_4 = arith.constant 1 : index
    %get3A_5 = arith.constant 0 : index
    %get3A_6 = arith.constant 0 : index
    %get3A_7 = vector.load %arg0[%get3A_4, %get3A_5, %get3A_6] : memref<2x10240x16xf32, #tpu.memory_space<vmem>>, vector<1x10240x16xf32>
    %get3A_8 = vector.shape_cast %get3A_7 : vector<1x10240x16xf32> to vector<10240x16xf32>
    %add3A = arith.addf %get3A_3, %get3A_8 : vector<10240x16xf32>
    %add3A_9 = arith.constant 1.000000e-16 : f32
    %add3A_10 = vector.broadcast %add3A_9 : f32 to vector<10240x16xf32>
    %add3A_11 = arith.addf %add3A, %add3A_10 : vector<10240x16xf32>
    %mul3A = arith.constant 8.000000e+00 : f32
    %mul3A_12 = vector.broadcast %mul3A : f32 to vector<10240x16xf32>
    %mul3A_13 = arith.mulf %add3A_11, %mul3A_12 : vector<10240x16xf32>
    %div3A = arith.constant 1.000000e+00 : f32
    %div3A_14 = vector.broadcast %div3A : f32 to vector<10240x16xf32>
    %div3A_15 = arith.divf %div3A_14, %mul3A_13 : vector<10240x16xf32>
    %broadcast_in_dim3A = arith.constant 0.000000e+00 : f32
    %broadcast_in_dim3A_16 = vector.broadcast %broadcast_in_dim3A : f32 to vector<10240x112xf32>
    %concatenate3A = tpu.concatenate %div3A_15, %broadcast_in_dim3A_16 in 1 : vector<10240x16xf32>, vector<10240x112xf32> -> vector<10240x128xf32>
    %swap3A = arith.constant 0 : index
    %swap3A_17 = arith.constant 0 : index
    %swap3A_18 = vector.load %arg1[%swap3A, %swap3A_17] : memref<10240x128xf32, #tpu.memory_space<vmem>>, vector<10240x128xf32>
    tpu.vector_store %arg1[%swap3A, %swap3A_17], %concatenate3A {strides = array<i32>} : memref<10240x128xf32, #tpu.memory_space<vmem>>, vector<10240x128xf32>,
    return
  }
}

module attributes {stable_mosaic.version = 14 : i64} {
  func.func @_tc3a_body(%arg0: i32, %arg1: memref<2x1000x64xf32, #tpu.memory_space<vmem>>, %arg2: memref<2x1000x64xf32, #tpu.memory_space<vmem>>, %arg3: memref<1000x128xf32, #tpu.memory_space<vmem>>, %arg4: memref<1x128xf32, #tpu.memory_space<vmem>>, %arg5: memref<1000x128xf32, #tpu.memory_space<vmem>>, %arg6: memref<2x128xf32, #tpu.memory_space<vmem>>) attributes {dimension_semantics = [#tpu.dimension_semantics<arbitrary>], iteration_bounds = array<i64: 10>, scalar_prefetch = 0 : i64, scratch_operands = 0 : i64, tpu.core_type = #tpu.core_type<tc>, window_params = [{transform_indices = @transform_0, window_bounds = array<i64: 2, 1000, 64>}, {transform_indices = @transform_1, window_bounds = array<i64: 2, 1000, 64>}, {transform_indices = @transform_2, window_bounds = array<i64: 1000, 128>}, {pipeline_mode = #tpu.pipeline_mode<synchronous>, transform_indices = @transform_3, window_bounds = array<i64: 1, 128>}, {transform_indices = @transform_4, window_bounds = array<i64: 1000, 128>}, {pipeline_mode = #tpu.pipeline_mode<synchronous>, transform_indices = @transform_5, window_bounds = array<i64: 2, 128>}]} {
    %get3A = arith.constant 0 : index
    %get3A_0 = arith.constant 0 : index
    %get3A_1 = arith.constant 0 : index
    %get3A_2 = vector.load %arg1[%get3A, %get3A_0, %get3A_1] : memref<2x1000x64xf32, #tpu.memory_space<vmem>>, vector<1x1000x64xf32>
    %get3A_3 = vector.shape_cast %get3A_2 : vector<1x1000x64xf32> to vector<1000x64xf32>
    %get3A_4 = arith.constant 1 : index
    %get3A_5 = arith.constant 0 : index
    %get3A_6 = arith.constant 0 : index
    %get3A_7 = vector.load %arg1[%get3A_4, %get3A_5, %get3A_6] : memref<2x1000x64xf32, #tpu.memory_space<vmem>>, vector<1x1000x64xf32>
    %get3A_8 = vector.shape_cast %get3A_7 : vector<1x1000x64xf32> to vector<1000x64xf32>
    %add3A = arith.addf %get3A_3, %get3A_8 : vector<1000x64xf32>
    %get3A_9 = arith.constant 0 : index
    %get3A_10 = arith.constant 0 : index
    %get3A_11 = arith.constant 0 : index
    %get3A_12 = vector.load %arg2[%get3A_9, %get3A_10, %get3A_11] : memref<2x1000x64xf32, #tpu.memory_space<vmem>>, vector<1x1000x64xf32>
    %get3A_13 = vector.shape_cast %get3A_12 : vector<1x1000x64xf32> to vector<1000x64xf32>
    %get3A_14 = arith.constant 1 : index
    %get3A_15 = arith.constant 0 : index
    %get3A_16 = arith.constant 0 : index
    %get3A_17 = vector.load %arg2[%get3A_14, %get3A_15, %get3A_16] : memref<2x1000x64xf32, #tpu.memory_space<vmem>>, vector<1x1000x64xf32>
    %get3A_18 = vector.shape_cast %get3A_17 : vector<1x1000x64xf32> to vector<1000x64xf32>
    %add3A_19 = arith.addf %get3A_13, %get3A_18 : vector<1000x64xf32>
    %concatenate3A = tpu.concatenate %add3A, %add3A_19 in 1 : vector<1000x64xf32>, vector<1000x64xf32> -> vector<1000x128xf32>
    %get3A_20 = arith.constant 0 : index
    %get3A_21 = arith.constant 0 : index
    %get3A_22 = vector.load %arg3[%get3A_20, %get3A_21] : memref<1000x128xf32, #tpu.memory_space<vmem>>, vector<1000x128xf32>
    %add3A_23 = arith.addf %get3A_22, %concatenate3A : vector<1000x128xf32>
    %get3A_24 = arith.constant 0 : index
    %get3A_25 = arith.constant 0 : index
    %get3A_26 = vector.load %arg4[%get3A_24, %get3A_25] : memref<1x128xf32, #tpu.memory_space<vmem>>, vector<1x128xf32>
    %add3A_27 = vector.broadcast %get3A_26 : vector<1x128xf32> to vector<1000x128xf32>
    %add3A_28 = arith.addf %add3A_23, %add3A_27 : vector<1000x128xf32>
    %swap3A = arith.constant 0 : index
    %swap3A_29 = arith.constant 0 : index
    %swap3A_30 = vector.load %arg5[%swap3A, %swap3A_29] : memref<1000x128xf32, #tpu.memory_space<vmem>>, vector<1000x128xf32>
    tpu.vector_store %arg5[%swap3A, %swap3A_29], %add3A_28 {strides = array<i32>} : memref<1000x128xf32, #tpu.memory_space<vmem>>, vector<1000x128xf32>,
    %reduce_sum3A = arith.constant dense<0.000000e+00> : vector<128xf32>
    %reduce_sum3A_31 = vector.multi_reduction <add>, %add3A_28, %reduce_sum3A [0] : vector<1000x128xf32> to vector<128xf32>
    %broadcast_in_dim3A = vector.shape_cast %reduce_sum3A_31 : vector<128xf32> to vector<1x128xf32>
    %mul3A = arith.mulf %add3A_28, %add3A_28 : vector<1000x128xf32>
    %reduce_sum3A_32 = arith.constant dense<0.000000e+00> : vector<128xf32>
    %reduce_sum3A_33 = vector.multi_reduction <add>, %mul3A, %reduce_sum3A_32 [0] : vector<1000x128xf32> to vector<128xf32>
    %broadcast_in_dim3A_34 = vector.shape_cast %reduce_sum3A_33 : vector<128xf32> to vector<1x128xf32>
    %concatenate3A_35 = tpu.concatenate %broadcast_in_dim3A, %broadcast_in_dim3A_34 in 0 : vector<1x128xf32>, vector<1x128xf32> -> vector<2x128xf32>
    %eq3A = arith.constant 0 : i32
    %eq3A_36 = arith.cmpi eq, %arg0, %eq3A : i32
    %convert_element_type3A = arith.extui %eq3A_36 : i1 to i32
    %cond3A = arith.constant 0 : i32
    %cond3A_37 = arith.cmpi ne, %convert_element_type3A, %cond3A : i32
    scf.if %cond3A_37 {
      %broadcast_in_dim3A_45 = arith.constant 0.000000e+00 : f32
      %broadcast_in_dim3A_46 = vector.broadcast %broadcast_in_dim3A_45 : f32 to vector<2x128xf32>
      %swap3A_47 = arith.constant 0 : index
      %swap3A_48 = arith.constant 0 : index
      %swap3A_49 = vector.load %arg6[%swap3A_47, %swap3A_48] : memref<2x128xf32, #tpu.memory_space<vmem>>, vector<2x128xf32>
      tpu.vector_store %arg6[%swap3A_47, %swap3A_48], %broadcast_in_dim3A_46 {strides = array<i32>} : memref<2x128xf32, #tpu.memory_space<vmem>>, vector<2x128xf32>,
    } else {
    }
    %get3A_38 = arith.constant 0 : index
    %get3A_39 = arith.constant 0 : index
    %get3A_40 = vector.load %arg6[%get3A_38, %get3A_39] : memref<2x128xf32, #tpu.memory_space<vmem>>, vector<2x128xf32>
    %add3A_41 = arith.addf %get3A_40, %concatenate3A_35 : vector<2x128xf32>
    %swap3A_42 = arith.constant 0 : index
    %swap3A_43 = arith.constant 0 : index
    %swap3A_44 = vector.load %arg6[%swap3A_42, %swap3A_43] : memref<2x128xf32, #tpu.memory_space<vmem>>, vector<2x128xf32>
    tpu.vector_store %arg6[%swap3A_42, %swap3A_43], %add3A_41 {strides = array<i32>} : memref<2x128xf32, #tpu.memory_space<vmem>>, vector<2x128xf32>,
    return
  }
  func.func @transform_0(%arg0: i32) -> (i32, i32, i32) {
    %c0_i32 = arith.constant 0 : i32
    %c0_i32_0 = arith.constant 0 : i32
    %c0_i32_1 = arith.constant 0 : i32
    return %c0_i32, %arg0, %c0_i32_0 : i32, i32, i32
  }
  func.func @transform_1(%arg0: i32) -> (i32, i32, i32) {
    %c0_i32 = arith.constant 0 : i32
    %c0_i32_0 = arith.constant 0 : i32
    %c0_i32_1 = arith.constant 0 : i32
    return %c0_i32, %arg0, %c0_i32_0 : i32, i32, i32
  }
  func.func @transform_2(%arg0: i32) -> (i32, i32) {
    %c0_i32 = arith.constant 0 : i32
    %c0_i32_0 = arith.constant 0 : i32
    return %arg0, %c0_i32 : i32, i32
  }
  func.func @transform_3(%arg0: i32) -> (i32, i32) {
    %c0_i32 = arith.constant 0 : i32
    %c0_i32_0 = arith.constant 0 : i32
    %c0_i32_1 = arith.constant 0 : i32
    return %c0_i32, %c0_i32_0 : i32, i32
  }
  func.func @transform_4(%arg0: i32) -> (i32, i32) {
    %c0_i32 = arith.constant 0 : i32
    %c0_i32_0 = arith.constant 0 : i32
    return %arg0, %c0_i32 : i32, i32
  }
  func.func @transform_5(%arg0: i32) -> (i32, i32) {
    %c0_i32 = arith.constant 0 : i32
    %c0_i32_0 = arith.constant 0 : i32
    %c0_i32_1 = arith.constant 0 : i32
    return %c0_i32, %c0_i32_0 : i32, i32
  }
}

module attributes {stable_mosaic.version = 14 : i64} {
  func.func @_tc3b_body(%arg0: i32, %arg1: memref<1000x128xf32, #tpu.memory_space<vmem>>, %arg2: memref<2x128xf32, #tpu.memory_space<vmem>>, %arg3: memref<1x128xf32, #tpu.memory_space<vmem>>, %arg4: memref<1x128xf32, #tpu.memory_space<vmem>>, %arg5: memref<128x512xf32, #tpu.memory_space<vmem>>, %arg6: memref<1x512xf32, #tpu.memory_space<vmem>>, %arg7: memref<512x128xf32, #tpu.memory_space<vmem>>, %arg8: memref<1x128xf32, #tpu.memory_space<vmem>>, %arg9: memref<1000x128xf32, #tpu.memory_space<vmem>>, %arg10: memref<2x128xf32, #tpu.memory_space<vmem>>) attributes {dimension_semantics = [#tpu.dimension_semantics<arbitrary>], iteration_bounds = array<i64: 10>, scalar_prefetch = 0 : i64, scratch_operands = 0 : i64, tpu.core_type = #tpu.core_type<tc>, window_params = [{transform_indices = @transform_0, window_bounds = array<i64: 1000, 128>}, {pipeline_mode = #tpu.pipeline_mode<synchronous>, transform_indices = @transform_1, window_bounds = array<i64: 2, 128>}, {pipeline_mode = #tpu.pipeline_mode<synchronous>, transform_indices = @transform_2, window_bounds = array<i64: 1, 128>}, {pipeline_mode = #tpu.pipeline_mode<synchronous>, transform_indices = @transform_3, window_bounds = array<i64: 1, 128>}, {pipeline_mode = #tpu.pipeline_mode<synchronous>, transform_indices = @transform_4, window_bounds = array<i64: 128, 512>}, {pipeline_mode = #tpu.pipeline_mode<synchronous>, transform_indices = @transform_5, window_bounds = array<i64: 1, 512>}, {pipeline_mode = #tpu.pipeline_mode<synchronous>, transform_indices = @transform_6, window_bounds = array<i64: 512, 128>}, {pipeline_mode = #tpu.pipeline_mode<synchronous>, transform_indices = @transform_7, window_bounds = array<i64: 1, 128>}, {transform_indices = @transform_8, window_bounds = array<i64: 1000, 128>}, {pipeline_mode = #tpu.pipeline_mode<synchronous>, transform_indices = @transform_9, window_bounds = array<i64: 2, 128>}]} {
    %get3A = arith.constant 0 : index
    %get3A_0 = arith.constant 0 : index
    %get3A_1 = vector.load %arg2[%get3A, %get3A_0] : memref<2x128xf32, #tpu.memory_space<vmem>>, vector<1x128xf32>
    %get3A_2 = vector.shape_cast %get3A_1 : vector<1x128xf32> to vector<128xf32>
    %div3A = arith.constant 1.000000e+04 : f32
    %div3A_3 = vector.broadcast %div3A : f32 to vector<128xf32>
    %div3A_4 = arith.divf %get3A_2, %div3A_3 : vector<128xf32>
    %get3A_5 = arith.constant 1 : index
    %get3A_6 = arith.constant 0 : index
    %get3A_7 = vector.load %arg2[%get3A_5, %get3A_6] : memref<2x128xf32, #tpu.memory_space<vmem>>, vector<1x128xf32>
    %get3A_8 = vector.shape_cast %get3A_7 : vector<1x128xf32> to vector<128xf32>
    %div3A_9 = arith.constant 1.000000e+04 : f32
    %div3A_10 = vector.broadcast %div3A_9 : f32 to vector<128xf32>
    %div3A_11 = arith.divf %get3A_8, %div3A_10 : vector<128xf32>
    %mul3A = arith.mulf %div3A_4, %div3A_4 : vector<128xf32>
    %sub3A = arith.subf %div3A_11, %mul3A : vector<128xf32>
    %add3A = arith.constant 9.99999974E-6 : f32
    %add3A_12 = vector.broadcast %add3A : f32 to vector<128xf32>
    %add3A_13 = arith.addf %sub3A, %add3A_12 : vector<128xf32>
    %rsqrt3A = math.rsqrt %add3A_13 : vector<128xf32>
    %get3A_14 = arith.constant 0 : index
    %get3A_15 = arith.constant 0 : index
    %get3A_16 = vector.load %arg1[%get3A_14, %get3A_15] : memref<1000x128xf32, #tpu.memory_space<vmem>>, vector<1000x128xf32>
    %broadcast_in_dim3A = vector.shape_cast %div3A_4 : vector<128xf32> to vector<1x128xf32>
    %sub3A_17 = vector.broadcast %broadcast_in_dim3A : vector<1x128xf32> to vector<1000x128xf32>
    %sub3A_18 = arith.subf %get3A_16, %sub3A_17 : vector<1000x128xf32>
    %get3A_19 = arith.constant 0 : index
    %get3A_20 = arith.constant 0 : index
    %get3A_21 = vector.load %arg3[%get3A_19, %get3A_20] : memref<1x128xf32, #tpu.memory_space<vmem>>, vector<1x128xf32>
    %get3A_22 = vector.shape_cast %get3A_21 : vector<1x128xf32> to vector<128xf32>
    %mul3A_23 = arith.mulf %rsqrt3A, %get3A_22 : vector<128xf32>
    %broadcast_in_dim3A_24 = vector.shape_cast %mul3A_23 : vector<128xf32> to vector<1x128xf32>
    %mul3A_25 = vector.broadcast %broadcast_in_dim3A_24 : vector<1x128xf32> to vector<1000x128xf32>
    %mul3A_26 = arith.mulf %sub3A_18, %mul3A_25 : vector<1000x128xf32>
    %get3A_27 = arith.constant 0 : index
    %get3A_28 = arith.constant 0 : index
    %get3A_29 = vector.load %arg4[%get3A_27, %get3A_28] : memref<1x128xf32, #tpu.memory_space<vmem>>, vector<1x128xf32>
    %add3A_30 = vector.broadcast %get3A_29 : vector<1x128xf32> to vector<1000x128xf32>
    %add3A_31 = arith.addf %mul3A_26, %add3A_30 : vector<1000x128xf32>
    %get3A_32 = arith.constant 0 : index
    %get3A_33 = arith.constant 0 : index
    %get3A_34 = vector.load %arg5[%get3A_32, %get3A_33] : memref<128x512xf32, #tpu.memory_space<vmem>>, vector<128x512xf32>
    %dot_general3A = arith.constant dense<0.000000e+00> : vector<1000x512xf32>
    %dot_general3A_35 = tpu.matmul %add3A_31, %get3A_34, %dot_general3A {dimension_numbers = #tpu.dot_dimension_numbers<[1], [0], [0], [1], [0, 0, 1, 1], [], []>, transpose_lhs_hint = false} : vector<1000x128xf32>, vector<128x512xf32>, vector<1000x512xf32> -> vector<1000x512xf32>
    %get3A_36 = arith.constant 0 : index
    %get3A_37 = arith.constant 0 : index
    %get3A_38 = vector.load %arg6[%get3A_36, %get3A_37] : memref<1x512xf32, #tpu.memory_space<vmem>>, vector<1x512xf32>
    %add3A_39 = vector.broadcast %get3A_38 : vector<1x512xf32> to vector<1000x512xf32>
    %add3A_40 = arith.addf %dot_general3A_35, %add3A_39 : vector<1000x512xf32>
    %max3A = arith.constant 0.000000e+00 : f32
    %max3A_41 = vector.broadcast %max3A : f32 to vector<1000x512xf32>
    %max3A_42 = arith.maximumf %add3A_40, %max3A_41 : vector<1000x512xf32>
    %get3A_43 = arith.constant 0 : index
    %get3A_44 = arith.constant 0 : index
    %get3A_45 = vector.load %arg7[%get3A_43, %get3A_44] : memref<512x128xf32, #tpu.memory_space<vmem>>, vector<512x128xf32>
    %dot_general3A_46 = arith.constant dense<0.000000e+00> : vector<1000x128xf32>
    %dot_general3A_47 = tpu.matmul %max3A_42, %get3A_45, %dot_general3A_46 {dimension_numbers = #tpu.dot_dimension_numbers<[1], [0], [0], [1], [0, 0, 1, 1], [], []>, transpose_lhs_hint = false} : vector<1000x512xf32>, vector<512x128xf32>, vector<1000x128xf32> -> vector<1000x128xf32>
    %get3A_48 = arith.constant 0 : index
    %get3A_49 = arith.constant 0 : index
    %get3A_50 = vector.load %arg8[%get3A_48, %get3A_49] : memref<1x128xf32, #tpu.memory_space<vmem>>, vector<1x128xf32>
    %add3A_51 = vector.broadcast %get3A_50 : vector<1x128xf32> to vector<1000x128xf32>
    %add3A_52 = arith.addf %dot_general3A_47, %add3A_51 : vector<1000x128xf32>
    %add3A_53 = arith.addf %add3A_31, %add3A_52 : vector<1000x128xf32>
    %swap3A = arith.constant 0 : index
    %swap3A_54 = arith.constant 0 : index
    %swap3A_55 = vector.load %arg9[%swap3A, %swap3A_54] : memref<1000x128xf32, #tpu.memory_space<vmem>>, vector<1000x128xf32>
    tpu.vector_store %arg9[%swap3A, %swap3A_54], %add3A_53 {strides = array<i32>} : memref<1000x128xf32, #tpu.memory_space<vmem>>, vector<1000x128xf32>,
    %reduce_sum3A = arith.constant dense<0.000000e+00> : vector<128xf32>
    %reduce_sum3A_56 = vector.multi_reduction <add>, %add3A_53, %reduce_sum3A [0] : vector<1000x128xf32> to vector<128xf32>
    %broadcast_in_dim3A_57 = vector.shape_cast %reduce_sum3A_56 : vector<128xf32> to vector<1x128xf32>
    %mul3A_58 = arith.mulf %add3A_53, %add3A_53 : vector<1000x128xf32>
    %reduce_sum3A_59 = arith.constant dense<0.000000e+00> : vector<128xf32>
    %reduce_sum3A_60 = vector.multi_reduction <add>, %mul3A_58, %reduce_sum3A_59 [0] : vector<1000x128xf32> to vector<128xf32>
    %broadcast_in_dim3A_61 = vector.shape_cast %reduce_sum3A_60 : vector<128xf32> to vector<1x128xf32>
    %concatenate3A = tpu.concatenate %broadcast_in_dim3A_57, %broadcast_in_dim3A_61 in 0 : vector<1x128xf32>, vector<1x128xf32> -> vector<2x128xf32>
    %eq3A = arith.constant 0 : i32
    %eq3A_62 = arith.cmpi eq, %arg0, %eq3A : i32
    %convert_element_type3A = arith.extui %eq3A_62 : i1 to i32
    %cond3A = arith.constant 0 : i32
    %cond3A_63 = arith.cmpi ne, %convert_element_type3A, %cond3A : i32
    scf.if %cond3A_63 {
      %broadcast_in_dim3A_71 = arith.constant 0.000000e+00 : f32
      %broadcast_in_dim3A_72 = vector.broadcast %broadcast_in_dim3A_71 : f32 to vector<2x128xf32>
      %swap3A_73 = arith.constant 0 : index
      %swap3A_74 = arith.constant 0 : index
      %swap3A_75 = vector.load %arg10[%swap3A_73, %swap3A_74] : memref<2x128xf32, #tpu.memory_space<vmem>>, vector<2x128xf32>
      tpu.vector_store %arg10[%swap3A_73, %swap3A_74], %broadcast_in_dim3A_72 {strides = array<i32>} : memref<2x128xf32, #tpu.memory_space<vmem>>, vector<2x128xf32>,
    } else {
    }
    %get3A_64 = arith.constant 0 : index
    %get3A_65 = arith.constant 0 : index
    %get3A_66 = vector.load %arg10[%get3A_64, %get3A_65] : memref<2x128xf32, #tpu.memory_space<vmem>>, vector<2x128xf32>
    %add3A_67 = arith.addf %get3A_66, %concatenate3A : vector<2x128xf32>
    %swap3A_68 = arith.constant 0 : index
    %swap3A_69 = arith.constant 0 : index
    %swap3A_70 = vector.load %arg10[%swap3A_68, %swap3A_69] : memref<2x128xf32, #tpu.memory_space<vmem>>, vector<2x128xf32>
    tpu.vector_store %arg10[%swap3A_68, %swap3A_69], %add3A_67 {strides = array<i32>} : memref<2x128xf32, #tpu.memory_space<vmem>>, vector<2x128xf32>,
    return
  }
  func.func @transform_0(%arg0: i32) -> (i32, i32) {
    %c0_i32 = arith.constant 0 : i32
    %c0_i32_0 = arith.constant 0 : i32
    return %arg0, %c0_i32 : i32, i32
  }
  func.func @transform_1(%arg0: i32) -> (i32, i32) {
    %c0_i32 = arith.constant 0 : i32
    %c0_i32_0 = arith.constant 0 : i32
    %c0_i32_1 = arith.constant 0 : i32
    return %c0_i32, %c0_i32_0 : i32, i32
  }
  func.func @transform_2(%arg0: i32) -> (i32, i32) {
    %c0_i32 = arith.constant 0 : i32
    %c0_i32_0 = arith.constant 0 : i32
    %c0_i32_1 = arith.constant 0 : i32
    return %c0_i32, %c0_i32_0 : i32, i32
  }
  func.func @transform_3(%arg0: i32) -> (i32, i32) {
    %c0_i32 = arith.constant 0 : i32
    %c0_i32_0 = arith.constant 0 : i32
    %c0_i32_1 = arith.constant 0 : i32
    return %c0_i32, %c0_i32_0 : i32, i32
  }
  func.func @transform_4(%arg0: i32) -> (i32, i32) {
    %c0_i32 = arith.constant 0 : i32
    %c0_i32_0 = arith.constant 0 : i32
    %c0_i32_1 = arith.constant 0 : i32
    return %c0_i32, %c0_i32_0 : i32, i32
  }
  func.func @transform_5(%arg0: i32) -> (i32, i32) {
    %c0_i32 = arith.constant 0 : i32
    %c0_i32_0 = arith.constant 0 : i32
    %c0_i32_1 = arith.constant 0 : i32
    return %c0_i32, %c0_i32_0 : i32, i32
  }
  func.func @transform_6(%arg0: i32) -> (i32, i32) {
    %c0_i32 = arith.constant 0 : i32
    %c0_i32_0 = arith.constant 0 : i32
    %c0_i32_1 = arith.constant 0 : i32
    return %c0_i32, %c0_i32_0 : i32, i32
  }
  func.func @transform_7(%arg0: i32) -> (i32, i32) {
    %c0_i32 = arith.constant 0 : i32
    %c0_i32_0 = arith.constant 0 : i32
    %c0_i32_1 = arith.constant 0 : i32
    return %c0_i32, %c0_i32_0 : i32, i32
  }
  func.func @transform_8(%arg0: i32) -> (i32, i32) {
    %c0_i32 = arith.constant 0 : i32
    %c0_i32_0 = arith.constant 0 : i32
    return %arg0, %c0_i32 : i32, i32
  }
  func.func @transform_9(%arg0: i32) -> (i32, i32) {
    %c0_i32 = arith.constant 0 : i32
    %c0_i32_0 = arith.constant 0 : i32
    %c0_i32_1 = arith.constant 0 : i32
    return %c0_i32, %c0_i32_0 : i32, i32
  }
}

module attributes {stable_mosaic.version = 14 : i64} {
  func.func @_tc3c_body(%arg0: i32, %arg1: memref<1000x128xf32, #tpu.memory_space<vmem>>, %arg2: memref<2x128xf32, #tpu.memory_space<vmem>>, %arg3: memref<1x128xf32, #tpu.memory_space<vmem>>, %arg4: memref<1x128xf32, #tpu.memory_space<vmem>>, %arg5: memref<1000x128xf32, #tpu.memory_space<vmem>>) attributes {dimension_semantics = [#tpu.dimension_semantics<arbitrary>], iteration_bounds = array<i64: 10>, scalar_prefetch = 0 : i64, scratch_operands = 0 : i64, tpu.core_type = #tpu.core_type<tc>, window_params = [{transform_indices = @transform_0, window_bounds = array<i64: 1000, 128>}, {pipeline_mode = #tpu.pipeline_mode<synchronous>, transform_indices = @transform_1, window_bounds = array<i64: 2, 128>}, {pipeline_mode = #tpu.pipeline_mode<synchronous>, transform_indices = @transform_2, window_bounds = array<i64: 1, 128>}, {pipeline_mode = #tpu.pipeline_mode<synchronous>, transform_indices = @transform_3, window_bounds = array<i64: 1, 128>}, {transform_indices = @transform_4, window_bounds = array<i64: 1000, 128>}]} {
    %get3A = arith.constant 0 : index
    %get3A_0 = arith.constant 0 : index
    %get3A_1 = vector.load %arg2[%get3A, %get3A_0] : memref<2x128xf32, #tpu.memory_space<vmem>>, vector<1x128xf32>
    %get3A_2 = vector.shape_cast %get3A_1 : vector<1x128xf32> to vector<128xf32>
    %div3A = arith.constant 1.000000e+04 : f32
    %div3A_3 = vector.broadcast %div3A : f32 to vector<128xf32>
    %div3A_4 = arith.divf %get3A_2, %div3A_3 : vector<128xf32>
    %get3A_5 = arith.constant 1 : index
    %get3A_6 = arith.constant 0 : index
    %get3A_7 = vector.load %arg2[%get3A_5, %get3A_6] : memref<2x128xf32, #tpu.memory_space<vmem>>, vector<1x128xf32>
    %get3A_8 = vector.shape_cast %get3A_7 : vector<1x128xf32> to vector<128xf32>
    %div3A_9 = arith.constant 1.000000e+04 : f32
    %div3A_10 = vector.broadcast %div3A_9 : f32 to vector<128xf32>
    %div3A_11 = arith.divf %get3A_8, %div3A_10 : vector<128xf32>
    %mul3A = arith.mulf %div3A_4, %div3A_4 : vector<128xf32>
    %sub3A = arith.subf %div3A_11, %mul3A : vector<128xf32>
    %add3A = arith.constant 9.99999974E-6 : f32
    %add3A_12 = vector.broadcast %add3A : f32 to vector<128xf32>
    %add3A_13 = arith.addf %sub3A, %add3A_12 : vector<128xf32>
    %rsqrt3A = math.rsqrt %add3A_13 : vector<128xf32>
    %get3A_14 = arith.constant 0 : index
    %get3A_15 = arith.constant 0 : index
    %get3A_16 = vector.load %arg1[%get3A_14, %get3A_15] : memref<1000x128xf32, #tpu.memory_space<vmem>>, vector<1000x128xf32>
    %broadcast_in_dim3A = vector.shape_cast %div3A_4 : vector<128xf32> to vector<1x128xf32>
    %sub3A_17 = vector.broadcast %broadcast_in_dim3A : vector<1x128xf32> to vector<1000x128xf32>
    %sub3A_18 = arith.subf %get3A_16, %sub3A_17 : vector<1000x128xf32>
    %get3A_19 = arith.constant 0 : index
    %get3A_20 = arith.constant 0 : index
    %get3A_21 = vector.load %arg3[%get3A_19, %get3A_20] : memref<1x128xf32, #tpu.memory_space<vmem>>, vector<1x128xf32>
    %get3A_22 = vector.shape_cast %get3A_21 : vector<1x128xf32> to vector<128xf32>
    %mul3A_23 = arith.mulf %rsqrt3A, %get3A_22 : vector<128xf32>
    %broadcast_in_dim3A_24 = vector.shape_cast %mul3A_23 : vector<128xf32> to vector<1x128xf32>
    %mul3A_25 = vector.broadcast %broadcast_in_dim3A_24 : vector<1x128xf32> to vector<1000x128xf32>
    %mul3A_26 = arith.mulf %sub3A_18, %mul3A_25 : vector<1000x128xf32>
    %get3A_27 = arith.constant 0 : index
    %get3A_28 = arith.constant 0 : index
    %get3A_29 = vector.load %arg4[%get3A_27, %get3A_28] : memref<1x128xf32, #tpu.memory_space<vmem>>, vector<1x128xf32>
    %add3A_30 = vector.broadcast %get3A_29 : vector<1x128xf32> to vector<1000x128xf32>
    %add3A_31 = arith.addf %mul3A_26, %add3A_30 : vector<1000x128xf32>
    %swap3A = arith.constant 0 : index
    %swap3A_32 = arith.constant 0 : index
    %swap3A_33 = vector.load %arg5[%swap3A, %swap3A_32] : memref<1000x128xf32, #tpu.memory_space<vmem>>, vector<1000x128xf32>
    tpu.vector_store %arg5[%swap3A, %swap3A_32], %add3A_31 {strides = array<i32>} : memref<1000x128xf32, #tpu.memory_space<vmem>>, vector<1000x128xf32>,
    return
  }
  func.func @transform_0(%arg0: i32) -> (i32, i32) {
    %c0_i32 = arith.constant 0 : i32
    %c0_i32_0 = arith.constant 0 : i32
    return %arg0, %c0_i32 : i32, i32
  }
  func.func @transform_1(%arg0: i32) -> (i32, i32) {
    %c0_i32 = arith.constant 0 : i32
    %c0_i32_0 = arith.constant 0 : i32
    %c0_i32_1 = arith.constant 0 : i32
    return %c0_i32, %c0_i32_0 : i32, i32
  }
  func.func @transform_2(%arg0: i32) -> (i32, i32) {
    %c0_i32 = arith.constant 0 : i32
    %c0_i32_0 = arith.constant 0 : i32
    %c0_i32_1 = arith.constant 0 : i32
    return %c0_i32, %c0_i32_0 : i32, i32
  }
  func.func @transform_3(%arg0: i32) -> (i32, i32) {
    %c0_i32 = arith.constant 0 : i32
    %c0_i32_0 = arith.constant 0 : i32
    %c0_i32_1 = arith.constant 0 : i32
    return %c0_i32, %c0_i32_0 : i32, i32
  }
  func.func @transform_4(%arg0: i32) -> (i32, i32) {
    %c0_i32 = arith.constant 0 : i32
    %c0_i32_0 = arith.constant 0 : i32
    return %arg0, %c0_i32 : i32, i32
  }
}

</mosaic_0001>

<sc_bundles>
// kernel: kernel.11.cloned.1.call-start
scs
__scs_entry_jumppad:
0x0: {  	(pc) =	sbr.rel $0x88, $3  }
0x1: {  	(tag) =	ssettag $0x0;
	lr =	simm.s32 $0x1  }
0x2: {  	[smem:$0x3F93] =	sst lr;
	_ =	strace $0xD0000000  }
0x3: {  	_ = 	snop  }
0x4: {  	_ = 	snop  }
0x5: {  	_ = 	snop  }
0x6: {  	_ = 	snop  }
0x7: {  	_ = 	snop  }
__scs_overlays_trampoline_lowered:
0x8: {  	[smem:$0x3FA2] =	sst s0  }
0x9: {  	[smem:$0x3FA3] =	sst s1  }
0xa: {  	[smem:$0x3FA4] =	sst s2  }
0xb: {  	[smem:$0x3FA5] =	sst s3  }
0xc: {  	[smem:$0x3FA6] =	sst s4  }
0xd: {  	[smem:$0x3FA7] =	sst s5  }
0xe: {  	[smem:$0x3FA8] =	sst s6  }
0xf: {  	[smem:$0x3FA9] =	sst s7  }
0x10: {  	[smem:$0x3FAA] =	sst s8  }
0x11: {  	[smem:$0x3FAB] =	sst s9;
	s0 =	simm.s32 @!p0 $0x0  }
0x12: {  	s1 =	sld [smem:$0x3F91];
	s0 =	simm.s32 @p0 $0x1  }
0x13: {  	[smem:$0x3FAC] =	sst s0;
	s0 =	simm.s32 @!p1 $0x0  }
0x14: {  	s2 =	sld [smem:$0x3F90];
	s0 =	simm.s32 @p1 $0x1  }
0x15: {  	[smem:$0x3FAD] =	sst s0;
	s0 =	simm.s32 @!p2 $0x0  }
0x16: {  	s3 =	sld [smem:$0x3FDB];
	s0 =	simm.s32 @p2 $0x1  }
0x17: {  	s4 =	simm.s32 $0x1BF5;
	[smem:$0x3FAF] =	sst s0  }
0x18: {  	s0 =	sld [smem:$0x3F92];
	_ =	swait.ge [sflag:s4], $0x0  }
0x19: {  	s7 =	sld [smem:$0x3F93]  }
0x1a: {  	s8 =	sadd.s32 $0xFFFFE003, lr  }
0x1b: {  	s9 =	sadd.s32 $0xFFFFFEF7, lr;
	s5 =	simm.s32 $0xFFFFFFFF;
	p2 =	slt.u32 s8, $0xFFFFF086  }
0x1c: {  	p1 =	slt.u32 s9, $0xF7A;
	s5 =	simm.s32 @!p2 $0x0  }
0x1d: {  	s5 =	simm.s32 @p1 $0x1;
	p0 =	seq.s32 s7, s2  }
0x1e: {  	s7 =	smul.u32 @!p0 $0xF7A, s2;
	p2 =	seq.s32 @!p0 s5, $0x0  }
0x1f: {  	s9 =	smul.u32 $0xF7A, s1;
	s8 =	simm.s32 @!p0 $0x1BF5;
	p2 =	por !p2, p0  }
0x20: {  	[sflag:s8] =	ssyncset.s32 @!p0 $0xFFFFF086;
	s6 =	sadd.s32 @!p0 s3, s7;
	s7 =	simm.s32 @!p0 $0x108  }
0x21: {  	s3 =	sadd.s32 s3, s9;
	s6 =	sadd.s32 @!p0 $0x88, s6;
	s7 =	simm.s32 @p2 $0x1082  }
0x22: {  	[simem:s7], [sflag:s8] =	dma.local @!p0 [hbm:s6], $0xF7A  }
0x23: {  	s9 =	sor.u32 $0xD0000000, s2;
	s6 =	simm.s32 $0x108;
	_ =	swait.ge @!p0 [sflag:s8], $0x0  }
0x24: {  	s3 =	sadd.s32 $0x88, s3;
	s6 =	simm.s32 @!p1 $0x1082;
	[sflag:s4] =	ssyncset.s32 $0xFFFFF086  }
0x25: {  	[simem:s6], [sflag:s4] =	dma.local [hbm:s3], $0xF7A  }
0x26: {  	[smem:$0x3F93] =	sst s1;
	(tag) =	ssettag s2;
	_ =	strace s9  }
0x27: {  	s1 =	sld [smem:$0x3FA3]  }
0x28: {  	s2 =	sld [smem:$0x3FA4]  }
0x29: {  	s4 =	sld [smem:$0x3FA6]  }
0x2a: {  	p0 =	seq.s32 s5, $0x0;
	s5 =	sld [smem:$0x3FA7]  }
0x2b: {  	s6 =	sld [smem:$0x3FA8]  }
0x2c: {  	s7 =	sld [smem:$0x3FA9]  }
0x2d: {  	s3 =	simm.s32 $0x108;
	s8 =	sld [smem:$0x3FAA]  }
0x2e: {  	s3 =	simm.s32 @!p0 $0x1082;
	s9 =	sld [smem:$0x3FAB]  }
0x2f: {  	lr =	sadd.s32 s0, s3;
	s0 =	sld [smem:$0x3FA2]  }
0x30: {  	s3 =	sld [smem:$0x3FA5]  }
0x31: {  	[smem:$0x3FAE] =	sst s10  }
0x32: {  	s10 =	sld [smem:$0x3FAC];
	_ =	sdelay $0x3  }
0x33: {  	p0 =	seq.s32 s10, $0x1;
	s10 =	sld [smem:$0x3FAE];
	_ =	sdelay $0x3  }
0x34: {  	[smem:$0x3FAE] =	sst s10  }
0x35: {  	s10 =	sld [smem:$0x3FAD];
	_ =	sdelay $0x3  }
0x36: {  	p1 =	seq.s32 s10, $0x1;
	s10 =	sld [smem:$0x3FAE];
	_ =	sdelay $0x3  }
0x37: {  	[smem:$0x3FAE] =	sst s10  }
0x38: {  	s10 =	sld [smem:$0x3FAF]  }
0x39: {  	_ = 	snop;
	(pc) =	sbr.ind lr, $3  }
0x3a: {  	_ = 	snop  }
0x3b: {  	_ = 	snop  }
0x3c: {  	p2 =	seq.s32 s10, $0x1;
	s10 =	sld [smem:$0x3FAE]  }
0x3d: {  	_ =	shalt  }
0x3e: {  	_ =	shalt  }
0x3f: {  	_ =	shalt  }
0x40: {  	_ =	shalt  }
0x41: {  	_ =	shalt  }
0x42: {  	_ =	shalt  }
0x43: {  	_ =	shalt  }
0x44: {  	_ =	shalt  }
0x45: {  	_ =	shalt  }
0x46: {  	_ =	shalt  }
0x47: {  	_ =	shalt  }
0x48: {  	_ =	shalt  }
0x49: {  	_ =	shalt  }
0x4a: {  	_ =	shalt  }
0x4b: {  	_ =	shalt  }
0x4c: {  	_ =	shalt  }
0x4d: {  	_ =	shalt  }
0x4e: {  	_ =	shalt  }
0x4f: {  	_ =	shalt  }
0x50: {  	_ =	shalt  }
0x51: {  	_ =	shalt  }
0x52: {  	_ =	shalt  }
0x53: {  	_ =	shalt  }
0x54: {  	_ =	shalt  }
0x55: {  	_ =	shalt  }
0x56: {  	_ =	shalt  }
0x57: {  	_ =	shalt  }
0x58: {  	_ =	shalt  }
0x59: {  	_ =	shalt  }
0x5a: {  	_ =	shalt  }
0x5b: {  	_ =	shalt  }
0x5c: {  	_ =	shalt  }
0x5d: {  	_ =	shalt  }
0x5e: {  	_ =	shalt  }
0x5f: {  	_ =	shalt  }
0x60: {  	_ =	shalt  }
0x61: {  	_ =	shalt  }
0x62: {  	_ =	shalt  }
0x63: {  	_ =	shalt  }
0x64: {  	_ =	shalt  }
0x65: {  	_ =	shalt  }
0x66: {  	_ =	shalt  }
0x67: {  	_ =	shalt  }
0x68: {  	_ =	shalt  }
0x69: {  	_ =	shalt  }
0x6a: {  	_ =	shalt  }
0x6b: {  	_ =	shalt  }
0x6c: {  	_ =	shalt  }
0x6d: {  	_ =	shalt  }
0x6e: {  	_ =	shalt  }
0x6f: {  	_ =	shalt  }
0x70: {  	_ =	shalt  }
0x71: {  	_ =	shalt  }
0x72: {  	_ =	shalt  }
0x73: {  	_ =	shalt  }
0x74: {  	_ =	shalt  }
0x75: {  	_ =	shalt  }
0x76: {  	_ =	shalt  }
0x77: {  	_ =	shalt  }
0x78: {  	_ =	shalt  }
0x79: {  	_ =	shalt  }
0x7a: {  	_ =	shalt  }
0x7b: {  	_ =	shalt  }
0x7c: {  	_ =	shalt  }
0x7d: {  	_ =	shalt  }
0x7e: {  	_ =	shalt  }
0x7f: {  	_ =	shalt  }
0x80: {  	_ =	shalt  }
0x81: {  	_ =	shalt  }
0x82: {  	_ =	shalt  }
0x83: {  	_ =	shalt  }
0x84: {  	_ =	shalt  }
0x85: {  	_ =	shalt  }
0x86: {  	_ =	shalt  }
0x87: {  	_ =	shalt  }
.Lfunc_end0:
.L_simem_size_0:
called_computation_lowered:
.L_overlay_start_0:
0x88: {  	s2 =	sld [smem:$0x3FD9]  }
0x89: {  	s3 =	sld [smem:$0x3FFE];
	_ =	sdelay $0x1  }
0x8a: {  	s1 =	srdreg.scid  }
0x8b: {  	s0 =	sand.u32 $0x1, s1  }
0x8c: {  	s17 =	sshll.u32 s0, $0xA;
	s2 =	sadd.s32 s3, s2  }
0x8d: {  	s2 =	sadd.s32 s2, s17  }
0x8e: {  	[smem:$0x3FBA] =	sst s2  }
0x8f: {  	_ = 	snop  }
0x90: {  	s2 =	sld [smem:$0x3FD0];
	(tm) =	ssettm $0x1  }
0x91: {  	s18 =	sld [smem:$0x3FFB];
	_ =	sdelay $0x3  }
0x92: {  	_ =	strace s18  }
0x93: {  	s3 =	sld [smem:$0x3FFC];
	_ =	sdelay $0x3  }
0x94: {  	_ =	strace s3  }
0x95: {  	s3 =	sld [smem:$0x3FFD];
	_ =	sdelay $0x3  }
0x96: {  	_ =	strace s3  }
0x97: {  	_ =	strace $0x8FFFFFFF  }
0x98: {  	s19 =	sld [smem:$0x3FDB];
	_ =	sdelay $0x1  }
0x99: {  	s4 =	simm.s32 $_scs_section_size  }
0x9a: {  	s5 =	simm.s32 $_size__tile_overlayer_lowered;
	s6 =	simm.s32 $_tile_overlayer_lowered  }
0x9b: {  	s22 =	simm.s32 $0x1BFF;
	s21 =	sshll.u32 s6, $0x1;
	s3 =	sadd.s32 s4, s19  }
0x9c: {  	s7 =	simm.s32 $0x0;
	s20 =	sshll.u32 s5, $0x1;
	s5 =	sadd.s32 s21, s3  }
0x9d: {  	[timem:s7], [sflag:s22] =	dma.local [hbm:s5], s20  }
0x9e: {  	_ =	swait.ge [sflag:s22], s20  }
0x9f: {  	s4 =	ssub.s32 $0x0, s20;
	[sflag:s22] =	ssyncset.done $0x0  }
0xa0: {  	[sflag:s22] =	ssyncadd.s32 s4;
	_ =	sdelay $0x1  }
0xa1: {  	s23 =	simm.s32 $0x1B8B  }
0xa2: {  	_ =	swait.ge [sflag:s23], $0x1  }
0xa3: {  	[sflag:s23] =	ssyncset.done $0x0  }
0xa4: {  	s25 =	simm.s32 $0x1B8E;
	s24 =	sld [smem:$0x3FFE];
	[sflag:s23] =	ssyncadd.s32 $0xFFFFFFFF  }
0xa5: {  	s26 =	simm.s32 $execute0_lowered;
	[smem:$0x3FD2] =	sst s25  }
0xa6: {  	s5 =	sshll.u32 s26, $0x1;
	_ =	strace $0x80000046;
	[dreg:$0x1] =	wrdreg $0xFFFFFFFF  }
0xa7: {  	s28 =	simm.s32 $_size_execute0_lowered;
	s3 =	sadd.s32 s3, s5;
	[dreg:$0x0] =	wrdreg $0x0  }
0xa8: {  	s5 =	sshll.u32 s28, $0x1;
	[dreg:$0x2] =	wrdreg s3  }
0xa9: {  	[dreg:$0x3] =	wrdreg s5  }
0xaa: {  	[dreg:$0x4] =	wrdreg $0xC0  }
0xab: {  	_ =	task [dreg:s7], $0x5FFFF  }
0xac: {  	[dreg:$0x1] =	wrdreg $0xFFFFFFFF  }
0xad: {  	[dreg:$0x0] =	wrdreg $0x60  }
0xae: {  	[dreg:$0x2] =	wrdreg s24  }
0xaf: {  	[dreg:$0x3] =	wrdreg s2  }
0xb0: {  	[dreg:$0x4] =	wrdreg $0x162000  }
0xb1: {  	[dreg:$0x5] =	wrdreg $0x9  }
0xb2: {  	_ =	task.clear_ibuf [dreg:s7], $0x6FFFF;
	_ =	strace $0x90000046  }
0xb3: {  	s29 =	simm.s32 $0x9;
	_ =	strace $0x80000048  }
0xb4: {  	_ =	swait.ge [sflag:s29], $0x1  }
0xb5: {  	[sflag:s29] =	ssyncadd.s32 $0xFFFFFFFF  }
0xb6: {  	_ =	strace $0x90000048  }
0xb7: {  	_ =	sfence  }
0xb8: {  	s30 =	sld [smem:$0x0];
	_ =	sdelay $0x2  }
0xb9: {  	s31 =	sshll.u32 s1, $0xD;
	s1 =	sshrl.u32 s1, $0x2  }
0xba: {  	s3 =	sand.u32 $0x4000, s31;
	s1 =	sadd.s32 s1, s30  }
0xbb: {  	s0 =	sor.u32 s3, s0;
	s1 =	sshll.u32 s1, $0x11  }
0xbc: {  	s0 =	sor.u32 s1, s0  }
0xbd: {  	s0 =	sadd.s32 $0x8F2B, s0  }
0xbe: {  	[sflag:s0] =	ssyncadd.remote.s32 $0x1  }
0xbf: {  	_ =	sfence.sel $0xFFFF  }
0xc0: {  	[dreg:$0x0] =	wrdreg $0xFFFFFFFF;
	(pc) =	sbr.abs _section_cstart, $3  }
0xc1: {  	[dreg:$0x1] =	wrdreg $0xFFFFFFFF  }
0xc2: {  	_ =	task.clear_ibuf [dreg:s7], $0x2FFFF;
	_ =	strace $0x9FFFFFFF  }
0xc3: {  	(tm) =	ssettm $0x7FFFFFFF  }
tec
execute0_lowered:
.L_overlay_start_1:
0x0: {  	(tag) =	ssettag $0x1  }
0x1: {  	s0 =	rddreg [dreg:$0x0]  }
0x2: {  	s7 =	rddreg [dreg:$0x1]  }
0x3: {  	s1 =	srdreg.scid;
	s2 =	rddreg [dreg:$0x2]  }
0x4: {  	s5 =	stileid.u32;
	s3 =	simm.s32 $0x0;
	s13 =	simm.s32 $0x9  }
0x5: {  	s14 =	simm.s32 $0x1500;
	s15 =	simm.s32 $0x80;
	s18 =	simm.s32 $0x6A00  }
0x6: {  	s19 =	simm.s32 $0xEA00;
	s20 =	simm.s32 $0x1;
	s21 =	simm.s32 $0x3  }
0x7: {  	s22 =	simm.s32 $0x12A00;
	s23 =	simm.s32 $0x2;
	s28 =	simm.s32 $0x7  }
0x8: {  	s29 =	simm.s32 $0x6;
	s30 =	simm.s32 $0x8;
	s31 =	simm.s32 $0x0  }
0x9: {  	s1 =	sand.u32 $0x1, s1;
	[smem:$0x7FF] =	sst s3;
	s9 =	smul.u32 $0x2800, s5  }
0xa: {  	s4 =	sshll.u32 s1, $0x4;
	_ =	strace $0x80000047;
	s6 =	ssub.s32 $0x2, s1  }
0xb: {  	s1 =	smul.u32 $0x28000, s1;
	s8 =	sor.u32 s5, s4;
	s11 =	sshrl.u32 s6, $0x1  }
0xc: {  	s5 =	sadd.s32 $0x178400, s0;
	s4 =	smul.u32 $0x2A0, s8;
	s24 =	ssub.s32 s6, s11  }
0xd: {  	s6 =	sadd.s32 s9, s2;
	s1 =	sadd.s32 s9, s1;
	s9 =	smul.u32 $0x2A, s8  }
0xe: {  	s1 =	sshrl.u32 s1, $0x3;
	s11 =	smax.u32 s24, $0x1;
	s10 =	sadd.s32 s4, s0  }
0xf: {  	s24 =	simm.s32 $0x4;
	s4 =	sadd.s32 $0x150400, s0;
	s25 =	sadd.s32 $0xB000, s10  }
0x10: {  	v1 =	vlaneseq.u32;
	s26 =	sadd.s32 $0x5C00, s10;
	s10 =	sadd.s32 s7, s1;
	[dreg:$0x4] =	wrdreg s25  }
0x11: {  	v0 =	vimm.f32 $0.0e+00;
	v1 =	vor.u32 $0x8, v1;
	[dreg:$0x5] =	wrdreg s26;
	s25 =	simm.s32 $0x13200;
	s26 =	simm.s32 $0x5  }
.LBB2_1:
0x12: {  	s0 =	simm.s32 $0x40;
	s1 =	simm.s32 $0x0  }
.LBB2_2:
0x13: {  	p0 =	sne.s32 s0, $0x9FC0;
	[tilespmem:s1+$0x13A00] =	vst v0;
	s1 =	smov.u32 s0;
	s0 =	sadd.s32 $0x40, s0  }
.Ltmp0:
0x14: {  	(pc) =	sbr.rel @p0 .LBB2_2-.Ltmp0, $2  }
0x15: {  	_ =	sdelay $0x2  }
0x16: {  	s1 =	sshra.s32 s1, $0x2  }
0x17: {  	[tilespmem:s1+$0x13A00] =	vst v0;
	s0 =	simm.s32 $0x13A00  }
0x18: {  	[spmem:s6] =	stream.linear.scatter [tilespmem:s0], [sflag:$0x9], $0x2800, $0x38;
	[tilespmem:$0x18A00] =	vst v63  }
0x19: {  	_ =	swait.ge [sflag:s13], $0x2800  }
0x1a: {  	[sflag:s13] =	ssyncset.done $0x0  }
0x1b: {  	[sflag:s13] =	ssyncadd.s32 $0xFFFFD800  }
0x1c: {  	[bflag:$0x0] =	sbarrier.arrive $0xFFFF  }
0x1d: {  	s0 =	simm.s32 $0x0;
	s8 =	rddreg [dreg:$0x4]  }
0x1e: {  	[tilespmem:s0], [sflag:$0x9] =	stream.linear.gather [hbm4b:s8+s0], $0x1500, $0x38;
	[tilespmem:$0x18A00] =	vst v63  }
0x1f: {  	_ =	swait.ge [sflag:s13], $0x1500  }
0x20: {  	[sflag:s13] =	ssyncset.done $0x0  }
0x21: {  	s12 =	rddreg [dreg:$0x5];
	[sflag:s13] =	ssyncadd.s32 $0xFFFFEB00  }
0x22: {  	[tilespmem:s14], [sflag:$0x9] =	stream.linear.gather [hbm4b:s12+s0], $0x1500, $0x38;
	[tilespmem:$0x18A00] =	vst v63  }
0x23: {  	_ =	swait.ge [sflag:s13], $0x1500  }
0x24: {  	[sflag:s13] =	ssyncset.done $0x0  }
0x25: {  	s16 =	simm.s32 $0x2A00;
	[sflag:s13] =	ssyncadd.s32 $0xFFFFEB00  }
0x26: {  	[tilespmem:s16], [sflag:$0x1] =	stream.indirect.gather [hbm4b:s4+s15], $0x80, s0, s15, $0xb8;
	[tilespmem:$0x18A00] =	vst v63  }
0x27: {  	s17 =	simm.s32 $0xAA00  }
0x28: {  	[tilespmem:s17], [sflag:$0x3] =	stream.indirect.gather [hbm4b:s4+s15], $0x80, s14, s15, $0xb8;
	[tilespmem:$0x18A00] =	vst v63  }
.LBB2_4:
0x29: {  	s1 =	sshllo.u32 s0, $0x1  }
0x2a: {  	s12 =	sshll.u32 s1, $0x7  }
0x2b: {  	[tilespmem:s18], [sflag:$0x2] =	stream.indirect.gather [hbm4b:s4+s15], $0x80, s12, s15, $0xb8;
	[tilespmem:$0x18A00] =	vst v63  }
0x2c: {  	s7 =	sadd.s32 $0x1500, s12  }
0x2d: {  	[tilespmem:s19], [sflag:$0x4] =	stream.indirect.gather [hbm4b:s4+s15], $0x80, s7, s15, $0xb8;
	[tilespmem:$0x18A00] =	vst v63  }
0x2e: {  	_ =	swait.ge [sflag:s20], $0x4000  }
0x2f: {  	[sflag:s20] =	ssyncset.done $0x0  }
0x30: {  	[sflag:s20] =	ssyncadd.s32 $0xFFFFC000  }
0x31: {  	_ =	swait.ge [sflag:s21], $0x4000  }
0x32: {  	p0 =	seq.s32 s0, $0x0;
	[sflag:s21] =	ssyncset.done $0x0  }
0x33: {  	s7 =	simm.s32 @!p0 $0x5;
	[sflag:s21] =	ssyncadd.s32 $0xFFFFC000  }
0x34: {  	_ =	swait.ge @!p0 [sflag:s7], $0x800  }
0x35: {  	[sflag:s7] =	ssyncset.done @!p0 $0x0  }
0x36: {  	[sflag:s7] =	ssyncadd.s32 @!p0 $0xFFFFF800;
	s7 =	simm.s32 @!p0 $0x7  }
0x37: {  	_ =	swait.ge @!p0 [sflag:s7], $0x800  }
0x38: {  	[sflag:s7] =	ssyncset.done @!p0 $0x0  }
0x39: {  	s17 =	simm.s32 $0x0;
	[sflag:s7] =	ssyncadd.s32 @!p0 $0xFFFFF800  }
0x3a: {  	v2 =	vld [tilespmem:s17+$0xAA00];
	_ =	sdelay $0x1  }
0x3b: {  	v3 =	vld [tilespmem:s17+$0x2A00];
	_ =	sdelay $0x2  }
0x3c: {  	v2 =	vperm.xlane v2, v1;
	_ =	sdelay $0x1  }
0x3d: {  	v2 =	vadd.f32 v3, v2;
	_ =	sdelay $0x1  }
0x3e: {  	v3 =	vmul.f32 $2.000000030e-01, v2  }
0x3f: {  	vm0 =	vge.f32 v2, $0.0e+00  }
0x40: {  	v2 =	vsel vm0, v2, v3  }
0x41: {  	v2 =	vmul.f32 $1.442695020e+00, v2;
	_ =	sdelay $0x1  }
0x42: {  	(erf) = vpow2.f32 v2;
	_ =	sdelay $0x8  }
0x43: {  	s16 =	simm.s32 $0x12A00;
	v2 =	vpop (erf)  }
0x44: {  	s8 =	simm.s32 $0x80;
	s7 =	simm.s32 $0x400;
	s17 =	sshll.u32 s0, $0x1;
	[tilespmem:s16+$0x0] =	vst v2  }
.LBB2_5:
0x45: {  	p1 =	sne.s32 s7, $0xFE00;
	v2 =	vld [tilespmem:s8+$0xAA00];
	_ =	sdelay $0x1  }
0x46: {  	v3 =	vld [tilespmem:s8+$0x2A00];
	_ =	sdelay $0x2  }
0x47: {  	v2 =	vperm.xlane v2, v1;
	_ =	sdelay $0x1  }
0x48: {  	v2 =	vadd.f32 v3, v2;
	_ =	sdelay $0x1  }
0x49: {  	v3 =	vmul.f32 $2.000000030e-01, v2  }
0x4a: {  	vm0 =	vge.f32 v2, $0.0e+00  }
0x4b: {  	v2 =	vsel vm0, v2, v3  }
0x4c: {  	v2 =	vmul.f32 $1.442695020e+00, v2;
	_ =	sdelay $0x1  }
0x4d: {  	(erf) = vpow2.f32 v2;
	_ =	sdelay $0x5  }
.Ltmp1:
0x4e: {  	(pc) =	sbr.rel @p1 .LBB2_5-.Ltmp1, $3  }
0x4f: {  	_ =	sdelay $0x1  }
0x50: {  	s16 =	sadd.s32 $0x10, s16;
	v2 =	vpop (erf)  }
0x51: {  	s8 =	sshra.s32 s7, $0x2;
	s7 =	sadd.s32 $0x200, s7;
	[tilespmem:s16+$0x0] =	vst v2  }
0x52: {  	v2 =	vld [tilespmem:s8+$0xAA00];
	_ =	sdelay $0x1  }
0x53: {  	v3 =	vld [tilespmem:s8+$0x2A00];
	_ =	sdelay $0x2  }
0x54: {  	v2 =	vperm.xlane v2, v1;
	_ =	sdelay $0x1  }
0x55: {  	v2 =	vadd.f32 v3, v2;
	_ =	sdelay $0x1  }
0x56: {  	v3 =	vmul.f32 $2.000000030e-01, v2  }
0x57: {  	vm0 =	vge.f32 v2, $0.0e+00  }
0x58: {  	v2 =	vsel vm0, v2, v3  }
0x59: {  	v2 =	vmul.f32 $1.442695020e+00, v2;
	_ =	sdelay $0x1  }
0x5a: {  	(erf) = vpow2.f32 v2;
	_ =	sdelay $0x7  }
0x5b: {  	s7 =	sadd.s32 s9, s17  }
0x5c: {  	s17 =	sadd.s32 $0x10, s16;
	s7 =	sshll.u32 s7, $0x8;
	v2 =	vpop (erf)  }
0x5d: {  	s16 =	sshll.u32 s0, $0x8;
	s7 =	sadd.s32 s5, s7;
	[tilespmem:s17+$0x0] =	vst v2  }
0x5e: {  	[hbm4b:s7+s3] =	stream.linear.scatter [tilespmem:s22], [sflag:$0x5], $0x800, $0x38;
	[tilespmem:$0x18A00] =	vst v63  }
0x5f: {  	s7 =	sand.u32 $0x3FFFFF00, s16  }
0x60: {  	p1 =	seq.s32 s0, $0x14;
	s7 =	sadd.s32 $0x1500, s7  }
0x61: {  	[spmem:s2] =	stream.indirect.scatter.add.f32 [tilespmem:s22], [sflag:$0x7], $0x10, s7, s15, $0xb8;
	[tilespmem:$0x18A00] =	vst v63  }
0x62: {  	s7 =	sshll.u32 @!p1 s0, $0x8  }
0x63: {  	s17 =	simm.s32 @!p1 $0x2A00;
	s16 =	simm.s32 @!p1 $0x80;
	s8 =	sadd.s32 @!p1 $0x100, s7  }
0x64: {  	[tilespmem:s17], [sflag:$0x1] =	stream.indirect.gather @!p1 [hbm4b:s4+s16], $0x80, s8, s16, $0xb8;
	[tilespmem:$0x18A00] =	vst v63  }
0x65: {  	s7 =	sadd.s32 @!p1 $0x1600, s7;
	s8 =	simm.s32 @!p1 $0xAA00  }
0x66: {  	[tilespmem:s8], [sflag:$0x3] =	stream.indirect.gather @!p1 [hbm4b:s4+s16], $0x80, s7, s16, $0xb8;
	[tilespmem:$0x18A00] =	vst v63  }
0x67: {  	_ =	swait.ge [sflag:s23], $0x4000  }
0x68: {  	[sflag:s23] =	ssyncset.done $0x0  }
0x69: {  	[sflag:s23] =	ssyncadd.s32 $0xFFFFC000  }
0x6a: {  	_ =	swait.ge [sflag:s24], $0x4000  }
0x6b: {  	[sflag:s24] =	ssyncset.done $0x0  }
0x6c: {  	s7 =	simm.s32 @!p0 $0x6;
	[sflag:s24] =	ssyncadd.s32 $0xFFFFC000  }
0x6d: {  	_ =	swait.ge @!p0 [sflag:s7], $0x800  }
0x6e: {  	[sflag:s7] =	ssyncset.done @!p0 $0x0  }
0x6f: {  	[sflag:s7] =	ssyncadd.s32 @!p0 $0xFFFFF800;
	s7 =	simm.s32 @!p0 $0x8  }
0x70: {  	_ =	swait.ge @!p0 [sflag:s7], $0x800  }
0x71: {  	[sflag:s7] =	ssyncset.done @!p0 $0x0  }
0x72: {  	s17 =	simm.s32 $0x0;
	[sflag:s7] =	ssyncadd.s32 @!p0 $0xFFFFF800  }
0x73: {  	v2 =	vld [tilespmem:s17+$0xEA00];
	_ =	sdelay $0x1  }
0x74: {  	v3 =	vld [tilespmem:s17+$0x6A00];
	_ =	sdelay $0x2  }
0x75: {  	v2 =	vperm.xlane v2, v1;
	_ =	sdelay $0x1  }
0x76: {  	v2 =	vadd.f32 v3, v2;
	_ =	sdelay $0x1  }
0x77: {  	v3 =	vmul.f32 $2.000000030e-01, v2  }
0x78: {  	vm15 =	vge.f32 v2, $0.0e+00  }
0x79: {  	v2 =	vsel vm15, v2, v3  }
0x7a: {  	v2 =	vmul.f32 $1.442695020e+00, v2;
	_ =	sdelay $0x1  }
0x7b: {  	(erf) = vpow2.f32 v2;
	_ =	sdelay $0x8  }
0x7c: {  	s16 =	simm.s32 $0x13200;
	v2 =	vpop (erf)  }
0x7d: {  	s8 =	simm.s32 $0x80;
	s7 =	simm.s32 $0x400;
	[tilespmem:s16+$0x0] =	vst v2  }
.LBB2_7:
0x7e: {  	p0 =	sne.s32 s7, $0xFE00;
	v2 =	vld [tilespmem:s8+$0xEA00];
	_ =	sdelay $0x1  }
0x7f: {  	v3 =	vld [tilespmem:s8+$0x6A00];
	_ =	sdelay $0x2  }
0x80: {  	v2 =	vperm.xlane v2, v1;
	_ =	sdelay $0x1  }
0x81: {  	v2 =	vadd.f32 v3, v2;
	_ =	sdelay $0x1  }
0x82: {  	v3 =	vmul.f32 $2.000000030e-01, v2  }
0x83: {  	vm0 =	vge.f32 v2, $0.0e+00  }
0x84: {  	v2 =	vsel vm0, v2, v3  }
0x85: {  	v2 =	vmul.f32 $1.442695020e+00, v2;
	_ =	sdelay $0x1  }
0x86: {  	(erf) = vpow2.f32 v2;
	_ =	sdelay $0x5  }
.Ltmp2:
0x87: {  	(pc) =	sbr.rel @p0 .LBB2_7-.Ltmp2, $3  }
0x88: {  	_ =	sdelay $0x1  }
0x89: {  	s16 =	sadd.s32 $0x10, s16;
	v2 =	vpop (erf)  }
0x8a: {  	s8 =	sshra.s32 s7, $0x2;
	s7 =	sadd.s32 $0x200, s7;
	[tilespmem:s16+$0x0] =	vst v2  }
0x8b: {  	v2 =	vld [tilespmem:s8+$0xEA00];
	_ =	sdelay $0x1  }
0x8c: {  	v3 =	vld [tilespmem:s8+$0x6A00];
	_ =	sdelay $0x2  }
0x8d: {  	v2 =	vperm.xlane v2, v1;
	_ =	sdelay $0x1  }
0x8e: {  	v2 =	vadd.f32 v3, v2;
	_ =	sdelay $0x1  }
0x8f: {  	v3 =	vmul.f32 $2.000000030e-01, v2  }
0x90: {  	vm0 =	vge.f32 v2, $0.0e+00  }
0x91: {  	v2 =	vsel vm0, v2, v3  }
0x92: {  	v2 =	vmul.f32 $1.442695020e+00, v2;
	_ =	sdelay $0x1  }
0x93: {  	(erf) = vpow2.f32 v2;
	_ =	sdelay $0x6  }
0x94: {  	s1 =	sadd.s32 s9, s1;
	s0 =	sadd.s32 $0x1, s0  }
0x95: {  	s1 =	sshll.u32 s1, $0x8;
	p0 =	sne.s32 s0, $0x15  }
.Ltmp3:
0x96: {  	s7 =	sadd.s32 $0x10, s16;
	s1 =	sand.u32 $0x1FFFFF00, s1;
	v2 =	vpop (erf);
	(pc) =	sbr.rel @p0 .LBB2_4-.Ltmp3, $4  }
0x97: {  	s17 =	sand.u32 $0x3FFFFF80, s12;
	s1 =	sadd.s32 s5, s1;
	[tilespmem:s7+$0x0] =	vst v2  }
0x98: {  	[hbm4b:s1+s3] =	stream.linear.scatter [tilespmem:s25], [sflag:$0x6], $0x800, $0x38;
	[tilespmem:$0x18A00] =	vst v63  }
0x99: {  	s1 =	sadd.s32 $0x1500, s17  }
0x9a: {  	[spmem:s2] =	stream.indirect.scatter.add.f32 [tilespmem:s25], [sflag:$0x8], $0x10, s1, s15, $0xb8;
	[tilespmem:$0x18A00] =	vst v63  }
0x9b: {  	_ =	swait.ge [sflag:s26], $0x800  }
0x9c: {  	[sflag:s26] =	ssyncset.done $0x0  }
0x9d: {  	[sflag:s26] =	ssyncadd.s32 $0xFFFFF800  }
0x9e: {  	_ =	swait.ge [sflag:s28], $0x800  }
0x9f: {  	[sflag:s28] =	ssyncset.done $0x0  }
0xa0: {  	[sflag:s28] =	ssyncadd.s32 $0xFFFFF800  }
0xa1: {  	_ =	swait.ge [sflag:s29], $0x800  }
0xa2: {  	[sflag:s29] =	ssyncset.done $0x0  }
0xa3: {  	[sflag:s29] =	ssyncadd.s32 $0xFFFFF800  }
0xa4: {  	s0 =	stileid.u32;
	_ =	swait.ge [sflag:s30], $0x800  }
0xa5: {  	s1 =	sshrl.u32 s6, $0x3;
	s31 =	sadd.s32 $0x1, s31;
	[sflag:s30] =	ssyncset.done $0x0  }
0xa6: {  	s0 =	sshll.u32 s0, $0x6;
	p0 =	sne.s32 s31, s11;
	[sflag:s30] =	ssyncadd.s32 $0xFFFFF800  }
.Ltmp4:
0xa7: {  	s0 =	sor.u32 $0x1C09, s0;
	[bflag:$0x0] =	sbarrier.arrive $0xFFFF;
	(pc) =	sbr.rel @p0 .LBB2_1-.Ltmp4, $4  }
0xa8: {  	[hbm:s10], [sflag:s0] =	dma.local [spmem:s1], $0x500  }
0xa9: {  	_ =	swait.ge [sflag:s13], $0x500  }
0xaa: {  	[sflag:s13] =	ssyncset.done $0x0  }
0xab: {  	[sflag:s13] =	ssyncadd.s32 $0xFFFFFB00  }
0xac: {  	_ =	sfence.sel $0x180000  }
0xad: {  	[bflag:$0x0] =	sbarrier.arrive $0xFFFF  }
0xae: {  	_ =	strace $0x90000047  }
0xaf: {  	s0 =	stileid.u32;
	[bflag:$0x2] =	sbarrier.arrive $0xFFFF  }
0xb0: {  	p0 =	sne.s32 s0, $0x0;
	s0 =	rddreg [dreg:$0x3]  }
0xb1: {  	s0 =	sadd.s32 @!p0 $0x100000, s0  }
0xb2: {  	[sflag:s0] =	ssyncadd.tile.s32 @!p0 $0x1;
	_ =	shalt  }
.Lfunc_end2:
_tile_overlayer_lowered:
.L_overlay_start_2:
0xb3: {  	(tag) =	ssettag $0x2  }
0xb4: {  	s0 =	rddreg [dreg:$0x0];
	s2 =	stileid.u32  }
0xb5: {  	s1 =	rddreg [dreg:$0x1];
	p0 =	sne.s32 s2, $0x0  }
0xb6: {  	s3 =	rddreg [dreg:$0x2];
	[bflag:$0x3] =	sbarrier.arrive $0xFFFF;
	s2 =	simm.s32 @!p0 $0x1C09  }
0xb7: {  	[timem:s3], [sflag:s2] =	dma.local @!p0 [hbm:s0], s1  }
0xb8: {  	s0 =	simm.s32 @!p0 $0x9  }
0xb9: {  	_ =	swait.ge @!p0 [sflag:s0], s1  }
0xba: {  	s1 =	ssub.s32 @!p0 $0x0, s1;
	[sflag:s0] =	ssyncset.done @!p0 $0x0  }
0xbb: {  	[sflag:s0] =	ssyncadd.s32 @!p0 s1  }
0xbc: {  	[bflag:$0x3] =	sbarrier.arrive $0xFFFF  }
0xbd: {  	_ =	shalt  }

// kernel: kernel.14.cloned.1.call-start
scs
__scs_entry_jumppad:
0x0: {  	(pc) =	sbr.rel $0x88, $3  }
0x1: {  	(tag) =	ssettag $0x0;
	lr =	simm.s32 $0x1  }
0x2: {  	[smem:$0x3F93] =	sst lr;
	_ =	strace $0xD0000000  }
0x3: {  	_ = 	snop  }
0x4: {  	_ = 	snop  }
0x5: {  	_ = 	snop  }
0x6: {  	_ = 	snop  }
0x7: {  	_ = 	snop  }
__scs_overlays_trampoline_lowered:
0x8: {  	[smem:$0x3FA2] =	sst s0  }
0x9: {  	[smem:$0x3FA3] =	sst s1  }
0xa: {  	[smem:$0x3FA4] =	sst s2  }
0xb: {  	[smem:$0x3FA5] =	sst s3  }
0xc: {  	[smem:$0x3FA6] =	sst s4  }
0xd: {  	[smem:$0x3FA7] =	sst s5  }
0xe: {  	[smem:$0x3FA8] =	sst s6  }
0xf: {  	[smem:$0x3FA9] =	sst s7  }
0x10: {  	[smem:$0x3FAA] =	sst s8  }
0x11: {  	[smem:$0x3FAB] =	sst s9;
	s0 =	simm.s32 @!p0 $0x0  }
0x12: {  	s1 =	sld [smem:$0x3F91];
	s0 =	simm.s32 @p0 $0x1  }
0x13: {  	[smem:$0x3FAC] =	sst s0;
	s0 =	simm.s32 @!p1 $0x0  }
0x14: {  	s2 =	sld [smem:$0x3F90];
	s0 =	simm.s32 @p1 $0x1  }
0x15: {  	[smem:$0x3FAD] =	sst s0;
	s0 =	simm.s32 @!p2 $0x0  }
0x16: {  	s3 =	sld [smem:$0x3FDB];
	s0 =	simm.s32 @p2 $0x1  }
0x17: {  	s4 =	simm.s32 $0x1BF5;
	[smem:$0x3FAF] =	sst s0  }
0x18: {  	s0 =	sld [smem:$0x3F92];
	_ =	swait.ge [sflag:s4], $0x0  }
0x19: {  	s7 =	sld [smem:$0x3F93]  }
0x1a: {  	s8 =	sadd.s32 $0xFFFFE003, lr  }
0x1b: {  	s9 =	sadd.s32 $0xFFFFFEF7, lr;
	s5 =	simm.s32 $0xFFFFFFFF;
	p2 =	slt.u32 s8, $0xFFFFF086  }
0x1c: {  	p1 =	slt.u32 s9, $0xF7A;
	s5 =	simm.s32 @!p2 $0x0  }
0x1d: {  	s5 =	simm.s32 @p1 $0x1;
	p0 =	seq.s32 s7, s2  }
0x1e: {  	s7 =	smul.u32 @!p0 $0xF7A, s2;
	p2 =	seq.s32 @!p0 s5, $0x0  }
0x1f: {  	s9 =	smul.u32 $0xF7A, s1;
	s8 =	simm.s32 @!p0 $0x1BF5;
	p2 =	por !p2, p0  }
0x20: {  	[sflag:s8] =	ssyncset.s32 @!p0 $0xFFFFF086;
	s6 =	sadd.s32 @!p0 s3, s7;
	s7 =	simm.s32 @!p0 $0x108  }
0x21: {  	s3 =	sadd.s32 s3, s9;
	s6 =	sadd.s32 @!p0 $0x88, s6;
	s7 =	simm.s32 @p2 $0x1082  }
0x22: {  	[simem:s7], [sflag:s8] =	dma.local @!p0 [hbm:s6], $0xF7A  }
0x23: {  	s9 =	sor.u32 $0xD0000000, s2;
	s6 =	simm.s32 $0x108;
	_ =	swait.ge @!p0 [sflag:s8], $0x0  }
0x24: {  	s3 =	sadd.s32 $0x88, s3;
	s6 =	simm.s32 @!p1 $0x1082;
	[sflag:s4] =	ssyncset.s32 $0xFFFFF086  }
0x25: {  	[simem:s6], [sflag:s4] =	dma.local [hbm:s3], $0xF7A  }
0x26: {  	[smem:$0x3F93] =	sst s1;
	(tag) =	ssettag s2;
	_ =	strace s9  }
0x27: {  	s1 =	sld [smem:$0x3FA3]  }
0x28: {  	s2 =	sld [smem:$0x3FA4]  }
0x29: {  	s4 =	sld [smem:$0x3FA6]  }
0x2a: {  	p0 =	seq.s32 s5, $0x0;
	s5 =	sld [smem:$0x3FA7]  }
0x2b: {  	s6 =	sld [smem:$0x3FA8]  }
0x2c: {  	s7 =	sld [smem:$0x3FA9]  }
0x2d: {  	s3 =	simm.s32 $0x108;
	s8 =	sld [smem:$0x3FAA]  }
0x2e: {  	s3 =	simm.s32 @!p0 $0x1082;
	s9 =	sld [smem:$0x3FAB]  }
0x2f: {  	lr =	sadd.s32 s0, s3;
	s0 =	sld [smem:$0x3FA2]  }
0x30: {  	s3 =	sld [smem:$0x3FA5]  }
0x31: {  	[smem:$0x3FAE] =	sst s10  }
0x32: {  	s10 =	sld [smem:$0x3FAC];
	_ =	sdelay $0x3  }
0x33: {  	p0 =	seq.s32 s10, $0x1;
	s10 =	sld [smem:$0x3FAE];
	_ =	sdelay $0x3  }
0x34: {  	[smem:$0x3FAE] =	sst s10  }
0x35: {  	s10 =	sld [smem:$0x3FAD];
	_ =	sdelay $0x3  }
0x36: {  	p1 =	seq.s32 s10, $0x1;
	s10 =	sld [smem:$0x3FAE];
	_ =	sdelay $0x3  }
0x37: {  	[smem:$0x3FAE] =	sst s10  }
0x38: {  	s10 =	sld [smem:$0x3FAF]  }
0x39: {  	_ = 	snop;
	(pc) =	sbr.ind lr, $3  }
0x3a: {  	_ = 	snop  }
0x3b: {  	_ = 	snop  }
0x3c: {  	p2 =	seq.s32 s10, $0x1;
	s10 =	sld [smem:$0x3FAE]  }
0x3d: {  	_ =	shalt  }
0x3e: {  	_ =	shalt  }
0x3f: {  	_ =	shalt  }
0x40: {  	_ =	shalt  }
0x41: {  	_ =	shalt  }
0x42: {  	_ =	shalt  }
0x43: {  	_ =	shalt  }
0x44: {  	_ =	shalt  }
0x45: {  	_ =	shalt  }
0x46: {  	_ =	shalt  }
0x47: {  	_ =	shalt  }
0x48: {  	_ =	shalt  }
0x49: {  	_ =	shalt  }
0x4a: {  	_ =	shalt  }
0x4b: {  	_ =	shalt  }
0x4c: {  	_ =	shalt  }
0x4d: {  	_ =	shalt  }
0x4e: {  	_ =	shalt  }
0x4f: {  	_ =	shalt  }
0x50: {  	_ =	shalt  }
0x51: {  	_ =	shalt  }
0x52: {  	_ =	shalt  }
0x53: {  	_ =	shalt  }
0x54: {  	_ =	shalt  }
0x55: {  	_ =	shalt  }
0x56: {  	_ =	shalt  }
0x57: {  	_ =	shalt  }
0x58: {  	_ =	shalt  }
0x59: {  	_ =	shalt  }
0x5a: {  	_ =	shalt  }
0x5b: {  	_ =	shalt  }
0x5c: {  	_ =	shalt  }
0x5d: {  	_ =	shalt  }
0x5e: {  	_ =	shalt  }
0x5f: {  	_ =	shalt  }
0x60: {  	_ =	shalt  }
0x61: {  	_ =	shalt  }
0x62: {  	_ =	shalt  }
0x63: {  	_ =	shalt  }
0x64: {  	_ =	shalt  }
0x65: {  	_ =	shalt  }
0x66: {  	_ =	shalt  }
0x67: {  	_ =	shalt  }
0x68: {  	_ =	shalt  }
0x69: {  	_ =	shalt  }
0x6a: {  	_ =	shalt  }
0x6b: {  	_ =	shalt  }
0x6c: {  	_ =	shalt  }
0x6d: {  	_ =	shalt  }
0x6e: {  	_ =	shalt  }
0x6f: {  	_ =	shalt  }
0x70: {  	_ =	shalt  }
0x71: {  	_ =	shalt  }
0x72: {  	_ =	shalt  }
0x73: {  	_ =	shalt  }
0x74: {  	_ =	shalt  }
0x75: {  	_ =	shalt  }
0x76: {  	_ =	shalt  }
0x77: {  	_ =	shalt  }
0x78: {  	_ =	shalt  }
0x79: {  	_ =	shalt  }
0x7a: {  	_ =	shalt  }
0x7b: {  	_ =	shalt  }
0x7c: {  	_ =	shalt  }
0x7d: {  	_ =	shalt  }
0x7e: {  	_ =	shalt  }
0x7f: {  	_ =	shalt  }
0x80: {  	_ =	shalt  }
0x81: {  	_ =	shalt  }
0x82: {  	_ =	shalt  }
0x83: {  	_ =	shalt  }
0x84: {  	_ =	shalt  }
0x85: {  	_ =	shalt  }
0x86: {  	_ =	shalt  }
0x87: {  	_ =	shalt  }
.Lfunc_end0:
.L_simem_size_0:
called_computation.1_lowered:
.L_overlay_start_0:
0x88: {  	s2 =	sld [smem:$0x3FD9]  }
0x89: {  	s3 =	sld [smem:$0x3FFE];
	_ =	sdelay $0x1  }
0x8a: {  	s1 =	srdreg.scid  }
0x8b: {  	s0 =	sand.u32 $0x1, s1  }
0x8c: {  	s16 =	sshll.u32 s0, $0xA;
	s2 =	sadd.s32 s3, s2  }
0x8d: {  	s2 =	sadd.s32 s2, s16  }
0x8e: {  	[smem:$0x3FBA] =	sst s2  }
0x8f: {  	_ = 	snop  }
0x90: {  	(tm) =	ssettm $0x1  }
0x91: {  	s17 =	sld [smem:$0x3FFB];
	_ =	sdelay $0x3  }
0x92: {  	_ =	strace s17  }
0x93: {  	s2 =	sld [smem:$0x3FFC];
	_ =	sdelay $0x3  }
0x94: {  	_ =	strace s2  }
0x95: {  	s2 =	sld [smem:$0x3FFD];
	_ =	sdelay $0x3  }
0x96: {  	_ =	strace s2  }
0x97: {  	_ =	strace $0x8FFFFFFF  }
0x98: {  	s18 =	sld [smem:$0x3FDB];
	_ =	sdelay $0x1  }
0x99: {  	s19 =	simm.s32 $_scs_section_size  }
0x9a: {  	s4 =	simm.s32 $_size__tile_overlayer_lowered;
	s5 =	simm.s32 $_tile_overlayer_lowered  }
0x9b: {  	s22 =	simm.s32 $0x1BFF;
	s21 =	sshll.u32 s5, $0x1;
	s2 =	sadd.s32 s19, s18  }
0x9c: {  	s6 =	simm.s32 $0x0;
	s20 =	sshll.u32 s4, $0x1;
	s4 =	sadd.s32 s21, s2  }
0x9d: {  	[timem:s6], [sflag:s22] =	dma.local [hbm:s4], s20  }
0x9e: {  	_ =	swait.ge [sflag:s22], s20  }
0x9f: {  	s3 =	ssub.s32 $0x0, s20;
	[sflag:s22] =	ssyncset.done $0x0  }
0xa0: {  	[sflag:s22] =	ssyncadd.s32 s3;
	_ =	sdelay $0x1  }
0xa1: {  	s23 =	simm.s32 $0x1B8B  }
0xa2: {  	_ =	swait.ge [sflag:s23], $0x1  }
0xa3: {  	[sflag:s23] =	ssyncset.done $0x0  }
0xa4: {  	s25 =	simm.s32 $0x1B8E;
	s24 =	sld [smem:$0x3FFE];
	[sflag:s23] =	ssyncadd.s32 $0xFFFFFFFF  }
0xa5: {  	s26 =	simm.s32 $execute0_lowered;
	[smem:$0x3FD2] =	sst s25  }
0xa6: {  	s4 =	sshll.u32 s26, $0x1;
	_ =	strace $0x80000049;
	[dreg:$0x1] =	wrdreg $0xFFFFFFFF  }
0xa7: {  	s28 =	simm.s32 $_size_execute0_lowered;
	s2 =	sadd.s32 s2, s4;
	[dreg:$0x0] =	wrdreg $0x0  }
0xa8: {  	s4 =	sshll.u32 s28, $0x1;
	[dreg:$0x2] =	wrdreg s2  }
0xa9: {  	[dreg:$0x3] =	wrdreg s4  }
0xaa: {  	[dreg:$0x4] =	wrdreg $0xC0  }
0xab: {  	_ =	task [dreg:s6], $0x5FFFF  }
0xac: {  	[dreg:$0x1] =	wrdreg $0xFFFFFFFF  }
0xad: {  	[dreg:$0x0] =	wrdreg $0x60  }
0xae: {  	[dreg:$0x2] =	wrdreg s24  }
0xaf: {  	[dreg:$0x3] =	wrdreg $0x9  }
0xb0: {  	_ =	task.clear_ibuf [dreg:s6], $0x4FFFF;
	_ =	strace $0x90000049  }
0xb1: {  	s29 =	simm.s32 $0x9;
	_ =	strace $0x8000004B  }
0xb2: {  	_ =	swait.ge [sflag:s29], $0x1  }
0xb3: {  	[sflag:s29] =	ssyncadd.s32 $0xFFFFFFFF  }
0xb4: {  	_ =	strace $0x9000004B  }
0xb5: {  	_ =	sfence  }
0xb6: {  	s30 =	sld [smem:$0x0];
	_ =	sdelay $0x2  }
0xb7: {  	s31 =	sshll.u32 s1, $0xD;
	s1 =	sshrl.u32 s1, $0x2  }
0xb8: {  	s3 =	sand.u32 $0x4000, s31;
	s1 =	sadd.s32 s1, s30  }
0xb9: {  	s0 =	sor.u32 s3, s0;
	s1 =	sshll.u32 s1, $0x11  }
0xba: {  	s0 =	sor.u32 s1, s0  }
0xbb: {  	s0 =	sadd.s32 $0x8F2B, s0  }
0xbc: {  	[sflag:s0] =	ssyncadd.remote.s32 $0x1  }
0xbd: {  	_ =	sfence.sel $0xFFFF  }
0xbe: {  	[dreg:$0x0] =	wrdreg $0xFFFFFFFF;
	(pc) =	sbr.abs _section_cstart, $3  }
0xbf: {  	[dreg:$0x1] =	wrdreg $0xFFFFFFFF  }
0xc0: {  	_ =	task.clear_ibuf [dreg:s6], $0x2FFFF;
	_ =	strace $0x9FFFFFFF  }
0xc1: {  	(tm) =	ssettm $0x7FFFFFFF  }
tec
execute0_lowered:
.L_overlay_start_1:
0x0: {  	(tag) =	ssettag $0x1  }
0x1: {  	s0 =	srdreg.scid  }
0x2: {  	s5 =	rddreg [dreg:$0x0];
	s1 =	stileid.u32;
	s2 =	simm.s32 $0x0  }
0x3: {  	s11 =	simm.s32 $0x80;
	s12 =	simm.s32 $0x1500;
	s13 =	simm.s32 $0x9500  }
0x4: {  	s14 =	simm.s32 $0x5500;
	s15 =	simm.s32 $0x9D00;
	s16 =	simm.s32 $0x1  }
0x5: {  	s17 =	simm.s32 $0x3;
	s18 =	simm.s32 $0xA500;
	s19 =	simm.s32 $0x2  }
0x6: {  	s20 =	simm.s32 $0x4;
	s21 =	simm.s32 $0xAD00;
	s4 =	sand.u32 $0x1, s0  }
0x7: {  	s22 =	simm.s32 $0x5;
	s23 =	simm.s32 $0x6;
	s3 =	sshll.u32 s4, $0x4  }
0x8: {  	s24 =	simm.s32 $0x0;
	s8 =	ssub.s32 $0x2, s4;
	s7 =	sor.u32 s1, s3  }
0x9: {  	[smem:$0x7FF] =	sst s2;
	s9 =	sshrl.u32 s8, $0x1;
	s3 =	smul.u32 $0x2A0, s7  }
0xa: {  	_ =	strace $0x8000004A;
	s10 =	smul.u32 $0x2A00, s7;
	s9 =	ssub.s32 s8, s9  }
0xb: {  	s4 =	sadd.s32 $0x150400, s5;
	s7 =	smul.u32 $0x2A, s7;
	s9 =	smax.u32 s9, $0x1  }
0xc: {  	s6 =	sadd.s32 s3, s5;
	s3 =	sadd.s32 $0x178400, s5;
	s5 =	sadd.s32 $0x1CC400, s5  }
0xd: {  	s6 =	sadd.s32 $0x5C00, s6;
	s8 =	sadd.s32 s3, s10;
	s10 =	simm.s32 $0x7  }
.LBB2_1:
0xe: {  	[tilespmem:s2], [sflag:$0x7] =	stream.linear.gather [hbm4b:s6+s2], $0x1500, $0x38;
	[tilespmem:$0xB500] =	vst v63  }
0xf: {  	_ =	swait.ge [sflag:s10], $0x1500  }
0x10: {  	[sflag:s10] =	ssyncset.done $0x0  }
0x11: {  	[sflag:s10] =	ssyncadd.s32 $0xFFFFEB00  }
0x12: {  	[tilespmem:s12], [sflag:$0x1] =	stream.indirect.gather [hbm4b:s4+s11], $0x80, s2, s11, $0xb8;
	[tilespmem:$0xB500] =	vst v63  }
0x13: {  	s25 =	simm.s32 $0x0  }
0x14: {  	[tilespmem:s13], [sflag:$0x3] =	stream.linear.gather [hbm4b:s8+s2], $0x800, $0x38;
	[tilespmem:$0xB500] =	vst v63  }
.LBB2_2:
0x15: {  	s26 =	sshllo.u32 s25, $0x1  }
0x16: {  	s28 =	sshll.u32 s26, $0x7;
	s26 =	sadd.s32 s7, s26  }
0x17: {  	s28 =	sand.u32 $0x3FFFFF80, s28;
	s26 =	sshll.u32 s26, $0x8  }
0x18: {  	[tilespmem:s14], [sflag:$0x2] =	stream.indirect.gather [hbm4b:s4+s11], $0x80, s28, s11, $0xb8;
	[tilespmem:$0xB500] =	vst v63  }
0x19: {  	s26 =	sand.u32 $0x1FFFFF00, s26  }
0x1a: {  	s28 =	sadd.s32 s3, s26  }
0x1b: {  	[tilespmem:s15], [sflag:$0x4] =	stream.linear.gather [hbm4b:s28+s2], $0x800, $0x38;
	[tilespmem:$0xB500] =	vst v63  }
0x1c: {  	_ =	swait.ge [sflag:s16], $0x4000  }
0x1d: {  	[sflag:s16] =	ssyncset.done $0x0  }
0x1e: {  	[sflag:s16] =	ssyncadd.s32 $0xFFFFC000  }
0x1f: {  	_ =	swait.ge [sflag:s17], $0x800  }
0x20: {  	p0 =	seq.s32 s25, $0x0;
	[sflag:s17] =	ssyncset.done $0x0  }
0x21: {  	s28 =	simm.s32 @!p0 $0x5;
	[sflag:s17] =	ssyncadd.s32 $0xFFFFF800  }
0x22: {  	_ =	swait.ge @!p0 [sflag:s28], $0x800  }
0x23: {  	[sflag:s28] =	ssyncset.done @!p0 $0x0  }
0x24: {  	s29 =	simm.s32 $0x0;
	[sflag:s28] =	ssyncadd.s32 @!p0 $0xFFFFF800  }
0x25: {  	s30 =	simm.s32 $0x1500;
	s31 =	simm.s32 $0x40;
	s28 =	sshll.u32 s25, $0x1;
	v0 =	vld [tilespmem:s29+$0x9500]  }
.LBB2_3:
0x26: {  	p1 =	sne.s32 s31, $0x1FC0;
	v1 =	vld [tilespmem:s30+$0x0];
	_ =	sdelay $0x2  }
.Ltmp0:
0x27: {  	(pc) =	sbr.rel @p1 .LBB2_3-.Ltmp0, $4  }
0x28: {  	_ = 	snop  }
0x29: {  	v1 =	vmul.f32 v1, v0  }
0x2a: {  	s0 =	sshra.s32 s31, $0x2  }
0x2b: {  	s31 =	sadd.s32 $0x40, s31;
	s30 =	sadd.s32 $0x80, s30;
	v0 =	vld [tilespmem:s0+$0x9500];
	[tilespmem:s29+$0xA500] =	vst v1;
	s29 =	smov.u32 s0  }
0x2c: {  	v1 =	vld [tilespmem:s30+$0x0];
	_ =	sdelay $0x4  }
0x2d: {  	s0 =	sadd.s32 s7, s28;
	v0 =	vmul.f32 v1, v0  }
0x2e: {  	s0 =	sshll.u32 s0, $0x8  }
0x2f: {  	p1 =	seq.s32 s25, $0x14;
	s0 =	sadd.s32 s5, s0;
	[tilespmem:s29+$0xA500] =	vst v0  }
0x30: {  	[hbm4b:s0+s2] =	stream.linear.scatter [tilespmem:s18], [sflag:$0x5], $0x800, $0x38;
	[tilespmem:$0xB500] =	vst v63  }
0x31: {  	s0 =	sadd.s32 @!p1 $0x2, s28  }
0x32: {  	s30 =	simm.s32 @!p1 $0x1500;
	s28 =	sshll.u32 @!p1 s0, $0x7;
	s0 =	sadd.s32 @!p1 s7, s0  }
0x33: {  	s29 =	simm.s32 @!p1 $0x80;
	s28 =	sand.u32 @!p1 $0x3FFFFF80, s28;
	s0 =	sshll.u32 @!p1 s0, $0x8  }
0x34: {  	[tilespmem:s30], [sflag:$0x1] =	stream.indirect.gather @!p1 [hbm4b:s4+s29], $0x80, s28, s29, $0xb8;
	[tilespmem:$0xB500] =	vst v63  }
0x35: {  	s0 =	sand.u32 @!p1 $0x1FFFFE00, s0  }
0x36: {  	s28 =	simm.s32 @!p1 $0x0;
	s29 =	simm.s32 @!p1 $0x9500;
	s0 =	sadd.s32 @!p1 s3, s0  }
0x37: {  	[tilespmem:s29], [sflag:$0x3] =	stream.linear.gather @!p1 [hbm4b:s0+s28], $0x800, $0x38;
	[tilespmem:$0xB500] =	vst v63  }
0x38: {  	_ =	swait.ge [sflag:s19], $0x4000  }
0x39: {  	[sflag:s19] =	ssyncset.done $0x0  }
0x3a: {  	[sflag:s19] =	ssyncadd.s32 $0xFFFFC000  }
0x3b: {  	_ =	swait.ge [sflag:s20], $0x800  }
0x3c: {  	[sflag:s20] =	ssyncset.done $0x0  }
0x3d: {  	s0 =	simm.s32 @!p0 $0x6;
	[sflag:s20] =	ssyncadd.s32 $0xFFFFF800  }
0x3e: {  	_ =	swait.ge @!p0 [sflag:s0], $0x800  }
0x3f: {  	[sflag:s0] =	ssyncset.done @!p0 $0x0  }
0x40: {  	s28 =	simm.s32 $0x0;
	[sflag:s0] =	ssyncadd.s32 @!p0 $0xFFFFF800  }
0x41: {  	s30 =	simm.s32 $0x40;
	s29 =	simm.s32 $0x5500;
	v0 =	vld [tilespmem:s28+$0x9D00]  }
.LBB2_5:
0x42: {  	p0 =	sne.s32 s30, $0x1FC0;
	v1 =	vld [tilespmem:s29+$0x0];
	_ =	sdelay $0x2  }
.Ltmp1:
0x43: {  	(pc) =	sbr.rel @p0 .LBB2_5-.Ltmp1, $4  }
0x44: {  	_ = 	snop  }
0x45: {  	v1 =	vmul.f32 v1, v0  }
0x46: {  	s0 =	sshra.s32 s30, $0x2  }
0x47: {  	s30 =	sadd.s32 $0x40, s30;
	s29 =	sadd.s32 $0x80, s29;
	v0 =	vld [tilespmem:s0+$0x9D00];
	[tilespmem:s28+$0xAD00] =	vst v1;
	s28 =	smov.u32 s0  }
0x48: {  	v1 =	vld [tilespmem:s29+$0x0];
	_ =	sdelay $0x1  }
0x49: {  	s25 =	sadd.s32 $0x1, s25  }
0x4a: {  	p0 =	sne.s32 s25, $0x15  }
.Ltmp2:
0x4b: {  	_ = 	snop;
	(pc) =	sbr.rel @p0 .LBB2_2-.Ltmp2, $3  }
0x4c: {  	v0 =	vmul.f32 v1, v0;
	_ =	sdelay $0x1  }
0x4d: {  	s0 =	sadd.s32 s5, s26;
	[tilespmem:s28+$0xAD00] =	vst v0  }
0x4e: {  	[hbm4b:s0+s2] =	stream.linear.scatter [tilespmem:s21], [sflag:$0x6], $0x800, $0x38;
	[tilespmem:$0xB500] =	vst v63  }
0x4f: {  	s24 =	sadd.s32 $0x1, s24  }
0x50: {  	_ =	swait.ge [sflag:s22], $0x800;
	p0 =	sne.s32 s24, s9  }
.Ltmp3:
0x51: {  	[sflag:s22] =	ssyncset.done $0x0;
	(pc) =	sbr.rel @p0 .LBB2_1-.Ltmp3, $4  }
0x52: {  	[sflag:s22] =	ssyncadd.s32 $0xFFFFF800  }
0x53: {  	_ =	swait.ge [sflag:s23], $0x800  }
0x54: {  	[sflag:s23] =	ssyncset.done $0x0  }
0x55: {  	[sflag:s23] =	ssyncadd.s32 $0xFFFFF800  }
0x56: {  	_ =	sfence.sel $0x180000  }
0x57: {  	[bflag:$0x0] =	sbarrier.arrive $0xFFFF  }
0x58: {  	_ =	strace $0x9000004A  }
0x59: {  	[bflag:$0x2] =	sbarrier.arrive $0xFFFF  }
0x5a: {  	p0 =	sne.s32 s1, $0x0;
	s0 =	rddreg [dreg:$0x1]  }
0x5b: {  	s0 =	sadd.s32 @!p0 $0x100000, s0  }
0x5c: {  	[sflag:s0] =	ssyncadd.tile.s32 @!p0 $0x1;
	_ =	shalt  }
.Lfunc_end2:
_tile_overlayer_lowered:
.L_overlay_start_2:
0x5d: {  	(tag) =	ssettag $0x2  }
0x5e: {  	s0 =	rddreg [dreg:$0x0];
	s2 =	stileid.u32  }
0x5f: {  	s1 =	rddreg [dreg:$0x1];
	p0 =	sne.s32 s2, $0x0  }
0x60: {  	s3 =	rddreg [dreg:$0x2];
	[bflag:$0x3] =	sbarrier.arrive $0xFFFF;
	s2 =	simm.s32 @!p0 $0x1C07  }
0x61: {  	[timem:s3], [sflag:s2] =	dma.local @!p0 [hbm:s0], s1  }
0x62: {  	s0 =	simm.s32 @!p0 $0x7  }
0x63: {  	_ =	swait.ge @!p0 [sflag:s0], s1  }
0x64: {  	s1 =	ssub.s32 @!p0 $0x0, s1;
	[sflag:s0] =	ssyncset.done @!p0 $0x0  }
0x65: {  	[sflag:s0] =	ssyncadd.s32 @!p0 s1  }
0x66: {  	[bflag:$0x3] =	sbarrier.arrive $0xFFFF  }
0x67: {  	_ =	shalt  }

// kernel: kernel.17.cloned.1.call-start
scs
__scs_entry_jumppad:
0x0: {  	(pc) =	sbr.rel $0x88, $3  }
0x1: {  	(tag) =	ssettag $0x0;
	lr =	simm.s32 $0x1  }
0x2: {  	[smem:$0x3F93] =	sst lr;
	_ =	strace $0xD0000000  }
0x3: {  	_ = 	snop  }
0x4: {  	_ = 	snop  }
0x5: {  	_ = 	snop  }
0x6: {  	_ = 	snop  }
0x7: {  	_ = 	snop  }
__scs_overlays_trampoline_lowered:
0x8: {  	[smem:$0x3FA2] =	sst s0  }
0x9: {  	[smem:$0x3FA3] =	sst s1  }
0xa: {  	[smem:$0x3FA4] =	sst s2  }
0xb: {  	[smem:$0x3FA5] =	sst s3  }
0xc: {  	[smem:$0x3FA6] =	sst s4  }
0xd: {  	[smem:$0x3FA7] =	sst s5  }
0xe: {  	[smem:$0x3FA8] =	sst s6  }
0xf: {  	[smem:$0x3FA9] =	sst s7  }
0x10: {  	[smem:$0x3FAA] =	sst s8  }
0x11: {  	[smem:$0x3FAB] =	sst s9;
	s0 =	simm.s32 @!p0 $0x0  }
0x12: {  	s1 =	sld [smem:$0x3F91];
	s0 =	simm.s32 @p0 $0x1  }
0x13: {  	[smem:$0x3FAC] =	sst s0;
	s0 =	simm.s32 @!p1 $0x0  }
0x14: {  	s2 =	sld [smem:$0x3F90];
	s0 =	simm.s32 @p1 $0x1  }
0x15: {  	[smem:$0x3FAD] =	sst s0;
	s0 =	simm.s32 @!p2 $0x0  }
0x16: {  	s3 =	sld [smem:$0x3FDB];
	s0 =	simm.s32 @p2 $0x1  }
0x17: {  	s4 =	simm.s32 $0x1BF5;
	[smem:$0x3FAF] =	sst s0  }
0x18: {  	s0 =	sld [smem:$0x3F92];
	_ =	swait.ge [sflag:s4], $0x0  }
0x19: {  	s7 =	sld [smem:$0x3F93]  }
0x1a: {  	s8 =	sadd.s32 $0xFFFFE003, lr  }
0x1b: {  	s9 =	sadd.s32 $0xFFFFFEF7, lr;
	s5 =	simm.s32 $0xFFFFFFFF;
	p2 =	slt.u32 s8, $0xFFFFF086  }
0x1c: {  	p1 =	slt.u32 s9, $0xF7A;
	s5 =	simm.s32 @!p2 $0x0  }
0x1d: {  	s5 =	simm.s32 @p1 $0x1;
	p0 =	seq.s32 s7, s2  }
0x1e: {  	s7 =	smul.u32 @!p0 $0xF7A, s2;
	p2 =	seq.s32 @!p0 s5, $0x0  }
0x1f: {  	s9 =	smul.u32 $0xF7A, s1;
	s8 =	simm.s32 @!p0 $0x1BF5;
	p2 =	por !p2, p0  }
0x20: {  	[sflag:s8] =	ssyncset.s32 @!p0 $0xFFFFF086;
	s6 =	sadd.s32 @!p0 s3, s7;
	s7 =	simm.s32 @!p0 $0x108  }
0x21: {  	s3 =	sadd.s32 s3, s9;
	s6 =	sadd.s32 @!p0 $0x88, s6;
	s7 =	simm.s32 @p2 $0x1082  }
0x22: {  	[simem:s7], [sflag:s8] =	dma.local @!p0 [hbm:s6], $0xF7A  }
0x23: {  	s9 =	sor.u32 $0xD0000000, s2;
	s6 =	simm.s32 $0x108;
	_ =	swait.ge @!p0 [sflag:s8], $0x0  }
0x24: {  	s3 =	sadd.s32 $0x88, s3;
	s6 =	simm.s32 @!p1 $0x1082;
	[sflag:s4] =	ssyncset.s32 $0xFFFFF086  }
0x25: {  	[simem:s6], [sflag:s4] =	dma.local [hbm:s3], $0xF7A  }
0x26: {  	[smem:$0x3F93] =	sst s1;
	(tag) =	ssettag s2;
	_ =	strace s9  }
0x27: {  	s1 =	sld [smem:$0x3FA3]  }
0x28: {  	s2 =	sld [smem:$0x3FA4]  }
0x29: {  	s4 =	sld [smem:$0x3FA6]  }
0x2a: {  	p0 =	seq.s32 s5, $0x0;
	s5 =	sld [smem:$0x3FA7]  }
0x2b: {  	s6 =	sld [smem:$0x3FA8]  }
0x2c: {  	s7 =	sld [smem:$0x3FA9]  }
0x2d: {  	s3 =	simm.s32 $0x108;
	s8 =	sld [smem:$0x3FAA]  }
0x2e: {  	s3 =	simm.s32 @!p0 $0x1082;
	s9 =	sld [smem:$0x3FAB]  }
0x2f: {  	lr =	sadd.s32 s0, s3;
	s0 =	sld [smem:$0x3FA2]  }
0x30: {  	s3 =	sld [smem:$0x3FA5]  }
0x31: {  	[smem:$0x3FAE] =	sst s10  }
0x32: {  	s10 =	sld [smem:$0x3FAC];
	_ =	sdelay $0x3  }
0x33: {  	p0 =	seq.s32 s10, $0x1;
	s10 =	sld [smem:$0x3FAE];
	_ =	sdelay $0x3  }
0x34: {  	[smem:$0x3FAE] =	sst s10  }
0x35: {  	s10 =	sld [smem:$0x3FAD];
	_ =	sdelay $0x3  }
0x36: {  	p1 =	seq.s32 s10, $0x1;
	s10 =	sld [smem:$0x3FAE];
	_ =	sdelay $0x3  }
0x37: {  	[smem:$0x3FAE] =	sst s10  }
0x38: {  	s10 =	sld [smem:$0x3FAF]  }
0x39: {  	_ = 	snop;
	(pc) =	sbr.ind lr, $3  }
0x3a: {  	_ = 	snop  }
0x3b: {  	_ = 	snop  }
0x3c: {  	p2 =	seq.s32 s10, $0x1;
	s10 =	sld [smem:$0x3FAE]  }
0x3d: {  	_ =	shalt  }
0x3e: {  	_ =	shalt  }
0x3f: {  	_ =	shalt  }
0x40: {  	_ =	shalt  }
0x41: {  	_ =	shalt  }
0x42: {  	_ =	shalt  }
0x43: {  	_ =	shalt  }
0x44: {  	_ =	shalt  }
0x45: {  	_ =	shalt  }
0x46: {  	_ =	shalt  }
0x47: {  	_ =	shalt  }
0x48: {  	_ =	shalt  }
0x49: {  	_ =	shalt  }
0x4a: {  	_ =	shalt  }
0x4b: {  	_ =	shalt  }
0x4c: {  	_ =	shalt  }
0x4d: {  	_ =	shalt  }
0x4e: {  	_ =	shalt  }
0x4f: {  	_ =	shalt  }
0x50: {  	_ =	shalt  }
0x51: {  	_ =	shalt  }
0x52: {  	_ =	shalt  }
0x53: {  	_ =	shalt  }
0x54: {  	_ =	shalt  }
0x55: {  	_ =	shalt  }
0x56: {  	_ =	shalt  }
0x57: {  	_ =	shalt  }
0x58: {  	_ =	shalt  }
0x59: {  	_ =	shalt  }
0x5a: {  	_ =	shalt  }
0x5b: {  	_ =	shalt  }
0x5c: {  	_ =	shalt  }
0x5d: {  	_ =	shalt  }
0x5e: {  	_ =	shalt  }
0x5f: {  	_ =	shalt  }
0x60: {  	_ =	shalt  }
0x61: {  	_ =	shalt  }
0x62: {  	_ =	shalt  }
0x63: {  	_ =	shalt  }
0x64: {  	_ =	shalt  }
0x65: {  	_ =	shalt  }
0x66: {  	_ =	shalt  }
0x67: {  	_ =	shalt  }
0x68: {  	_ =	shalt  }
0x69: {  	_ =	shalt  }
0x6a: {  	_ =	shalt  }
0x6b: {  	_ =	shalt  }
0x6c: {  	_ =	shalt  }
0x6d: {  	_ =	shalt  }
0x6e: {  	_ =	shalt  }
0x6f: {  	_ =	shalt  }
0x70: {  	_ =	shalt  }
0x71: {  	_ =	shalt  }
0x72: {  	_ =	shalt  }
0x73: {  	_ =	shalt  }
0x74: {  	_ =	shalt  }
0x75: {  	_ =	shalt  }
0x76: {  	_ =	shalt  }
0x77: {  	_ =	shalt  }
0x78: {  	_ =	shalt  }
0x79: {  	_ =	shalt  }
0x7a: {  	_ =	shalt  }
0x7b: {  	_ =	shalt  }
0x7c: {  	_ =	shalt  }
0x7d: {  	_ =	shalt  }
0x7e: {  	_ =	shalt  }
0x7f: {  	_ =	shalt  }
0x80: {  	_ =	shalt  }
0x81: {  	_ =	shalt  }
0x82: {  	_ =	shalt  }
0x83: {  	_ =	shalt  }
0x84: {  	_ =	shalt  }
0x85: {  	_ =	shalt  }
0x86: {  	_ =	shalt  }
0x87: {  	_ =	shalt  }
.Lfunc_end0:
.L_simem_size_0:
called_computation.2_lowered:
.L_overlay_start_0:
0x88: {  	s2 =	sld [smem:$0x3FD9]  }
0x89: {  	s3 =	sld [smem:$0x3FFE];
	_ =	sdelay $0x1  }
0x8a: {  	s1 =	srdreg.scid  }
0x8b: {  	s0 =	sand.u32 $0x1, s1  }
0x8c: {  	s16 =	sshll.u32 s0, $0xA;
	s2 =	sadd.s32 s3, s2  }
0x8d: {  	s2 =	sadd.s32 s2, s16  }
0x8e: {  	[smem:$0x3FBA] =	sst s2  }
0x8f: {  	_ = 	snop  }
0x90: {  	(tm) =	ssettm $0x1  }
0x91: {  	s17 =	sld [smem:$0x3FFB];
	_ =	sdelay $0x3  }
0x92: {  	_ =	strace s17  }
0x93: {  	s2 =	sld [smem:$0x3FFC];
	_ =	sdelay $0x3  }
0x94: {  	_ =	strace s2  }
0x95: {  	s2 =	sld [smem:$0x3FFD];
	_ =	sdelay $0x3  }
0x96: {  	_ =	strace s2  }
0x97: {  	_ =	strace $0x8FFFFFFF  }
0x98: {  	s18 =	sld [smem:$0x3FDB];
	_ =	sdelay $0x1  }
0x99: {  	s19 =	simm.s32 $_scs_section_size  }
0x9a: {  	s4 =	simm.s32 $_size__tile_overlayer_lowered;
	s5 =	simm.s32 $_tile_overlayer_lowered  }
0x9b: {  	s22 =	simm.s32 $0x1BFF;
	s21 =	sshll.u32 s5, $0x1;
	s2 =	sadd.s32 s19, s18  }
0x9c: {  	s6 =	simm.s32 $0x0;
	s20 =	sshll.u32 s4, $0x1;
	s4 =	sadd.s32 s21, s2  }
0x9d: {  	[timem:s6], [sflag:s22] =	dma.local [hbm:s4], s20  }
0x9e: {  	_ =	swait.ge [sflag:s22], s20  }
0x9f: {  	s3 =	ssub.s32 $0x0, s20;
	[sflag:s22] =	ssyncset.done $0x0  }
0xa0: {  	[sflag:s22] =	ssyncadd.s32 s3;
	_ =	sdelay $0x1  }
0xa1: {  	s23 =	simm.s32 $0x1B8B  }
0xa2: {  	_ =	swait.ge [sflag:s23], $0x1  }
0xa3: {  	[sflag:s23] =	ssyncset.done $0x0  }
0xa4: {  	s25 =	simm.s32 $0x1B8E;
	s24 =	sld [smem:$0x3FFE];
	[sflag:s23] =	ssyncadd.s32 $0xFFFFFFFF  }
0xa5: {  	s26 =	simm.s32 $execute0_lowered;
	[smem:$0x3FD2] =	sst s25  }
0xa6: {  	s4 =	sshll.u32 s26, $0x1;
	_ =	strace $0x8000004C;
	[dreg:$0x1] =	wrdreg $0xFFFFFFFF  }
0xa7: {  	s28 =	simm.s32 $_size_execute0_lowered;
	s2 =	sadd.s32 s2, s4;
	[dreg:$0x0] =	wrdreg $0x0  }
0xa8: {  	s4 =	sshll.u32 s28, $0x1;
	[dreg:$0x2] =	wrdreg s2  }
0xa9: {  	[dreg:$0x3] =	wrdreg s4  }
0xaa: {  	[dreg:$0x4] =	wrdreg $0xC0  }
0xab: {  	_ =	task [dreg:s6], $0x5FFFF  }
0xac: {  	[dreg:$0x1] =	wrdreg $0xFFFFFFFF  }
0xad: {  	[dreg:$0x0] =	wrdreg $0x60  }
0xae: {  	[dreg:$0x2] =	wrdreg s24  }
0xaf: {  	[dreg:$0x3] =	wrdreg $0xC2000  }
0xb0: {  	[dreg:$0x4] =	wrdreg $0x9  }
0xb1: {  	_ =	task.clear_ibuf [dreg:s6], $0x5FFFF;
	_ =	strace $0x9000004C  }
0xb2: {  	s29 =	simm.s32 $0x9;
	_ =	strace $0x8000004E  }
0xb3: {  	_ =	swait.ge [sflag:s29], $0x1  }
0xb4: {  	[sflag:s29] =	ssyncadd.s32 $0xFFFFFFFF  }
0xb5: {  	_ =	strace $0x9000004E  }
0xb6: {  	_ =	sfence  }
0xb7: {  	s30 =	sld [smem:$0x0];
	_ =	sdelay $0x2  }
0xb8: {  	s31 =	sshll.u32 s1, $0xD;
	s1 =	sshrl.u32 s1, $0x2  }
0xb9: {  	s3 =	sand.u32 $0x4000, s31;
	s1 =	sadd.s32 s1, s30  }
0xba: {  	s0 =	sor.u32 s3, s0;
	s1 =	sshll.u32 s1, $0x11  }
0xbb: {  	s0 =	sor.u32 s1, s0  }
0xbc: {  	s0 =	sadd.s32 $0x8F2B, s0  }
0xbd: {  	[sflag:s0] =	ssyncadd.remote.s32 $0x1  }
0xbe: {  	_ =	sfence.sel $0xFFFF  }
0xbf: {  	[dreg:$0x0] =	wrdreg $0xFFFFFFFF;
	(pc) =	sbr.abs _section_cstart, $3  }
0xc0: {  	[dreg:$0x1] =	wrdreg $0xFFFFFFFF  }
0xc1: {  	_ =	task.clear_ibuf [dreg:s6], $0x2FFFF;
	_ =	strace $0x9FFFFFFF  }
0xc2: {  	(tm) =	ssettm $0x7FFFFFFF  }
0xc3: {  	_ =	shalt  }
tec
execute0_lowered:
.L_overlay_start_1:
0x0: {  	(tag) =	ssettag $0x1  }
0x1: {  	s0 =	srdreg.scid  }
0x2: {  	s10 =	stileid.u32;
	s6 =	rddreg [dreg:$0x0]  }
0x3: {  	s2 =	rddreg [dreg:$0x1];
	s3 =	simm.s32 $0x0;
	s13 =	simm.s32 $0xBE00  }
0x4: {  	s14 =	simm.s32 $0x7;
	s16 =	simm.s32 $0x20;
	s19 =	simm.s32 $0x6A00  }
0x5: {  	s20 =	simm.s32 $0xAC00;
	s28 =	simm.s32 $0xB600;
	s29 =	simm.s32 $0x5  }
0x6: {  	s30 =	simm.s32 $0x6;
	s31 =	simm.s32 $0x0;
	s0 =	sand.u32 $0x1, s0  }
0x7: {  	s7 =	smul.u32 $0xA000, s10;
	[smem:$0x7FF] =	sst s3;
	s1 =	sshll.u32 s0, $0x4  }
0x8: {  	s5 =	smul.u32 $0xA0000, s0;
	_ =	strace $0x8000004D;
	s0 =	ssub.s32 $0x2, s0  }
0x9: {  	s1 =	sor.u32 s10, s1;
	s10 =	smul.u32 $0x28000, s10;
	s21 =	sshrl.u32 s0, $0x1  }
0xa: {  	s26 =	sadd.s32 s7, s2;
	s4 =	smul.u32 $0x2A0, s1;
	s5 =	sadd.s32 s7, s5  }
0xb: {  	s23 =	smul.u32 $0x2A00, s1;
	s0 =	ssub.s32 s0, s21;
	s21 =	simm.s32 $0x1  }
0xc: {  	s9 =	sshrl.u32 s5, $0x3;
	s5 =	sadd.s32 $0x10400, s6;
	s22 =	sshrl.u32 s10, $0x2  }
0xd: {  	s12 =	smax.u32 s0, $0x1;
	s8 =	sadd.s32 s4, s6;
	s4 =	sadd.s32 $0x1CC400, s6  }
0xe: {  	s11 =	sadd.s32 s9, s6;
	s6 =	sadd.s32 s22, s2;
	s24 =	sadd.s32 $0xB000, s8  }
0xf: {  	s9 =	smul.u32 $0xA8, s1;
	s8 =	sadd.s32 $0x5C00, s8;
	[dreg:$0x3] =	wrdreg s24  }
0x10: {  	v0 =	vimm.f32 $0.0e+00;
	v1 =	vimm.s32 $0x0;
	v2 =	vimm.s32 $0x1;
	s22 =	simm.s32 $0x3;
	s25 =	sadd.s32 s4, s23;
	[dreg:$0x4] =	wrdreg s8  }
0x11: {  	v3 =	vimm.s32 $0x2;
	v4 =	vimm.s32 $0x3;
	v5 =	vimm.s32 $0x4;
	s11 =	sadd.s32 $0x150400, s11;
	s23 =	simm.s32 $0xAE00;
	[dreg:$0x5] =	wrdreg s25  }
0x12: {  	v6 =	vimm.s32 $0x5;
	v7 =	vimm.s32 $0x6;
	v8 =	vimm.s32 $0x7;
	s24 =	simm.s32 $0x2;
	s25 =	sshrl.u32 s26, $0x3;
	s26 =	simm.s32 $0x4  }
.LBB2_1:
0x13: {  	[tilespmem:$0xBE00] =	vst v0  }
0x14: {  	[tilespmem:$0xBE10] =	vst v0  }
0x15: {  	[tilespmem:$0xBE20] =	vst v0  }
0x16: {  	[tilespmem:$0xBE30] =	vst v0  }
0x17: {  	[tilespmem:$0xBE40] =	vst v0  }
0x18: {  	[tilespmem:$0xBE50] =	vst v0  }
0x19: {  	[tilespmem:$0xBE60] =	vst v0  }
0x1a: {  	[tilespmem:$0xBE70] =	vst v0  }
0x1b: {  	[tilespmem:$0xBE80] =	vst v0  }
0x1c: {  	[tilespmem:$0xBE90] =	vst v0  }
0x1d: {  	[tilespmem:$0xBEA0] =	vst v0  }
0x1e: {  	[tilespmem:$0xBEB0] =	vst v0  }
0x1f: {  	[tilespmem:$0xBEC0] =	vst v0  }
0x20: {  	[tilespmem:$0xBED0] =	vst v0  }
0x21: {  	[tilespmem:$0xBEE0] =	vst v0  }
0x22: {  	[tilespmem:$0xBEF0] =	vst v0  }
0x23: {  	[tilespmem:$0xBF00] =	vst v0  }
0x24: {  	[tilespmem:$0xBF10] =	vst v0  }
0x25: {  	[tilespmem:$0xBF20] =	vst v0  }
0x26: {  	[tilespmem:$0xBF30] =	vst v0  }
0x27: {  	[tilespmem:$0xBF40] =	vst v0  }
0x28: {  	[tilespmem:$0xBF50] =	vst v0  }
0x29: {  	[tilespmem:$0xBF60] =	vst v0  }
0x2a: {  	[tilespmem:$0xBF70] =	vst v0  }
0x2b: {  	[tilespmem:$0xBF80] =	vst v0  }
0x2c: {  	[tilespmem:$0xBF90] =	vst v0  }
0x2d: {  	[tilespmem:$0xBFA0] =	vst v0  }
0x2e: {  	[tilespmem:$0xBFB0] =	vst v0  }
0x2f: {  	[tilespmem:$0xBFC0] =	vst v0  }
0x30: {  	[tilespmem:$0xBFD0] =	vst v0  }
0x31: {  	[tilespmem:$0xBFE0] =	vst v0  }
0x32: {  	[tilespmem:$0xBFF0] =	vst v0  }
0x33: {  	[tilespmem:$0xC000] =	vst v0  }
0x34: {  	[tilespmem:$0xC010] =	vst v0  }
0x35: {  	[tilespmem:$0xC020] =	vst v0  }
0x36: {  	[tilespmem:$0xC030] =	vst v0  }
0x37: {  	[tilespmem:$0xC040] =	vst v0  }
0x38: {  	[tilespmem:$0xC050] =	vst v0  }
0x39: {  	[tilespmem:$0xC060] =	vst v0  }
0x3a: {  	[tilespmem:$0xC070] =	vst v0  }
0x3b: {  	[tilespmem:$0xC080] =	vst v0  }
0x3c: {  	[tilespmem:$0xC090] =	vst v0  }
0x3d: {  	[tilespmem:$0xC0A0] =	vst v0  }
0x3e: {  	[tilespmem:$0xC0B0] =	vst v0  }
0x3f: {  	[tilespmem:$0xC0C0] =	vst v0  }
0x40: {  	[tilespmem:$0xC0D0] =	vst v0  }
0x41: {  	[tilespmem:$0xC0E0] =	vst v0  }
0x42: {  	[tilespmem:$0xC0F0] =	vst v0  }
0x43: {  	[tilespmem:$0xC100] =	vst v0  }
0x44: {  	[tilespmem:$0xC110] =	vst v0  }
0x45: {  	[tilespmem:$0xC120] =	vst v0  }
0x46: {  	[tilespmem:$0xC130] =	vst v0  }
0x47: {  	[tilespmem:$0xC140] =	vst v0  }
0x48: {  	[tilespmem:$0xC150] =	vst v0  }
0x49: {  	[tilespmem:$0xC160] =	vst v0  }
0x4a: {  	[tilespmem:$0xC170] =	vst v0  }
0x4b: {  	[tilespmem:$0xC180] =	vst v0  }
0x4c: {  	[tilespmem:$0xC190] =	vst v0  }
0x4d: {  	[tilespmem:$0xC1A0] =	vst v0  }
0x4e: {  	[tilespmem:$0xC1B0] =	vst v0  }
0x4f: {  	[tilespmem:$0xC1C0] =	vst v0  }
0x50: {  	[tilespmem:$0xC1D0] =	vst v0  }
0x51: {  	[tilespmem:$0xC1E0] =	vst v0  }
0x52: {  	[tilespmem:$0xC1F0] =	vst v0;
	s0 =	sadd.s32 $0x0, s6  }
0x53: {  	[spmem:s0] =	stream.linear.scatter [tilespmem:s13], [sflag:$0x7], $0x400, $0x38;
	[tilespmem:$0x16200] =	vst v63  }
0x54: {  	s0 =	simm.s32 $0x1000;
	_ =	swait.ge [sflag:s14], $0x400  }
.LBB2_2:
0x55: {  	s1 =	sshra.s32 s0, $0x2;
	[sflag:s14] =	ssyncset.done $0x0;
	p0 =	sne.s32 s0, $0x27000  }
.Ltmp0:
0x56: {  	s1 =	sadd.s32 s1, s6;
	[sflag:s14] =	ssyncadd.s32 $0xFFFFFC00;
	(pc) =	sbr.rel @p0 .LBB2_2-.Ltmp0, $3  }
0x57: {  	[spmem:s1] =	stream.linear.scatter [tilespmem:s13], [sflag:$0x7], $0x400, $0x38;
	[tilespmem:$0x16200] =	vst v63  }
0x58: {  	s0 =	sadd.s32 $0x1000, s0;
	_ =	sdelay $0x1  }
0x59: {  	_ =	swait.ge [sflag:s14], $0x400  }
0x5a: {  	[sflag:s14] =	ssyncset.done $0x0  }
0x5b: {  	[sflag:s14] =	ssyncadd.s32 $0xFFFFFC00  }
0x5c: {  	[bflag:$0x0] =	sbarrier.arrive $0xFFFF  }
0x5d: {  	s1 =	simm.s32 $0x0;
	s0 =	rddreg [dreg:$0x3]  }
0x5e: {  	[tilespmem:s1], [sflag:$0x7] =	stream.linear.gather [hbm4b:s0+s1], $0x1500, $0x38;
	[tilespmem:$0x16200] =	vst v63  }
0x5f: {  	_ =	swait.ge [sflag:s14], $0x1500  }
0x60: {  	[sflag:s14] =	ssyncset.done $0x0  }
0x61: {  	s7 =	simm.s32 $0x1500;
	s10 =	rddreg [dreg:$0x4];
	[sflag:s14] =	ssyncadd.s32 $0xFFFFEB00  }
0x62: {  	[tilespmem:s7], [sflag:$0x7] =	stream.linear.gather [hbm4b:s10+s1], $0x1500, $0x38;
	[tilespmem:$0x16200] =	vst v63  }
0x63: {  	_ =	swait.ge [sflag:s14], $0x1500  }
0x64: {  	[sflag:s14] =	ssyncset.done $0x0  }
0x65: {  	s15 =	simm.s32 $0x2A00;
	[sflag:s14] =	ssyncadd.s32 $0xFFFFEB00  }
0x66: {  	[tilespmem:s15], [sflag:$0x1] =	stream.indirect.gather [hbm4b:s5+s16], $0x200, s1, s16, $0xb8;
	[tilespmem:$0x16200] =	vst v63  }
0x67: {  	s18 =	simm.s32 $0xAA00;
	s17 =	rddreg [dreg:$0x5]  }
0x68: {  	[tilespmem:s18], [sflag:$0x3] =	stream.linear.gather [hbm4b:s17+s1], $0x200, $0x38;
	[tilespmem:$0x16200] =	vst v63  }
.LBB2_4:
0x69: {  	s0 =	sshllo.u32 s1, $0x1  }
0x6a: {  	s7 =	sshll.u32 s0, $0x7;
	s0 =	sadd.s32 s9, s0  }
0x6b: {  	s15 =	sshrl.u32 s7, $0x2;
	s0 =	sshll.u32 s0, $0x6  }
0x6c: {  	[tilespmem:s19], [sflag:$0x2] =	stream.indirect.gather [hbm4b:s5+s16], $0x200, s15, s16, $0xb8;
	[tilespmem:$0x16200] =	vst v63  }
0x6d: {  	s0 =	sand.u32 $0x1FFFFFC0, s0  }
0x6e: {  	s0 =	sadd.s32 s4, s0  }
0x6f: {  	[tilespmem:s20], [sflag:$0x4] =	stream.linear.gather [hbm4b:s0+s3], $0x200, $0x38;
	[tilespmem:$0x16200] =	vst v63  }
0x70: {  	_ =	swait.ge [sflag:s21], $0x4000  }
0x71: {  	[sflag:s21] =	ssyncset.done $0x0  }
0x72: {  	[sflag:s21] =	ssyncadd.s32 $0xFFFFC000  }
0x73: {  	_ =	swait.ge [sflag:s22], $0x200  }
0x74: {  	p0 =	seq.s32 s1, $0x0;
	[sflag:s22] =	ssyncset.done $0x0  }
0x75: {  	s0 =	simm.s32 @!p0 $0x5;
	[sflag:s22] =	ssyncadd.s32 $0xFFFFFE00  }
0x76: {  	_ =	swait.ge @!p0 [sflag:s0], $0x800  }
0x77: {  	[sflag:s0] =	ssyncset.done @!p0 $0x0  }
0x78: {  	s17 =	simm.s32 $0x2B00;
	[sflag:s0] =	ssyncadd.s32 @!p0 $0xFFFFF800  }
0x79: {  	v12 =	vld [tilespmem:s17+$0x0]  }
0x7a: {  	v13 =	vld [tilespmem:s17+$0xFFFFFF90]  }
0x7b: {  	v11 =	vld [tilespmem:s17+$0xFFFFFFC0]  }
0x7c: {  	v14 =	vld [tilespmem:s17+$0x40]  }
0x7d: {  	v15 =	vld [tilespmem:s17+$0xFFFFFFA0]  }
0x7e: {  	s18 =	simm.s32 $0x0;
	v16 =	vld [tilespmem:s17+$0xFFFFFFE0]  }
0x7f: {  	v18 =	vld [tilespmem:s18+$0xAA00]  }
0x80: {  	v17 =	vld [tilespmem:s17+$0xFFFFFFF0]  }
0x81: {  	v20 =	vld [tilespmem:s17+$0xFFFFFF00]  }
0x82: {  	v21 =	vld [tilespmem:s17+$0xFFFFFF20]  }
0x83: {  	v22 =	vld [tilespmem:s17+$0xFFFFFF30]  }
0x84: {  	v26 =	vld [tilespmem:s17+$0xFFFFFF80];
	v23 =	vperm.xlane v18, v1;
	v9 =	vperm.xlane v18, v7  }
0x85: {  	v27 =	vld [tilespmem:s17+$0xFFFFFF40];
	v25 =	vperm.xlane v18, v3;
	v10 =	vperm.xlane v18, v6  }
0x86: {  	v24 =	vld [tilespmem:s17+$0xFFFFFF10];
	v28 =	vperm.xlane v18, v4;
	v29 =	vperm.xlane v18, v2  }
0x87: {  	v30 =	vld [tilespmem:s17+$0xFFFFFF60];
	v34 =	vperm.xlane v18, v5;
	v20 =	vmul.f32 v20, v23  }
0x88: {  	v31 =	vld [tilespmem:s17+$0xFFFFFFB0];
	v21 =	vmul.f32 v21, v23;
	v22 =	vmul.f32 v22, v23  }
0x89: {  	v33 =	vld [tilespmem:s17+$0x20];
	v32 =	vmul.f32 v11, v28;
	v26 =	vmul.f32 v26, v25  }
0x8a: {  	v19 =	vld [tilespmem:s17+$0xFFFFFFD0];
	v16 =	vmul.f32 v16, v28;
	v27 =	vmul.f32 v27, v29  }
0x8b: {  	v17 =	vmul.f32 v17, v28;
	v11 =	vadd.f32 $0.0e+00, v20;
	v20 =	vmul.f32 v24, v23;
	v23 =	vld [tilespmem:s17+$0xFFFFFF70]  }
0x8c: {  	v30 =	vmul.f32 v30, v29;
	v24 =	vmul.f32 v14, v10;
	v14 =	vadd.f32 $0.0e+00, v21;
	v21 =	vld [tilespmem:s17+$0xFFFFFF50]  }
0x8d: {  	v35 =	vld [tilespmem:s17+$0x30];
	v15 =	vmul.f32 v15, v25;
	v31 =	vmul.f32 v31, v25  }
0x8e: {  	v61 =	vld [tilespmem:s17+$0x80];
	v25 =	vmul.f32 v13, v25;
	v60 =	vmul.f32 v33, v34;
	v27 =	vadd.f32 v27, v11  }
0x8f: {  	v13 =	vld [tilespmem:s17+$0x10];
	v19 =	vmul.f32 v19, v28;
	v22 =	vadd.f32 $0.0e+00, v22;
	v14 =	vadd.f32 v30, v14  }
0x90: {  	v59 =	vld [tilespmem:s17+$0x60];
	v20 =	vadd.f32 $0.0e+00, v20;
	v26 =	vadd.f32 v26, v27;
	v23 =	vmul.f32 v23, v29  }
0x91: {  	v11 =	vld [tilespmem:s17+$0xB0];
	v27 =	vmul.f32 v12, v34;
	v14 =	vadd.f32 v15, v14;
	v21 =	vmul.f32 v21, v29  }
0x92: {  	v12 =	vperm.xlane v18, v8;
	v18 =	vadd.f32 v32, v26;
	v15 =	vadd.f32 v23, v22;
	v23 =	vld [tilespmem:s17+$0x70]  }
0x93: {  	v63 =	vmul.f32 v61, v9;
	v14 =	vadd.f32 v16, v14;
	v26 =	vld [tilespmem:s17+$0xC0];
	v20 =	vadd.f32 v21, v20  }
0x94: {  	v13 =	vmul.f32 v13, v34;
	v18 =	vadd.f32 v27, v18;
	v16 =	vadd.f32 v31, v15;
	v15 =	vld [tilespmem:s17+$0xA0]  }
0x95: {  	v27 =	vmul.f32 v59, v10;
	v20 =	vadd.f32 v25, v20;
	v25 =	vadd.f32 v60, v14;
	v14 =	vld [tilespmem:s17+$0x50]  }
0x96: {  	v22 =	vmul.f32 v35, v34;
	v24 =	vadd.f32 v24, v18;
	v62 =	vadd.f32 v17, v16;
	v17 =	vld [tilespmem:s17+$0x90]  }
0x97: {  	s8 =	simm.s32 $0x40;
	v18 =	vld [tilespmem:s17+$0xE0];
	v21 =	vadd.f32 v19, v20;
	v16 =	vadd.f32 v27, v25;
	v20 =	vmul.f32 v23, v10  }
0x98: {  	s7 =	simm.s32 $0xAE20;
	s0 =	sshll.u32 s1, $0x1;
	s18 =	simm.s32 $0xAE20;
	v19 =	vld [tilespmem:s17+$0xF0];
	v23 =	vadd.f32 v22, v62;
	v22 =	vadd.f32 v63, v24;
	v24 =	vmul.f32 v26, v12  }
.LBB2_5:
0x99: {  	p1 =	sne.s32 s8, $0x7C0;
	v15 =	vmul.f32 v15, v9;
	v25 =	vld [tilespmem:s17+$0xD0];
	s17 =	sadd.s32 $0x200, s17;
	s7 =	sadd.s32 $0x40, s7  }
0x9a: {  	v13 =	vadd.f32 v13, v21;
	s10 =	smov.u32 s8;
	s8 =	sadd.s32 $0x40, s8;
	v10 =	vmul.f32 v14, v10;
	v14 =	vadd.f32 v24, v22  }
0x9b: {  	v20 =	vadd.f32 v20, v23;
	v17 =	vmul.f32 v17, v9;
	v9 =	vmul.f32 v11, v9  }
0x9c: {  	v11 =	vadd.f32 v15, v16;
	v10 =	vadd.f32 v10, v13;
	v13 =	vmul.f32 v18, v12;
	[tilespmem:s18+$0xFFFFFFE0] =	vst v14  }
0x9d: {  	v9 =	vadd.f32 v9, v20;
	v14 =	vmul.f32 v19, v12  }
0x9e: {  	v10 =	vadd.f32 v17, v10;
	v12 =	vmul.f32 v25, v12;
	v11 =	vadd.f32 v13, v11  }
0x9f: {  	v9 =	vadd.f32 v14, v9  }
0xa0: {  	v10 =	vadd.f32 v12, v10;
	[tilespmem:s18+$0x0] =	vst v11  }
0xa1: {  	[tilespmem:s18+$0x10] =	vst v9  }
0xa2: {  	[tilespmem:s18+$0xFFFFFFF0] =	vst v10;
	s18 =	smov.u32 s7  }
0xa3: {  	v12 =	vld [tilespmem:s17+$0x0]  }
0xa4: {  	v13 =	vld [tilespmem:s17+$0xFFFFFF90]  }
0xa5: {  	v11 =	vld [tilespmem:s17+$0xFFFFFFC0]  }
0xa6: {  	v14 =	vld [tilespmem:s17+$0x40]  }
0xa7: {  	v15 =	vld [tilespmem:s17+$0xFFFFFFA0]  }
0xa8: {  	v16 =	vld [tilespmem:s17+$0xFFFFFFE0]  }
0xa9: {  	s10 =	sshra.s32 s10, $0x2;
	v17 =	vld [tilespmem:s17+$0xFFFFFFF0]  }
0xaa: {  	v18 =	vld [tilespmem:s10+$0xAA00]  }
0xab: {  	v19 =	vld [tilespmem:s17+$0xFFFFFFD0]  }
0xac: {  	v20 =	vld [tilespmem:s17+$0xFFFFFF00]  }
0xad: {  	v21 =	vld [tilespmem:s17+$0xFFFFFF20]  }
0xae: {  	v22 =	vld [tilespmem:s17+$0xFFFFFF30]  }
0xaf: {  	v23 =	vperm.xlane v18, v1;
	v24 =	vld [tilespmem:s17+$0xFFFFFF10];
	v9 =	vperm.xlane v18, v7  }
0xb0: {  	v25 =	vperm.xlane v18, v3;
	v10 =	vperm.xlane v18, v6;
	v26 =	vld [tilespmem:s17+$0xFFFFFF80]  }
0xb1: {  	v28 =	vperm.xlane v18, v4;
	v20 =	vmul.f32 v20, v23;
	v27 =	vld [tilespmem:s17+$0xFFFFFF40]  }
0xb2: {  	v29 =	vperm.xlane v18, v2;
	v21 =	vmul.f32 v21, v23;
	v30 =	vld [tilespmem:s17+$0xFFFFFF60]  }
0xb3: {  	v32 =	vmul.f32 v11, v28;
	v20 =	vadd.f32 $0.0e+00, v20;
	v22 =	vmul.f32 v22, v23;
	v31 =	vld [tilespmem:s17+$0xFFFFFFB0]  }
0xb4: {  	v11 =	vmul.f32 v24, v23;
	v21 =	vadd.f32 $0.0e+00, v21;
	v23 =	vld [tilespmem:s17+$0xFFFFFF70];
	v24 =	vmul.f32 v14, v10  }
0xb5: {  	v16 =	vmul.f32 v16, v28;
	v14 =	vld [tilespmem:s17+$0xFFFFFF50];
	v26 =	vmul.f32 v26, v25  }
0xb6: {  	v17 =	vmul.f32 v17, v28;
	v22 =	vadd.f32 $0.0e+00, v22;
	v27 =	vmul.f32 v27, v29;
	v33 =	vld [tilespmem:s17+$0x20]  }
0xb7: {  	v35 =	vperm.xlane v18, v5;
	v34 =	vadd.f32 $0.0e+00, v11;
	v30 =	vmul.f32 v30, v29;
	v36 =	vld [tilespmem:s17+$0x30]  }
0xb8: {  	v15 =	vmul.f32 v15, v25;
	v20 =	vadd.f32 v27, v20;
	v27 =	vmul.f32 v31, v25;
	v11 =	vld [tilespmem:s17+$0xB0]  }
0xb9: {  	v25 =	vmul.f32 v13, v25;
	v21 =	vadd.f32 v30, v21;
	v23 =	vmul.f32 v23, v29;
	v13 =	vld [tilespmem:s17+$0x10]  }
0xba: {  	v14 =	vmul.f32 v14, v29;
	v20 =	vadd.f32 v26, v20;
	v26 =	vmul.f32 v12, v35;
	v29 =	vld [tilespmem:s17+$0x60]  }
0xbb: {  	v12 =	vperm.xlane v18, v8;
	v15 =	vadd.f32 v15, v21;
	v21 =	vmul.f32 v33, v35;
	v30 =	vld [tilespmem:s17+$0x80]  }
0xbc: {  	v18 =	vadd.f32 v23, v22;
	v20 =	vadd.f32 v32, v20;
	v22 =	vmul.f32 v36, v35;
	v23 =	vld [tilespmem:s17+$0x70]  }
0xbd: {  	v19 =	vmul.f32 v19, v28;
	v14 =	vadd.f32 v14, v34;
	v16 =	vadd.f32 v16, v15;
	v28 =	vld [tilespmem:s17+$0xC0]  }
.Ltmp1:
0xbe: {  	v18 =	vadd.f32 v27, v18;
	v20 =	vadd.f32 v26, v20;
	v13 =	vmul.f32 v13, v35;
	v15 =	vld [tilespmem:s17+$0xA0];
	(pc) =	sbr.rel @p1 .LBB2_5-.Ltmp1, $4  }
0xbf: {  	v25 =	vadd.f32 v25, v14;
	v16 =	vadd.f32 v21, v16;
	v14 =	vld [tilespmem:s17+$0x50];
	v26 =	vmul.f32 v29, v10  }
0xc0: {  	v27 =	vadd.f32 v17, v18;
	v24 =	vadd.f32 v24, v20;
	v29 =	vmul.f32 v30, v9;
	v17 =	vld [tilespmem:s17+$0x90]  }
0xc1: {  	v21 =	vadd.f32 v19, v25;
	v16 =	vadd.f32 v26, v16;
	v20 =	vmul.f32 v23, v10;
	v18 =	vld [tilespmem:s17+$0xE0]  }
0xc2: {  	v23 =	vadd.f32 v22, v27;
	v22 =	vadd.f32 v29, v24;
	v24 =	vmul.f32 v28, v12;
	v19 =	vld [tilespmem:s17+$0xF0]  }
0xc3: {  	v25 =	vld [tilespmem:s17+$0xD0]  }
0xc4: {  	v15 =	vmul.f32 v15, v9;
	v13 =	vadd.f32 v13, v21;
	v10 =	vmul.f32 v14, v10  }
0xc5: {  	v14 =	vadd.f32 v20, v23;
	v17 =	vmul.f32 v17, v9;
	v9 =	vmul.f32 v11, v9  }
0xc6: {  	v11 =	vadd.f32 v15, v16;
	v10 =	vadd.f32 v10, v13;
	v13 =	vmul.f32 v18, v12  }
0xc7: {  	v15 =	vadd.f32 v24, v22;
	v9 =	vadd.f32 v9, v14;
	v14 =	vmul.f32 v19, v12  }
0xc8: {  	v10 =	vadd.f32 v17, v10;
	v12 =	vmul.f32 v25, v12;
	v11 =	vadd.f32 v13, v11  }
0xc9: {  	[tilespmem:s18+$0xFFFFFFE0] =	vst v15;
	v9 =	vadd.f32 v14, v9  }
0xca: {  	s7 =	sshll.u32 s1, $0x6;
	v10 =	vadd.f32 v12, v10;
	[tilespmem:s18+$0x0] =	vst v11  }
0xcb: {  	p1 =	seq.s32 s1, $0x53;
	s7 =	sand.u32 $0x3FFFFFC0, s7;
	[tilespmem:s18+$0x10] =	vst v9  }
0xcc: {  	s0 =	sadd.s32 @!p1 $0x2, s0;
	s7 =	sadd.s32 $0x1500, s7;
	[tilespmem:s18+$0xFFFFFFF0] =	vst v10  }
0xcd: {  	[spmem:s2] =	stream.indirect.scatter.add.f32 [tilespmem:s23], [sflag:$0x5], $0x40, s7, s16, $0xb8;
	[tilespmem:$0x16200] =	vst v63  }
0xce: {  	s8 =	simm.s32 @!p1 $0x20;
	s7 =	sshll.u32 @!p1 s0, $0x5;
	s0 =	sadd.s32 @!p1 s9, s0  }
0xcf: {  	s10 =	simm.s32 @!p1 $0x2A00;
	s7 =	sand.u32 @!p1 $0x3FFFFFE0, s7;
	s0 =	sshll.u32 @!p1 s0, $0x6  }
0xd0: {  	[tilespmem:s10], [sflag:$0x1] =	stream.indirect.gather @!p1 [hbm4b:s5+s8], $0x200, s7, s8, $0xb8;
	[tilespmem:$0x16200] =	vst v63  }
0xd1: {  	s0 =	sand.u32 @!p1 $0x1FFFFF80, s0  }
0xd2: {  	s7 =	simm.s32 @!p1 $0x0;
	s8 =	simm.s32 @!p1 $0xAA00;
	s0 =	sadd.s32 @!p1 s4, s0  }
0xd3: {  	[tilespmem:s8], [sflag:$0x3] =	stream.linear.gather @!p1 [hbm4b:s0+s7], $0x200, $0x38;
	[tilespmem:$0x16200] =	vst v63  }
0xd4: {  	_ =	swait.ge [sflag:s24], $0x4000  }
0xd5: {  	[sflag:s24] =	ssyncset.done $0x0  }
0xd6: {  	[sflag:s24] =	ssyncadd.s32 $0xFFFFC000  }
0xd7: {  	_ =	swait.ge [sflag:s26], $0x200  }
0xd8: {  	[sflag:s26] =	ssyncset.done $0x0  }
0xd9: {  	s0 =	simm.s32 @!p0 $0x6;
	[sflag:s26] =	ssyncadd.s32 $0xFFFFFE00  }
0xda: {  	_ =	swait.ge @!p0 [sflag:s0], $0x800  }
0xdb: {  	[sflag:s0] =	ssyncset.done @!p0 $0x0  }
0xdc: {  	s17 =	simm.s32 $0x0;
	[sflag:s0] =	ssyncadd.s32 @!p0 $0xFFFFF800  }
0xdd: {  	v12 =	vld [tilespmem:s17+$0x6B10]  }
0xde: {  	v14 =	vld [tilespmem:s17+$0x6A50]  }
0xdf: {  	s18 =	simm.s32 $0xAC00;
	v15 =	vld [tilespmem:s17+$0x6B20]  }
0xe0: {  	v16 =	vld [tilespmem:s18+$0x0]  }
0xe1: {  	v17 =	vld [tilespmem:s17+$0x6A40]  }
0xe2: {  	v18 =	vld [tilespmem:s17+$0x6A60]  }
0xe3: {  	v19 =	vld [tilespmem:s17+$0x6A70]  }
0xe4: {  	v20 =	vld [tilespmem:s17+$0x6A10]  }
0xe5: {  	v21 =	vld [tilespmem:s17+$0x6A30]  }
0xe6: {  	v22 =	vld [tilespmem:s17+$0x6A90]  }
0xe7: {  	v23 =	vld [tilespmem:s17+$0x6A20];
	v13 =	vperm.xlane v16, v5;
	v11 =	vperm.xlane v16, v6  }
0xe8: {  	v25 =	vld [tilespmem:s17+$0x6AF0];
	v24 =	vperm.xlane v16, v1;
	v10 =	vperm.xlane v16, v7  }
0xe9: {  	v26 =	vld [tilespmem:s17+$0x6AC0];
	v9 =	vperm.xlane v16, v8;
	v28 =	vperm.xlane v16, v2  }
0xea: {  	v29 =	vld [tilespmem:s17+$0x6A00];
	v32 =	vperm.xlane v16, v3;
	v21 =	vmul.f32 v21, v24  }
0xeb: {  	v27 =	vld [tilespmem:s17+$0x6AA0];
	v20 =	vmul.f32 v20, v24;
	v30 =	vmul.f32 v15, v13  }
0xec: {  	v33 =	vld [tilespmem:s17+$0x6AD0];
	v15 =	vmul.f32 v23, v24;
	v31 =	vmul.f32 v17, v28  }
0xed: {  	v19 =	vmul.f32 v19, v28;
	v21 =	vadd.f32 $0.0e+00, v21;
	v17 =	vadd.f32 $0.0e+00, v20;
	v20 =	vld [tilespmem:s17+$0x6AE0]  }
0xee: {  	v61 =	vperm.xlane v16, v4;
	v23 =	vld [tilespmem:s17+$0x6AB0];
	v18 =	vmul.f32 v18, v28;
	v15 =	vadd.f32 $0.0e+00, v15  }
0xef: {  	v14 =	vmul.f32 v14, v28;
	v16 =	vmul.f32 v29, v24;
	v19 =	vadd.f32 v19, v21;
	v21 =	vld [tilespmem:s17+$0x6A80]  }
0xf0: {  	v12 =	vmul.f32 v12, v13;
	v24 =	vmul.f32 v27, v32;
	v27 =	vld [tilespmem:s17+$0x6B60];
	v18 =	vadd.f32 v18, v15  }
0xf1: {  	v22 =	vmul.f32 v22, v32;
	v16 =	vadd.f32 $0.0e+00, v16;
	v17 =	vadd.f32 v14, v17;
	v14 =	vld [tilespmem:s17+$0x6B80]  }
0xf2: {  	v15 =	vmul.f32 v25, v61;
	v18 =	vadd.f32 v24, v18;
	v24 =	vmul.f32 v20, v61;
	v20 =	vld [tilespmem:s17+$0x6B00]  }
0xf3: {  	v25 =	vmul.f32 v33, v61;
	v23 =	vmul.f32 v23, v32;
	v22 =	vadd.f32 v22, v17;
	v17 =	vld [tilespmem:s17+$0x6BA0]  }
0xf4: {  	v62 =	vadd.f32 v31, v16;
	v63 =	vmul.f32 v21, v32;
	v24 =	vadd.f32 v24, v18;
	v18 =	vld [tilespmem:s17+$0x6BE0]  }
0xf5: {  	v26 =	vmul.f32 v26, v61;
	v19 =	vadd.f32 v23, v19;
	v16 =	vadd.f32 v25, v22;
	v21 =	vld [tilespmem:s17+$0x6B40]  }
0xf6: {  	s7 =	simm.s32 $0xB630;
	s8 =	simm.s32 $0x800;
	s0 =	simm.s32 $0xB630;
	v23 =	vmul.f32 v27, v11;
	v22 =	vld [tilespmem:s17+$0x6B30];
	v25 =	vadd.f32 v63, v62;
	v24 =	vadd.f32 v30, v24  }
.LBB2_7:
0xf7: {  	p0 =	sne.s32 s8, $0xF800;
	v20 =	vmul.f32 v20, v13;
	v27 =	vld [tilespmem:s17+$0x6B70];
	s7 =	sadd.s32 $0x40, s7;
	s18 =	sadd.s32 $0x10, s18  }
0xf8: {  	s10 =	smov.u32 s8;
	s8 =	sadd.s32 $0x800, s8;
	v25 =	vadd.f32 v26, v25;
	v26 =	vld [tilespmem:s17+$0x6B50];
	v23 =	vadd.f32 v23, v24;
	v17 =	vmul.f32 v17, v10  }
0xf9: {  	v24 =	vld [tilespmem:s17+$0x6BC0];
	v18 =	vmul.f32 v18, v9  }
0xfa: {  	v20 =	vadd.f32 v20, v25;
	v21 =	vmul.f32 v21, v11;
	v17 =	vadd.f32 v17, v23;
	v23 =	vld [tilespmem:s17+$0x6BB0]  }
0xfb: {  	v15 =	vadd.f32 v15, v19;
	v13 =	vmul.f32 v22, v13;
	v19 =	vld [tilespmem:s17+$0x6B90]  }
0xfc: {  	v14 =	vmul.f32 v14, v10;
	v20 =	vadd.f32 v21, v20;
	v17 =	vadd.f32 v18, v17;
	v18 =	vld [tilespmem:s17+$0x6BF0]  }
0xfd: {  	v13 =	vadd.f32 v13, v15;
	v15 =	vmul.f32 v26, v11;
	v11 =	vmul.f32 v27, v11;
	v21 =	vld [tilespmem:s17+$0x6BD0]  }
0xfe: {  	v12 =	vadd.f32 v12, v16;
	v14 =	vadd.f32 v14, v20;
	v16 =	vmul.f32 v24, v9;
	[tilespmem:s0+$0xFFFFFFF0] =	vst v17  }
0xff: {  	v11 =	vadd.f32 v11, v13;
	v13 =	vmul.f32 v23, v10  }
0x100: {  	v12 =	vadd.f32 v15, v12;
	v10 =	vmul.f32 v19, v10;
	v14 =	vadd.f32 v16, v14  }
0x101: {  	v11 =	vadd.f32 v13, v11;
	v13 =	vmul.f32 v18, v9  }
0x102: {  	v10 =	vadd.f32 v10, v12;
	v9 =	vmul.f32 v21, v9;
	[tilespmem:s0+$0xFFFFFFD0] =	vst v14  }
0x103: {  	v11 =	vadd.f32 v13, v11  }
0x104: {  	s17 =	sshra.s32 s10, $0x2;
	v9 =	vadd.f32 v9, v10  }
0x105: {  	[tilespmem:s0+$0x0] =	vst v11  }
0x106: {  	[tilespmem:s0+$0xFFFFFFE0] =	vst v9;
	s0 =	smov.u32 s7  }
0x107: {  	v12 =	vld [tilespmem:s17+$0x6B10]  }
0x108: {  	v14 =	vld [tilespmem:s17+$0x6A50]  }
0x109: {  	v15 =	vld [tilespmem:s17+$0x6B20]  }
0x10a: {  	v16 =	vld [tilespmem:s18+$0x0]  }
0x10b: {  	v17 =	vld [tilespmem:s17+$0x6A40]  }
0x10c: {  	v18 =	vld [tilespmem:s17+$0x6A60]  }
0x10d: {  	v19 =	vld [tilespmem:s17+$0x6A70]  }
0x10e: {  	v20 =	vld [tilespmem:s17+$0x6A10]  }
0x10f: {  	v21 =	vld [tilespmem:s17+$0x6A30];
	v13 =	vperm.xlane v16, v5;
	v11 =	vperm.xlane v16, v6  }
0x110: {  	v10 =	vperm.xlane v16, v7;
	v9 =	vperm.xlane v16, v8;
	v22 =	vld [tilespmem:s17+$0x6A90]  }
0x111: {  	v23 =	vld [tilespmem:s17+$0x6A20];
	v12 =	vmul.f32 v12, v13;
	v24 =	vmul.f32 v15, v13  }
0x112: {  	v15 =	vperm.xlane v16, v1;
	v25 =	vld [tilespmem:s17+$0x6AF0]  }
0x113: {  	v26 =	vld [tilespmem:s17+$0x6AC0]  }
0x114: {  	v27 =	vperm.xlane v16, v2;
	v21 =	vmul.f32 v21, v15;
	v28 =	vld [tilespmem:s17+$0x6AA0]  }
0x115: {  	v20 =	vmul.f32 v20, v15;
	v29 =	vld [tilespmem:s17+$0x6A00]  }
0x116: {  	v30 =	vmul.f32 v17, v27;
	v23 =	vmul.f32 v23, v15;
	v21 =	vadd.f32 $0.0e+00, v21;
	v17 =	vld [tilespmem:s17+$0x6AB0]  }
0x117: {  	v31 =	vperm.xlane v16, v3;
	v19 =	vmul.f32 v19, v27;
	v20 =	vadd.f32 $0.0e+00, v20;
	v32 =	vld [tilespmem:s17+$0x6AE0]  }
0x118: {  	v18 =	vmul.f32 v18, v27;
	v23 =	vadd.f32 $0.0e+00, v23;
	v33 =	vld [tilespmem:s17+$0x6AD0]  }
0x119: {  	v14 =	vmul.f32 v14, v27;
	v27 =	vperm.xlane v16, v4;
	v19 =	vadd.f32 v19, v21;
	v21 =	vld [tilespmem:s17+$0x6A80]  }
0x11a: {  	v16 =	vmul.f32 v29, v15;
	v18 =	vadd.f32 v18, v23;
	v23 =	vmul.f32 v28, v31;
	v28 =	vld [tilespmem:s17+$0x6B60]  }
0x11b: {  	v22 =	vmul.f32 v22, v31;
	v29 =	vadd.f32 v14, v20;
	v15 =	vmul.f32 v25, v27;
	v14 =	vld [tilespmem:s17+$0x6B80]  }
.Ltmp2:
0x11c: {  	v16 =	vadd.f32 $0.0e+00, v16;
	v18 =	vadd.f32 v23, v18;
	v23 =	vmul.f32 v32, v27;
	v20 =	vld [tilespmem:s17+$0x6B00];
	(pc) =	sbr.rel @p0 .LBB2_7-.Ltmp2, $4  }
0x11d: {  	v25 =	vmul.f32 v17, v31;
	v22 =	vadd.f32 v22, v29;
	v29 =	vmul.f32 v33, v27;
	v17 =	vld [tilespmem:s17+$0x6BA0]  }
0x11e: {  	v30 =	vadd.f32 v30, v16;
	v31 =	vmul.f32 v21, v31;
	v32 =	vadd.f32 v23, v18;
	v18 =	vld [tilespmem:s17+$0x6BE0]  }
0x11f: {  	v19 =	vadd.f32 v25, v19;
	v16 =	vadd.f32 v29, v22;
	v21 =	vld [tilespmem:s17+$0x6B40];
	v23 =	vmul.f32 v28, v11  }
0x120: {  	v26 =	vmul.f32 v26, v27;
	v25 =	vadd.f32 v31, v30;
	v24 =	vadd.f32 v24, v32;
	v22 =	vld [tilespmem:s17+$0x6B30]  }
0x121: {  	v27 =	vld [tilespmem:s17+$0x6B70]  }
0x122: {  	v53 =	vld [tilespmem:s17+$0x6B50]  }
0x123: {  	v28 =	vld [tilespmem:s17+$0x6BC0]  }
0x124: {  	v20 =	vmul.f32 v20, v13;
	v54 =	vld [tilespmem:s17+$0x6BB0];
	v15 =	vadd.f32 v15, v19  }
0x125: {  	v56 =	vld [tilespmem:s17+$0x6B90];
	v14 =	vmul.f32 v14, v10;
	v12 =	vadd.f32 v12, v16;
	v25 =	vadd.f32 v26, v25  }
0x126: {  	v57 =	vld [tilespmem:s17+$0x6BF0];
	v23 =	vadd.f32 v23, v24;
	v17 =	vmul.f32 v17, v10;
	v18 =	vmul.f32 v18, v9  }
0x127: {  	v59 =	vld [tilespmem:s17+$0x6BD0];
	v20 =	vadd.f32 v20, v25;
	v21 =	vmul.f32 v21, v11;
	v55 =	vmul.f32 v22, v13  }
0x128: {  	v17 =	vadd.f32 v17, v23;
	v58 =	vmul.f32 v27, v11;
	v11 =	vmul.f32 v53, v11  }
0x129: {  	v20 =	vadd.f32 v21, v20;
	v60 =	vmul.f32 v54, v10;
	v13 =	vadd.f32 v55, v15  }
0x12a: {  	v10 =	vmul.f32 v56, v10;
	v62 =	vadd.f32 v18, v17;
	v11 =	vadd.f32 v11, v12  }
0x12b: {  	v61 =	vmul.f32 v28, v9;
	v14 =	vadd.f32 v14, v20;
	v13 =	vadd.f32 v58, v13  }
0x12c: {  	s1 =	sadd.s32 $0x1, s1;
	v63 =	vmul.f32 v57, v9;
	v9 =	vmul.f32 v59, v9;
	v10 =	vadd.f32 v10, v11  }
0x12d: {  	p0 =	sne.s32 s1, $0x54;
	v14 =	vadd.f32 v61, v14;
	v13 =	vadd.f32 v60, v13  }
.Ltmp3:
0x12e: {  	[tilespmem:s0+$0xFFFFFFF0] =	vst v62;
	v9 =	vadd.f32 v9, v10;
	(pc) =	sbr.rel @p0 .LBB2_4-.Ltmp3, $4  }
0x12f: {  	[tilespmem:s0+$0xFFFFFFD0] =	vst v14;
	v11 =	vadd.f32 v63, v13  }
0x130: {  	[tilespmem:s0+$0xFFFFFFE0] =	vst v9  }
0x131: {  	s18 =	sadd.s32 $0x1500, s15;
	[tilespmem:s0+$0x0] =	vst v11  }
0x132: {  	[spmem:s2] =	stream.indirect.scatter.add.f32 [tilespmem:s28], [sflag:$0x6], $0x40, s18, s16, $0xb8;
	[tilespmem:$0x16200] =	vst v63  }
0x133: {  	_ =	swait.ge [sflag:s29], $0x800  }
0x134: {  	[sflag:s29] =	ssyncset.done $0x0  }
0x135: {  	[sflag:s29] =	ssyncadd.s32 $0xFFFFF800  }
0x136: {  	_ =	swait.ge [sflag:s30], $0x800  }
0x137: {  	s0 =	stileid.u32;
	s31 =	sadd.s32 $0x1, s31;
	[sflag:s30] =	ssyncset.done $0x0  }
0x138: {  	s0 =	sshll.u32 s0, $0x6;
	p0 =	sne.s32 s31, s12;
	[sflag:s30] =	ssyncadd.s32 $0xFFFFF800  }
.Ltmp4:
0x139: {  	s0 =	sor.u32 $0x1C07, s0;
	[bflag:$0x0] =	sbarrier.arrive $0xFFFF;
	(pc) =	sbr.rel @p0 .LBB2_1-.Ltmp4, $4  }
0x13a: {  	[hbm:s11], [sflag:s0] =	dma.local [spmem:s25], $0x1400  }
0x13b: {  	_ =	swait.ge [sflag:s14], $0x1400  }
0x13c: {  	[sflag:s14] =	ssyncset.done $0x0  }
0x13d: {  	[sflag:s14] =	ssyncadd.s32 $0xFFFFEC00  }
0x13e: {  	_ =	sfence.sel $0x180000  }
0x13f: {  	[bflag:$0x0] =	sbarrier.arrive $0xFFFF  }
0x140: {  	_ =	strace $0x9000004D  }
0x141: {  	s0 =	stileid.u32;
	[bflag:$0x2] =	sbarrier.arrive $0xFFFF  }
0x142: {  	p0 =	sne.s32 s0, $0x0;
	s0 =	rddreg [dreg:$0x2]  }
0x143: {  	s0 =	sadd.s32 @!p0 $0x100000, s0  }
0x144: {  	[sflag:s0] =	ssyncadd.tile.s32 @!p0 $0x1;
	_ =	shalt  }
.Lfunc_end2:
_tile_overlayer_lowered:
.L_overlay_start_2:
0x145: {  	(tag) =	ssettag $0x2  }
0x146: {  	s0 =	rddreg [dreg:$0x0];
	s2 =	stileid.u32  }
0x147: {  	s1 =	rddreg [dreg:$0x1];
	p0 =	sne.s32 s2, $0x0  }
0x148: {  	s3 =	rddreg [dreg:$0x2];
	[bflag:$0x3] =	sbarrier.arrive $0xFFFF;
	s2 =	simm.s32 @!p0 $0x1C07  }
0x149: {  	[timem:s3], [sflag:s2] =	dma.local @!p0 [hbm:s0], s1  }
0x14a: {  	s0 =	simm.s32 @!p0 $0x7  }
0x14b: {  	_ =	swait.ge @!p0 [sflag:s0], s1  }
0x14c: {  	s1 =	ssub.s32 @!p0 $0x0, s1;
	[sflag:s0] =	ssyncset.done @!p0 $0x0  }
0x14d: {  	[sflag:s0] =	ssyncadd.s32 @!p0 s1  }
0x14e: {  	[bflag:$0x3] =	sbarrier.arrive $0xFFFF  }
0x14f: {  	_ =	shalt  }

// kernel: kernel.20.cloned.1.call-start
scs
__scs_entry_jumppad:
0x0: {  	(pc) =	sbr.rel $0x88, $3  }
0x1: {  	(tag) =	ssettag $0x0;
	lr =	simm.s32 $0x1  }
0x2: {  	[smem:$0x3F93] =	sst lr;
	_ =	strace $0xD0000000  }
0x3: {  	_ = 	snop  }
0x4: {  	_ = 	snop  }
0x5: {  	_ = 	snop  }
0x6: {  	_ = 	snop  }
0x7: {  	_ = 	snop  }
__scs_overlays_trampoline_lowered:
0x8: {  	[smem:$0x3FA2] =	sst s0  }
0x9: {  	[smem:$0x3FA3] =	sst s1  }
0xa: {  	[smem:$0x3FA4] =	sst s2  }
0xb: {  	[smem:$0x3FA5] =	sst s3  }
0xc: {  	[smem:$0x3FA6] =	sst s4  }
0xd: {  	[smem:$0x3FA7] =	sst s5  }
0xe: {  	[smem:$0x3FA8] =	sst s6  }
0xf: {  	[smem:$0x3FA9] =	sst s7  }
0x10: {  	[smem:$0x3FAA] =	sst s8  }
0x11: {  	[smem:$0x3FAB] =	sst s9;
	s0 =	simm.s32 @!p0 $0x0  }
0x12: {  	s1 =	sld [smem:$0x3F91];
	s0 =	simm.s32 @p0 $0x1  }
0x13: {  	[smem:$0x3FAC] =	sst s0;
	s0 =	simm.s32 @!p1 $0x0  }
0x14: {  	s2 =	sld [smem:$0x3F90];
	s0 =	simm.s32 @p1 $0x1  }
0x15: {  	[smem:$0x3FAD] =	sst s0;
	s0 =	simm.s32 @!p2 $0x0  }
0x16: {  	s3 =	sld [smem:$0x3FDB];
	s0 =	simm.s32 @p2 $0x1  }
0x17: {  	s4 =	simm.s32 $0x1BF5;
	[smem:$0x3FAF] =	sst s0  }
0x18: {  	s0 =	sld [smem:$0x3F92];
	_ =	swait.ge [sflag:s4], $0x0  }
0x19: {  	s7 =	sld [smem:$0x3F93]  }
0x1a: {  	s8 =	sadd.s32 $0xFFFFE003, lr  }
0x1b: {  	s9 =	sadd.s32 $0xFFFFFEF7, lr;
	s5 =	simm.s32 $0xFFFFFFFF;
	p2 =	slt.u32 s8, $0xFFFFF086  }
0x1c: {  	p1 =	slt.u32 s9, $0xF7A;
	s5 =	simm.s32 @!p2 $0x0  }
0x1d: {  	s5 =	simm.s32 @p1 $0x1;
	p0 =	seq.s32 s7, s2  }
0x1e: {  	s7 =	smul.u32 @!p0 $0xF7A, s2;
	p2 =	seq.s32 @!p0 s5, $0x0  }
0x1f: {  	s9 =	smul.u32 $0xF7A, s1;
	s8 =	simm.s32 @!p0 $0x1BF5;
	p2 =	por !p2, p0  }
0x20: {  	[sflag:s8] =	ssyncset.s32 @!p0 $0xFFFFF086;
	s6 =	sadd.s32 @!p0 s3, s7;
	s7 =	simm.s32 @!p0 $0x108  }
0x21: {  	s3 =	sadd.s32 s3, s9;
	s6 =	sadd.s32 @!p0 $0x88, s6;
	s7 =	simm.s32 @p2 $0x1082  }
0x22: {  	[simem:s7], [sflag:s8] =	dma.local @!p0 [hbm:s6], $0xF7A  }
0x23: {  	s9 =	sor.u32 $0xD0000000, s2;
	s6 =	simm.s32 $0x108;
	_ =	swait.ge @!p0 [sflag:s8], $0x0  }
0x24: {  	s3 =	sadd.s32 $0x88, s3;
	s6 =	simm.s32 @!p1 $0x1082;
	[sflag:s4] =	ssyncset.s32 $0xFFFFF086  }
0x25: {  	[simem:s6], [sflag:s4] =	dma.local [hbm:s3], $0xF7A  }
0x26: {  	[smem:$0x3F93] =	sst s1;
	(tag) =	ssettag s2;
	_ =	strace s9  }
0x27: {  	s1 =	sld [smem:$0x3FA3]  }
0x28: {  	s2 =	sld [smem:$0x3FA4]  }
0x29: {  	s4 =	sld [smem:$0x3FA6]  }
0x2a: {  	p0 =	seq.s32 s5, $0x0;
	s5 =	sld [smem:$0x3FA7]  }
0x2b: {  	s6 =	sld [smem:$0x3FA8]  }
0x2c: {  	s7 =	sld [smem:$0x3FA9]  }
0x2d: {  	s3 =	simm.s32 $0x108;
	s8 =	sld [smem:$0x3FAA]  }
0x2e: {  	s3 =	simm.s32 @!p0 $0x1082;
	s9 =	sld [smem:$0x3FAB]  }
0x2f: {  	lr =	sadd.s32 s0, s3;
	s0 =	sld [smem:$0x3FA2]  }
0x30: {  	s3 =	sld [smem:$0x3FA5]  }
0x31: {  	[smem:$0x3FAE] =	sst s10  }
0x32: {  	s10 =	sld [smem:$0x3FAC];
	_ =	sdelay $0x3  }
0x33: {  	p0 =	seq.s32 s10, $0x1;
	s10 =	sld [smem:$0x3FAE];
	_ =	sdelay $0x3  }
0x34: {  	[smem:$0x3FAE] =	sst s10  }
0x35: {  	s10 =	sld [smem:$0x3FAD];
	_ =	sdelay $0x3  }
0x36: {  	p1 =	seq.s32 s10, $0x1;
	s10 =	sld [smem:$0x3FAE];
	_ =	sdelay $0x3  }
0x37: {  	[smem:$0x3FAE] =	sst s10  }
0x38: {  	s10 =	sld [smem:$0x3FAF]  }
0x39: {  	_ = 	snop;
	(pc) =	sbr.ind lr, $3  }
0x3a: {  	_ = 	snop  }
0x3b: {  	_ = 	snop  }
0x3c: {  	p2 =	seq.s32 s10, $0x1;
	s10 =	sld [smem:$0x3FAE]  }
0x3d: {  	_ =	shalt  }
0x3e: {  	_ =	shalt  }
0x3f: {  	_ =	shalt  }
0x40: {  	_ =	shalt  }
0x41: {  	_ =	shalt  }
0x42: {  	_ =	shalt  }
0x43: {  	_ =	shalt  }
0x44: {  	_ =	shalt  }
0x45: {  	_ =	shalt  }
0x46: {  	_ =	shalt  }
0x47: {  	_ =	shalt  }
0x48: {  	_ =	shalt  }
0x49: {  	_ =	shalt  }
0x4a: {  	_ =	shalt  }
0x4b: {  	_ =	shalt  }
0x4c: {  	_ =	shalt  }
0x4d: {  	_ =	shalt  }
0x4e: {  	_ =	shalt  }
0x4f: {  	_ =	shalt  }
0x50: {  	_ =	shalt  }
0x51: {  	_ =	shalt  }
0x52: {  	_ =	shalt  }
0x53: {  	_ =	shalt  }
0x54: {  	_ =	shalt  }
0x55: {  	_ =	shalt  }
0x56: {  	_ =	shalt  }
0x57: {  	_ =	shalt  }
0x58: {  	_ =	shalt  }
0x59: {  	_ =	shalt  }
0x5a: {  	_ =	shalt  }
0x5b: {  	_ =	shalt  }
0x5c: {  	_ =	shalt  }
0x5d: {  	_ =	shalt  }
0x5e: {  	_ =	shalt  }
0x5f: {  	_ =	shalt  }
0x60: {  	_ =	shalt  }
0x61: {  	_ =	shalt  }
0x62: {  	_ =	shalt  }
0x63: {  	_ =	shalt  }
0x64: {  	_ =	shalt  }
0x65: {  	_ =	shalt  }
0x66: {  	_ =	shalt  }
0x67: {  	_ =	shalt  }
0x68: {  	_ =	shalt  }
0x69: {  	_ =	shalt  }
0x6a: {  	_ =	shalt  }
0x6b: {  	_ =	shalt  }
0x6c: {  	_ =	shalt  }
0x6d: {  	_ =	shalt  }
0x6e: {  	_ =	shalt  }
0x6f: {  	_ =	shalt  }
0x70: {  	_ =	shalt  }
0x71: {  	_ =	shalt  }
0x72: {  	_ =	shalt  }
0x73: {  	_ =	shalt  }
0x74: {  	_ =	shalt  }
0x75: {  	_ =	shalt  }
0x76: {  	_ =	shalt  }
0x77: {  	_ =	shalt  }
0x78: {  	_ =	shalt  }
0x79: {  	_ =	shalt  }
0x7a: {  	_ =	shalt  }
0x7b: {  	_ =	shalt  }
0x7c: {  	_ =	shalt  }
0x7d: {  	_ =	shalt  }
0x7e: {  	_ =	shalt  }
0x7f: {  	_ =	shalt  }
0x80: {  	_ =	shalt  }
0x81: {  	_ =	shalt  }
0x82: {  	_ =	shalt  }
0x83: {  	_ =	shalt  }
0x84: {  	_ =	shalt  }
0x85: {  	_ =	shalt  }
0x86: {  	_ =	shalt  }
0x87: {  	_ =	shalt  }
.Lfunc_end0:
.L_simem_size_0:
called_computation.3_lowered:
.L_overlay_start_0:
0x88: {  	s2 =	sld [smem:$0x3FD9]  }
0x89: {  	s3 =	sld [smem:$0x3FFE];
	_ =	sdelay $0x1  }
0x8a: {  	s1 =	srdreg.scid  }
0x8b: {  	s0 =	sand.u32 $0x1, s1  }
0x8c: {  	s17 =	sshll.u32 s0, $0xA;
	s2 =	sadd.s32 s3, s2  }
0x8d: {  	s2 =	sadd.s32 s2, s17  }
0x8e: {  	[smem:$0x3FBA] =	sst s2  }
0x8f: {  	_ = 	snop  }
0x90: {  	(tm) =	ssettm $0x1  }
0x91: {  	s18 =	sld [smem:$0x3FFB];
	_ =	sdelay $0x3  }
0x92: {  	_ =	strace s18  }
0x93: {  	s2 =	sld [smem:$0x3FFC];
	_ =	sdelay $0x3  }
0x94: {  	_ =	strace s2  }
0x95: {  	s2 =	sld [smem:$0x3FFD];
	_ =	sdelay $0x3  }
0x96: {  	_ =	strace s2  }
0x97: {  	_ =	strace $0x8FFFFFFF  }
0x98: {  	s19 =	sld [smem:$0x3FDB];
	_ =	sdelay $0x1  }
0x99: {  	s20 =	simm.s32 $_scs_section_size  }
0x9a: {  	s4 =	simm.s32 $_size__tile_overlayer_lowered;
	s5 =	simm.s32 $_tile_overlayer_lowered  }
0x9b: {  	s6 =	simm.s32 $0x1BFF;
	s21 =	sshll.u32 s5, $0x1;
	s3 =	sadd.s32 s20, s19  }
0x9c: {  	s22 =	simm.s32 $0x0;
	s4 =	sshll.u32 s4, $0x1;
	s5 =	sadd.s32 s21, s3  }
0x9d: {  	[timem:s22], [sflag:s6] =	dma.local [hbm:s5], s4  }
0x9e: {  	_ =	swait.ge [sflag:s6], s4  }
0x9f: {  	s4 =	ssub.s32 $0x0, s4;
	[sflag:s6] =	ssyncset.done $0x0  }
0xa0: {  	[sflag:s6] =	ssyncadd.s32 s4;
	_ =	sdelay $0x1  }
0xa1: {  	s23 =	simm.s32 $0x1B8B  }
0xa2: {  	_ =	swait.ge [sflag:s23], $0x1  }
0xa3: {  	[sflag:s23] =	ssyncset.done $0x0  }
0xa4: {  	[sflag:s23] =	ssyncadd.s32 $0xFFFFFFFF  }
0xa5: {  	s4 =	sld [smem:$0x0]  }
0xa6: {  	s5 =	sand.u32 $0xFFFFFFFE, s1  }
0xa7: {  	p0 =	sne.s32 s1, s5  }
0xa8: {  	s5 =	sshll.u32 @p0 s5, $0xE  }
0xa9: {  	s5 =	sadd.s32 @p0 $0x11B8D, s5;
	s6 =	sshll.u32 @p0 s4, $0x11  }
0xaa: {  	s5 =	sor.u32 @p0 s6, s5  }
0xab: {  	[sflag:s5] =	ssyncadd.remote.s32 @p0 $0x1;
	_ =	sdelay $0x1  }
0xac: {  	s5 =	simm.s32 @p0 $0x1B8D  }
0xad: {  	_ =	swait.eq @p0 [sflag:s5], $0x1  }
0xae: {  	[sflag:s5] =	ssyncadd.s32 @p0 $0xFFFFFFFF  }
0xaf: {  	s6 =	sshll.u32 @!p0 s1, $0xE  }
0xb0: {  	s6 =	sor.u32 @!p0 $0x4000, s6;
	s5 =	simm.s32 @!p0 $0x1B8D  }
0xb1: {  	s4 =	sshll.u32 @!p0 s4, $0x11;
	s6 =	sadd.s32 @!p0 $0x11B8D, s6;
	_ =	swait.eq @!p0 [sflag:s5], $0x1  }
0xb2: {  	s4 =	sor.u32 @!p0 s4, s6;
	[sflag:s5] =	ssyncadd.s32 @!p0 $0xFFFFFFFF  }
0xb3: {  	s25 =	simm.s32 $0x1B8E;
	s24 =	sld [smem:$0x3FFE];
	[sflag:s4] =	ssyncadd.remote.s32 @!p0 $0x1  }
0xb4: {  	s26 =	simm.s32 $execute0_lowered;
	[smem:$0x3FD2] =	sst s25  }
0xb5: {  	s5 =	sshll.u32 s26, $0x1;
	_ =	strace $0x8000004F;
	[dreg:$0x1] =	wrdreg $0xFFFFFFFF  }
0xb6: {  	s28 =	simm.s32 $_size_execute0_lowered;
	s3 =	sadd.s32 s3, s5;
	[dreg:$0x0] =	wrdreg $0x0  }
0xb7: {  	s5 =	sshll.u32 s28, $0x1;
	[dreg:$0x2] =	wrdreg s3  }
0xb8: {  	[dreg:$0x3] =	wrdreg s5  }
0xb9: {  	[dreg:$0x4] =	wrdreg $0xC0  }
0xba: {  	_ =	task [dreg:s22], $0x5FFFF  }
0xbb: {  	[dreg:$0x1] =	wrdreg $0xFFFFFFFF  }
0xbc: {  	[dreg:$0x0] =	wrdreg $0x60  }
0xbd: {  	[dreg:$0x2] =	wrdreg s24  }
0xbe: {  	[dreg:$0x3] =	wrdreg $0xC2000  }
0xbf: {  	[dreg:$0x4] =	wrdreg $0xA  }
0xc0: {  	_ =	task.clear_ibuf [dreg:s22], $0x5FFFF;
	_ =	strace $0x9000004F  }
0xc1: {  	s29 =	simm.s32 $0xA;
	_ =	strace $0x80000051  }
0xc2: {  	_ =	swait.ge [sflag:s29], $0x1  }
0xc3: {  	[sflag:s29] =	ssyncadd.s32 $0xFFFFFFFF  }
0xc4: {  	_ =	strace $0x90000051  }
0xc5: {  	_ =	sfence  }
0xc6: {  	s30 =	sld [smem:$0x0];
	_ =	sdelay $0x2  }
0xc7: {  	s31 =	sshll.u32 s1, $0xD;
	s1 =	sshrl.u32 s1, $0x2  }
0xc8: {  	s4 =	sand.u32 $0x4000, s31;
	s1 =	sadd.s32 s1, s30  }
0xc9: {  	s0 =	sor.u32 s4, s0;
	s1 =	sshll.u32 s1, $0x11  }
0xca: {  	s0 =	sor.u32 s1, s0  }
0xcb: {  	s0 =	sadd.s32 $0x8F2B, s0  }
0xcc: {  	[sflag:s0] =	ssyncadd.remote.s32 $0x1  }
0xcd: {  	_ =	sfence.sel $0xFFFF  }
0xce: {  	[dreg:$0x0] =	wrdreg $0xFFFFFFFF;
	(pc) =	sbr.abs _section_cstart, $3  }
0xcf: {  	[dreg:$0x1] =	wrdreg $0xFFFFFFFF  }
0xd0: {  	_ =	task.clear_ibuf [dreg:s22], $0x2FFFF;
	_ =	strace $0x9FFFFFFF  }
0xd1: {  	(tm) =	ssettm $0x7FFFFFFF  }
tec
execute0_lowered:
.L_overlay_start_1:
0x0: {  	(tag) =	ssettag $0x1  }
0x1: {  	s0 =	srdreg.scid  }
0x2: {  	s10 =	stileid.u32;
	s6 =	rddreg [dreg:$0x0]  }
0x3: {  	s2 =	rddreg [dreg:$0x1];
	s3 =	simm.s32 $0x0;
	s13 =	simm.s32 $0xBE00  }
0x4: {  	s14 =	simm.s32 $0x7;
	s16 =	simm.s32 $0x20;
	s19 =	simm.s32 $0x6A00  }
0x5: {  	s20 =	simm.s32 $0xAC00;
	s28 =	simm.s32 $0xB600;
	s29 =	simm.s32 $0x5  }
0x6: {  	s30 =	simm.s32 $0x6;
	s31 =	simm.s32 $0x0;
	s0 =	sand.u32 $0x1, s0  }
0x7: {  	s7 =	smul.u32 $0xA000, s10;
	[smem:$0x7FF] =	sst s3;
	s1 =	sshll.u32 s0, $0x4  }
0x8: {  	s5 =	smul.u32 $0xA0000, s0;
	_ =	strace $0x80000050;
	s0 =	ssub.s32 $0x2, s0  }
0x9: {  	s1 =	sor.u32 s10, s1;
	s10 =	smul.u32 $0x28000, s10;
	s21 =	sshrl.u32 s0, $0x1  }
0xa: {  	s26 =	sadd.s32 s7, s2;
	s4 =	smul.u32 $0x2A0, s1;
	s5 =	sadd.s32 s7, s5  }
0xb: {  	s23 =	smul.u32 $0x2A00, s1;
	s0 =	ssub.s32 s0, s21;
	s21 =	simm.s32 $0x1  }
0xc: {  	s9 =	sshrl.u32 s5, $0x3;
	s5 =	sadd.s32 $0xB0400, s6;
	s22 =	sshrl.u32 s10, $0x2  }
0xd: {  	s12 =	smax.u32 s0, $0x1;
	s8 =	sadd.s32 s4, s6;
	s4 =	sadd.s32 $0x1CC400, s6  }
0xe: {  	s11 =	sadd.s32 s9, s6;
	s6 =	sadd.s32 s22, s2;
	s24 =	sadd.s32 $0xB000, s8  }
0xf: {  	s9 =	smul.u32 $0xA8, s1;
	s8 =	sadd.s32 $0x5C00, s8;
	[dreg:$0x3] =	wrdreg s24  }
0x10: {  	v0 =	vimm.f32 $0.0e+00;
	v1 =	vimm.s32 $0x0;
	v2 =	vimm.s32 $0x1;
	s22 =	simm.s32 $0x3;
	s25 =	sadd.s32 s4, s23;
	[dreg:$0x4] =	wrdreg s8  }
0x11: {  	v3 =	vimm.s32 $0x2;
	v4 =	vimm.s32 $0x3;
	v5 =	vimm.s32 $0x4;
	s11 =	sadd.s32 $0x178400, s11;
	s23 =	simm.s32 $0xAE00;
	[dreg:$0x5] =	wrdreg s25  }
0x12: {  	v6 =	vimm.s32 $0x5;
	v7 =	vimm.s32 $0x6;
	v8 =	vimm.s32 $0x7;
	s24 =	simm.s32 $0x2;
	s25 =	sshrl.u32 s26, $0x3;
	s26 =	simm.s32 $0x4  }
.LBB2_1:
0x13: {  	[tilespmem:$0xBE00] =	vst v0  }
0x14: {  	[tilespmem:$0xBE10] =	vst v0  }
0x15: {  	[tilespmem:$0xBE20] =	vst v0  }
0x16: {  	[tilespmem:$0xBE30] =	vst v0  }
0x17: {  	[tilespmem:$0xBE40] =	vst v0  }
0x18: {  	[tilespmem:$0xBE50] =	vst v0  }
0x19: {  	[tilespmem:$0xBE60] =	vst v0  }
0x1a: {  	[tilespmem:$0xBE70] =	vst v0  }
0x1b: {  	[tilespmem:$0xBE80] =	vst v0  }
0x1c: {  	[tilespmem:$0xBE90] =	vst v0  }
0x1d: {  	[tilespmem:$0xBEA0] =	vst v0  }
0x1e: {  	[tilespmem:$0xBEB0] =	vst v0  }
0x1f: {  	[tilespmem:$0xBEC0] =	vst v0  }
0x20: {  	[tilespmem:$0xBED0] =	vst v0  }
0x21: {  	[tilespmem:$0xBEE0] =	vst v0  }
0x22: {  	[tilespmem:$0xBEF0] =	vst v0  }
0x23: {  	[tilespmem:$0xBF00] =	vst v0  }
0x24: {  	[tilespmem:$0xBF10] =	vst v0  }
0x25: {  	[tilespmem:$0xBF20] =	vst v0  }
0x26: {  	[tilespmem:$0xBF30] =	vst v0  }
0x27: {  	[tilespmem:$0xBF40] =	vst v0  }
0x28: {  	[tilespmem:$0xBF50] =	vst v0  }
0x29: {  	[tilespmem:$0xBF60] =	vst v0  }
0x2a: {  	[tilespmem:$0xBF70] =	vst v0  }
0x2b: {  	[tilespmem:$0xBF80] =	vst v0  }
0x2c: {  	[tilespmem:$0xBF90] =	vst v0  }
0x2d: {  	[tilespmem:$0xBFA0] =	vst v0  }
0x2e: {  	[tilespmem:$0xBFB0] =	vst v0  }
0x2f: {  	[tilespmem:$0xBFC0] =	vst v0  }
0x30: {  	[tilespmem:$0xBFD0] =	vst v0  }
0x31: {  	[tilespmem:$0xBFE0] =	vst v0  }
0x32: {  	[tilespmem:$0xBFF0] =	vst v0  }
0x33: {  	[tilespmem:$0xC000] =	vst v0  }
0x34: {  	[tilespmem:$0xC010] =	vst v0  }
0x35: {  	[tilespmem:$0xC020] =	vst v0  }
0x36: {  	[tilespmem:$0xC030] =	vst v0  }
0x37: {  	[tilespmem:$0xC040] =	vst v0  }
0x38: {  	[tilespmem:$0xC050] =	vst v0  }
0x39: {  	[tilespmem:$0xC060] =	vst v0  }
0x3a: {  	[tilespmem:$0xC070] =	vst v0  }
0x3b: {  	[tilespmem:$0xC080] =	vst v0  }
0x3c: {  	[tilespmem:$0xC090] =	vst v0  }
0x3d: {  	[tilespmem:$0xC0A0] =	vst v0  }
0x3e: {  	[tilespmem:$0xC0B0] =	vst v0  }
0x3f: {  	[tilespmem:$0xC0C0] =	vst v0  }
0x40: {  	[tilespmem:$0xC0D0] =	vst v0  }
0x41: {  	[tilespmem:$0xC0E0] =	vst v0  }
0x42: {  	[tilespmem:$0xC0F0] =	vst v0  }
0x43: {  	[tilespmem:$0xC100] =	vst v0  }
0x44: {  	[tilespmem:$0xC110] =	vst v0  }
0x45: {  	[tilespmem:$0xC120] =	vst v0  }
0x46: {  	[tilespmem:$0xC130] =	vst v0  }
0x47: {  	[tilespmem:$0xC140] =	vst v0  }
0x48: {  	[tilespmem:$0xC150] =	vst v0  }
0x49: {  	[tilespmem:$0xC160] =	vst v0  }
0x4a: {  	[tilespmem:$0xC170] =	vst v0  }
0x4b: {  	[tilespmem:$0xC180] =	vst v0  }
0x4c: {  	[tilespmem:$0xC190] =	vst v0  }
0x4d: {  	[tilespmem:$0xC1A0] =	vst v0  }
0x4e: {  	[tilespmem:$0xC1B0] =	vst v0  }
0x4f: {  	[tilespmem:$0xC1C0] =	vst v0  }
0x50: {  	[tilespmem:$0xC1D0] =	vst v0  }
0x51: {  	[tilespmem:$0xC1E0] =	vst v0  }
0x52: {  	[tilespmem:$0xC1F0] =	vst v0;
	s0 =	sadd.s32 $0x0, s6  }
0x53: {  	[spmem:s0] =	stream.linear.scatter [tilespmem:s13], [sflag:$0x7], $0x400, $0x38;
	[tilespmem:$0x16200] =	vst v63  }
0x54: {  	s0 =	simm.s32 $0x1000;
	_ =	swait.ge [sflag:s14], $0x400  }
.LBB2_2:
0x55: {  	s1 =	sshra.s32 s0, $0x2;
	[sflag:s14] =	ssyncset.done $0x0;
	p0 =	sne.s32 s0, $0x27000  }
.Ltmp0:
0x56: {  	s1 =	sadd.s32 s1, s6;
	[sflag:s14] =	ssyncadd.s32 $0xFFFFFC00;
	(pc) =	sbr.rel @p0 .LBB2_2-.Ltmp0, $3  }
0x57: {  	[spmem:s1] =	stream.linear.scatter [tilespmem:s13], [sflag:$0x7], $0x400, $0x38;
	[tilespmem:$0x16200] =	vst v63  }
0x58: {  	s0 =	sadd.s32 $0x1000, s0;
	_ =	sdelay $0x1  }
0x59: {  	_ =	swait.ge [sflag:s14], $0x400  }
0x5a: {  	[sflag:s14] =	ssyncset.done $0x0  }
0x5b: {  	[sflag:s14] =	ssyncadd.s32 $0xFFFFFC00  }
0x5c: {  	[bflag:$0x0] =	sbarrier.arrive $0xFFFF  }
0x5d: {  	s1 =	simm.s32 $0x0;
	s0 =	rddreg [dreg:$0x3]  }
0x5e: {  	[tilespmem:s1], [sflag:$0x7] =	stream.linear.gather [hbm4b:s0+s1], $0x1500, $0x38;
	[tilespmem:$0x16200] =	vst v63  }
0x5f: {  	_ =	swait.ge [sflag:s14], $0x1500  }
0x60: {  	[sflag:s14] =	ssyncset.done $0x0  }
0x61: {  	s7 =	simm.s32 $0x1500;
	s10 =	rddreg [dreg:$0x4];
	[sflag:s14] =	ssyncadd.s32 $0xFFFFEB00  }
0x62: {  	[tilespmem:s7], [sflag:$0x7] =	stream.linear.gather [hbm4b:s10+s1], $0x1500, $0x38;
	[tilespmem:$0x16200] =	vst v63  }
0x63: {  	_ =	swait.ge [sflag:s14], $0x1500  }
0x64: {  	[sflag:s14] =	ssyncset.done $0x0  }
0x65: {  	s15 =	simm.s32 $0x2A00;
	[sflag:s14] =	ssyncadd.s32 $0xFFFFEB00  }
0x66: {  	[tilespmem:s15], [sflag:$0x1] =	stream.indirect.gather [hbm4b:s5+s16], $0x200, s1, s16, $0xb8;
	[tilespmem:$0x16200] =	vst v63  }
0x67: {  	s18 =	simm.s32 $0xAA00;
	s17 =	rddreg [dreg:$0x5]  }
0x68: {  	[tilespmem:s18], [sflag:$0x3] =	stream.linear.gather [hbm4b:s17+s1], $0x200, $0x38;
	[tilespmem:$0x16200] =	vst v63  }
.LBB2_4:
0x69: {  	s0 =	sshllo.u32 s1, $0x1  }
0x6a: {  	s7 =	sshll.u32 s0, $0x7;
	s0 =	sadd.s32 s9, s0  }
0x6b: {  	s15 =	sshrl.u32 s7, $0x2;
	s0 =	sshll.u32 s0, $0x6  }
0x6c: {  	[tilespmem:s19], [sflag:$0x2] =	stream.indirect.gather [hbm4b:s5+s16], $0x200, s15, s16, $0xb8;
	[tilespmem:$0x16200] =	vst v63  }
0x6d: {  	s0 =	sand.u32 $0x1FFFFFC0, s0  }
0x6e: {  	s0 =	sadd.s32 s4, s0  }
0x6f: {  	[tilespmem:s20], [sflag:$0x4] =	stream.linear.gather [hbm4b:s0+s3], $0x200, $0x38;
	[tilespmem:$0x16200] =	vst v63  }
0x70: {  	_ =	swait.ge [sflag:s21], $0x4000  }
0x71: {  	[sflag:s21] =	ssyncset.done $0x0  }
0x72: {  	[sflag:s21] =	ssyncadd.s32 $0xFFFFC000  }
0x73: {  	_ =	swait.ge [sflag:s22], $0x200  }
0x74: {  	p0 =	seq.s32 s1, $0x0;
	[sflag:s22] =	ssyncset.done $0x0  }
0x75: {  	s0 =	simm.s32 @!p0 $0x5;
	[sflag:s22] =	ssyncadd.s32 $0xFFFFFE00  }
0x76: {  	_ =	swait.ge @!p0 [sflag:s0], $0x800  }
0x77: {  	[sflag:s0] =	ssyncset.done @!p0 $0x0  }
0x78: {  	s17 =	simm.s32 $0x2B00;
	[sflag:s0] =	ssyncadd.s32 @!p0 $0xFFFFF800  }
0x79: {  	v12 =	vld [tilespmem:s17+$0x0]  }
0x7a: {  	v13 =	vld [tilespmem:s17+$0xFFFFFF90]  }
0x7b: {  	v11 =	vld [tilespmem:s17+$0xFFFFFFC0]  }
0x7c: {  	v14 =	vld [tilespmem:s17+$0x40]  }
0x7d: {  	v15 =	vld [tilespmem:s17+$0xFFFFFFA0]  }
0x7e: {  	s18 =	simm.s32 $0x0;
	v16 =	vld [tilespmem:s17+$0xFFFFFFE0]  }
0x7f: {  	v18 =	vld [tilespmem:s18+$0xAA00]  }
0x80: {  	v17 =	vld [tilespmem:s17+$0xFFFFFFF0]  }
0x81: {  	v20 =	vld [tilespmem:s17+$0xFFFFFF00]  }
0x82: {  	v21 =	vld [tilespmem:s17+$0xFFFFFF20]  }
0x83: {  	v22 =	vld [tilespmem:s17+$0xFFFFFF30]  }
0x84: {  	v26 =	vld [tilespmem:s17+$0xFFFFFF80];
	v23 =	vperm.xlane v18, v1;
	v9 =	vperm.xlane v18, v7  }
0x85: {  	v27 =	vld [tilespmem:s17+$0xFFFFFF40];
	v25 =	vperm.xlane v18, v3;
	v10 =	vperm.xlane v18, v6  }
0x86: {  	v24 =	vld [tilespmem:s17+$0xFFFFFF10];
	v28 =	vperm.xlane v18, v4;
	v29 =	vperm.xlane v18, v2  }
0x87: {  	v30 =	vld [tilespmem:s17+$0xFFFFFF60];
	v34 =	vperm.xlane v18, v5;
	v20 =	vmul.f32 v20, v23  }
0x88: {  	v31 =	vld [tilespmem:s17+$0xFFFFFFB0];
	v21 =	vmul.f32 v21, v23;
	v22 =	vmul.f32 v22, v23  }
0x89: {  	v33 =	vld [tilespmem:s17+$0x20];
	v32 =	vmul.f32 v11, v28;
	v26 =	vmul.f32 v26, v25  }
0x8a: {  	v19 =	vld [tilespmem:s17+$0xFFFFFFD0];
	v16 =	vmul.f32 v16, v28;
	v27 =	vmul.f32 v27, v29  }
0x8b: {  	v17 =	vmul.f32 v17, v28;
	v11 =	vadd.f32 $0.0e+00, v20;
	v20 =	vmul.f32 v24, v23;
	v23 =	vld [tilespmem:s17+$0xFFFFFF70]  }
0x8c: {  	v30 =	vmul.f32 v30, v29;
	v24 =	vmul.f32 v14, v10;
	v14 =	vadd.f32 $0.0e+00, v21;
	v21 =	vld [tilespmem:s17+$0xFFFFFF50]  }
0x8d: {  	v35 =	vld [tilespmem:s17+$0x30];
	v15 =	vmul.f32 v15, v25;
	v31 =	vmul.f32 v31, v25  }
0x8e: {  	v61 =	vld [tilespmem:s17+$0x80];
	v25 =	vmul.f32 v13, v25;
	v60 =	vmul.f32 v33, v34;
	v27 =	vadd.f32 v27, v11  }
0x8f: {  	v13 =	vld [tilespmem:s17+$0x10];
	v19 =	vmul.f32 v19, v28;
	v22 =	vadd.f32 $0.0e+00, v22;
	v14 =	vadd.f32 v30, v14  }
0x90: {  	v59 =	vld [tilespmem:s17+$0x60];
	v20 =	vadd.f32 $0.0e+00, v20;
	v26 =	vadd.f32 v26, v27;
	v23 =	vmul.f32 v23, v29  }
0x91: {  	v11 =	vld [tilespmem:s17+$0xB0];
	v27 =	vmul.f32 v12, v34;
	v14 =	vadd.f32 v15, v14;
	v21 =	vmul.f32 v21, v29  }
0x92: {  	v12 =	vperm.xlane v18, v8;
	v18 =	vadd.f32 v32, v26;
	v15 =	vadd.f32 v23, v22;
	v23 =	vld [tilespmem:s17+$0x70]  }
0x93: {  	v63 =	vmul.f32 v61, v9;
	v14 =	vadd.f32 v16, v14;
	v26 =	vld [tilespmem:s17+$0xC0];
	v20 =	vadd.f32 v21, v20  }
0x94: {  	v13 =	vmul.f32 v13, v34;
	v18 =	vadd.f32 v27, v18;
	v16 =	vadd.f32 v31, v15;
	v15 =	vld [tilespmem:s17+$0xA0]  }
0x95: {  	v27 =	vmul.f32 v59, v10;
	v20 =	vadd.f32 v25, v20;
	v25 =	vadd.f32 v60, v14;
	v14 =	vld [tilespmem:s17+$0x50]  }
0x96: {  	v22 =	vmul.f32 v35, v34;
	v24 =	vadd.f32 v24, v18;
	v62 =	vadd.f32 v17, v16;
	v17 =	vld [tilespmem:s17+$0x90]  }
0x97: {  	s8 =	simm.s32 $0x40;
	v18 =	vld [tilespmem:s17+$0xE0];
	v21 =	vadd.f32 v19, v20;
	v16 =	vadd.f32 v27, v25;
	v20 =	vmul.f32 v23, v10  }
0x98: {  	s7 =	simm.s32 $0xAE20;
	s0 =	sshll.u32 s1, $0x1;
	s18 =	simm.s32 $0xAE20;
	v19 =	vld [tilespmem:s17+$0xF0];
	v23 =	vadd.f32 v22, v62;
	v22 =	vadd.f32 v63, v24;
	v24 =	vmul.f32 v26, v12  }
.LBB2_5:
0x99: {  	p1 =	sne.s32 s8, $0x7C0;
	v15 =	vmul.f32 v15, v9;
	v25 =	vld [tilespmem:s17+$0xD0];
	s17 =	sadd.s32 $0x200, s17;
	s7 =	sadd.s32 $0x40, s7  }
0x9a: {  	v13 =	vadd.f32 v13, v21;
	s10 =	smov.u32 s8;
	s8 =	sadd.s32 $0x40, s8;
	v10 =	vmul.f32 v14, v10;
	v14 =	vadd.f32 v24, v22  }
0x9b: {  	v20 =	vadd.f32 v20, v23;
	v17 =	vmul.f32 v17, v9;
	v9 =	vmul.f32 v11, v9  }
0x9c: {  	v11 =	vadd.f32 v15, v16;
	v10 =	vadd.f32 v10, v13;
	v13 =	vmul.f32 v18, v12;
	[tilespmem:s18+$0xFFFFFFE0] =	vst v14  }
0x9d: {  	v9 =	vadd.f32 v9, v20;
	v14 =	vmul.f32 v19, v12  }
0x9e: {  	v10 =	vadd.f32 v17, v10;
	v12 =	vmul.f32 v25, v12;
	v11 =	vadd.f32 v13, v11  }
0x9f: {  	v9 =	vadd.f32 v14, v9  }
0xa0: {  	v10 =	vadd.f32 v12, v10;
	[tilespmem:s18+$0x0] =	vst v11  }
0xa1: {  	[tilespmem:s18+$0x10] =	vst v9  }
0xa2: {  	[tilespmem:s18+$0xFFFFFFF0] =	vst v10;
	s18 =	smov.u32 s7  }
0xa3: {  	v12 =	vld [tilespmem:s17+$0x0]  }
0xa4: {  	v13 =	vld [tilespmem:s17+$0xFFFFFF90]  }
0xa5: {  	v11 =	vld [tilespmem:s17+$0xFFFFFFC0]  }
0xa6: {  	v14 =	vld [tilespmem:s17+$0x40]  }
0xa7: {  	v15 =	vld [tilespmem:s17+$0xFFFFFFA0]  }
0xa8: {  	v16 =	vld [tilespmem:s17+$0xFFFFFFE0]  }
0xa9: {  	s10 =	sshra.s32 s10, $0x2;
	v17 =	vld [tilespmem:s17+$0xFFFFFFF0]  }
0xaa: {  	v18 =	vld [tilespmem:s10+$0xAA00]  }
0xab: {  	v19 =	vld [tilespmem:s17+$0xFFFFFFD0]  }
0xac: {  	v20 =	vld [tilespmem:s17+$0xFFFFFF00]  }
0xad: {  	v21 =	vld [tilespmem:s17+$0xFFFFFF20]  }
0xae: {  	v22 =	vld [tilespmem:s17+$0xFFFFFF30]  }
0xaf: {  	v23 =	vperm.xlane v18, v1;
	v24 =	vld [tilespmem:s17+$0xFFFFFF10];
	v9 =	vperm.xlane v18, v7  }
0xb0: {  	v25 =	vperm.xlane v18, v3;
	v10 =	vperm.xlane v18, v6;
	v26 =	vld [tilespmem:s17+$0xFFFFFF80]  }
0xb1: {  	v28 =	vperm.xlane v18, v4;
	v20 =	vmul.f32 v20, v23;
	v27 =	vld [tilespmem:s17+$0xFFFFFF40]  }
0xb2: {  	v29 =	vperm.xlane v18, v2;
	v21 =	vmul.f32 v21, v23;
	v30 =	vld [tilespmem:s17+$0xFFFFFF60]  }
0xb3: {  	v32 =	vmul.f32 v11, v28;
	v20 =	vadd.f32 $0.0e+00, v20;
	v22 =	vmul.f32 v22, v23;
	v31 =	vld [tilespmem:s17+$0xFFFFFFB0]  }
0xb4: {  	v11 =	vmul.f32 v24, v23;
	v21 =	vadd.f32 $0.0e+00, v21;
	v23 =	vld [tilespmem:s17+$0xFFFFFF70];
	v24 =	vmul.f32 v14, v10  }
0xb5: {  	v16 =	vmul.f32 v16, v28;
	v14 =	vld [tilespmem:s17+$0xFFFFFF50];
	v26 =	vmul.f32 v26, v25  }
0xb6: {  	v17 =	vmul.f32 v17, v28;
	v22 =	vadd.f32 $0.0e+00, v22;
	v27 =	vmul.f32 v27, v29;
	v33 =	vld [tilespmem:s17+$0x20]  }
0xb7: {  	v35 =	vperm.xlane v18, v5;
	v34 =	vadd.f32 $0.0e+00, v11;
	v30 =	vmul.f32 v30, v29;
	v36 =	vld [tilespmem:s17+$0x30]  }
0xb8: {  	v15 =	vmul.f32 v15, v25;
	v20 =	vadd.f32 v27, v20;
	v27 =	vmul.f32 v31, v25;
	v11 =	vld [tilespmem:s17+$0xB0]  }
0xb9: {  	v25 =	vmul.f32 v13, v25;
	v21 =	vadd.f32 v30, v21;
	v23 =	vmul.f32 v23, v29;
	v13 =	vld [tilespmem:s17+$0x10]  }
0xba: {  	v14 =	vmul.f32 v14, v29;
	v20 =	vadd.f32 v26, v20;
	v26 =	vmul.f32 v12, v35;
	v29 =	vld [tilespmem:s17+$0x60]  }
0xbb: {  	v12 =	vperm.xlane v18, v8;
	v15 =	vadd.f32 v15, v21;
	v21 =	vmul.f32 v33, v35;
	v30 =	vld [tilespmem:s17+$0x80]  }
0xbc: {  	v18 =	vadd.f32 v23, v22;
	v20 =	vadd.f32 v32, v20;
	v22 =	vmul.f32 v36, v35;
	v23 =	vld [tilespmem:s17+$0x70]  }
0xbd: {  	v19 =	vmul.f32 v19, v28;
	v14 =	vadd.f32 v14, v34;
	v16 =	vadd.f32 v16, v15;
	v28 =	vld [tilespmem:s17+$0xC0]  }
.Ltmp1:
0xbe: {  	v18 =	vadd.f32 v27, v18;
	v20 =	vadd.f32 v26, v20;
	v13 =	vmul.f32 v13, v35;
	v15 =	vld [tilespmem:s17+$0xA0];
	(pc) =	sbr.rel @p1 .LBB2_5-.Ltmp1, $4  }
0xbf: {  	v25 =	vadd.f32 v25, v14;
	v16 =	vadd.f32 v21, v16;
	v14 =	vld [tilespmem:s17+$0x50];
	v26 =	vmul.f32 v29, v10  }
0xc0: {  	v27 =	vadd.f32 v17, v18;
	v24 =	vadd.f32 v24, v20;
	v29 =	vmul.f32 v30, v9;
	v17 =	vld [tilespmem:s17+$0x90]  }
0xc1: {  	v21 =	vadd.f32 v19, v25;
	v16 =	vadd.f32 v26, v16;
	v20 =	vmul.f32 v23, v10;
	v18 =	vld [tilespmem:s17+$0xE0]  }
0xc2: {  	v23 =	vadd.f32 v22, v27;
	v22 =	vadd.f32 v29, v24;
	v24 =	vmul.f32 v28, v12;
	v19 =	vld [tilespmem:s17+$0xF0]  }
0xc3: {  	v25 =	vld [tilespmem:s17+$0xD0]  }
0xc4: {  	v15 =	vmul.f32 v15, v9;
	v13 =	vadd.f32 v13, v21;
	v10 =	vmul.f32 v14, v10  }
0xc5: {  	v14 =	vadd.f32 v20, v23;
	v17 =	vmul.f32 v17, v9;
	v9 =	vmul.f32 v11, v9  }
0xc6: {  	v11 =	vadd.f32 v15, v16;
	v10 =	vadd.f32 v10, v13;
	v13 =	vmul.f32 v18, v12  }
0xc7: {  	v15 =	vadd.f32 v24, v22;
	v9 =	vadd.f32 v9, v14;
	v14 =	vmul.f32 v19, v12  }
0xc8: {  	v10 =	vadd.f32 v17, v10;
	v12 =	vmul.f32 v25, v12;
	v11 =	vadd.f32 v13, v11  }
0xc9: {  	[tilespmem:s18+$0xFFFFFFE0] =	vst v15;
	v9 =	vadd.f32 v14, v9  }
0xca: {  	s7 =	sshll.u32 s1, $0x6;
	v10 =	vadd.f32 v12, v10;
	[tilespmem:s18+$0x0] =	vst v11  }
0xcb: {  	p1 =	seq.s32 s1, $0x53;
	s7 =	sand.u32 $0x3FFFFFC0, s7;
	[tilespmem:s18+$0x10] =	vst v9  }
0xcc: {  	s0 =	sadd.s32 @!p1 $0x2, s0;
	s7 =	sadd.s32 $0x1500, s7;
	[tilespmem:s18+$0xFFFFFFF0] =	vst v10  }
0xcd: {  	[spmem:s2] =	stream.indirect.scatter.add.f32 [tilespmem:s23], [sflag:$0x5], $0x40, s7, s16, $0xb8;
	[tilespmem:$0x16200] =	vst v63  }
0xce: {  	s8 =	simm.s32 @!p1 $0x20;
	s7 =	sshll.u32 @!p1 s0, $0x5;
	s0 =	sadd.s32 @!p1 s9, s0  }
0xcf: {  	s10 =	simm.s32 @!p1 $0x2A00;
	s7 =	sand.u32 @!p1 $0x3FFFFFE0, s7;
	s0 =	sshll.u32 @!p1 s0, $0x6  }
0xd0: {  	[tilespmem:s10], [sflag:$0x1] =	stream.indirect.gather @!p1 [hbm4b:s5+s8], $0x200, s7, s8, $0xb8;
	[tilespmem:$0x16200] =	vst v63  }
0xd1: {  	s0 =	sand.u32 @!p1 $0x1FFFFF80, s0  }
0xd2: {  	s7 =	simm.s32 @!p1 $0x0;
	s8 =	simm.s32 @!p1 $0xAA00;
	s0 =	sadd.s32 @!p1 s4, s0  }
0xd3: {  	[tilespmem:s8], [sflag:$0x3] =	stream.linear.gather @!p1 [hbm4b:s0+s7], $0x200, $0x38;
	[tilespmem:$0x16200] =	vst v63  }
0xd4: {  	_ =	swait.ge [sflag:s24], $0x4000  }
0xd5: {  	[sflag:s24] =	ssyncset.done $0x0  }
0xd6: {  	[sflag:s24] =	ssyncadd.s32 $0xFFFFC000  }
0xd7: {  	_ =	swait.ge [sflag:s26], $0x200  }
0xd8: {  	[sflag:s26] =	ssyncset.done $0x0  }
0xd9: {  	s0 =	simm.s32 @!p0 $0x6;
	[sflag:s26] =	ssyncadd.s32 $0xFFFFFE00  }
0xda: {  	_ =	swait.ge @!p0 [sflag:s0], $0x800  }
0xdb: {  	[sflag:s0] =	ssyncset.done @!p0 $0x0  }
0xdc: {  	s17 =	simm.s32 $0x0;
	[sflag:s0] =	ssyncadd.s32 @!p0 $0xFFFFF800  }
0xdd: {  	v12 =	vld [tilespmem:s17+$0x6B10]  }
0xde: {  	v14 =	vld [tilespmem:s17+$0x6A50]  }
0xdf: {  	s18 =	simm.s32 $0xAC00;
	v15 =	vld [tilespmem:s17+$0x6B20]  }
0xe0: {  	v16 =	vld [tilespmem:s18+$0x0]  }
0xe1: {  	v17 =	vld [tilespmem:s17+$0x6A40]  }
0xe2: {  	v18 =	vld [tilespmem:s17+$0x6A60]  }
0xe3: {  	v19 =	vld [tilespmem:s17+$0x6A70]  }
0xe4: {  	v20 =	vld [tilespmem:s17+$0x6A10]  }
0xe5: {  	v21 =	vld [tilespmem:s17+$0x6A30]  }
0xe6: {  	v22 =	vld [tilespmem:s17+$0x6A90]  }
0xe7: {  	v23 =	vld [tilespmem:s17+$0x6A20];
	v13 =	vperm.xlane v16, v5;
	v11 =	vperm.xlane v16, v6  }
0xe8: {  	v25 =	vld [tilespmem:s17+$0x6AF0];
	v24 =	vperm.xlane v16, v1;
	v10 =	vperm.xlane v16, v7  }
0xe9: {  	v26 =	vld [tilespmem:s17+$0x6AC0];
	v9 =	vperm.xlane v16, v8;
	v28 =	vperm.xlane v16, v2  }
0xea: {  	v29 =	vld [tilespmem:s17+$0x6A00];
	v32 =	vperm.xlane v16, v3;
	v21 =	vmul.f32 v21, v24  }
0xeb: {  	v27 =	vld [tilespmem:s17+$0x6AA0];
	v20 =	vmul.f32 v20, v24;
	v30 =	vmul.f32 v15, v13  }
0xec: {  	v33 =	vld [tilespmem:s17+$0x6AD0];
	v15 =	vmul.f32 v23, v24;
	v31 =	vmul.f32 v17, v28  }
0xed: {  	v19 =	vmul.f32 v19, v28;
	v21 =	vadd.f32 $0.0e+00, v21;
	v17 =	vadd.f32 $0.0e+00, v20;
	v20 =	vld [tilespmem:s17+$0x6AE0]  }
0xee: {  	v61 =	vperm.xlane v16, v4;
	v23 =	vld [tilespmem:s17+$0x6AB0];
	v18 =	vmul.f32 v18, v28;
	v15 =	vadd.f32 $0.0e+00, v15  }
0xef: {  	v14 =	vmul.f32 v14, v28;
	v16 =	vmul.f32 v29, v24;
	v19 =	vadd.f32 v19, v21;
	v21 =	vld [tilespmem:s17+$0x6A80]  }
0xf0: {  	v12 =	vmul.f32 v12, v13;
	v24 =	vmul.f32 v27, v32;
	v27 =	vld [tilespmem:s17+$0x6B60];
	v18 =	vadd.f32 v18, v15  }
0xf1: {  	v22 =	vmul.f32 v22, v32;
	v16 =	vadd.f32 $0.0e+00, v16;
	v17 =	vadd.f32 v14, v17;
	v14 =	vld [tilespmem:s17+$0x6B80]  }
0xf2: {  	v15 =	vmul.f32 v25, v61;
	v18 =	vadd.f32 v24, v18;
	v24 =	vmul.f32 v20, v61;
	v20 =	vld [tilespmem:s17+$0x6B00]  }
0xf3: {  	v25 =	vmul.f32 v33, v61;
	v23 =	vmul.f32 v23, v32;
	v22 =	vadd.f32 v22, v17;
	v17 =	vld [tilespmem:s17+$0x6BA0]  }
0xf4: {  	v62 =	vadd.f32 v31, v16;
	v63 =	vmul.f32 v21, v32;
	v24 =	vadd.f32 v24, v18;
	v18 =	vld [tilespmem:s17+$0x6BE0]  }
0xf5: {  	v26 =	vmul.f32 v26, v61;
	v19 =	vadd.f32 v23, v19;
	v16 =	vadd.f32 v25, v22;
	v21 =	vld [tilespmem:s17+$0x6B40]  }
0xf6: {  	s7 =	simm.s32 $0xB630;
	s8 =	simm.s32 $0x800;
	s0 =	simm.s32 $0xB630;
	v23 =	vmul.f32 v27, v11;
	v22 =	vld [tilespmem:s17+$0x6B30];
	v25 =	vadd.f32 v63, v62;
	v24 =	vadd.f32 v30, v24  }
.LBB2_7:
0xf7: {  	p0 =	sne.s32 s8, $0xF800;
	v20 =	vmul.f32 v20, v13;
	v27 =	vld [tilespmem:s17+$0x6B70];
	s7 =	sadd.s32 $0x40, s7;
	s18 =	sadd.s32 $0x10, s18  }
0xf8: {  	s10 =	smov.u32 s8;
	s8 =	sadd.s32 $0x800, s8;
	v25 =	vadd.f32 v26, v25;
	v26 =	vld [tilespmem:s17+$0x6B50];
	v23 =	vadd.f32 v23, v24;
	v17 =	vmul.f32 v17, v10  }
0xf9: {  	v24 =	vld [tilespmem:s17+$0x6BC0];
	v18 =	vmul.f32 v18, v9  }
0xfa: {  	v20 =	vadd.f32 v20, v25;
	v21 =	vmul.f32 v21, v11;
	v17 =	vadd.f32 v17, v23;
	v23 =	vld [tilespmem:s17+$0x6BB0]  }
0xfb: {  	v15 =	vadd.f32 v15, v19;
	v13 =	vmul.f32 v22, v13;
	v19 =	vld [tilespmem:s17+$0x6B90]  }
0xfc: {  	v14 =	vmul.f32 v14, v10;
	v20 =	vadd.f32 v21, v20;
	v17 =	vadd.f32 v18, v17;
	v18 =	vld [tilespmem:s17+$0x6BF0]  }
0xfd: {  	v13 =	vadd.f32 v13, v15;
	v15 =	vmul.f32 v26, v11;
	v11 =	vmul.f32 v27, v11;
	v21 =	vld [tilespmem:s17+$0x6BD0]  }
0xfe: {  	v12 =	vadd.f32 v12, v16;
	v14 =	vadd.f32 v14, v20;
	v16 =	vmul.f32 v24, v9;
	[tilespmem:s0+$0xFFFFFFF0] =	vst v17  }
0xff: {  	v11 =	vadd.f32 v11, v13;
	v13 =	vmul.f32 v23, v10  }
0x100: {  	v12 =	vadd.f32 v15, v12;
	v10 =	vmul.f32 v19, v10;
	v14 =	vadd.f32 v16, v14  }
0x101: {  	v11 =	vadd.f32 v13, v11;
	v13 =	vmul.f32 v18, v9  }
0x102: {  	v10 =	vadd.f32 v10, v12;
	v9 =	vmul.f32 v21, v9;
	[tilespmem:s0+$0xFFFFFFD0] =	vst v14  }
0x103: {  	v11 =	vadd.f32 v13, v11  }
0x104: {  	s17 =	sshra.s32 s10, $0x2;
	v9 =	vadd.f32 v9, v10  }
0x105: {  	[tilespmem:s0+$0x0] =	vst v11  }
0x106: {  	[tilespmem:s0+$0xFFFFFFE0] =	vst v9;
	s0 =	smov.u32 s7  }
0x107: {  	v12 =	vld [tilespmem:s17+$0x6B10]  }
0x108: {  	v14 =	vld [tilespmem:s17+$0x6A50]  }
0x109: {  	v15 =	vld [tilespmem:s17+$0x6B20]  }
0x10a: {  	v16 =	vld [tilespmem:s18+$0x0]  }
0x10b: {  	v17 =	vld [tilespmem:s17+$0x6A40]  }
0x10c: {  	v18 =	vld [tilespmem:s17+$0x6A60]  }
0x10d: {  	v19 =	vld [tilespmem:s17+$0x6A70]  }
0x10e: {  	v20 =	vld [tilespmem:s17+$0x6A10]  }
0x10f: {  	v21 =	vld [tilespmem:s17+$0x6A30];
	v13 =	vperm.xlane v16, v5;
	v11 =	vperm.xlane v16, v6  }
0x110: {  	v10 =	vperm.xlane v16, v7;
	v9 =	vperm.xlane v16, v8;
	v22 =	vld [tilespmem:s17+$0x6A90]  }
0x111: {  	v23 =	vld [tilespmem:s17+$0x6A20];
	v12 =	vmul.f32 v12, v13;
	v24 =	vmul.f32 v15, v13  }
0x112: {  	v15 =	vperm.xlane v16, v1;
	v25 =	vld [tilespmem:s17+$0x6AF0]  }
0x113: {  	v26 =	vld [tilespmem:s17+$0x6AC0]  }
0x114: {  	v27 =	vperm.xlane v16, v2;
	v21 =	vmul.f32 v21, v15;
	v28 =	vld [tilespmem:s17+$0x6AA0]  }
0x115: {  	v20 =	vmul.f32 v20, v15;
	v29 =	vld [tilespmem:s17+$0x6A00]  }
0x116: {  	v30 =	vmul.f32 v17, v27;
	v23 =	vmul.f32 v23, v15;
	v21 =	vadd.f32 $0.0e+00, v21;
	v17 =	vld [tilespmem:s17+$0x6AB0]  }
0x117: {  	v31 =	vperm.xlane v16, v3;
	v19 =	vmul.f32 v19, v27;
	v20 =	vadd.f32 $0.0e+00, v20;
	v32 =	vld [tilespmem:s17+$0x6AE0]  }
0x118: {  	v18 =	vmul.f32 v18, v27;
	v23 =	vadd.f32 $0.0e+00, v23;
	v33 =	vld [tilespmem:s17+$0x6AD0]  }
0x119: {  	v14 =	vmul.f32 v14, v27;
	v27 =	vperm.xlane v16, v4;
	v19 =	vadd.f32 v19, v21;
	v21 =	vld [tilespmem:s17+$0x6A80]  }
0x11a: {  	v16 =	vmul.f32 v29, v15;
	v18 =	vadd.f32 v18, v23;
	v23 =	vmul.f32 v28, v31;
	v28 =	vld [tilespmem:s17+$0x6B60]  }
0x11b: {  	v22 =	vmul.f32 v22, v31;
	v29 =	vadd.f32 v14, v20;
	v15 =	vmul.f32 v25, v27;
	v14 =	vld [tilespmem:s17+$0x6B80]  }
.Ltmp2:
0x11c: {  	v16 =	vadd.f32 $0.0e+00, v16;
	v18 =	vadd.f32 v23, v18;
	v23 =	vmul.f32 v32, v27;
	v20 =	vld [tilespmem:s17+$0x6B00];
	(pc) =	sbr.rel @p0 .LBB2_7-.Ltmp2, $4  }
0x11d: {  	v25 =	vmul.f32 v17, v31;
	v22 =	vadd.f32 v22, v29;
	v29 =	vmul.f32 v33, v27;
	v17 =	vld [tilespmem:s17+$0x6BA0]  }
0x11e: {  	v30 =	vadd.f32 v30, v16;
	v31 =	vmul.f32 v21, v31;
	v32 =	vadd.f32 v23, v18;
	v18 =	vld [tilespmem:s17+$0x6BE0]  }
0x11f: {  	v19 =	vadd.f32 v25, v19;
	v16 =	vadd.f32 v29, v22;
	v21 =	vld [tilespmem:s17+$0x6B40];
	v23 =	vmul.f32 v28, v11  }
0x120: {  	v26 =	vmul.f32 v26, v27;
	v25 =	vadd.f32 v31, v30;
	v24 =	vadd.f32 v24, v32;
	v22 =	vld [tilespmem:s17+$0x6B30]  }
0x121: {  	v27 =	vld [tilespmem:s17+$0x6B70]  }
0x122: {  	v53 =	vld [tilespmem:s17+$0x6B50]  }
0x123: {  	v28 =	vld [tilespmem:s17+$0x6BC0]  }
0x124: {  	v20 =	vmul.f32 v20, v13;
	v54 =	vld [tilespmem:s17+$0x6BB0];
	v15 =	vadd.f32 v15, v19  }
0x125: {  	v56 =	vld [tilespmem:s17+$0x6B90];
	v14 =	vmul.f32 v14, v10;
	v12 =	vadd.f32 v12, v16;
	v25 =	vadd.f32 v26, v25  }
0x126: {  	v57 =	vld [tilespmem:s17+$0x6BF0];
	v23 =	vadd.f32 v23, v24;
	v17 =	vmul.f32 v17, v10;
	v18 =	vmul.f32 v18, v9  }
0x127: {  	v59 =	vld [tilespmem:s17+$0x6BD0];
	v20 =	vadd.f32 v20, v25;
	v21 =	vmul.f32 v21, v11;
	v55 =	vmul.f32 v22, v13  }
0x128: {  	v17 =	vadd.f32 v17, v23;
	v58 =	vmul.f32 v27, v11;
	v11 =	vmul.f32 v53, v11  }
0x129: {  	v20 =	vadd.f32 v21, v20;
	v60 =	vmul.f32 v54, v10;
	v13 =	vadd.f32 v55, v15  }
0x12a: {  	v10 =	vmul.f32 v56, v10;
	v62 =	vadd.f32 v18, v17;
	v11 =	vadd.f32 v11, v12  }
0x12b: {  	v61 =	vmul.f32 v28, v9;
	v14 =	vadd.f32 v14, v20;
	v13 =	vadd.f32 v58, v13  }
0x12c: {  	s1 =	sadd.s32 $0x1, s1;
	v63 =	vmul.f32 v57, v9;
	v9 =	vmul.f32 v59, v9;
	v10 =	vadd.f32 v10, v11  }
0x12d: {  	p0 =	sne.s32 s1, $0x54;
	v14 =	vadd.f32 v61, v14;
	v13 =	vadd.f32 v60, v13  }
.Ltmp3:
0x12e: {  	[tilespmem:s0+$0xFFFFFFF0] =	vst v62;
	v9 =	vadd.f32 v9, v10;
	(pc) =	sbr.rel @p0 .LBB2_4-.Ltmp3, $4  }
0x12f: {  	[tilespmem:s0+$0xFFFFFFD0] =	vst v14;
	v11 =	vadd.f32 v63, v13  }
0x130: {  	[tilespmem:s0+$0xFFFFFFE0] =	vst v9  }
0x131: {  	s18 =	sadd.s32 $0x1500, s15;
	[tilespmem:s0+$0x0] =	vst v11  }
0x132: {  	[spmem:s2] =	stream.indirect.scatter.add.f32 [tilespmem:s28], [sflag:$0x6], $0x40, s18, s16, $0xb8;
	[tilespmem:$0x16200] =	vst v63  }
0x133: {  	_ =	swait.ge [sflag:s29], $0x800  }
0x134: {  	[sflag:s29] =	ssyncset.done $0x0  }
0x135: {  	[sflag:s29] =	ssyncadd.s32 $0xFFFFF800  }
0x136: {  	_ =	swait.ge [sflag:s30], $0x800  }
0x137: {  	s0 =	stileid.u32;
	s31 =	sadd.s32 $0x1, s31;
	[sflag:s30] =	ssyncset.done $0x0  }
0x138: {  	s0 =	sshll.u32 s0, $0x6;
	p0 =	sne.s32 s31, s12;
	[sflag:s30] =	ssyncadd.s32 $0xFFFFF800  }
.Ltmp4:
0x139: {  	s0 =	sor.u32 $0x1C07, s0;
	[bflag:$0x0] =	sbarrier.arrive $0xFFFF;
	(pc) =	sbr.rel @p0 .LBB2_1-.Ltmp4, $4  }
0x13a: {  	[hbm:s11], [sflag:s0] =	dma.local [spmem:s25], $0x1400  }
0x13b: {  	_ =	swait.ge [sflag:s14], $0x1400  }
0x13c: {  	[sflag:s14] =	ssyncset.done $0x0  }
0x13d: {  	[sflag:s14] =	ssyncadd.s32 $0xFFFFEC00  }
0x13e: {  	_ =	sfence.sel $0x180000  }
0x13f: {  	[bflag:$0x0] =	sbarrier.arrive $0xFFFF  }
0x140: {  	_ =	strace $0x90000050  }
0x141: {  	s0 =	stileid.u32;
	[bflag:$0x2] =	sbarrier.arrive $0xFFFF  }
0x142: {  	p0 =	sne.s32 s0, $0x0;
	s0 =	rddreg [dreg:$0x2]  }
0x143: {  	s0 =	sadd.s32 @!p0 $0x100000, s0  }
0x144: {  	[sflag:s0] =	ssyncadd.tile.s32 @!p0 $0x1;
	_ =	shalt  }
.Lfunc_end2:
_tile_overlayer_lowered:
.L_overlay_start_2:
0x145: {  	(tag) =	ssettag $0x2  }
0x146: {  	s0 =	rddreg [dreg:$0x0];
	s2 =	stileid.u32  }
0x147: {  	s1 =	rddreg [dreg:$0x1];
	p0 =	sne.s32 s2, $0x0  }
0x148: {  	s3 =	rddreg [dreg:$0x2];
	[bflag:$0x3] =	sbarrier.arrive $0xFFFF;
	s2 =	simm.s32 @!p0 $0x1C07  }
0x149: {  	[timem:s3], [sflag:s2] =	dma.local @!p0 [hbm:s0], s1  }
0x14a: {  	s0 =	simm.s32 @!p0 $0x7  }
0x14b: {  	_ =	swait.ge @!p0 [sflag:s0], s1  }
0x14c: {  	s1 =	ssub.s32 @!p0 $0x0, s1;
	[sflag:s0] =	ssyncset.done @!p0 $0x0  }
0x14d: {  	[sflag:s0] =	ssyncadd.s32 @!p0 s1  }
0x14e: {  	[bflag:$0x3] =	sbarrier.arrive $0xFFFF  }
0x14f: {  	_ =	shalt  }

</sc_bundles>
